<compile_context>
chip_gen: v7x
topology: tpu7x:2x2x1
jax: 0.10.2.dev20260603
libtpu: 0.0.44.dev20260713+nightly
codegen_flags: <defaults>
</compile_context>

<pallas_src>
import functools

import jax
import jax.numpy as jnp
from jax import lax
from jax.experimental import pallas as pl
from jax.experimental.pallas import tpu as pltpu
from jax.experimental.pallas import tpu_sc as plsc

NUM_EMBEDDINGS = 1000000
EMBEDDING_DIM = 16
BATCH = 16384

LANES = 16
NUM_CORES = 2
NUM_SUBCORES = 16
NUM_WORKERS = NUM_CORES * NUM_SUBCORES
B_PER_W = BATCH // NUM_WORKERS
NGROUPS = B_PER_W // LANES

_MESH = plsc.VectorSubcoreMesh(core_axis_name="c", subcore_axis_name="s")


@functools.partial(
    pl.kernel,
    mesh=_MESH,
    out_type=jax.ShapeDtypeStruct((EMBEDDING_DIM, BATCH), jnp.float32),
    scratch_types=[
        pltpu.VMEM((B_PER_W,), jnp.int32),
        pltpu.VMEM((2, LANES, EMBEDDING_DIM, 128), jnp.float32),
        pltpu.VMEM((EMBEDDING_DIM, B_PER_W), jnp.float32),
        pltpu.SemaphoreType.DMA,
        pltpu.SemaphoreType.DMA,
    ],
    compiler_params=pltpu.CompilerParams(needs_layout_passes=False),
)
def _sc_gather(idx_hbm, table_hbm, out_hbm, idx_v, buf_v, out_v, sem_a, sem_b):
    wid = lax.axis_index("s") * NUM_CORES + lax.axis_index("c")
    base = wid * B_PER_W
    pltpu.sync_copy(idx_hbm.at[pl.ds(base, B_PER_W)], idx_v)

    iota = lax.iota(jnp.int32, LANES)
    sems = (sem_a, sem_b)

    def fire(g, slot):
        idxg = idx_v[pl.ds(pl.multiple_of(g * LANES, LANES), LANES)]
        copies = []
        for j in range(LANES):
            t = idxg[j]
            cb = pl.multiple_of((t >> 7) << 7, 128)
            copies.append(
                pltpu.async_copy(
                    table_hbm.at[:, pl.ds(cb, 128)],
                    buf_v.at[slot, j],
                    sems[slot],
                )
            )
        return idxg, copies

    def extract(g, slot, idxg, copies):
        for cp in copies:
            cp.wait()
        for j in range(LANES):
            t = idxg[j]
            lane = jnp.full((LANES,), t & 127, jnp.int32)
            vals = plsc.load_gather(buf_v.at[slot, j], [iota, lane])
            col = jnp.full((LANES,), g * LANES + j, jnp.int32)
            plsc.store_scatter(out_v, [iota, col], vals)

    CHUNK = 4

    def chunk_body(c, _):
        g0 = c * CHUNK
        pending = fire(g0, 0)
        for u in range(CHUNK):
            nxt = fire(g0 + u + 1, (u + 1) % 2) if u + 1 < CHUNK else None
            extract(g0 + u, u % 2, *pending)
            pending = nxt
        return _

    lax.fori_loop(0, NGROUPS // CHUNK, chunk_body, 0)

    pltpu.sync_copy(out_v, out_hbm.at[:, pl.ds(base, B_PER_W)])


def kernel(sequence_name, table):
    out_t = _sc_gather(sequence_name.astype(jnp.int32), table.T)
    return out_t.T

# --- scband reference (transcript-rebuilt; emitter-appended) ---
"""Pipeline reference for scband-sequence-autodecoder-69423851373086 (READ-ONLY COPY).

The authoritative reference and input builder live on the scoring server;
editing this copy changes nothing except your own understanding.
"""

import jax, jax.numpy as jnp
import numpy as np

NUM_EMBEDDINGS = 1000000
EMBEDDING_DIM = 16
BATCH = 16384

def setup_inputs(seed: int = 0) -> dict:
    key = jax.random.key(seed)
    k_idx, k_tab = jax.random.split(key)
    sequence_name = jax.random.randint(k_idx, (BATCH,), 0, NUM_EMBEDDINGS, dtype=jnp.int64 if jax.config.jax_enable_x64 else jnp.int32)
    table = jax.random.normal(k_tab, (NUM_EMBEDDINGS, EMBEDDING_DIM), dtype=jnp.float32) * 0.02
    return {"sequence_name": sequence_name, "table": table}

def reference(sequence_name, table):
    # SequenceAutodecoder.forward -> self.autodecoder(sequence_name)
    # Autodecoder is an embedding lookup over sequence identifiers.
    encoding = jnp.take(table, sequence_name, axis=0)
    return encoding

if __name__ == "__main__":
    import jax
    _d = setup_inputs()
    print(jax.jit(kernel)(*tuple(_d.values())))

</pallas_src>

<mosaic_0001>
#map = affine_map<(d0, d1) -> (0)>
#map1 = affine_map<(d0, d1) -> (0, 0)>
module attributes {stable_mosaic.version = 14 : i64} {
  func.func @_sc_gather(%arg0: i32, %arg1: i32, %arg2: memref<16384xi32, #tpu.memory_space<hbm>>, %arg3: memref<16x1000000xf32, #tpu.memory_space<hbm>>, %arg4: memref<16x16384xf32, #tpu.memory_space<hbm>>, %arg5: memref<512xi32, #tpu.memory_space<vmem>>, %arg6: memref<2x16x16x128xf32, #tpu.memory_space<vmem>>, %arg7: memref<16x512xf32, #tpu.memory_space<vmem>>, %arg8: memref<!tpu.dma_semaphore, #tpu.memory_space<semaphore_mem>>, %arg9: memref<!tpu.dma_semaphore, #tpu.memory_space<semaphore_mem>>) attributes {dimension_semantics = [#tpu.dimension_semantics<core_parallel>, #tpu.dimension_semantics<subcore_parallel>], iteration_bounds = array<i64: 2, 16>, scalar_prefetch = 0 : i64, scratch_operands = 5 : i64, tpu.core_type = #tpu.core_type<sc_vector_subcore>, window_params = [{transform_indices = #map}, {transform_indices = #map1}, {transform_indices = #map1}]} {
    %mul3A = arith.constant 2 : i32
    %mul3A_0 = arith.muli %arg1, %mul3A : i32
    %add3A = arith.addi %mul3A_0, %arg0 : i32
    %mul3A_1 = arith.constant 512 : i32
    %mul3A_2 = arith.muli %add3A, %mul3A_1 : i32
    "tpu.region"() ({
      %run_scoped3A = tpu.sem_alloc : memref<!tpu.dma_semaphore, #tpu.memory_space<semaphore_mem>>
      %dma_start3A = tpu.memref_slice %arg2[%mul3A_2] : memref<16384xi32, #tpu.memory_space<hbm>> -> memref<512xi32, #tpu.memory_space<hbm>>
      %dma_start3A_8 = tpu.memref_slice %arg2[%mul3A_2] : memref<16384xi32, #tpu.memory_space<hbm>> -> memref<512xi32, #tpu.memory_space<hbm>>
      tpu.enqueue_dma source(%dma_start3A_8 : memref<512xi32, #tpu.memory_space<hbm>>) target(%arg5 : memref<512xi32, #tpu.memory_space<vmem>>) target_semaphore(%run_scoped3A : memref<!tpu.dma_semaphore, #tpu.memory_space<semaphore_mem>>)
      %dma_wait3A = tpu.memref_slice %arg2[%mul3A_2] : memref<16384xi32, #tpu.memory_space<hbm>> -> memref<512xi32, #tpu.memory_space<hbm>>
      %dma_wait3A_9 = tpu.memref_slice %arg2[%mul3A_2] : memref<16384xi32, #tpu.memory_space<hbm>> -> memref<512xi32, #tpu.memory_space<hbm>>
      tpu.wait_dma2 semaphore(%run_scoped3A : memref<!tpu.dma_semaphore, #tpu.memory_space<semaphore_mem>>) src(%dma_wait3A_9 : memref<512xi32, #tpu.memory_space<hbm>>) dst(%arg5 : memref<512xi32, #tpu.memory_space<vmem>>)
      tpu.yield
    }) : () -> ()
    %iota3A = tpu.iota {dimensions = array<i32: 0>} : vector<16xi32>
    %scan3A = arith.constant 0 : i32
    %scan3A_3 = arith.constant 0 : i32
    %scan3A_4 = arith.constant 8 : i32
    %scan3A_5 = arith.addi %scan3A_3, %scan3A_4 : i32
    %scan3A_6 = arith.constant 1 : i32
    scf.for %scan3A_8 = %scan3A_3 to %scan3A_5 step %scan3A_6  : i32 {
      %mul3A_9 = arith.constant 4 : i32
      %mul3A_10 = arith.muli %scan3A_8, %mul3A_9 : i32
      %mul3A_11 = arith.constant 16 : i32
      %mul3A_12 = arith.muli %mul3A_10, %mul3A_11 : i32
      %multiple_of3A = tpu.assume_multiple %mul3A_12, 16 : i32
      %get3A = arith.index_cast %multiple_of3A : i32 to index
      %get3A_13 = tpu.vector_load %arg5[%get3A] {strides = array<i32>} : memref<512xi32, #tpu.memory_space<vmem>>, vector<16xi32>,
      %slice3A = vector.extract_strided_slice %get3A_13 {offsets = [0], sizes = [1], strides = [1]} : vector<16xi32> to vector<1xi32>
      %squeeze3A = vector.extract %slice3A[0] : i32 from vector<1xi32>
      %shift_right_arithmetic3A = arith.constant 7 : i32
      %shift_right_arithmetic3A_14 = arith.shrsi %squeeze3A, %shift_right_arithmetic3A : i32
      %shift_left3A = arith.constant 7 : i32
      %shift_left3A_15 = arith.shli %shift_right_arithmetic3A_14, %shift_left3A : i32
      %multiple_of3A_16 = tpu.assume_multiple %shift_left3A_15, 128 : i32
      %dma_start3A = arith.constant 0 : i32
      %dma_start3A_17 = arith.constant 0 : i32
      %dma_start3A_18 = arith.constant 0 : i32
      %dma_start3A_19 = arith.constant 0 : i32
      %dma_start3A_20 = tpu.memref_slice %arg6[%dma_start3A, %dma_start3A_17, %dma_start3A_18, %dma_start3A_19] : memref<2x16x16x128xf32, #tpu.memory_space<vmem>> -> memref<1x1x16x128xf32, #tpu.memory_space<vmem>>
      %dma_start3A_21 = tpu.memref_squeeze %dma_start3A_20 : memref<1x1x16x128xf32, #tpu.memory_space<vmem>> -> memref<16x128xf32, #tpu.memory_space<vmem>>
      %dma_start3A_22 = arith.constant 0 : i32
      %dma_start3A_23 = tpu.memref_slice %arg3[%dma_start3A_22, %multiple_of3A_16] : memref<16x1000000xf32, #tpu.memory_space<hbm>> -> memref<16x128xf32, #tpu.memory_space<hbm>>
      %dma_start3A_24 = arith.constant 0 : i32
      %dma_start3A_25 = arith.constant 0 : i32
      %dma_start3A_26 = tpu.memref_slice %arg6[%dma_start3A, %dma_start3A_17, %dma_start3A_24, %dma_start3A_25] : memref<2x16x16x128xf32, #tpu.memory_space<vmem>> -> memref<1x1x16x128xf32, #tpu.memory_space<vmem>>
      %dma_start3A_27 = tpu.memref_squeeze %dma_start3A_26 : memref<1x1x16x128xf32, #tpu.memory_space<vmem>> -> memref<16x128xf32, #tpu.memory_space<vmem>>
      %dma_start3A_28 = arith.constant 0 : i32
      %dma_start3A_29 = tpu.memref_slice %arg3[%dma_start3A_28, %multiple_of3A_16] : memref<16x1000000xf32, #tpu.memory_space<hbm>> -> memref<16x128xf32, #tpu.memory_space<hbm>>
      tpu.enqueue_dma source(%dma_start3A_29 : memref<16x128xf32, #tpu.memory_space<hbm>>) target(%dma_start3A_27 : memref<16x128xf32, #tpu.memory_space<vmem>>) target_semaphore(%arg8 : memref<!tpu.dma_semaphore, #tpu.memory_space<semaphore_mem>>)
      %slice3A_30 = vector.extract_strided_slice %get3A_13 {offsets = [1], sizes = [1], strides = [1]} : vector<16xi32> to vector<1xi32>
      %squeeze3A_31 = vector.extract %slice3A_30[0] : i32 from vector<1xi32>
      %shift_right_arithmetic3A_32 = arith.constant 7 : i32
      %shift_right_arithmetic3A_33 = arith.shrsi %squeeze3A_31, %shift_right_arithmetic3A_32 : i32
      %shift_left3A_34 = arith.constant 7 : i32
      %shift_left3A_35 = arith.shli %shift_right_arithmetic3A_33, %shift_left3A_34 : i32
      %multiple_of3A_36 = tpu.assume_multiple %shift_left3A_35, 128 : i32
      %dma_start3A_37 = arith.constant 0 : i32
      %dma_start3A_38 = arith.constant 1 : i32
      %dma_start3A_39 = arith.constant 0 : i32
      %dma_start3A_40 = arith.constant 0 : i32
      %dma_start3A_41 = tpu.memref_slice %arg6[%dma_start3A_37, %dma_start3A_38, %dma_start3A_39, %dma_start3A_40] : memref<2x16x16x128xf32, #tpu.memory_space<vmem>> -> memref<1x1x16x128xf32, #tpu.memory_space<vmem>>
      %dma_start3A_42 = tpu.memref_squeeze %dma_start3A_41 : memref<1x1x16x128xf32, #tpu.memory_space<vmem>> -> memref<16x128xf32, #tpu.memory_space<vmem>>
      %dma_start3A_43 = arith.constant 0 : i32
      %dma_start3A_44 = tpu.memref_slice %arg3[%dma_start3A_43, %multiple_of3A_36] : memref<16x1000000xf32, #tpu.memory_space<hbm>> -> memref<16x128xf32, #tpu.memory_space<hbm>>
      %dma_start3A_45 = arith.constant 0 : i32
      %dma_start3A_46 = arith.constant 0 : i32
      %dma_start3A_47 = tpu.memref_slice %arg6[%dma_start3A_37, %dma_start3A_38, %dma_start3A_45, %dma_start3A_46] : memref<2x16x16x128xf32, #tpu.memory_space<vmem>> -> memref<1x1x16x128xf32, #tpu.memory_space<vmem>>
      %dma_start3A_48 = tpu.memref_squeeze %dma_start3A_47 : memref<1x1x16x128xf32, #tpu.memory_space<vmem>> -> memref<16x128xf32, #tpu.memory_space<vmem>>
      %dma_start3A_49 = arith.constant 0 : i32
      %dma_start3A_50 = tpu.memref_slice %arg3[%dma_start3A_49, %multiple_of3A_36] : memref<16x1000000xf32, #tpu.memory_space<hbm>> -> memref<16x128xf32, #tpu.memory_space<hbm>>
      tpu.enqueue_dma source(%dma_start3A_50 : memref<16x128xf32, #tpu.memory_space<hbm>>) target(%dma_start3A_48 : memref<16x128xf32, #tpu.memory_space<vmem>>) target_semaphore(%arg8 : memref<!tpu.dma_semaphore, #tpu.memory_space<semaphore_mem>>)
      %slice3A_51 = vector.extract_strided_slice %get3A_13 {offsets = [2], sizes = [1], strides = [1]} : vector<16xi32> to vector<1xi32>
      %squeeze3A_52 = vector.extract %slice3A_51[0] : i32 from vector<1xi32>
      %shift_right_arithmetic3A_53 = arith.constant 7 : i32
      %shift_right_arithmetic3A_54 = arith.shrsi %squeeze3A_52, %shift_right_arithmetic3A_53 : i32
      %shift_left3A_55 = arith.constant 7 : i32
      %shift_left3A_56 = arith.shli %shift_right_arithmetic3A_54, %shift_left3A_55 : i32
      %multiple_of3A_57 = tpu.assume_multiple %shift_left3A_56, 128 : i32
      %dma_start3A_58 = arith.constant 0 : i32
      %dma_start3A_59 = arith.constant 2 : i32
      %dma_start3A_60 = arith.constant 0 : i32
      %dma_start3A_61 = arith.constant 0 : i32
      %dma_start3A_62 = tpu.memref_slice %arg6[%dma_start3A_58, %dma_start3A_59, %dma_start3A_60, %dma_start3A_61] : memref<2x16x16x128xf32, #tpu.memory_space<vmem>> -> memref<1x1x16x128xf32, #tpu.memory_space<vmem>>
      %dma_start3A_63 = tpu.memref_squeeze %dma_start3A_62 : memref<1x1x16x128xf32, #tpu.memory_space<vmem>> -> memref<16x128xf32, #tpu.memory_space<vmem>>
      %dma_start3A_64 = arith.constant 0 : i32
      %dma_start3A_65 = tpu.memref_slice %arg3[%dma_start3A_64, %multiple_of3A_57] : memref<16x1000000xf32, #tpu.memory_space<hbm>> -> memref<16x128xf32, #tpu.memory_space<hbm>>
      %dma_start3A_66 = arith.constant 0 : i32
      %dma_start3A_67 = arith.constant 0 : i32
      %dma_start3A_68 = tpu.memref_slice %arg6[%dma_start3A_58, %dma_start3A_59, %dma_start3A_66, %dma_start3A_67] : memref<2x16x16x128xf32, #tpu.memory_space<vmem>> -> memref<1x1x16x128xf32, #tpu.memory_space<vmem>>
      %dma_start3A_69 = tpu.memref_squeeze %dma_start3A_68 : memref<1x1x16x128xf32, #tpu.memory_space<vmem>> -> memref<16x128xf32, #tpu.memory_space<vmem>>
      %dma_start3A_70 = arith.constant 0 : i32
      %dma_start3A_71 = tpu.memref_slice %arg3[%dma_start3A_70, %multiple_of3A_57] : memref<16x1000000xf32, #tpu.memory_space<hbm>> -> memref<16x128xf32, #tpu.memory_space<hbm>>
      tpu.enqueue_dma source(%dma_start3A_71 : memref<16x128xf32, #tpu.memory_space<hbm>>) target(%dma_start3A_69 : memref<16x128xf32, #tpu.memory_space<vmem>>) target_semaphore(%arg8 : memref<!tpu.dma_semaphore, #tpu.memory_space<semaphore_mem>>)
      %slice3A_72 = vector.extract_strided_slice %get3A_13 {offsets = [3], sizes = [1], strides = [1]} : vector<16xi32> to vector<1xi32>
      %squeeze3A_73 = vector.extract %slice3A_72[0] : i32 from vector<1xi32>
      %shift_right_arithmetic3A_74 = arith.constant 7 : i32
      %shift_right_arithmetic3A_75 = arith.shrsi %squeeze3A_73, %shift_right_arithmetic3A_74 : i32
      %shift_left3A_76 = arith.constant 7 : i32
      %shift_left3A_77 = arith.shli %shift_right_arithmetic3A_75, %shift_left3A_76 : i32
      %multiple_of3A_78 = tpu.assume_multiple %shift_left3A_77, 128 : i32
      %dma_start3A_79 = arith.constant 0 : i32
      %dma_start3A_80 = arith.constant 3 : i32
      %dma_start3A_81 = arith.constant 0 : i32
      %dma_start3A_82 = arith.constant 0 : i32
      %dma_start3A_83 = tpu.memref_slice %arg6[%dma_start3A_79, %dma_start3A_80, %dma_start3A_81, %dma_start3A_82] : memref<2x16x16x128xf32, #tpu.memory_space<vmem>> -> memref<1x1x16x128xf32, #tpu.memory_space<vmem>>
      %dma_start3A_84 = tpu.memref_squeeze %dma_start3A_83 : memref<1x1x16x128xf32, #tpu.memory_space<vmem>> -> memref<16x128xf32, #tpu.memory_space<vmem>>
      %dma_start3A_85 = arith.constant 0 : i32
      %dma_start3A_86 = tpu.memref_slice %arg3[%dma_start3A_85, %multiple_of3A_78] : memref<16x1000000xf32, #tpu.memory_space<hbm>> -> memref<16x128xf32, #tpu.memory_space<hbm>>
      %dma_start3A_87 = arith.constant 0 : i32
      %dma_start3A_88 = arith.constant 0 : i32
      %dma_start3A_89 = tpu.memref_slice %arg6[%dma_start3A_79, %dma_start3A_80, %dma_start3A_87, %dma_start3A_88] : memref<2x16x16x128xf32, #tpu.memory_space<vmem>> -> memref<1x1x16x128xf32, #tpu.memory_space<vmem>>
      %dma_start3A_90 = tpu.memref_squeeze %dma_start3A_89 : memref<1x1x16x128xf32, #tpu.memory_space<vmem>> -> memref<16x128xf32, #tpu.memory_space<vmem>>
      %dma_start3A_91 = arith.constant 0 : i32
      %dma_start3A_92 = tpu.memref_slice %arg3[%dma_start3A_91, %multiple_of3A_78] : memref<16x1000000xf32, #tpu.memory_space<hbm>> -> memref<16x128xf32, #tpu.memory_space<hbm>>
      tpu.enqueue_dma source(%dma_start3A_92 : memref<16x128xf32, #tpu.memory_space<hbm>>) target(%dma_start3A_90 : memref<16x128xf32, #tpu.memory_space<vmem>>) target_semaphore(%arg8 : memref<!tpu.dma_semaphore, #tpu.memory_space<semaphore_mem>>)
      %slice3A_93 = vector.extract_strided_slice %get3A_13 {offsets = [4], sizes = [1], strides = [1]} : vector<16xi32> to vector<1xi32>
      %squeeze3A_94 = vector.extract %slice3A_93[0] : i32 from vector<1xi32>
      %shift_right_arithmetic3A_95 = arith.constant 7 : i32
      %shift_right_arithmetic3A_96 = arith.shrsi %squeeze3A_94, %shift_right_arithmetic3A_95 : i32
      %shift_left3A_97 = arith.constant 7 : i32
      %shift_left3A_98 = arith.shli %shift_right_arithmetic3A_96, %shift_left3A_97 : i32
      %multiple_of3A_99 = tpu.assume_multiple %shift_left3A_98, 128 : i32
      %dma_start3A_100 = arith.constant 0 : i32
      %dma_start3A_101 = arith.constant 4 : i32
      %dma_start3A_102 = arith.constant 0 : i32
      %dma_start3A_103 = arith.constant 0 : i32
      %dma_start3A_104 = tpu.memref_slice %arg6[%dma_start3A_100, %dma_start3A_101, %dma_start3A_102, %dma_start3A_103] : memref<2x16x16x128xf32, #tpu.memory_space<vmem>> -> memref<1x1x16x128xf32, #tpu.memory_space<vmem>>
      %dma_start3A_105 = tpu.memref_squeeze %dma_start3A_104 : memref<1x1x16x128xf32, #tpu.memory_space<vmem>> -> memref<16x128xf32, #tpu.memory_space<vmem>>
      %dma_start3A_106 = arith.constant 0 : i32
      %dma_start3A_107 = tpu.memref_slice %arg3[%dma_start3A_106, %multiple_of3A_99] : memref<16x1000000xf32, #tpu.memory_space<hbm>> -> memref<16x128xf32, #tpu.memory_space<hbm>>
      %dma_start3A_108 = arith.constant 0 : i32
      %dma_start3A_109 = arith.constant 0 : i32
      %dma_start3A_110 = tpu.memref_slice %arg6[%dma_start3A_100, %dma_start3A_101, %dma_start3A_108, %dma_start3A_109] : memref<2x16x16x128xf32, #tpu.memory_space<vmem>> -> memref<1x1x16x128xf32, #tpu.memory_space<vmem>>
      %dma_start3A_111 = tpu.memref_squeeze %dma_start3A_110 : memref<1x1x16x128xf32, #tpu.memory_space<vmem>> -> memref<16x128xf32, #tpu.memory_space<vmem>>
      %dma_start3A_112 = arith.constant 0 : i32
      %dma_start3A_113 = tpu.memref_slice %arg3[%dma_start3A_112, %multiple_of3A_99] : memref<16x1000000xf32, #tpu.memory_space<hbm>> -> memref<16x128xf32, #tpu.memory_space<hbm>>
      tpu.enqueue_dma source(%dma_start3A_113 : memref<16x128xf32, #tpu.memory_space<hbm>>) target(%dma_start3A_111 : memref<16x128xf32, #tpu.memory_space<vmem>>) target_semaphore(%arg8 : memref<!tpu.dma_semaphore, #tpu.memory_space<semaphore_mem>>)
      %slice3A_114 = vector.extract_strided_slice %get3A_13 {offsets = [5], sizes = [1], strides = [1]} : vector<16xi32> to vector<1xi32>
      %squeeze3A_115 = vector.extract %slice3A_114[0] : i32 from vector<1xi32>
      %shift_right_arithmetic3A_116 = arith.constant 7 : i32
      %shift_right_arithmetic3A_117 = arith.shrsi %squeeze3A_115, %shift_right_arithmetic3A_116 : i32
      %shift_left3A_118 = arith.constant 7 : i32
      %shift_left3A_119 = arith.shli %shift_right_arithmetic3A_117, %shift_left3A_118 : i32
      %multiple_of3A_120 = tpu.assume_multiple %shift_left3A_119, 128 : i32
      %dma_start3A_121 = arith.constant 0 : i32
      %dma_start3A_122 = arith.constant 5 : i32
      %dma_start3A_123 = arith.constant 0 : i32
      %dma_start3A_124 = arith.constant 0 : i32
      %dma_start3A_125 = tpu.memref_slice %arg6[%dma_start3A_121, %dma_start3A_122, %dma_start3A_123, %dma_start3A_124] : memref<2x16x16x128xf32, #tpu.memory_space<vmem>> -> memref<1x1x16x128xf32, #tpu.memory_space<vmem>>
      %dma_start3A_126 = tpu.memref_squeeze %dma_start3A_125 : memref<1x1x16x128xf32, #tpu.memory_space<vmem>> -> memref<16x128xf32, #tpu.memory_space<vmem>>
      %dma_start3A_127 = arith.constant 0 : i32
      %dma_start3A_128 = tpu.memref_slice %arg3[%dma_start3A_127, %multiple_of3A_120] : memref<16x1000000xf32, #tpu.memory_space<hbm>> -> memref<16x128xf32, #tpu.memory_space<hbm>>
      %dma_start3A_129 = arith.constant 0 : i32
      %dma_start3A_130 = arith.constant 0 : i32
      %dma_start3A_131 = tpu.memref_slice %arg6[%dma_start3A_121, %dma_start3A_122, %dma_start3A_129, %dma_start3A_130] : memref<2x16x16x128xf32, #tpu.memory_space<vmem>> -> memref<1x1x16x128xf32, #tpu.memory_space<vmem>>
      %dma_start3A_132 = tpu.memref_squeeze %dma_start3A_131 : memref<1x1x16x128xf32, #tpu.memory_space<vmem>> -> memref<16x128xf32, #tpu.memory_space<vmem>>
      %dma_start3A_133 = arith.constant 0 : i32
      %dma_start3A_134 = tpu.memref_slice %arg3[%dma_start3A_133, %multiple_of3A_120] : memref<16x1000000xf32, #tpu.memory_space<hbm>> -> memref<16x128xf32, #tpu.memory_space<hbm>>
      tpu.enqueue_dma source(%dma_start3A_134 : memref<16x128xf32, #tpu.memory_space<hbm>>) target(%dma_start3A_132 : memref<16x128xf32, #tpu.memory_space<vmem>>) target_semaphore(%arg8 : memref<!tpu.dma_semaphore, #tpu.memory_space<semaphore_mem>>)
      %slice3A_135 = vector.extract_strided_slice %get3A_13 {offsets = [6], sizes = [1], strides = [1]} : vector<16xi32> to vector<1xi32>
      %squeeze3A_136 = vector.extract %slice3A_135[0] : i32 from vector<1xi32>
      %shift_right_arithmetic3A_137 = arith.constant 7 : i32
      %shift_right_arithmetic3A_138 = arith.shrsi %squeeze3A_136, %shift_right_arithmetic3A_137 : i32
      %shift_left3A_139 = arith.constant 7 : i32
      %shift_left3A_140 = arith.shli %shift_right_arithmetic3A_138, %shift_left3A_139 : i32
      %multiple_of3A_141 = tpu.assume_multiple %shift_left3A_140, 128 : i32
      %dma_start3A_142 = arith.constant 0 : i32
      %dma_start3A_143 = arith.constant 6 : i32
      %dma_start3A_144 = arith.constant 0 : i32
      %dma_start3A_145 = arith.constant 0 : i32
      %dma_start3A_146 = tpu.memref_slice %arg6[%dma_start3A_142, %dma_start3A_143, %dma_start3A_144, %dma_start3A_145] : memref<2x16x16x128xf32, #tpu.memory_space<vmem>> -> memref<1x1x16x128xf32, #tpu.memory_space<vmem>>
      %dma_start3A_147 = tpu.memref_squeeze %dma_start3A_146 : memref<1x1x16x128xf32, #tpu.memory_space<vmem>> -> memref<16x128xf32, #tpu.memory_space<vmem>>
      %dma_start3A_148 = arith.constant 0 : i32
      %dma_start3A_149 = tpu.memref_slice %arg3[%dma_start3A_148, %multiple_of3A_141] : memref<16x1000000xf32, #tpu.memory_space<hbm>> -> memref<16x128xf32, #tpu.memory_space<hbm>>
      %dma_start3A_150 = arith.constant 0 : i32
      %dma_start3A_151 = arith.constant 0 : i32
      %dma_start3A_152 = tpu.memref_slice %arg6[%dma_start3A_142, %dma_start3A_143, %dma_start3A_150, %dma_start3A_151] : memref<2x16x16x128xf32, #tpu.memory_space<vmem>> -> memref<1x1x16x128xf32, #tpu.memory_space<vmem>>
      %dma_start3A_153 = tpu.memref_squeeze %dma_start3A_152 : memref<1x1x16x128xf32, #tpu.memory_space<vmem>> -> memref<16x128xf32, #tpu.memory_space<vmem>>
      %dma_start3A_154 = arith.constant 0 : i32
      %dma_start3A_155 = tpu.memref_slice %arg3[%dma_start3A_154, %multiple_of3A_141] : memref<16x1000000xf32, #tpu.memory_space<hbm>> -> memref<16x128xf32, #tpu.memory_space<hbm>>
      tpu.enqueue_dma source(%dma_start3A_155 : memref<16x128xf32, #tpu.memory_space<hbm>>) target(%dma_start3A_153 : memref<16x128xf32, #tpu.memory_space<vmem>>) target_semaphore(%arg8 : memref<!tpu.dma_semaphore, #tpu.memory_space<semaphore_mem>>)
      %slice3A_156 = vector.extract_strided_slice %get3A_13 {offsets = [7], sizes = [1], strides = [1]} : vector<16xi32> to vector<1xi32>
      %squeeze3A_157 = vector.extract %slice3A_156[0] : i32 from vector<1xi32>
      %shift_right_arithmetic3A_158 = arith.constant 7 : i32
      %shift_right_arithmetic3A_159 = arith.shrsi %squeeze3A_157, %shift_right_arithmetic3A_158 : i32
      %shift_left3A_160 = arith.constant 7 : i32
      %shift_left3A_161 = arith.shli %shift_right_arithmetic3A_159, %shift_left3A_160 : i32
      %multiple_of3A_162 = tpu.assume_multiple %shift_left3A_161, 128 : i32
      %dma_start3A_163 = arith.constant 0 : i32
      %dma_start3A_164 = arith.constant 7 : i32
      %dma_start3A_165 = arith.constant 0 : i32
      %dma_start3A_166 = arith.constant 0 : i32
      %dma_start3A_167 = tpu.memref_slice %arg6[%dma_start3A_163, %dma_start3A_164, %dma_start3A_165, %dma_start3A_166] : memref<2x16x16x128xf32, #tpu.memory_space<vmem>> -> memref<1x1x16x128xf32, #tpu.memory_space<vmem>>
      %dma_start3A_168 = tpu.memref_squeeze %dma_start3A_167 : memref<1x1x16x128xf32, #tpu.memory_space<vmem>> -> memref<16x128xf32, #tpu.memory_space<vmem>>
      %dma_start3A_169 = arith.constant 0 : i32
      %dma_start3A_170 = tpu.memref_slice %arg3[%dma_start3A_169, %multiple_of3A_162] : memref<16x1000000xf32, #tpu.memory_space<hbm>> -> memref<16x128xf32, #tpu.memory_space<hbm>>
      %dma_start3A_171 = arith.constant 0 : i32
      %dma_start3A_172 = arith.constant 0 : i32
      %dma_start3A_173 = tpu.memref_slice %arg6[%dma_start3A_163, %dma_start3A_164, %dma_start3A_171, %dma_start3A_172] : memref<2x16x16x128xf32, #tpu.memory_space<vmem>> -> memref<1x1x16x128xf32, #tpu.memory_space<vmem>>
      %dma_start3A_174 = tpu.memref_squeeze %dma_start3A_173 : memref<1x1x16x128xf32, #tpu.memory_space<vmem>> -> memref<16x128xf32, #tpu.memory_space<vmem>>
      %dma_start3A_175 = arith.constant 0 : i32
      %dma_start3A_176 = tpu.memref_slice %arg3[%dma_start3A_175, %multiple_of3A_162] : memref<16x1000000xf32, #tpu.memory_space<hbm>> -> memref<16x128xf32, #tpu.memory_space<hbm>>
      tpu.enqueue_dma source(%dma_start3A_176 : memref<16x128xf32, #tpu.memory_space<hbm>>) target(%dma_start3A_174 : memref<16x128xf32, #tpu.memory_space<vmem>>) target_semaphore(%arg8 : memref<!tpu.dma_semaphore, #tpu.memory_space<semaphore_mem>>)
      %slice3A_177 = vector.extract_strided_slice %get3A_13 {offsets = [8], sizes = [1], strides = [1]} : vector<16xi32> to vector<1xi32>
      %squeeze3A_178 = vector.extract %slice3A_177[0] : i32 from vector<1xi32>
      %shift_right_arithmetic3A_179 = arith.constant 7 : i32
      %shift_right_arithmetic3A_180 = arith.shrsi %squeeze3A_178, %shift_right_arithmetic3A_179 : i32
      %shift_left3A_181 = arith.constant 7 : i32
      %shift_left3A_182 = arith.shli %shift_right_arithmetic3A_180, %shift_left3A_181 : i32
      %multiple_of3A_183 = tpu.assume_multiple %shift_left3A_182, 128 : i32
      %dma_start3A_184 = arith.constant 0 : i32
      %dma_start3A_185 = arith.constant 8 : i32
      %dma_start3A_186 = arith.constant 0 : i32
      %dma_start3A_187 = arith.constant 0 : i32
      %dma_start3A_188 = tpu.memref_slice %arg6[%dma_start3A_184, %dma_start3A_185, %dma_start3A_186, %dma_start3A_187] : memref<2x16x16x128xf32, #tpu.memory_space<vmem>> -> memref<1x1x16x128xf32, #tpu.memory_space<vmem>>
      %dma_start3A_189 = tpu.memref_squeeze %dma_start3A_188 : memref<1x1x16x128xf32, #tpu.memory_space<vmem>> -> memref<16x128xf32, #tpu.memory_space<vmem>>
      %dma_start3A_190 = arith.constant 0 : i32
      %dma_start3A_191 = tpu.memref_slice %arg3[%dma_start3A_190, %multiple_of3A_183] : memref<16x1000000xf32, #tpu.memory_space<hbm>> -> memref<16x128xf32, #tpu.memory_space<hbm>>
      %dma_start3A_192 = arith.constant 0 : i32
      %dma_start3A_193 = arith.constant 0 : i32
      %dma_start3A_194 = tpu.memref_slice %arg6[%dma_start3A_184, %dma_start3A_185, %dma_start3A_192, %dma_start3A_193] : memref<2x16x16x128xf32, #tpu.memory_space<vmem>> -> memref<1x1x16x128xf32, #tpu.memory_space<vmem>>
      %dma_start3A_195 = tpu.memref_squeeze %dma_start3A_194 : memref<1x1x16x128xf32, #tpu.memory_space<vmem>> -> memref<16x128xf32, #tpu.memory_space<vmem>>
      %dma_start3A_196 = arith.constant 0 : i32
      %dma_start3A_197 = tpu.memref_slice %arg3[%dma_start3A_196, %multiple_of3A_183] : memref<16x1000000xf32, #tpu.memory_space<hbm>> -> memref<16x128xf32, #tpu.memory_space<hbm>>
      tpu.enqueue_dma source(%dma_start3A_197 : memref<16x128xf32, #tpu.memory_space<hbm>>) target(%dma_start3A_195 : memref<16x128xf32, #tpu.memory_space<vmem>>) target_semaphore(%arg8 : memref<!tpu.dma_semaphore, #tpu.memory_space<semaphore_mem>>)
      %slice3A_198 = vector.extract_strided_slice %get3A_13 {offsets = [9], sizes = [1], strides = [1]} : vector<16xi32> to vector<1xi32>
      %squeeze3A_199 = vector.extract %slice3A_198[0] : i32 from vector<1xi32>
      %shift_right_arithmetic3A_200 = arith.constant 7 : i32
      %shift_right_arithmetic3A_201 = arith.shrsi %squeeze3A_199, %shift_right_arithmetic3A_200 : i32
      %shift_left3A_202 = arith.constant 7 : i32
      %shift_left3A_203 = arith.shli %shift_right_arithmetic3A_201, %shift_left3A_202 : i32
      %multiple_of3A_204 = tpu.assume_multiple %shift_left3A_203, 128 : i32
      %dma_start3A_205 = arith.constant 0 : i32
      %dma_start3A_206 = arith.constant 9 : i32
      %dma_start3A_207 = arith.constant 0 : i32
      %dma_start3A_208 = arith.constant 0 : i32
      %dma_start3A_209 = tpu.memref_slice %arg6[%dma_start3A_205, %dma_start3A_206, %dma_start3A_207, %dma_start3A_208] : memref<2x16x16x128xf32, #tpu.memory_space<vmem>> -> memref<1x1x16x128xf32, #tpu.memory_space<vmem>>
      %dma_start3A_210 = tpu.memref_squeeze %dma_start3A_209 : memref<1x1x16x128xf32, #tpu.memory_space<vmem>> -> memref<16x128xf32, #tpu.memory_space<vmem>>
      %dma_start3A_211 = arith.constant 0 : i32
      %dma_start3A_212 = tpu.memref_slice %arg3[%dma_start3A_211, %multiple_of3A_204] : memref<16x1000000xf32, #tpu.memory_space<hbm>> -> memref<16x128xf32, #tpu.memory_space<hbm>>
      %dma_start3A_213 = arith.constant 0 : i32
      %dma_start3A_214 = arith.constant 0 : i32
      %dma_start3A_215 = tpu.memref_slice %arg6[%dma_start3A_205, %dma_start3A_206, %dma_start3A_213, %dma_start3A_214] : memref<2x16x16x128xf32, #tpu.memory_space<vmem>> -> memref<1x1x16x128xf32, #tpu.memory_space<vmem>>
      %dma_start3A_216 = tpu.memref_squeeze %dma_start3A_215 : memref<1x1x16x128xf32, #tpu.memory_space<vmem>> -> memref<16x128xf32, #tpu.memory_space<vmem>>
      %dma_start3A_217 = arith.constant 0 : i32
      %dma_start3A_218 = tpu.memref_slice %arg3[%dma_start3A_217, %multiple_of3A_204] : memref<16x1000000xf32, #tpu.memory_space<hbm>> -> memref<16x128xf32, #tpu.memory_space<hbm>>
      tpu.enqueue_dma source(%dma_start3A_218 : memref<16x128xf32, #tpu.memory_space<hbm>>) target(%dma_start3A_216 : memref<16x128xf32, #tpu.memory_space<vmem>>) target_semaphore(%arg8 : memref<!tpu.dma_semaphore, #tpu.memory_space<semaphore_mem>>)
      %slice3A_219 = vector.extract_strided_slice %get3A_13 {offsets = [10], sizes = [1], strides = [1]} : vector<16xi32> to vector<1xi32>
      %squeeze3A_220 = vector.extract %slice3A_219[0] : i32 from vector<1xi32>
      %shift_right_arithmetic3A_221 = arith.constant 7 : i32
      %shift_right_arithmetic3A_222 = arith.shrsi %squeeze3A_220, %shift_right_arithmetic3A_221 : i32
      %shift_left3A_223 = arith.constant 7 : i32
      %shift_left3A_224 = arith.shli %shift_right_arithmetic3A_222, %shift_left3A_223 : i32
      %multiple_of3A_225 = tpu.assume_multiple %shift_left3A_224, 128 : i32
      %dma_start3A_226 = arith.constant 0 : i32
      %dma_start3A_227 = arith.constant 10 : i32
      %dma_start3A_228 = arith.constant 0 : i32
      %dma_start3A_229 = arith.constant 0 : i32
      %dma_start3A_230 = tpu.memref_slice %arg6[%dma_start3A_226, %dma_start3A_227, %dma_start3A_228, %dma_start3A_229] : memref<2x16x16x128xf32, #tpu.memory_space<vmem>> -> memref<1x1x16x128xf32, #tpu.memory_space<vmem>>
      %dma_start3A_231 = tpu.memref_squeeze %dma_start3A_230 : memref<1x1x16x128xf32, #tpu.memory_space<vmem>> -> memref<16x128xf32, #tpu.memory_space<vmem>>
      %dma_start3A_232 = arith.constant 0 : i32
      %dma_start3A_233 = tpu.memref_slice %arg3[%dma_start3A_232, %multiple_of3A_225] : memref<16x1000000xf32, #tpu.memory_space<hbm>> -> memref<16x128xf32, #tpu.memory_space<hbm>>
      %dma_start3A_234 = arith.constant 0 : i32
      %dma_start3A_235 = arith.constant 0 : i32
      %dma_start3A_236 = tpu.memref_slice %arg6[%dma_start3A_226, %dma_start3A_227, %dma_start3A_234, %dma_start3A_235] : memref<2x16x16x128xf32, #tpu.memory_space<vmem>> -> memref<1x1x16x128xf32, #tpu.memory_space<vmem>>
      %dma_start3A_237 = tpu.memref_squeeze %dma_start3A_236 : memref<1x1x16x128xf32, #tpu.memory_space<vmem>> -> memref<16x128xf32, #tpu.memory_space<vmem>>
      %dma_start3A_238 = arith.constant 0 : i32
      %dma_start3A_239 = tpu.memref_slice %arg3[%dma_start3A_238, %multiple_of3A_225] : memref<16x1000000xf32, #tpu.memory_space<hbm>> -> memref<16x128xf32, #tpu.memory_space<hbm>>
      tpu.enqueue_dma source(%dma_start3A_239 : memref<16x128xf32, #tpu.memory_space<hbm>>) target(%dma_start3A_237 : memref<16x128xf32, #tpu.memory_space<vmem>>) target_semaphore(%arg8 : memref<!tpu.dma_semaphore, #tpu.memory_space<semaphore_mem>>)
      %slice3A_240 = vector.extract_strided_slice %get3A_13 {offsets = [11], sizes = [1], strides = [1]} : vector<16xi32> to vector<1xi32>
      %squeeze3A_241 = vector.extract %slice3A_240[0] : i32 from vector<1xi32>
      %shift_right_arithmetic3A_242 = arith.constant 7 : i32
      %shift_right_arithmetic3A_243 = arith.shrsi %squeeze3A_241, %shift_right_arithmetic3A_242 : i32
      %shift_left3A_244 = arith.constant 7 : i32
      %shift_left3A_245 = arith.shli %shift_right_arithmetic3A_243, %shift_left3A_244 : i32
      %multiple_of3A_246 = tpu.assume_multiple %shift_left3A_245, 128 : i32
      %dma_start3A_247 = arith.constant 0 : i32
      %dma_start3A_248 = arith.constant 11 : i32
      %dma_start3A_249 = arith.constant 0 : i32
      %dma_start3A_250 = arith.constant 0 : i32
      %dma_start3A_251 = tpu.memref_slice %arg6[%dma_start3A_247, %dma_start3A_248, %dma_start3A_249, %dma_start3A_250] : memref<2x16x16x128xf32, #tpu.memory_space<vmem>> -> memref<1x1x16x128xf32, #tpu.memory_space<vmem>>
      %dma_start3A_252 = tpu.memref_squeeze %dma_start3A_251 : memref<1x1x16x128xf32, #tpu.memory_space<vmem>> -> memref<16x128xf32, #tpu.memory_space<vmem>>
      %dma_start3A_253 = arith.constant 0 : i32
      %dma_start3A_254 = tpu.memref_slice %arg3[%dma_start3A_253, %multiple_of3A_246] : memref<16x1000000xf32, #tpu.memory_space<hbm>> -> memref<16x128xf32, #tpu.memory_space<hbm>>
      %dma_start3A_255 = arith.constant 0 : i32
      %dma_start3A_256 = arith.constant 0 : i32
      %dma_start3A_257 = tpu.memref_slice %arg6[%dma_start3A_247, %dma_start3A_248, %dma_start3A_255, %dma_start3A_256] : memref<2x16x16x128xf32, #tpu.memory_space<vmem>> -> memref<1x1x16x128xf32, #tpu.memory_space<vmem>>
      %dma_start3A_258 = tpu.memref_squeeze %dma_start3A_257 : memref<1x1x16x128xf32, #tpu.memory_space<vmem>> -> memref<16x128xf32, #tpu.memory_space<vmem>>
      %dma_start3A_259 = arith.constant 0 : i32
      %dma_start3A_260 = tpu.memref_slice %arg3[%dma_start3A_259, %multiple_of3A_246] : memref<16x1000000xf32, #tpu.memory_space<hbm>> -> memref<16x128xf32, #tpu.memory_space<hbm>>
      tpu.enqueue_dma source(%dma_start3A_260 : memref<16x128xf32, #tpu.memory_space<hbm>>) target(%dma_start3A_258 : memref<16x128xf32, #tpu.memory_space<vmem>>) target_semaphore(%arg8 : memref<!tpu.dma_semaphore, #tpu.memory_space<semaphore_mem>>)
      %slice3A_261 = vector.extract_strided_slice %get3A_13 {offsets = [12], sizes = [1], strides = [1]} : vector<16xi32> to vector<1xi32>
      %squeeze3A_262 = vector.extract %slice3A_261[0] : i32 from vector<1xi32>
      %shift_right_arithmetic3A_263 = arith.constant 7 : i32
      %shift_right_arithmetic3A_264 = arith.shrsi %squeeze3A_262, %shift_right_arithmetic3A_263 : i32
      %shift_left3A_265 = arith.constant 7 : i32
      %shift_left3A_266 = arith.shli %shift_right_arithmetic3A_264, %shift_left3A_265 : i32
      %multiple_of3A_267 = tpu.assume_multiple %shift_left3A_266, 128 : i32
      %dma_start3A_268 = arith.constant 0 : i32
      %dma_start3A_269 = arith.constant 12 : i32
      %dma_start3A_270 = arith.constant 0 : i32
      %dma_start3A_271 = arith.constant 0 : i32
      %dma_start3A_272 = tpu.memref_slice %arg6[%dma_start3A_268, %dma_start3A_269, %dma_start3A_270, %dma_start3A_271] : memref<2x16x16x128xf32, #tpu.memory_space<vmem>> -> memref<1x1x16x128xf32, #tpu.memory_space<vmem>>
      %dma_start3A_273 = tpu.memref_squeeze %dma_start3A_272 : memref<1x1x16x128xf32, #tpu.memory_space<vmem>> -> memref<16x128xf32, #tpu.memory_space<vmem>>
      %dma_start3A_274 = arith.constant 0 : i32
      %dma_start3A_275 = tpu.memref_slice %arg3[%dma_start3A_274, %multiple_of3A_267] : memref<16x1000000xf32, #tpu.memory_space<hbm>> -> memref<16x128xf32, #tpu.memory_space<hbm>>
      %dma_start3A_276 = arith.constant 0 : i32
      %dma_start3A_277 = arith.constant 0 : i32
      %dma_start3A_278 = tpu.memref_slice %arg6[%dma_start3A_268, %dma_start3A_269, %dma_start3A_276, %dma_start3A_277] : memref<2x16x16x128xf32, #tpu.memory_space<vmem>> -> memref<1x1x16x128xf32, #tpu.memory_space<vmem>>
      %dma_start3A_279 = tpu.memref_squeeze %dma_start3A_278 : memref<1x1x16x128xf32, #tpu.memory_space<vmem>> -> memref<16x128xf32, #tpu.memory_space<vmem>>
      %dma_start3A_280 = arith.constant 0 : i32
      %dma_start3A_281 = tpu.memref_slice %arg3[%dma_start3A_280, %multiple_of3A_267] : memref<16x1000000xf32, #tpu.memory_space<hbm>> -> memref<16x128xf32, #tpu.memory_space<hbm>>
      tpu.enqueue_dma source(%dma_start3A_281 : memref<16x128xf32, #tpu.memory_space<hbm>>) target(%dma_start3A_279 : memref<16x128xf32, #tpu.memory_space<vmem>>) target_semaphore(%arg8 : memref<!tpu.dma_semaphore, #tpu.memory_space<semaphore_mem>>)
      %slice3A_282 = vector.extract_strided_slice %get3A_13 {offsets = [13], sizes = [1], strides = [1]} : vector<16xi32> to vector<1xi32>
      %squeeze3A_283 = vector.extract %slice3A_282[0] : i32 from vector<1xi32>
      %shift_right_arithmetic3A_284 = arith.constant 7 : i32
      %shift_right_arithmetic3A_285 = arith.shrsi %squeeze3A_283, %shift_right_arithmetic3A_284 : i32
      %shift_left3A_286 = arith.constant 7 : i32
      %shift_left3A_287 = arith.shli %shift_right_arithmetic3A_285, %shift_left3A_286 : i32
      %multiple_of3A_288 = tpu.assume_multiple %shift_left3A_287, 128 : i32
      %dma_start3A_289 = arith.constant 0 : i32
      %dma_start3A_290 = arith.constant 13 : i32
      %dma_start3A_291 = arith.constant 0 : i32
      %dma_start3A_292 = arith.constant 0 : i32
      %dma_start3A_293 = tpu.memref_slice %arg6[%dma_start3A_289, %dma_start3A_290, %dma_start3A_291, %dma_start3A_292] : memref<2x16x16x128xf32, #tpu.memory_space<vmem>> -> memref<1x1x16x128xf32, #tpu.memory_space<vmem>>
      %dma_start3A_294 = tpu.memref_squeeze %dma_start3A_293 : memref<1x1x16x128xf32, #tpu.memory_space<vmem>> -> memref<16x128xf32, #tpu.memory_space<vmem>>
      %dma_start3A_295 = arith.constant 0 : i32
      %dma_start3A_296 = tpu.memref_slice %arg3[%dma_start3A_295, %multiple_of3A_288] : memref<16x1000000xf32, #tpu.memory_space<hbm>> -> memref<16x128xf32, #tpu.memory_space<hbm>>
      %dma_start3A_297 = arith.constant 0 : i32
      %dma_start3A_298 = arith.constant 0 : i32
      %dma_start3A_299 = tpu.memref_slice %arg6[%dma_start3A_289, %dma_start3A_290, %dma_start3A_297, %dma_start3A_298] : memref<2x16x16x128xf32, #tpu.memory_space<vmem>> -> memref<1x1x16x128xf32, #tpu.memory_space<vmem>>
      %dma_start3A_300 = tpu.memref_squeeze %dma_start3A_299 : memref<1x1x16x128xf32, #tpu.memory_space<vmem>> -> memref<16x128xf32, #tpu.memory_space<vmem>>
      %dma_start3A_301 = arith.constant 0 : i32
      %dma_start3A_302 = tpu.memref_slice %arg3[%dma_start3A_301, %multiple_of3A_288] : memref<16x1000000xf32, #tpu.memory_space<hbm>> -> memref<16x128xf32, #tpu.memory_space<hbm>>
      tpu.enqueue_dma source(%dma_start3A_302 : memref<16x128xf32, #tpu.memory_space<hbm>>) target(%dma_start3A_300 : memref<16x128xf32, #tpu.memory_space<vmem>>) target_semaphore(%arg8 : memref<!tpu.dma_semaphore, #tpu.memory_space<semaphore_mem>>)
      %slice3A_303 = vector.extract_strided_slice %get3A_13 {offsets = [14], sizes = [1], strides = [1]} : vector<16xi32> to vector<1xi32>
      %squeeze3A_304 = vector.extract %slice3A_303[0] : i32 from vector<1xi32>
      %shift_right_arithmetic3A_305 = arith.constant 7 : i32
      %shift_right_arithmetic3A_306 = arith.shrsi %squeeze3A_304, %shift_right_arithmetic3A_305 : i32
      %shift_left3A_307 = arith.constant 7 : i32
      %shift_left3A_308 = arith.shli %shift_right_arithmetic3A_306, %shift_left3A_307 : i32
      %multiple_of3A_309 = tpu.assume_multiple %shift_left3A_308, 128 : i32
      %dma_start3A_310 = arith.constant 0 : i32
      %dma_start3A_311 = arith.constant 14 : i32
      %dma_start3A_312 = arith.constant 0 : i32
      %dma_start3A_313 = arith.constant 0 : i32
      %dma_start3A_314 = tpu.memref_slice %arg6[%dma_start3A_310, %dma_start3A_311, %dma_start3A_312, %dma_start3A_313] : memref<2x16x16x128xf32, #tpu.memory_space<vmem>> -> memref<1x1x16x128xf32, #tpu.memory_space<vmem>>
      %dma_start3A_315 = tpu.memref_squeeze %dma_start3A_314 : memref<1x1x16x128xf32, #tpu.memory_space<vmem>> -> memref<16x128xf32, #tpu.memory_space<vmem>>
      %dma_start3A_316 = arith.constant 0 : i32
      %dma_start3A_317 = tpu.memref_slice %arg3[%dma_start3A_316, %multiple_of3A_309] : memref<16x1000000xf32, #tpu.memory_space<hbm>> -> memref<16x128xf32, #tpu.memory_space<hbm>>
      %dma_start3A_318 = arith.constant 0 : i32
      %dma_start3A_319 = arith.constant 0 : i32
      %dma_start3A_320 = tpu.memref_slice %arg6[%dma_start3A_310, %dma_start3A_311, %dma_start3A_318, %dma_start3A_319] : memref<2x16x16x128xf32, #tpu.memory_space<vmem>> -> memref<1x1x16x128xf32, #tpu.memory_space<vmem>>
      %dma_start3A_321 = tpu.memref_squeeze %dma_start3A_320 : memref<1x1x16x128xf32, #tpu.memory_space<vmem>> -> memref<16x128xf32, #tpu.memory_space<vmem>>
      %dma_start3A_322 = arith.constant 0 : i32
      %dma_start3A_323 = tpu.memref_slice %arg3[%dma_start3A_322, %multiple_of3A_309] : memref<16x1000000xf32, #tpu.memory_space<hbm>> -> memref<16x128xf32, #tpu.memory_space<hbm>>
      tpu.enqueue_dma source(%dma_start3A_323 : memref<16x128xf32, #tpu.memory_space<hbm>>) target(%dma_start3A_321 : memref<16x128xf32, #tpu.memory_space<vmem>>) target_semaphore(%arg8 : memref<!tpu.dma_semaphore, #tpu.memory_space<semaphore_mem>>)
      %slice3A_324 = vector.extract_strided_slice %get3A_13 {offsets = [15], sizes = [1], strides = [1]} : vector<16xi32> to vector<1xi32>
      %squeeze3A_325 = vector.extract %slice3A_324[0] : i32 from vector<1xi32>
      %shift_right_arithmetic3A_326 = arith.constant 7 : i32
      %shift_right_arithmetic3A_327 = arith.shrsi %squeeze3A_325, %shift_right_arithmetic3A_326 : i32
      %shift_left3A_328 = arith.constant 7 : i32
      %shift_left3A_329 = arith.shli %shift_right_arithmetic3A_327, %shift_left3A_328 : i32
      %multiple_of3A_330 = tpu.assume_multiple %shift_left3A_329, 128 : i32
      %dma_start3A_331 = arith.constant 0 : i32
      %dma_start3A_332 = arith.constant 15 : i32
      %dma_start3A_333 = arith.constant 0 : i32
      %dma_start3A_334 = arith.constant 0 : i32
      %dma_start3A_335 = tpu.memref_slice %arg6[%dma_start3A_331, %dma_start3A_332, %dma_start3A_333, %dma_start3A_334] : memref<2x16x16x128xf32, #tpu.memory_space<vmem>> -> memref<1x1x16x128xf32, #tpu.memory_space<vmem>>
      %dma_start3A_336 = tpu.memref_squeeze %dma_start3A_335 : memref<1x1x16x128xf32, #tpu.memory_space<vmem>> -> memref<16x128xf32, #tpu.memory_space<vmem>>
      %dma_start3A_337 = arith.constant 0 : i32
      %dma_start3A_338 = tpu.memref_slice %arg3[%dma_start3A_337, %multiple_of3A_330] : memref<16x1000000xf32, #tpu.memory_space<hbm>> -> memref<16x128xf32, #tpu.memory_space<hbm>>
      %dma_start3A_339 = arith.constant 0 : i32
      %dma_start3A_340 = arith.constant 0 : i32
      %dma_start3A_341 = tpu.memref_slice %arg6[%dma_start3A_331, %dma_start3A_332, %dma_start3A_339, %dma_start3A_340] : memref<2x16x16x128xf32, #tpu.memory_space<vmem>> -> memref<1x1x16x128xf32, #tpu.memory_space<vmem>>
      %dma_start3A_342 = tpu.memref_squeeze %dma_start3A_341 : memref<1x1x16x128xf32, #tpu.memory_space<vmem>> -> memref<16x128xf32, #tpu.memory_space<vmem>>
      %dma_start3A_343 = arith.constant 0 : i32
      %dma_start3A_344 = tpu.memref_slice %arg3[%dma_start3A_343, %multiple_of3A_330] : memref<16x1000000xf32, #tpu.memory_space<hbm>> -> memref<16x128xf32, #tpu.memory_space<hbm>>
      tpu.enqueue_dma source(%dma_start3A_344 : memref<16x128xf32, #tpu.memory_space<hbm>>) target(%dma_start3A_342 : memref<16x128xf32, #tpu.memory_space<vmem>>) target_semaphore(%arg8 : memref<!tpu.dma_semaphore, #tpu.memory_space<semaphore_mem>>)
      %add3A_345 = arith.constant 0 : i32
      %add3A_346 = arith.addi %mul3A_10, %add3A_345 : i32
      %add3A_347 = arith.constant 1 : i32
      %add3A_348 = arith.addi %add3A_346, %add3A_347 : i32
      %mul3A_349 = arith.constant 16 : i32
      %mul3A_350 = arith.muli %add3A_348, %mul3A_349 : i32
      %multiple_of3A_351 = tpu.assume_multiple %mul3A_350, 16 : i32
      %get3A_352 = arith.index_cast %multiple_of3A_351 : i32 to index
      %get3A_353 = tpu.vector_load %arg5[%get3A_352] {strides = array<i32>} : memref<512xi32, #tpu.memory_space<vmem>>, vector<16xi32>,
      %slice3A_354 = vector.extract_strided_slice %get3A_353 {offsets = [0], sizes = [1], strides = [1]} : vector<16xi32> to vector<1xi32>
      %squeeze3A_355 = vector.extract %slice3A_354[0] : i32 from vector<1xi32>
      %shift_right_arithmetic3A_356 = arith.constant 7 : i32
      %shift_right_arithmetic3A_357 = arith.shrsi %squeeze3A_355, %shift_right_arithmetic3A_356 : i32
      %shift_left3A_358 = arith.constant 7 : i32
      %shift_left3A_359 = arith.shli %shift_right_arithmetic3A_357, %shift_left3A_358 : i32
      %multiple_of3A_360 = tpu.assume_multiple %shift_left3A_359, 128 : i32
      %dma_start3A_361 = arith.constant 1 : i32
      %dma_start3A_362 = arith.constant 0 : i32
      %dma_start3A_363 = arith.constant 0 : i32
      %dma_start3A_364 = arith.constant 0 : i32
      %dma_start3A_365 = tpu.memref_slice %arg6[%dma_start3A_361, %dma_start3A_362, %dma_start3A_363, %dma_start3A_364] : memref<2x16x16x128xf32, #tpu.memory_space<vmem>> -> memref<1x1x16x128xf32, #tpu.memory_space<vmem>>
      %dma_start3A_366 = tpu.memref_squeeze %dma_start3A_365 : memref<1x1x16x128xf32, #tpu.memory_space<vmem>> -> memref<16x128xf32, #tpu.memory_space<vmem>>
      %dma_start3A_367 = arith.constant 0 : i32
      %dma_start3A_368 = tpu.memref_slice %arg3[%dma_start3A_367, %multiple_of3A_360] : memref<16x1000000xf32, #tpu.memory_space<hbm>> -> memref<16x128xf32, #tpu.memory_space<hbm>>
      %dma_start3A_369 = arith.constant 0 : i32
      %dma_start3A_370 = arith.constant 0 : i32
      %dma_start3A_371 = tpu.memref_slice %arg6[%dma_start3A_361, %dma_start3A_362, %dma_start3A_369, %dma_start3A_370] : memref<2x16x16x128xf32, #tpu.memory_space<vmem>> -> memref<1x1x16x128xf32, #tpu.memory_space<vmem>>
      %dma_start3A_372 = tpu.memref_squeeze %dma_start3A_371 : memref<1x1x16x128xf32, #tpu.memory_space<vmem>> -> memref<16x128xf32, #tpu.memory_space<vmem>>
      %dma_start3A_373 = arith.constant 0 : i32
      %dma_start3A_374 = tpu.memref_slice %arg3[%dma_start3A_373, %multiple_of3A_360] : memref<16x1000000xf32, #tpu.memory_space<hbm>> -> memref<16x128xf32, #tpu.memory_space<hbm>>
      tpu.enqueue_dma source(%dma_start3A_374 : memref<16x128xf32, #tpu.memory_space<hbm>>) target(%dma_start3A_372 : memref<16x128xf32, #tpu.memory_space<vmem>>) target_semaphore(%arg9 : memref<!tpu.dma_semaphore, #tpu.memory_space<semaphore_mem>>)
      %slice3A_375 = vector.extract_strided_slice %get3A_353 {offsets = [1], sizes = [1], strides = [1]} : vector<16xi32> to vector<1xi32>
      %squeeze3A_376 = vector.extract %slice3A_375[0] : i32 from vector<1xi32>
      %shift_right_arithmetic3A_377 = arith.constant 7 : i32
      %shift_right_arithmetic3A_378 = arith.shrsi %squeeze3A_376, %shift_right_arithmetic3A_377 : i32
      %shift_left3A_379 = arith.constant 7 : i32
      %shift_left3A_380 = arith.shli %shift_right_arithmetic3A_378, %shift_left3A_379 : i32
      %multiple_of3A_381 = tpu.assume_multiple %shift_left3A_380, 128 : i32
      %dma_start3A_382 = arith.constant 1 : i32
      %dma_start3A_383 = arith.constant 1 : i32
      %dma_start3A_384 = arith.constant 0 : i32
      %dma_start3A_385 = arith.constant 0 : i32
      %dma_start3A_386 = tpu.memref_slice %arg6[%dma_start3A_382, %dma_start3A_383, %dma_start3A_384, %dma_start3A_385] : memref<2x16x16x128xf32, #tpu.memory_space<vmem>> -> memref<1x1x16x128xf32, #tpu.memory_space<vmem>>
      %dma_start3A_387 = tpu.memref_squeeze %dma_start3A_386 : memref<1x1x16x128xf32, #tpu.memory_space<vmem>> -> memref<16x128xf32, #tpu.memory_space<vmem>>
      %dma_start3A_388 = arith.constant 0 : i32
      %dma_start3A_389 = tpu.memref_slice %arg3[%dma_start3A_388, %multiple_of3A_381] : memref<16x1000000xf32, #tpu.memory_space<hbm>> -> memref<16x128xf32, #tpu.memory_space<hbm>>
      %dma_start3A_390 = arith.constant 0 : i32
      %dma_start3A_391 = arith.constant 0 : i32
      %dma_start3A_392 = tpu.memref_slice %arg6[%dma_start3A_382, %dma_start3A_383, %dma_start3A_390, %dma_start3A_391] : memref<2x16x16x128xf32, #tpu.memory_space<vmem>> -> memref<1x1x16x128xf32, #tpu.memory_space<vmem>>
      %dma_start3A_393 = tpu.memref_squeeze %dma_start3A_392 : memref<1x1x16x128xf32, #tpu.memory_space<vmem>> -> memref<16x128xf32, #tpu.memory_space<vmem>>
      %dma_start3A_394 = arith.constant 0 : i32
      %dma_start3A_395 = tpu.memref_slice %arg3[%dma_start3A_394, %multiple_of3A_381] : memref<16x1000000xf32, #tpu.memory_space<hbm>> -> memref<16x128xf32, #tpu.memory_space<hbm>>
      tpu.enqueue_dma source(%dma_start3A_395 : memref<16x128xf32, #tpu.memory_space<hbm>>) target(%dma_start3A_393 : memref<16x128xf32, #tpu.memory_space<vmem>>) target_semaphore(%arg9 : memref<!tpu.dma_semaphore, #tpu.memory_space<semaphore_mem>>)
      %slice3A_396 = vector.extract_strided_slice %get3A_353 {offsets = [2], sizes = [1], strides = [1]} : vector<16xi32> to vector<1xi32>
      %squeeze3A_397 = vector.extract %slice3A_396[0] : i32 from vector<1xi32>
      %shift_right_arithmetic3A_398 = arith.constant 7 : i32
      %shift_right_arithmetic3A_399 = arith.shrsi %squeeze3A_397, %shift_right_arithmetic3A_398 : i32
      %shift_left3A_400 = arith.constant 7 : i32
      %shift_left3A_401 = arith.shli %shift_right_arithmetic3A_399, %shift_left3A_400 : i32
      %multiple_of3A_402 = tpu.assume_multiple %shift_left3A_401, 128 : i32
      %dma_start3A_403 = arith.constant 1 : i32
      %dma_start3A_404 = arith.constant 2 : i32
      %dma_start3A_405 = arith.constant 0 : i32
      %dma_start3A_406 = arith.constant 0 : i32
      %dma_start3A_407 = tpu.memref_slice %arg6[%dma_start3A_403, %dma_start3A_404, %dma_start3A_405, %dma_start3A_406] : memref<2x16x16x128xf32, #tpu.memory_space<vmem>> -> memref<1x1x16x128xf32, #tpu.memory_space<vmem>>
      %dma_start3A_408 = tpu.memref_squeeze %dma_start3A_407 : memref<1x1x16x128xf32, #tpu.memory_space<vmem>> -> memref<16x128xf32, #tpu.memory_space<vmem>>
      %dma_start3A_409 = arith.constant 0 : i32
      %dma_start3A_410 = tpu.memref_slice %arg3[%dma_start3A_409, %multiple_of3A_402] : memref<16x1000000xf32, #tpu.memory_space<hbm>> -> memref<16x128xf32, #tpu.memory_space<hbm>>
      %dma_start3A_411 = arith.constant 0 : i32
      %dma_start3A_412 = arith.constant 0 : i32
      %dma_start3A_413 = tpu.memref_slice %arg6[%dma_start3A_403, %dma_start3A_404, %dma_start3A_411, %dma_start3A_412] : memref<2x16x16x128xf32, #tpu.memory_space<vmem>> -> memref<1x1x16x128xf32, #tpu.memory_space<vmem>>
      %dma_start3A_414 = tpu.memref_squeeze %dma_start3A_413 : memref<1x1x16x128xf32, #tpu.memory_space<vmem>> -> memref<16x128xf32, #tpu.memory_space<vmem>>
      %dma_start3A_415 = arith.constant 0 : i32
      %dma_start3A_416 = tpu.memref_slice %arg3[%dma_start3A_415, %multiple_of3A_402] : memref<16x1000000xf32, #tpu.memory_space<hbm>> -> memref<16x128xf32, #tpu.memory_space<hbm>>
      tpu.enqueue_dma source(%dma_start3A_416 : memref<16x128xf32, #tpu.memory_space<hbm>>) target(%dma_start3A_414 : memref<16x128xf32, #tpu.memory_space<vmem>>) target_semaphore(%arg9 : memref<!tpu.dma_semaphore, #tpu.memory_space<semaphore_mem>>)
      %slice3A_417 = vector.extract_strided_slice %get3A_353 {offsets = [3], sizes = [1], strides = [1]} : vector<16xi32> to vector<1xi32>
      %squeeze3A_418 = vector.extract %slice3A_417[0] : i32 from vector<1xi32>
      %shift_right_arithmetic3A_419 = arith.constant 7 : i32
      %shift_right_arithmetic3A_420 = arith.shrsi %squeeze3A_418, %shift_right_arithmetic3A_419 : i32
      %shift_left3A_421 = arith.constant 7 : i32
      %shift_left3A_422 = arith.shli %shift_right_arithmetic3A_420, %shift_left3A_421 : i32
      %multiple_of3A_423 = tpu.assume_multiple %shift_left3A_422, 128 : i32
      %dma_start3A_424 = arith.constant 1 : i32
      %dma_start3A_425 = arith.constant 3 : i32
      %dma_start3A_426 = arith.constant 0 : i32
      %dma_start3A_427 = arith.constant 0 : i32
      %dma_start3A_428 = tpu.memref_slice %arg6[%dma_start3A_424, %dma_start3A_425, %dma_start3A_426, %dma_start3A_427] : memref<2x16x16x128xf32, #tpu.memory_space<vmem>> -> memref<1x1x16x128xf32, #tpu.memory_space<vmem>>
      %dma_start3A_429 = tpu.memref_squeeze %dma_start3A_428 : memref<1x1x16x128xf32, #tpu.memory_space<vmem>> -> memref<16x128xf32, #tpu.memory_space<vmem>>
      %dma_start3A_430 = arith.constant 0 : i32
      %dma_start3A_431 = tpu.memref_slice %arg3[%dma_start3A_430, %multiple_of3A_423] : memref<16x1000000xf32, #tpu.memory_space<hbm>> -> memref<16x128xf32, #tpu.memory_space<hbm>>
      %dma_start3A_432 = arith.constant 0 : i32
      %dma_start3A_433 = arith.constant 0 : i32
      %dma_start3A_434 = tpu.memref_slice %arg6[%dma_start3A_424, %dma_start3A_425, %dma_start3A_432, %dma_start3A_433] : memref<2x16x16x128xf32, #tpu.memory_space<vmem>> -> memref<1x1x16x128xf32, #tpu.memory_space<vmem>>
      %dma_start3A_435 = tpu.memref_squeeze %dma_start3A_434 : memref<1x1x16x128xf32, #tpu.memory_space<vmem>> -> memref<16x128xf32, #tpu.memory_space<vmem>>
      %dma_start3A_436 = arith.constant 0 : i32
      %dma_start3A_437 = tpu.memref_slice %arg3[%dma_start3A_436, %multiple_of3A_423] : memref<16x1000000xf32, #tpu.memory_space<hbm>> -> memref<16x128xf32, #tpu.memory_space<hbm>>
      tpu.enqueue_dma source(%dma_start3A_437 : memref<16x128xf32, #tpu.memory_space<hbm>>) target(%dma_start3A_435 : memref<16x128xf32, #tpu.memory_space<vmem>>) target_semaphore(%arg9 : memref<!tpu.dma_semaphore, #tpu.memory_space<semaphore_mem>>)
      %slice3A_438 = vector.extract_strided_slice %get3A_353 {offsets = [4], sizes = [1], strides = [1]} : vector<16xi32> to vector<1xi32>
      %squeeze3A_439 = vector.extract %slice3A_438[0] : i32 from vector<1xi32>
      %shift_right_arithmetic3A_440 = arith.constant 7 : i32
      %shift_right_arithmetic3A_441 = arith.shrsi %squeeze3A_439, %shift_right_arithmetic3A_440 : i32
      %shift_left3A_442 = arith.constant 7 : i32
      %shift_left3A_443 = arith.shli %shift_right_arithmetic3A_441, %shift_left3A_442 : i32
      %multiple_of3A_444 = tpu.assume_multiple %shift_left3A_443, 128 : i32
      %dma_start3A_445 = arith.constant 1 : i32
      %dma_start3A_446 = arith.constant 4 : i32
      %dma_start3A_447 = arith.constant 0 : i32
      %dma_start3A_448 = arith.constant 0 : i32
      %dma_start3A_449 = tpu.memref_slice %arg6[%dma_start3A_445, %dma_start3A_446, %dma_start3A_447, %dma_start3A_448] : memref<2x16x16x128xf32, #tpu.memory_space<vmem>> -> memref<1x1x16x128xf32, #tpu.memory_space<vmem>>
      %dma_start3A_450 = tpu.memref_squeeze %dma_start3A_449 : memref<1x1x16x128xf32, #tpu.memory_space<vmem>> -> memref<16x128xf32, #tpu.memory_space<vmem>>
      %dma_start3A_451 = arith.constant 0 : i32
      %dma_start3A_452 = tpu.memref_slice %arg3[%dma_start3A_451, %multiple_of3A_444] : memref<16x1000000xf32, #tpu.memory_space<hbm>> -> memref<16x128xf32, #tpu.memory_space<hbm>>
      %dma_start3A_453 = arith.constant 0 : i32
      %dma_start3A_454 = arith.constant 0 : i32
      %dma_start3A_455 = tpu.memref_slice %arg6[%dma_start3A_445, %dma_start3A_446, %dma_start3A_453, %dma_start3A_454] : memref<2x16x16x128xf32, #tpu.memory_space<vmem>> -> memref<1x1x16x128xf32, #tpu.memory_space<vmem>>
      %dma_start3A_456 = tpu.memref_squeeze %dma_start3A_455 : memref<1x1x16x128xf32, #tpu.memory_space<vmem>> -> memref<16x128xf32, #tpu.memory_space<vmem>>
      %dma_start3A_457 = arith.constant 0 : i32
      %dma_start3A_458 = tpu.memref_slice %arg3[%dma_start3A_457, %multiple_of3A_444] : memref<16x1000000xf32, #tpu.memory_space<hbm>> -> memref<16x128xf32, #tpu.memory_space<hbm>>
      tpu.enqueue_dma source(%dma_start3A_458 : memref<16x128xf32, #tpu.memory_space<hbm>>) target(%dma_start3A_456 : memref<16x128xf32, #tpu.memory_space<vmem>>) target_semaphore(%arg9 : memref<!tpu.dma_semaphore, #tpu.memory_space<semaphore_mem>>)
      %slice3A_459 = vector.extract_strided_slice %get3A_353 {offsets = [5], sizes = [1], strides = [1]} : vector<16xi32> to vector<1xi32>
      %squeeze3A_460 = vector.extract %slice3A_459[0] : i32 from vector<1xi32>
      %shift_right_arithmetic3A_461 = arith.constant 7 : i32
      %shift_right_arithmetic3A_462 = arith.shrsi %squeeze3A_460, %shift_right_arithmetic3A_461 : i32
      %shift_left3A_463 = arith.constant 7 : i32
      %shift_left3A_464 = arith.shli %shift_right_arithmetic3A_462, %shift_left3A_463 : i32
      %multiple_of3A_465 = tpu.assume_multiple %shift_left3A_464, 128 : i32
      %dma_start3A_466 = arith.constant 1 : i32
      %dma_start3A_467 = arith.constant 5 : i32
      %dma_start3A_468 = arith.constant 0 : i32
      %dma_start3A_469 = arith.constant 0 : i32
      %dma_start3A_470 = tpu.memref_slice %arg6[%dma_start3A_466, %dma_start3A_467, %dma_start3A_468, %dma_start3A_469] : memref<2x16x16x128xf32, #tpu.memory_space<vmem>> -> memref<1x1x16x128xf32, #tpu.memory_space<vmem>>
      %dma_start3A_471 = tpu.memref_squeeze %dma_start3A_470 : memref<1x1x16x128xf32, #tpu.memory_space<vmem>> -> memref<16x128xf32, #tpu.memory_space<vmem>>
      %dma_start3A_472 = arith.constant 0 : i32
      %dma_start3A_473 = tpu.memref_slice %arg3[%dma_start3A_472, %multiple_of3A_465] : memref<16x1000000xf32, #tpu.memory_space<hbm>> -> memref<16x128xf32, #tpu.memory_space<hbm>>
      %dma_start3A_474 = arith.constant 0 : i32
      %dma_start3A_475 = arith.constant 0 : i32
      %dma_start3A_476 = tpu.memref_slice %arg6[%dma_start3A_466, %dma_start3A_467, %dma_start3A_474, %dma_start3A_475] : memref<2x16x16x128xf32, #tpu.memory_space<vmem>> -> memref<1x1x16x128xf32, #tpu.memory_space<vmem>>
      %dma_start3A_477 = tpu.memref_squeeze %dma_start3A_476 : memref<1x1x16x128xf32, #tpu.memory_space<vmem>> -> memref<16x128xf32, #tpu.memory_space<vmem>>
      %dma_start3A_478 = arith.constant 0 : i32
      %dma_start3A_479 = tpu.memref_slice %arg3[%dma_start3A_478, %multiple_of3A_465] : memref<16x1000000xf32, #tpu.memory_space<hbm>> -> memref<16x128xf32, #tpu.memory_space<hbm>>
      tpu.enqueue_dma source(%dma_start3A_479 : memref<16x128xf32, #tpu.memory_space<hbm>>) target(%dma_start3A_477 : memref<16x128xf32, #tpu.memory_space<vmem>>) target_semaphore(%arg9 : memref<!tpu.dma_semaphore, #tpu.memory_space<semaphore_mem>>)
      %slice3A_480 = vector.extract_strided_slice %get3A_353 {offsets = [6], sizes = [1], strides = [1]} : vector<16xi32> to vector<1xi32>
      %squeeze3A_481 = vector.extract %slice3A_480[0] : i32 from vector<1xi32>
      %shift_right_arithmetic3A_482 = arith.constant 7 : i32
      %shift_right_arithmetic3A_483 = arith.shrsi %squeeze3A_481, %shift_right_arithmetic3A_482 : i32
      %shift_left3A_484 = arith.constant 7 : i32
      %shift_left3A_485 = arith.shli %shift_right_arithmetic3A_483, %shift_left3A_484 : i32
      %multiple_of3A_486 = tpu.assume_multiple %shift_left3A_485, 128 : i32
      %dma_start3A_487 = arith.constant 1 : i32
      %dma_start3A_488 = arith.constant 6 : i32
      %dma_start3A_489 = arith.constant 0 : i32
      %dma_start3A_490 = arith.constant 0 : i32
      %dma_start3A_491 = tpu.memref_slice %arg6[%dma_start3A_487, %dma_start3A_488, %dma_start3A_489, %dma_start3A_490] : memref<2x16x16x128xf32, #tpu.memory_space<vmem>> -> memref<1x1x16x128xf32, #tpu.memory_space<vmem>>
      %dma_start3A_492 = tpu.memref_squeeze %dma_start3A_491 : memref<1x1x16x128xf32, #tpu.memory_space<vmem>> -> memref<16x128xf32, #tpu.memory_space<vmem>>
      %dma_start3A_493 = arith.constant 0 : i32
      %dma_start3A_494 = tpu.memref_slice %arg3[%dma_start3A_493, %multiple_of3A_486] : memref<16x1000000xf32, #tpu.memory_space<hbm>> -> memref<16x128xf32, #tpu.memory_space<hbm>>
      %dma_start3A_495 = arith.constant 0 : i32
      %dma_start3A_496 = arith.constant 0 : i32
      %dma_start3A_497 = tpu.memref_slice %arg6[%dma_start3A_487, %dma_start3A_488, %dma_start3A_495, %dma_start3A_496] : memref<2x16x16x128xf32, #tpu.memory_space<vmem>> -> memref<1x1x16x128xf32, #tpu.memory_space<vmem>>
      %dma_start3A_498 = tpu.memref_squeeze %dma_start3A_497 : memref<1x1x16x128xf32, #tpu.memory_space<vmem>> -> memref<16x128xf32, #tpu.memory_space<vmem>>
      %dma_start3A_499 = arith.constant 0 : i32
      %dma_start3A_500 = tpu.memref_slice %arg3[%dma_start3A_499, %multiple_of3A_486] : memref<16x1000000xf32, #tpu.memory_space<hbm>> -> memref<16x128xf32, #tpu.memory_space<hbm>>
      tpu.enqueue_dma source(%dma_start3A_500 : memref<16x128xf32, #tpu.memory_space<hbm>>) target(%dma_start3A_498 : memref<16x128xf32, #tpu.memory_space<vmem>>) target_semaphore(%arg9 : memref<!tpu.dma_semaphore, #tpu.memory_space<semaphore_mem>>)
      %slice3A_501 = vector.extract_strided_slice %get3A_353 {offsets = [7], sizes = [1], strides = [1]} : vector<16xi32> to vector<1xi32>
      %squeeze3A_502 = vector.extract %slice3A_501[0] : i32 from vector<1xi32>
      %shift_right_arithmetic3A_503 = arith.constant 7 : i32
      %shift_right_arithmetic3A_504 = arith.shrsi %squeeze3A_502, %shift_right_arithmetic3A_503 : i32
      %shift_left3A_505 = arith.constant 7 : i32
      %shift_left3A_506 = arith.shli %shift_right_arithmetic3A_504, %shift_left3A_505 : i32
      %multiple_of3A_507 = tpu.assume_multiple %shift_left3A_506, 128 : i32
      %dma_start3A_508 = arith.constant 1 : i32
      %dma_start3A_509 = arith.constant 7 : i32
      %dma_start3A_510 = arith.constant 0 : i32
      %dma_start3A_511 = arith.constant 0 : i32
      %dma_start3A_512 = tpu.memref_slice %arg6[%dma_start3A_508, %dma_start3A_509, %dma_start3A_510, %dma_start3A_511] : memref<2x16x16x128xf32, #tpu.memory_space<vmem>> -> memref<1x1x16x128xf32, #tpu.memory_space<vmem>>
      %dma_start3A_513 = tpu.memref_squeeze %dma_start3A_512 : memref<1x1x16x128xf32, #tpu.memory_space<vmem>> -> memref<16x128xf32, #tpu.memory_space<vmem>>
      %dma_start3A_514 = arith.constant 0 : i32
      %dma_start3A_515 = tpu.memref_slice %arg3[%dma_start3A_514, %multiple_of3A_507] : memref<16x1000000xf32, #tpu.memory_space<hbm>> -> memref<16x128xf32, #tpu.memory_space<hbm>>
      %dma_start3A_516 = arith.constant 0 : i32
      %dma_start3A_517 = arith.constant 0 : i32
      %dma_start3A_518 = tpu.memref_slice %arg6[%dma_start3A_508, %dma_start3A_509, %dma_start3A_516, %dma_start3A_517] : memref<2x16x16x128xf32, #tpu.memory_space<vmem>> -> memref<1x1x16x128xf32, #tpu.memory_space<vmem>>
      %dma_start3A_519 = tpu.memref_squeeze %dma_start3A_518 : memref<1x1x16x128xf32, #tpu.memory_space<vmem>> -> memref<16x128xf32, #tpu.memory_space<vmem>>
      %dma_start3A_520 = arith.constant 0 : i32
      %dma_start3A_521 = tpu.memref_slice %arg3[%dma_start3A_520, %multiple_of3A_507] : memref<16x1000000xf32, #tpu.memory_space<hbm>> -> memref<16x128xf32, #tpu.memory_space<hbm>>
      tpu.enqueue_dma source(%dma_start3A_521 : memref<16x128xf32, #tpu.memory_space<hbm>>) target(%dma_start3A_519 : memref<16x128xf32, #tpu.memory_space<vmem>>) target_semaphore(%arg9 : memref<!tpu.dma_semaphore, #tpu.memory_space<semaphore_mem>>)
      %slice3A_522 = vector.extract_strided_slice %get3A_353 {offsets = [8], sizes = [1], strides = [1]} : vector<16xi32> to vector<1xi32>
      %squeeze3A_523 = vector.extract %slice3A_522[0] : i32 from vector<1xi32>
      %shift_right_arithmetic3A_524 = arith.constant 7 : i32
      %shift_right_arithmetic3A_525 = arith.shrsi %squeeze3A_523, %shift_right_arithmetic3A_524 : i32
      %shift_left3A_526 = arith.constant 7 : i32
      %shift_left3A_527 = arith.shli %shift_right_arithmetic3A_525, %shift_left3A_526 : i32
      %multiple_of3A_528 = tpu.assume_multiple %shift_left3A_527, 128 : i32
      %dma_start3A_529 = arith.constant 1 : i32
      %dma_start3A_530 = arith.constant 8 : i32
      %dma_start3A_531 = arith.constant 0 : i32
      %dma_start3A_532 = arith.constant 0 : i32
      %dma_start3A_533 = tpu.memref_slice %arg6[%dma_start3A_529, %dma_start3A_530, %dma_start3A_531, %dma_start3A_532] : memref<2x16x16x128xf32, #tpu.memory_space<vmem>> -> memref<1x1x16x128xf32, #tpu.memory_space<vmem>>
      %dma_start3A_534 = tpu.memref_squeeze %dma_start3A_533 : memref<1x1x16x128xf32, #tpu.memory_space<vmem>> -> memref<16x128xf32, #tpu.memory_space<vmem>>
      %dma_start3A_535 = arith.constant 0 : i32
      %dma_start3A_536 = tpu.memref_slice %arg3[%dma_start3A_535, %multiple_of3A_528] : memref<16x1000000xf32, #tpu.memory_space<hbm>> -> memref<16x128xf32, #tpu.memory_space<hbm>>
      %dma_start3A_537 = arith.constant 0 : i32
      %dma_start3A_538 = arith.constant 0 : i32
      %dma_start3A_539 = tpu.memref_slice %arg6[%dma_start3A_529, %dma_start3A_530, %dma_start3A_537, %dma_start3A_538] : memref<2x16x16x128xf32, #tpu.memory_space<vmem>> -> memref<1x1x16x128xf32, #tpu.memory_space<vmem>>
      %dma_start3A_540 = tpu.memref_squeeze %dma_start3A_539 : memref<1x1x16x128xf32, #tpu.memory_space<vmem>> -> memref<16x128xf32, #tpu.memory_space<vmem>>
      %dma_start3A_541 = arith.constant 0 : i32
      %dma_start3A_542 = tpu.memref_slice %arg3[%dma_start3A_541, %multiple_of3A_528] : memref<16x1000000xf32, #tpu.memory_space<hbm>> -> memref<16x128xf32, #tpu.memory_space<hbm>>
      tpu.enqueue_dma source(%dma_start3A_542 : memref<16x128xf32, #tpu.memory_space<hbm>>) target(%dma_start3A_540 : memref<16x128xf32, #tpu.memory_space<vmem>>) target_semaphore(%arg9 : memref<!tpu.dma_semaphore, #tpu.memory_space<semaphore_mem>>)
      %slice3A_543 = vector.extract_strided_slice %get3A_353 {offsets = [9], sizes = [1], strides = [1]} : vector<16xi32> to vector<1xi32>
      %squeeze3A_544 = vector.extract %slice3A_543[0] : i32 from vector<1xi32>
      %shift_right_arithmetic3A_545 = arith.constant 7 : i32
      %shift_right_arithmetic3A_546 = arith.shrsi %squeeze3A_544, %shift_right_arithmetic3A_545 : i32
      %shift_left3A_547 = arith.constant 7 : i32
      %shift_left3A_548 = arith.shli %shift_right_arithmetic3A_546, %shift_left3A_547 : i32
      %multiple_of3A_549 = tpu.assume_multiple %shift_left3A_548, 128 : i32
      %dma_start3A_550 = arith.constant 1 : i32
      %dma_start3A_551 = arith.constant 9 : i32
      %dma_start3A_552 = arith.constant 0 : i32
      %dma_start3A_553 = arith.constant 0 : i32
      %dma_start3A_554 = tpu.memref_slice %arg6[%dma_start3A_550, %dma_start3A_551, %dma_start3A_552, %dma_start3A_553] : memref<2x16x16x128xf32, #tpu.memory_space<vmem>> -> memref<1x1x16x128xf32, #tpu.memory_space<vmem>>
      %dma_start3A_555 = tpu.memref_squeeze %dma_start3A_554 : memref<1x1x16x128xf32, #tpu.memory_space<vmem>> -> memref<16x128xf32, #tpu.memory_space<vmem>>
      %dma_start3A_556 = arith.constant 0 : i32
      %dma_start3A_557 = tpu.memref_slice %arg3[%dma_start3A_556, %multiple_of3A_549] : memref<16x1000000xf32, #tpu.memory_space<hbm>> -> memref<16x128xf32, #tpu.memory_space<hbm>>
      %dma_start3A_558 = arith.constant 0 : i32
      %dma_start3A_559 = arith.constant 0 : i32
      %dma_start3A_560 = tpu.memref_slice %arg6[%dma_start3A_550, %dma_start3A_551, %dma_start3A_558, %dma_start3A_559] : memref<2x16x16x128xf32, #tpu.memory_space<vmem>> -> memref<1x1x16x128xf32, #tpu.memory_space<vmem>>
      %dma_start3A_561 = tpu.memref_squeeze %dma_start3A_560 : memref<1x1x16x128xf32, #tpu.memory_space<vmem>> -> memref<16x128xf32, #tpu.memory_space<vmem>>
      %dma_start3A_562 = arith.constant 0 : i32
      %dma_start3A_563 = tpu.memref_slice %arg3[%dma_start3A_562, %multiple_of3A_549] : memref<16x1000000xf32, #tpu.memory_space<hbm>> -> memref<16x128xf32, #tpu.memory_space<hbm>>
      tpu.enqueue_dma source(%dma_start3A_563 : memref<16x128xf32, #tpu.memory_space<hbm>>) target(%dma_start3A_561 : memref<16x128xf32, #tpu.memory_space<vmem>>) target_semaphore(%arg9 : memref<!tpu.dma_semaphore, #tpu.memory_space<semaphore_mem>>)
      %slice3A_564 = vector.extract_strided_slice %get3A_353 {offsets = [10], sizes = [1], strides = [1]} : vector<16xi32> to vector<1xi32>
      %squeeze3A_565 = vector.extract %slice3A_564[0] : i32 from vector<1xi32>
      %shift_right_arithmetic3A_566 = arith.constant 7 : i32
      %shift_right_arithmetic3A_567 = arith.shrsi %squeeze3A_565, %shift_right_arithmetic3A_566 : i32
      %shift_left3A_568 = arith.constant 7 : i32
      %shift_left3A_569 = arith.shli %shift_right_arithmetic3A_567, %shift_left3A_568 : i32
      %multiple_of3A_570 = tpu.assume_multiple %shift_left3A_569, 128 : i32
      %dma_start3A_571 = arith.constant 1 : i32
      %dma_start3A_572 = arith.constant 10 : i32
      %dma_start3A_573 = arith.constant 0 : i32
      %dma_start3A_574 = arith.constant 0 : i32
      %dma_start3A_575 = tpu.memref_slice %arg6[%dma_start3A_571, %dma_start3A_572, %dma_start3A_573, %dma_start3A_574] : memref<2x16x16x128xf32, #tpu.memory_space<vmem>> -> memref<1x1x16x128xf32, #tpu.memory_space<vmem>>
      %dma_start3A_576 = tpu.memref_squeeze %dma_start3A_575 : memref<1x1x16x128xf32, #tpu.memory_space<vmem>> -> memref<16x128xf32, #tpu.memory_space<vmem>>
      %dma_start3A_577 = arith.constant 0 : i32
      %dma_start3A_578 = tpu.memref_slice %arg3[%dma_start3A_577, %multiple_of3A_570] : memref<16x1000000xf32, #tpu.memory_space<hbm>> -> memref<16x128xf32, #tpu.memory_space<hbm>>
      %dma_start3A_579 = arith.constant 0 : i32
      %dma_start3A_580 = arith.constant 0 : i32
      %dma_start3A_581 = tpu.memref_slice %arg6[%dma_start3A_571, %dma_start3A_572, %dma_start3A_579, %dma_start3A_580] : memref<2x16x16x128xf32, #tpu.memory_space<vmem>> -> memref<1x1x16x128xf32, #tpu.memory_space<vmem>>
      %dma_start3A_582 = tpu.memref_squeeze %dma_start3A_581 : memref<1x1x16x128xf32, #tpu.memory_space<vmem>> -> memref<16x128xf32, #tpu.memory_space<vmem>>
      %dma_start3A_583 = arith.constant 0 : i32
      %dma_start3A_584 = tpu.memref_slice %arg3[%dma_start3A_583, %multiple_of3A_570] : memref<16x1000000xf32, #tpu.memory_space<hbm>> -> memref<16x128xf32, #tpu.memory_space<hbm>>
      tpu.enqueue_dma source(%dma_start3A_584 : memref<16x128xf32, #tpu.memory_space<hbm>>) target(%dma_start3A_582 : memref<16x128xf32, #tpu.memory_space<vmem>>) target_semaphore(%arg9 : memref<!tpu.dma_semaphore, #tpu.memory_space<semaphore_mem>>)
      %slice3A_585 = vector.extract_strided_slice %get3A_353 {offsets = [11], sizes = [1], strides = [1]} : vector<16xi32> to vector<1xi32>
      %squeeze3A_586 = vector.extract %slice3A_585[0] : i32 from vector<1xi32>
      %shift_right_arithmetic3A_587 = arith.constant 7 : i32
      %shift_right_arithmetic3A_588 = arith.shrsi %squeeze3A_586, %shift_right_arithmetic3A_587 : i32
      %shift_left3A_589 = arith.constant 7 : i32
      %shift_left3A_590 = arith.shli %shift_right_arithmetic3A_588, %shift_left3A_589 : i32
      %multiple_of3A_591 = tpu.assume_multiple %shift_left3A_590, 128 : i32
      %dma_start3A_592 = arith.constant 1 : i32
      %dma_start3A_593 = arith.constant 11 : i32
      %dma_start3A_594 = arith.constant 0 : i32
      %dma_start3A_595 = arith.constant 0 : i32
      %dma_start3A_596 = tpu.memref_slice %arg6[%dma_start3A_592, %dma_start3A_593, %dma_start3A_594, %dma_start3A_595] : memref<2x16x16x128xf32, #tpu.memory_space<vmem>> -> memref<1x1x16x128xf32, #tpu.memory_space<vmem>>
      %dma_start3A_597 = tpu.memref_squeeze %dma_start3A_596 : memref<1x1x16x128xf32, #tpu.memory_space<vmem>> -> memref<16x128xf32, #tpu.memory_space<vmem>>
      %dma_start3A_598 = arith.constant 0 : i32
      %dma_start3A_599 = tpu.memref_slice %arg3[%dma_start3A_598, %multiple_of3A_591] : memref<16x1000000xf32, #tpu.memory_space<hbm>> -> memref<16x128xf32, #tpu.memory_space<hbm>>
      %dma_start3A_600 = arith.constant 0 : i32
      %dma_start3A_601 = arith.constant 0 : i32
      %dma_start3A_602 = tpu.memref_slice %arg6[%dma_start3A_592, %dma_start3A_593, %dma_start3A_600, %dma_start3A_601] : memref<2x16x16x128xf32, #tpu.memory_space<vmem>> -> memref<1x1x16x128xf32, #tpu.memory_space<vmem>>
      %dma_start3A_603 = tpu.memref_squeeze %dma_start3A_602 : memref<1x1x16x128xf32, #tpu.memory_space<vmem>> -> memref<16x128xf32, #tpu.memory_space<vmem>>
      %dma_start3A_604 = arith.constant 0 : i32
      %dma_start3A_605 = tpu.memref_slice %arg3[%dma_start3A_604, %multiple_of3A_591] : memref<16x1000000xf32, #tpu.memory_space<hbm>> -> memref<16x128xf32, #tpu.memory_space<hbm>>
      tpu.enqueue_dma source(%dma_start3A_605 : memref<16x128xf32, #tpu.memory_space<hbm>>) target(%dma_start3A_603 : memref<16x128xf32, #tpu.memory_space<vmem>>) target_semaphore(%arg9 : memref<!tpu.dma_semaphore, #tpu.memory_space<semaphore_mem>>)
      %slice3A_606 = vector.extract_strided_slice %get3A_353 {offsets = [12], sizes = [1], strides = [1]} : vector<16xi32> to vector<1xi32>
      %squeeze3A_607 = vector.extract %slice3A_606[0] : i32 from vector<1xi32>
      %shift_right_arithmetic3A_608 = arith.constant 7 : i32
      %shift_right_arithmetic3A_609 = arith.shrsi %squeeze3A_607, %shift_right_arithmetic3A_608 : i32
      %shift_left3A_610 = arith.constant 7 : i32
      %shift_left3A_611 = arith.shli %shift_right_arithmetic3A_609, %shift_left3A_610 : i32
      %multiple_of3A_612 = tpu.assume_multiple %shift_left3A_611, 128 : i32
      %dma_start3A_613 = arith.constant 1 : i32
      %dma_start3A_614 = arith.constant 12 : i32
      %dma_start3A_615 = arith.constant 0 : i32
      %dma_start3A_616 = arith.constant 0 : i32
      %dma_start3A_617 = tpu.memref_slice %arg6[%dma_start3A_613, %dma_start3A_614, %dma_start3A_615, %dma_start3A_616] : memref<2x16x16x128xf32, #tpu.memory_space<vmem>> -> memref<1x1x16x128xf32, #tpu.memory_space<vmem>>
      %dma_start3A_618 = tpu.memref_squeeze %dma_start3A_617 : memref<1x1x16x128xf32, #tpu.memory_space<vmem>> -> memref<16x128xf32, #tpu.memory_space<vmem>>
      %dma_start3A_619 = arith.constant 0 : i32
      %dma_start3A_620 = tpu.memref_slice %arg3[%dma_start3A_619, %multiple_of3A_612] : memref<16x1000000xf32, #tpu.memory_space<hbm>> -> memref<16x128xf32, #tpu.memory_space<hbm>>
      %dma_start3A_621 = arith.constant 0 : i32
      %dma_start3A_622 = arith.constant 0 : i32
      %dma_start3A_623 = tpu.memref_slice %arg6[%dma_start3A_613, %dma_start3A_614, %dma_start3A_621, %dma_start3A_622] : memref<2x16x16x128xf32, #tpu.memory_space<vmem>> -> memref<1x1x16x128xf32, #tpu.memory_space<vmem>>
      %dma_start3A_624 = tpu.memref_squeeze %dma_start3A_623 : memref<1x1x16x128xf32, #tpu.memory_space<vmem>> -> memref<16x128xf32, #tpu.memory_space<vmem>>
      %dma_start3A_625 = arith.constant 0 : i32
      %dma_start3A_626 = tpu.memref_slice %arg3[%dma_start3A_625, %multiple_of3A_612] : memref<16x1000000xf32, #tpu.memory_space<hbm>> -> memref<16x128xf32, #tpu.memory_space<hbm>>
      tpu.enqueue_dma source(%dma_start3A_626 : memref<16x128xf32, #tpu.memory_space<hbm>>) target(%dma_start3A_624 : memref<16x128xf32, #tpu.memory_space<vmem>>) target_semaphore(%arg9 : memref<!tpu.dma_semaphore, #tpu.memory_space<semaphore_mem>>)
      %slice3A_627 = vector.extract_strided_slice %get3A_353 {offsets = [13], sizes = [1], strides = [1]} : vector<16xi32> to vector<1xi32>
      %squeeze3A_628 = vector.extract %slice3A_627[0] : i32 from vector<1xi32>
      %shift_right_arithmetic3A_629 = arith.constant 7 : i32
      %shift_right_arithmetic3A_630 = arith.shrsi %squeeze3A_628, %shift_right_arithmetic3A_629 : i32
      %shift_left3A_631 = arith.constant 7 : i32
      %shift_left3A_632 = arith.shli %shift_right_arithmetic3A_630, %shift_left3A_631 : i32
      %multiple_of3A_633 = tpu.assume_multiple %shift_left3A_632, 128 : i32
      %dma_start3A_634 = arith.constant 1 : i32
      %dma_start3A_635 = arith.constant 13 : i32
      %dma_start3A_636 = arith.constant 0 : i32
      %dma_start3A_637 = arith.constant 0 : i32
      %dma_start3A_638 = tpu.memref_slice %arg6[%dma_start3A_634, %dma_start3A_635, %dma_start3A_636, %dma_start3A_637] : memref<2x16x16x128xf32, #tpu.memory_space<vmem>> -> memref<1x1x16x128xf32, #tpu.memory_space<vmem>>
      %dma_start3A_639 = tpu.memref_squeeze %dma_start3A_638 : memref<1x1x16x128xf32, #tpu.memory_space<vmem>> -> memref<16x128xf32, #tpu.memory_space<vmem>>
      %dma_start3A_640 = arith.constant 0 : i32
      %dma_start3A_641 = tpu.memref_slice %arg3[%dma_start3A_640, %multiple_of3A_633] : memref<16x1000000xf32, #tpu.memory_space<hbm>> -> memref<16x128xf32, #tpu.memory_space<hbm>>
      %dma_start3A_642 = arith.constant 0 : i32
      %dma_start3A_643 = arith.constant 0 : i32
      %dma_start3A_644 = tpu.memref_slice %arg6[%dma_start3A_634, %dma_start3A_635, %dma_start3A_642, %dma_start3A_643] : memref<2x16x16x128xf32, #tpu.memory_space<vmem>> -> memref<1x1x16x128xf32, #tpu.memory_space<vmem>>
      %dma_start3A_645 = tpu.memref_squeeze %dma_start3A_644 : memref<1x1x16x128xf32, #tpu.memory_space<vmem>> -> memref<16x128xf32, #tpu.memory_space<vmem>>
      %dma_start3A_646 = arith.constant 0 : i32
      %dma_start3A_647 = tpu.memref_slice %arg3[%dma_start3A_646, %multiple_of3A_633] : memref<16x1000000xf32, #tpu.memory_space<hbm>> -> memref<16x128xf32, #tpu.memory_space<hbm>>
      tpu.enqueue_dma source(%dma_start3A_647 : memref<16x128xf32, #tpu.memory_space<hbm>>) target(%dma_start3A_645 : memref<16x128xf32, #tpu.memory_space<vmem>>) target_semaphore(%arg9 : memref<!tpu.dma_semaphore, #tpu.memory_space<semaphore_mem>>)
      %slice3A_648 = vector.extract_strided_slice %get3A_353 {offsets = [14], sizes = [1], strides = [1]} : vector<16xi32> to vector<1xi32>
      %squeeze3A_649 = vector.extract %slice3A_648[0] : i32 from vector<1xi32>
      %shift_right_arithmetic3A_650 = arith.constant 7 : i32
      %shift_right_arithmetic3A_651 = arith.shrsi %squeeze3A_649, %shift_right_arithmetic3A_650 : i32
      %shift_left3A_652 = arith.constant 7 : i32
      %shift_left3A_653 = arith.shli %shift_right_arithmetic3A_651, %shift_left3A_652 : i32
      %multiple_of3A_654 = tpu.assume_multiple %shift_left3A_653, 128 : i32
      %dma_start3A_655 = arith.constant 1 : i32
      %dma_start3A_656 = arith.constant 14 : i32
      %dma_start3A_657 = arith.constant 0 : i32
      %dma_start3A_658 = arith.constant 0 : i32
      %dma_start3A_659 = tpu.memref_slice %arg6[%dma_start3A_655, %dma_start3A_656, %dma_start3A_657, %dma_start3A_658] : memref<2x16x16x128xf32, #tpu.memory_space<vmem>> -> memref<1x1x16x128xf32, #tpu.memory_space<vmem>>
      %dma_start3A_660 = tpu.memref_squeeze %dma_start3A_659 : memref<1x1x16x128xf32, #tpu.memory_space<vmem>> -> memref<16x128xf32, #tpu.memory_space<vmem>>
      %dma_start3A_661 = arith.constant 0 : i32
      %dma_start3A_662 = tpu.memref_slice %arg3[%dma_start3A_661, %multiple_of3A_654] : memref<16x1000000xf32, #tpu.memory_space<hbm>> -> memref<16x128xf32, #tpu.memory_space<hbm>>
      %dma_start3A_663 = arith.constant 0 : i32
      %dma_start3A_664 = arith.constant 0 : i32
      %dma_start3A_665 = tpu.memref_slice %arg6[%dma_start3A_655, %dma_start3A_656, %dma_start3A_663, %dma_start3A_664] : memref<2x16x16x128xf32, #tpu.memory_space<vmem>> -> memref<1x1x16x128xf32, #tpu.memory_space<vmem>>
      %dma_start3A_666 = tpu.memref_squeeze %dma_start3A_665 : memref<1x1x16x128xf32, #tpu.memory_space<vmem>> -> memref<16x128xf32, #tpu.memory_space<vmem>>
      %dma_start3A_667 = arith.constant 0 : i32
      %dma_start3A_668 = tpu.memref_slice %arg3[%dma_start3A_667, %multiple_of3A_654] : memref<16x1000000xf32, #tpu.memory_space<hbm>> -> memref<16x128xf32, #tpu.memory_space<hbm>>
      tpu.enqueue_dma source(%dma_start3A_668 : memref<16x128xf32, #tpu.memory_space<hbm>>) target(%dma_start3A_666 : memref<16x128xf32, #tpu.memory_space<vmem>>) target_semaphore(%arg9 : memref<!tpu.dma_semaphore, #tpu.memory_space<semaphore_mem>>)
      %slice3A_669 = vector.extract_strided_slice %get3A_353 {offsets = [15], sizes = [1], strides = [1]} : vector<16xi32> to vector<1xi32>
      %squeeze3A_670 = vector.extract %slice3A_669[0] : i32 from vector<1xi32>
      %shift_right_arithmetic3A_671 = arith.constant 7 : i32
      %shift_right_arithmetic3A_672 = arith.shrsi %squeeze3A_670, %shift_right_arithmetic3A_671 : i32
      %shift_left3A_673 = arith.constant 7 : i32
      %shift_left3A_674 = arith.shli %shift_right_arithmetic3A_672, %shift_left3A_673 : i32
      %multiple_of3A_675 = tpu.assume_multiple %shift_left3A_674, 128 : i32
      %dma_start3A_676 = arith.constant 1 : i32
      %dma_start3A_677 = arith.constant 15 : i32
      %dma_start3A_678 = arith.constant 0 : i32
      %dma_start3A_679 = arith.constant 0 : i32
      %dma_start3A_680 = tpu.memref_slice %arg6[%dma_start3A_676, %dma_start3A_677, %dma_start3A_678, %dma_start3A_679] : memref<2x16x16x128xf32, #tpu.memory_space<vmem>> -> memref<1x1x16x128xf32, #tpu.memory_space<vmem>>
      %dma_start3A_681 = tpu.memref_squeeze %dma_start3A_680 : memref<1x1x16x128xf32, #tpu.memory_space<vmem>> -> memref<16x128xf32, #tpu.memory_space<vmem>>
      %dma_start3A_682 = arith.constant 0 : i32
      %dma_start3A_683 = tpu.memref_slice %arg3[%dma_start3A_682, %multiple_of3A_675] : memref<16x1000000xf32, #tpu.memory_space<hbm>> -> memref<16x128xf32, #tpu.memory_space<hbm>>
      %dma_start3A_684 = arith.constant 0 : i32
      %dma_start3A_685 = arith.constant 0 : i32
      %dma_start3A_686 = tpu.memref_slice %arg6[%dma_start3A_676, %dma_start3A_677, %dma_start3A_684, %dma_start3A_685] : memref<2x16x16x128xf32, #tpu.memory_space<vmem>> -> memref<1x1x16x128xf32, #tpu.memory_space<vmem>>
      %dma_start3A_687 = tpu.memref_squeeze %dma_start3A_686 : memref<1x1x16x128xf32, #tpu.memory_space<vmem>> -> memref<16x128xf32, #tpu.memory_space<vmem>>
      %dma_start3A_688 = arith.constant 0 : i32
      %dma_start3A_689 = tpu.memref_slice %arg3[%dma_start3A_688, %multiple_of3A_675] : memref<16x1000000xf32, #tpu.memory_space<hbm>> -> memref<16x128xf32, #tpu.memory_space<hbm>>
      tpu.enqueue_dma source(%dma_start3A_689 : memref<16x128xf32, #tpu.memory_space<hbm>>) target(%dma_start3A_687 : memref<16x128xf32, #tpu.memory_space<vmem>>) target_semaphore(%arg9 : memref<!tpu.dma_semaphore, #tpu.memory_space<semaphore_mem>>)
      %add3A_690 = arith.constant 0 : i32
      %add3A_691 = arith.addi %mul3A_10, %add3A_690 : i32
      %dma_wait3A = arith.constant 0 : i32
      %dma_wait3A_692 = arith.constant 0 : i32
      %dma_wait3A_693 = arith.constant 0 : i32
      %dma_wait3A_694 = arith.constant 0 : i32
      %dma_wait3A_695 = tpu.memref_slice %arg6[%dma_wait3A, %dma_wait3A_692, %dma_wait3A_693, %dma_wait3A_694] : memref<2x16x16x128xf32, #tpu.memory_space<vmem>> -> memref<1x1x16x128xf32, #tpu.memory_space<vmem>>
      %dma_wait3A_696 = tpu.memref_squeeze %dma_wait3A_695 : memref<1x1x16x128xf32, #tpu.memory_space<vmem>> -> memref<16x128xf32, #tpu.memory_space<vmem>>
      %dma_wait3A_697 = arith.constant 0 : i32
      %dma_wait3A_698 = tpu.memref_slice %arg3[%dma_wait3A_697, %multiple_of3A_16] : memref<16x1000000xf32, #tpu.memory_space<hbm>> -> memref<16x128xf32, #tpu.memory_space<hbm>>
      %dma_wait3A_699 = arith.constant 0 : i32
      %dma_wait3A_700 = arith.constant 0 : i32
      %dma_wait3A_701 = tpu.memref_slice %arg6[%dma_wait3A, %dma_wait3A_692, %dma_wait3A_699, %dma_wait3A_700] : memref<2x16x16x128xf32, #tpu.memory_space<vmem>> -> memref<1x1x16x128xf32, #tpu.memory_space<vmem>>
      %dma_wait3A_702 = tpu.memref_squeeze %dma_wait3A_701 : memref<1x1x16x128xf32, #tpu.memory_space<vmem>> -> memref<16x128xf32, #tpu.memory_space<vmem>>
      %dma_wait3A_703 = arith.constant 0 : i32
      %dma_wait3A_704 = tpu.memref_slice %arg3[%dma_wait3A_703, %multiple_of3A_16] : memref<16x1000000xf32, #tpu.memory_space<hbm>> -> memref<16x128xf32, #tpu.memory_space<hbm>>
      tpu.wait_dma2 semaphore(%arg8 : memref<!tpu.dma_semaphore, #tpu.memory_space<semaphore_mem>>) src(%dma_wait3A_704 : memref<16x128xf32, #tpu.memory_space<hbm>>) dst(%dma_wait3A_702 : memref<16x128xf32, #tpu.memory_space<vmem>>)
      %dma_wait3A_705 = arith.constant 0 : i32
      %dma_wait3A_706 = arith.constant 1 : i32
      %dma_wait3A_707 = arith.constant 0 : i32
      %dma_wait3A_708 = arith.constant 0 : i32
      %dma_wait3A_709 = tpu.memref_slice %arg6[%dma_wait3A_705, %dma_wait3A_706, %dma_wait3A_707, %dma_wait3A_708] : memref<2x16x16x128xf32, #tpu.memory_space<vmem>> -> memref<1x1x16x128xf32, #tpu.memory_space<vmem>>
      %dma_wait3A_710 = tpu.memref_squeeze %dma_wait3A_709 : memref<1x1x16x128xf32, #tpu.memory_space<vmem>> -> memref<16x128xf32, #tpu.memory_space<vmem>>
      %dma_wait3A_711 = arith.constant 0 : i32
      %dma_wait3A_712 = tpu.memref_slice %arg3[%dma_wait3A_711, %multiple_of3A_36] : memref<16x1000000xf32, #tpu.memory_space<hbm>> -> memref<16x128xf32, #tpu.memory_space<hbm>>
      %dma_wait3A_713 = arith.constant 0 : i32
      %dma_wait3A_714 = arith.constant 0 : i32
      %dma_wait3A_715 = tpu.memref_slice %arg6[%dma_wait3A_705, %dma_wait3A_706, %dma_wait3A_713, %dma_wait3A_714] : memref<2x16x16x128xf32, #tpu.memory_space<vmem>> -> memref<1x1x16x128xf32, #tpu.memory_space<vmem>>
      %dma_wait3A_716 = tpu.memref_squeeze %dma_wait3A_715 : memref<1x1x16x128xf32, #tpu.memory_space<vmem>> -> memref<16x128xf32, #tpu.memory_space<vmem>>
      %dma_wait3A_717 = arith.constant 0 : i32
      %dma_wait3A_718 = tpu.memref_slice %arg3[%dma_wait3A_717, %multiple_of3A_36] : memref<16x1000000xf32, #tpu.memory_space<hbm>> -> memref<16x128xf32, #tpu.memory_space<hbm>>
      tpu.wait_dma2 semaphore(%arg8 : memref<!tpu.dma_semaphore, #tpu.memory_space<semaphore_mem>>) src(%dma_wait3A_718 : memref<16x128xf32, #tpu.memory_space<hbm>>) dst(%dma_wait3A_716 : memref<16x128xf32, #tpu.memory_space<vmem>>)
      %dma_wait3A_719 = arith.constant 0 : i32
      %dma_wait3A_720 = arith.constant 2 : i32
      %dma_wait3A_721 = arith.constant 0 : i32
      %dma_wait3A_722 = arith.constant 0 : i32
      %dma_wait3A_723 = tpu.memref_slice %arg6[%dma_wait3A_719, %dma_wait3A_720, %dma_wait3A_721, %dma_wait3A_722] : memref<2x16x16x128xf32, #tpu.memory_space<vmem>> -> memref<1x1x16x128xf32, #tpu.memory_space<vmem>>
      %dma_wait3A_724 = tpu.memref_squeeze %dma_wait3A_723 : memref<1x1x16x128xf32, #tpu.memory_space<vmem>> -> memref<16x128xf32, #tpu.memory_space<vmem>>
      %dma_wait3A_725 = arith.constant 0 : i32
      %dma_wait3A_726 = tpu.memref_slice %arg3[%dma_wait3A_725, %multiple_of3A_57] : memref<16x1000000xf32, #tpu.memory_space<hbm>> -> memref<16x128xf32, #tpu.memory_space<hbm>>
      %dma_wait3A_727 = arith.constant 0 : i32
      %dma_wait3A_728 = arith.constant 0 : i32
      %dma_wait3A_729 = tpu.memref_slice %arg6[%dma_wait3A_719, %dma_wait3A_720, %dma_wait3A_727, %dma_wait3A_728] : memref<2x16x16x128xf32, #tpu.memory_space<vmem>> -> memref<1x1x16x128xf32, #tpu.memory_space<vmem>>
      %dma_wait3A_730 = tpu.memref_squeeze %dma_wait3A_729 : memref<1x1x16x128xf32, #tpu.memory_space<vmem>> -> memref<16x128xf32, #tpu.memory_space<vmem>>
      %dma_wait3A_731 = arith.constant 0 : i32
      %dma_wait3A_732 = tpu.memref_slice %arg3[%dma_wait3A_731, %multiple_of3A_57] : memref<16x1000000xf32, #tpu.memory_space<hbm>> -> memref<16x128xf32, #tpu.memory_space<hbm>>
      tpu.wait_dma2 semaphore(%arg8 : memref<!tpu.dma_semaphore, #tpu.memory_space<semaphore_mem>>) src(%dma_wait3A_732 : memref<16x128xf32, #tpu.memory_space<hbm>>) dst(%dma_wait3A_730 : memref<16x128xf32, #tpu.memory_space<vmem>>)
      %dma_wait3A_733 = arith.constant 0 : i32
      %dma_wait3A_734 = arith.constant 3 : i32
      %dma_wait3A_735 = arith.constant 0 : i32
      %dma_wait3A_736 = arith.constant 0 : i32
      %dma_wait3A_737 = tpu.memref_slice %arg6[%dma_wait3A_733, %dma_wait3A_734, %dma_wait3A_735, %dma_wait3A_736] : memref<2x16x16x128xf32, #tpu.memory_space<vmem>> -> memref<1x1x16x128xf32, #tpu.memory_space<vmem>>
      %dma_wait3A_738 = tpu.memref_squeeze %dma_wait3A_737 : memref<1x1x16x128xf32, #tpu.memory_space<vmem>> -> memref<16x128xf32, #tpu.memory_space<vmem>>
      %dma_wait3A_739 = arith.constant 0 : i32
      %dma_wait3A_740 = tpu.memref_slice %arg3[%dma_wait3A_739, %multiple_of3A_78] : memref<16x1000000xf32, #tpu.memory_space<hbm>> -> memref<16x128xf32, #tpu.memory_space<hbm>>
      %dma_wait3A_741 = arith.constant 0 : i32
      %dma_wait3A_742 = arith.constant 0 : i32
      %dma_wait3A_743 = tpu.memref_slice %arg6[%dma_wait3A_733, %dma_wait3A_734, %dma_wait3A_741, %dma_wait3A_742] : memref<2x16x16x128xf32, #tpu.memory_space<vmem>> -> memref<1x1x16x128xf32, #tpu.memory_space<vmem>>
      %dma_wait3A_744 = tpu.memref_squeeze %dma_wait3A_743 : memref<1x1x16x128xf32, #tpu.memory_space<vmem>> -> memref<16x128xf32, #tpu.memory_space<vmem>>
      %dma_wait3A_745 = arith.constant 0 : i32
      %dma_wait3A_746 = tpu.memref_slice %arg3[%dma_wait3A_745, %multiple_of3A_78] : memref<16x1000000xf32, #tpu.memory_space<hbm>> -> memref<16x128xf32, #tpu.memory_space<hbm>>
      tpu.wait_dma2 semaphore(%arg8 : memref<!tpu.dma_semaphore, #tpu.memory_space<semaphore_mem>>) src(%dma_wait3A_746 : memref<16x128xf32, #tpu.memory_space<hbm>>) dst(%dma_wait3A_744 : memref<16x128xf32, #tpu.memory_space<vmem>>)
      %dma_wait3A_747 = arith.constant 0 : i32
      %dma_wait3A_748 = arith.constant 4 : i32
      %dma_wait3A_749 = arith.constant 0 : i32
      %dma_wait3A_750 = arith.constant 0 : i32
      %dma_wait3A_751 = tpu.memref_slice %arg6[%dma_wait3A_747, %dma_wait3A_748, %dma_wait3A_749, %dma_wait3A_750] : memref<2x16x16x128xf32, #tpu.memory_space<vmem>> -> memref<1x1x16x128xf32, #tpu.memory_space<vmem>>
      %dma_wait3A_752 = tpu.memref_squeeze %dma_wait3A_751 : memref<1x1x16x128xf32, #tpu.memory_space<vmem>> -> memref<16x128xf32, #tpu.memory_space<vmem>>
      %dma_wait3A_753 = arith.constant 0 : i32
      %dma_wait3A_754 = tpu.memref_slice %arg3[%dma_wait3A_753, %multiple_of3A_99] : memref<16x1000000xf32, #tpu.memory_space<hbm>> -> memref<16x128xf32, #tpu.memory_space<hbm>>
      %dma_wait3A_755 = arith.constant 0 : i32
      %dma_wait3A_756 = arith.constant 0 : i32
      %dma_wait3A_757 = tpu.memref_slice %arg6[%dma_wait3A_747, %dma_wait3A_748, %dma_wait3A_755, %dma_wait3A_756] : memref<2x16x16x128xf32, #tpu.memory_space<vmem>> -> memref<1x1x16x128xf32, #tpu.memory_space<vmem>>
      %dma_wait3A_758 = tpu.memref_squeeze %dma_wait3A_757 : memref<1x1x16x128xf32, #tpu.memory_space<vmem>> -> memref<16x128xf32, #tpu.memory_space<vmem>>
      %dma_wait3A_759 = arith.constant 0 : i32
      %dma_wait3A_760 = tpu.memref_slice %arg3[%dma_wait3A_759, %multiple_of3A_99] : memref<16x1000000xf32, #tpu.memory_space<hbm>> -> memref<16x128xf32, #tpu.memory_space<hbm>>
      tpu.wait_dma2 semaphore(%arg8 : memref<!tpu.dma_semaphore, #tpu.memory_space<semaphore_mem>>) src(%dma_wait3A_760 : memref<16x128xf32, #tpu.memory_space<hbm>>) dst(%dma_wait3A_758 : memref<16x128xf32, #tpu.memory_space<vmem>>)
      %dma_wait3A_761 = arith.constant 0 : i32
      %dma_wait3A_762 = arith.constant 5 : i32
      %dma_wait3A_763 = arith.constant 0 : i32
      %dma_wait3A_764 = arith.constant 0 : i32
      %dma_wait3A_765 = tpu.memref_slice %arg6[%dma_wait3A_761, %dma_wait3A_762, %dma_wait3A_763, %dma_wait3A_764] : memref<2x16x16x128xf32, #tpu.memory_space<vmem>> -> memref<1x1x16x128xf32, #tpu.memory_space<vmem>>
      %dma_wait3A_766 = tpu.memref_squeeze %dma_wait3A_765 : memref<1x1x16x128xf32, #tpu.memory_space<vmem>> -> memref<16x128xf32, #tpu.memory_space<vmem>>
      %dma_wait3A_767 = arith.constant 0 : i32
      %dma_wait3A_768 = tpu.memref_slice %arg3[%dma_wait3A_767, %multiple_of3A_120] : memref<16x1000000xf32, #tpu.memory_space<hbm>> -> memref<16x128xf32, #tpu.memory_space<hbm>>
      %dma_wait3A_769 = arith.constant 0 : i32
      %dma_wait3A_770 = arith.constant 0 : i32
      %dma_wait3A_771 = tpu.memref_slice %arg6[%dma_wait3A_761, %dma_wait3A_762, %dma_wait3A_769, %dma_wait3A_770] : memref<2x16x16x128xf32, #tpu.memory_space<vmem>> -> memref<1x1x16x128xf32, #tpu.memory_space<vmem>>
      %dma_wait3A_772 = tpu.memref_squeeze %dma_wait3A_771 : memref<1x1x16x128xf32, #tpu.memory_space<vmem>> -> memref<16x128xf32, #tpu.memory_space<vmem>>
      %dma_wait3A_773 = arith.constant 0 : i32
      %dma_wait3A_774 = tpu.memref_slice %arg3[%dma_wait3A_773, %multiple_of3A_120] : memref<16x1000000xf32, #tpu.memory_space<hbm>> -> memref<16x128xf32, #tpu.memory_space<hbm>>
      tpu.wait_dma2 semaphore(%arg8 : memref<!tpu.dma_semaphore, #tpu.memory_space<semaphore_mem>>) src(%dma_wait3A_774 : memref<16x128xf32, #tpu.memory_space<hbm>>) dst(%dma_wait3A_772 : memref<16x128xf32, #tpu.memory_space<vmem>>)
      %dma_wait3A_775 = arith.constant 0 : i32
      %dma_wait3A_776 = arith.constant 6 : i32
      %dma_wait3A_777 = arith.constant 0 : i32
      %dma_wait3A_778 = arith.constant 0 : i32
      %dma_wait3A_779 = tpu.memref_slice %arg6[%dma_wait3A_775, %dma_wait3A_776, %dma_wait3A_777, %dma_wait3A_778] : memref<2x16x16x128xf32, #tpu.memory_space<vmem>> -> memref<1x1x16x128xf32, #tpu.memory_space<vmem>>
      %dma_wait3A_780 = tpu.memref_squeeze %dma_wait3A_779 : memref<1x1x16x128xf32, #tpu.memory_space<vmem>> -> memref<16x128xf32, #tpu.memory_space<vmem>>
      %dma_wait3A_781 = arith.constant 0 : i32
      %dma_wait3A_782 = tpu.memref_slice %arg3[%dma_wait3A_781, %multiple_of3A_141] : memref<16x1000000xf32, #tpu.memory_space<hbm>> -> memref<16x128xf32, #tpu.memory_space<hbm>>
      %dma_wait3A_783 = arith.constant 0 : i32
      %dma_wait3A_784 = arith.constant 0 : i32
      %dma_wait3A_785 = tpu.memref_slice %arg6[%dma_wait3A_775, %dma_wait3A_776, %dma_wait3A_783, %dma_wait3A_784] : memref<2x16x16x128xf32, #tpu.memory_space<vmem>> -> memref<1x1x16x128xf32, #tpu.memory_space<vmem>>
      %dma_wait3A_786 = tpu.memref_squeeze %dma_wait3A_785 : memref<1x1x16x128xf32, #tpu.memory_space<vmem>> -> memref<16x128xf32, #tpu.memory_space<vmem>>
      %dma_wait3A_787 = arith.constant 0 : i32
      %dma_wait3A_788 = tpu.memref_slice %arg3[%dma_wait3A_787, %multiple_of3A_141] : memref<16x1000000xf32, #tpu.memory_space<hbm>> -> memref<16x128xf32, #tpu.memory_space<hbm>>
      tpu.wait_dma2 semaphore(%arg8 : memref<!tpu.dma_semaphore, #tpu.memory_space<semaphore_mem>>) src(%dma_wait3A_788 : memref<16x128xf32, #tpu.memory_space<hbm>>) dst(%dma_wait3A_786 : memref<16x128xf32, #tpu.memory_space<vmem>>)
      %dma_wait3A_789 = arith.constant 0 : i32
      %dma_wait3A_790 = arith.constant 7 : i32
      %dma_wait3A_791 = arith.constant 0 : i32
      %dma_wait3A_792 = arith.constant 0 : i32
      %dma_wait3A_793 = tpu.memref_slice %arg6[%dma_wait3A_789, %dma_wait3A_790, %dma_wait3A_791, %dma_wait3A_792] : memref<2x16x16x128xf32, #tpu.memory_space<vmem>> -> memref<1x1x16x128xf32, #tpu.memory_space<vmem>>
      %dma_wait3A_794 = tpu.memref_squeeze %dma_wait3A_793 : memref<1x1x16x128xf32, #tpu.memory_space<vmem>> -> memref<16x128xf32, #tpu.memory_space<vmem>>
      %dma_wait3A_795 = arith.constant 0 : i32
      %dma_wait3A_796 = tpu.memref_slice %arg3[%dma_wait3A_795, %multiple_of3A_162] : memref<16x1000000xf32, #tpu.memory_space<hbm>> -> memref<16x128xf32, #tpu.memory_space<hbm>>
      %dma_wait3A_797 = arith.constant 0 : i32
      %dma_wait3A_798 = arith.constant 0 : i32
      %dma_wait3A_799 = tpu.memref_slice %arg6[%dma_wait3A_789, %dma_wait3A_790, %dma_wait3A_797, %dma_wait3A_798] : memref<2x16x16x128xf32, #tpu.memory_space<vmem>> -> memref<1x1x16x128xf32, #tpu.memory_space<vmem>>
      %dma_wait3A_800 = tpu.memref_squeeze %dma_wait3A_799 : memref<1x1x16x128xf32, #tpu.memory_space<vmem>> -> memref<16x128xf32, #tpu.memory_space<vmem>>
      %dma_wait3A_801 = arith.constant 0 : i32
      %dma_wait3A_802 = tpu.memref_slice %arg3[%dma_wait3A_801, %multiple_of3A_162] : memref<16x1000000xf32, #tpu.memory_space<hbm>> -> memref<16x128xf32, #tpu.memory_space<hbm>>
      tpu.wait_dma2 semaphore(%arg8 : memref<!tpu.dma_semaphore, #tpu.memory_space<semaphore_mem>>) src(%dma_wait3A_802 : memref<16x128xf32, #tpu.memory_space<hbm>>) dst(%dma_wait3A_800 : memref<16x128xf32, #tpu.memory_space<vmem>>)
      %dma_wait3A_803 = arith.constant 0 : i32
      %dma_wait3A_804 = arith.constant 8 : i32
      %dma_wait3A_805 = arith.constant 0 : i32
      %dma_wait3A_806 = arith.constant 0 : i32
      %dma_wait3A_807 = tpu.memref_slice %arg6[%dma_wait3A_803, %dma_wait3A_804, %dma_wait3A_805, %dma_wait3A_806] : memref<2x16x16x128xf32, #tpu.memory_space<vmem>> -> memref<1x1x16x128xf32, #tpu.memory_space<vmem>>
      %dma_wait3A_808 = tpu.memref_squeeze %dma_wait3A_807 : memref<1x1x16x128xf32, #tpu.memory_space<vmem>> -> memref<16x128xf32, #tpu.memory_space<vmem>>
      %dma_wait3A_809 = arith.constant 0 : i32
      %dma_wait3A_810 = tpu.memref_slice %arg3[%dma_wait3A_809, %multiple_of3A_183] : memref<16x1000000xf32, #tpu.memory_space<hbm>> -> memref<16x128xf32, #tpu.memory_space<hbm>>
      %dma_wait3A_811 = arith.constant 0 : i32
      %dma_wait3A_812 = arith.constant 0 : i32
      %dma_wait3A_813 = tpu.memref_slice %arg6[%dma_wait3A_803, %dma_wait3A_804, %dma_wait3A_811, %dma_wait3A_812] : memref<2x16x16x128xf32, #tpu.memory_space<vmem>> -> memref<1x1x16x128xf32, #tpu.memory_space<vmem>>
      %dma_wait3A_814 = tpu.memref_squeeze %dma_wait3A_813 : memref<1x1x16x128xf32, #tpu.memory_space<vmem>> -> memref<16x128xf32, #tpu.memory_space<vmem>>
      %dma_wait3A_815 = arith.constant 0 : i32
      %dma_wait3A_816 = tpu.memref_slice %arg3[%dma_wait3A_815, %multiple_of3A_183] : memref<16x1000000xf32, #tpu.memory_space<hbm>> -> memref<16x128xf32, #tpu.memory_space<hbm>>
      tpu.wait_dma2 semaphore(%arg8 : memref<!tpu.dma_semaphore, #tpu.memory_space<semaphore_mem>>) src(%dma_wait3A_816 : memref<16x128xf32, #tpu.memory_space<hbm>>) dst(%dma_wait3A_814 : memref<16x128xf32, #tpu.memory_space<vmem>>)
      %dma_wait3A_817 = arith.constant 0 : i32
      %dma_wait3A_818 = arith.constant 9 : i32
      %dma_wait3A_819 = arith.constant 0 : i32
      %dma_wait3A_820 = arith.constant 0 : i32
      %dma_wait3A_821 = tpu.memref_slice %arg6[%dma_wait3A_817, %dma_wait3A_818, %dma_wait3A_819, %dma_wait3A_820] : memref<2x16x16x128xf32, #tpu.memory_space<vmem>> -> memref<1x1x16x128xf32, #tpu.memory_space<vmem>>
      %dma_wait3A_822 = tpu.memref_squeeze %dma_wait3A_821 : memref<1x1x16x128xf32, #tpu.memory_space<vmem>> -> memref<16x128xf32, #tpu.memory_space<vmem>>
      %dma_wait3A_823 = arith.constant 0 : i32
      %dma_wait3A_824 = tpu.memref_slice %arg3[%dma_wait3A_823, %multiple_of3A_204] : memref<16x1000000xf32, #tpu.memory_space<hbm>> -> memref<16x128xf32, #tpu.memory_space<hbm>>
      %dma_wait3A_825 = arith.constant 0 : i32
      %dma_wait3A_826 = arith.constant 0 : i32
      %dma_wait3A_827 = tpu.memref_slice %arg6[%dma_wait3A_817, %dma_wait3A_818, %dma_wait3A_825, %dma_wait3A_826] : memref<2x16x16x128xf32, #tpu.memory_space<vmem>> -> memref<1x1x16x128xf32, #tpu.memory_space<vmem>>
      %dma_wait3A_828 = tpu.memref_squeeze %dma_wait3A_827 : memref<1x1x16x128xf32, #tpu.memory_space<vmem>> -> memref<16x128xf32, #tpu.memory_space<vmem>>
      %dma_wait3A_829 = arith.constant 0 : i32
      %dma_wait3A_830 = tpu.memref_slice %arg3[%dma_wait3A_829, %multiple_of3A_204] : memref<16x1000000xf32, #tpu.memory_space<hbm>> -> memref<16x128xf32, #tpu.memory_space<hbm>>
      tpu.wait_dma2 semaphore(%arg8 : memref<!tpu.dma_semaphore, #tpu.memory_space<semaphore_mem>>) src(%dma_wait3A_830 : memref<16x128xf32, #tpu.memory_space<hbm>>) dst(%dma_wait3A_828 : memref<16x128xf32, #tpu.memory_space<vmem>>)
      %dma_wait3A_831 = arith.constant 0 : i32
      %dma_wait3A_832 = arith.constant 10 : i32
      %dma_wait3A_833 = arith.constant 0 : i32
      %dma_wait3A_834 = arith.constant 0 : i32
      %dma_wait3A_835 = tpu.memref_slice %arg6[%dma_wait3A_831, %dma_wait3A_832, %dma_wait3A_833, %dma_wait3A_834] : memref<2x16x16x128xf32, #tpu.memory_space<vmem>> -> memref<1x1x16x128xf32, #tpu.memory_space<vmem>>
      %dma_wait3A_836 = tpu.memref_squeeze %dma_wait3A_835 : memref<1x1x16x128xf32, #tpu.memory_space<vmem>> -> memref<16x128xf32, #tpu.memory_space<vmem>>
      %dma_wait3A_837 = arith.constant 0 : i32
      %dma_wait3A_838 = tpu.memref_slice %arg3[%dma_wait3A_837, %multiple_of3A_225] : memref<16x1000000xf32, #tpu.memory_space<hbm>> -> memref<16x128xf32, #tpu.memory_space<hbm>>
      %dma_wait3A_839 = arith.constant 0 : i32
      %dma_wait3A_840 = arith.constant 0 : i32
      %dma_wait3A_841 = tpu.memref_slice %arg6[%dma_wait3A_831, %dma_wait3A_832, %dma_wait3A_839, %dma_wait3A_840] : memref<2x16x16x128xf32, #tpu.memory_space<vmem>> -> memref<1x1x16x128xf32, #tpu.memory_space<vmem>>
      %dma_wait3A_842 = tpu.memref_squeeze %dma_wait3A_841 : memref<1x1x16x128xf32, #tpu.memory_space<vmem>> -> memref<16x128xf32, #tpu.memory_space<vmem>>
      %dma_wait3A_843 = arith.constant 0 : i32
      %dma_wait3A_844 = tpu.memref_slice %arg3[%dma_wait3A_843, %multiple_of3A_225] : memref<16x1000000xf32, #tpu.memory_space<hbm>> -> memref<16x128xf32, #tpu.memory_space<hbm>>
      tpu.wait_dma2 semaphore(%arg8 : memref<!tpu.dma_semaphore, #tpu.memory_space<semaphore_mem>>) src(%dma_wait3A_844 : memref<16x128xf32, #tpu.memory_space<hbm>>) dst(%dma_wait3A_842 : memref<16x128xf32, #tpu.memory_space<vmem>>)
      %dma_wait3A_845 = arith.constant 0 : i32
      %dma_wait3A_846 = arith.constant 11 : i32
      %dma_wait3A_847 = arith.constant 0 : i32
      %dma_wait3A_848 = arith.constant 0 : i32
      %dma_wait3A_849 = tpu.memref_slice %arg6[%dma_wait3A_845, %dma_wait3A_846, %dma_wait3A_847, %dma_wait3A_848] : memref<2x16x16x128xf32, #tpu.memory_space<vmem>> -> memref<1x1x16x128xf32, #tpu.memory_space<vmem>>
      %dma_wait3A_850 = tpu.memref_squeeze %dma_wait3A_849 : memref<1x1x16x128xf32, #tpu.memory_space<vmem>> -> memref<16x128xf32, #tpu.memory_space<vmem>>
      %dma_wait3A_851 = arith.constant 0 : i32
      %dma_wait3A_852 = tpu.memref_slice %arg3[%dma_wait3A_851, %multiple_of3A_246] : memref<16x1000000xf32, #tpu.memory_space<hbm>> -> memref<16x128xf32, #tpu.memory_space<hbm>>
      %dma_wait3A_853 = arith.constant 0 : i32
      %dma_wait3A_854 = arith.constant 0 : i32
      %dma_wait3A_855 = tpu.memref_slice %arg6[%dma_wait3A_845, %dma_wait3A_846, %dma_wait3A_853, %dma_wait3A_854] : memref<2x16x16x128xf32, #tpu.memory_space<vmem>> -> memref<1x1x16x128xf32, #tpu.memory_space<vmem>>
      %dma_wait3A_856 = tpu.memref_squeeze %dma_wait3A_855 : memref<1x1x16x128xf32, #tpu.memory_space<vmem>> -> memref<16x128xf32, #tpu.memory_space<vmem>>
      %dma_wait3A_857 = arith.constant 0 : i32
      %dma_wait3A_858 = tpu.memref_slice %arg3[%dma_wait3A_857, %multiple_of3A_246] : memref<16x1000000xf32, #tpu.memory_space<hbm>> -> memref<16x128xf32, #tpu.memory_space<hbm>>
      tpu.wait_dma2 semaphore(%arg8 : memref<!tpu.dma_semaphore, #tpu.memory_space<semaphore_mem>>) src(%dma_wait3A_858 : memref<16x128xf32, #tpu.memory_space<hbm>>) dst(%dma_wait3A_856 : memref<16x128xf32, #tpu.memory_space<vmem>>)
      %dma_wait3A_859 = arith.constant 0 : i32
      %dma_wait3A_860 = arith.constant 12 : i32
      %dma_wait3A_861 = arith.constant 0 : i32
      %dma_wait3A_862 = arith.constant 0 : i32
      %dma_wait3A_863 = tpu.memref_slice %arg6[%dma_wait3A_859, %dma_wait3A_860, %dma_wait3A_861, %dma_wait3A_862] : memref<2x16x16x128xf32, #tpu.memory_space<vmem>> -> memref<1x1x16x128xf32, #tpu.memory_space<vmem>>
      %dma_wait3A_864 = tpu.memref_squeeze %dma_wait3A_863 : memref<1x1x16x128xf32, #tpu.memory_space<vmem>> -> memref<16x128xf32, #tpu.memory_space<vmem>>
      %dma_wait3A_865 = arith.constant 0 : i32
      %dma_wait3A_866 = tpu.memref_slice %arg3[%dma_wait3A_865, %multiple_of3A_267] : memref<16x1000000xf32, #tpu.memory_space<hbm>> -> memref<16x128xf32, #tpu.memory_space<hbm>>
      %dma_wait3A_867 = arith.constant 0 : i32
      %dma_wait3A_868 = arith.constant 0 : i32
      %dma_wait3A_869 = tpu.memref_slice %arg6[%dma_wait3A_859, %dma_wait3A_860, %dma_wait3A_867, %dma_wait3A_868] : memref<2x16x16x128xf32, #tpu.memory_space<vmem>> -> memref<1x1x16x128xf32, #tpu.memory_space<vmem>>
      %dma_wait3A_870 = tpu.memref_squeeze %dma_wait3A_869 : memref<1x1x16x128xf32, #tpu.memory_space<vmem>> -> memref<16x128xf32, #tpu.memory_space<vmem>>
      %dma_wait3A_871 = arith.constant 0 : i32
      %dma_wait3A_872 = tpu.memref_slice %arg3[%dma_wait3A_871, %multiple_of3A_267] : memref<16x1000000xf32, #tpu.memory_space<hbm>> -> memref<16x128xf32, #tpu.memory_space<hbm>>
      tpu.wait_dma2 semaphore(%arg8 : memref<!tpu.dma_semaphore, #tpu.memory_space<semaphore_mem>>) src(%dma_wait3A_872 : memref<16x128xf32, #tpu.memory_space<hbm>>) dst(%dma_wait3A_870 : memref<16x128xf32, #tpu.memory_space<vmem>>)
      %dma_wait3A_873 = arith.constant 0 : i32
      %dma_wait3A_874 = arith.constant 13 : i32
      %dma_wait3A_875 = arith.constant 0 : i32
      %dma_wait3A_876 = arith.constant 0 : i32
      %dma_wait3A_877 = tpu.memref_slice %arg6[%dma_wait3A_873, %dma_wait3A_874, %dma_wait3A_875, %dma_wait3A_876] : memref<2x16x16x128xf32, #tpu.memory_space<vmem>> -> memref<1x1x16x128xf32, #tpu.memory_space<vmem>>
      %dma_wait3A_878 = tpu.memref_squeeze %dma_wait3A_877 : memref<1x1x16x128xf32, #tpu.memory_space<vmem>> -> memref<16x128xf32, #tpu.memory_space<vmem>>
      %dma_wait3A_879 = arith.constant 0 : i32
      %dma_wait3A_880 = tpu.memref_slice %arg3[%dma_wait3A_879, %multiple_of3A_288] : memref<16x1000000xf32, #tpu.memory_space<hbm>> -> memref<16x128xf32, #tpu.memory_space<hbm>>
      %dma_wait3A_881 = arith.constant 0 : i32
      %dma_wait3A_882 = arith.constant 0 : i32
      %dma_wait3A_883 = tpu.memref_slice %arg6[%dma_wait3A_873, %dma_wait3A_874, %dma_wait3A_881, %dma_wait3A_882] : memref<2x16x16x128xf32, #tpu.memory_space<vmem>> -> memref<1x1x16x128xf32, #tpu.memory_space<vmem>>
      %dma_wait3A_884 = tpu.memref_squeeze %dma_wait3A_883 : memref<1x1x16x128xf32, #tpu.memory_space<vmem>> -> memref<16x128xf32, #tpu.memory_space<vmem>>
      %dma_wait3A_885 = arith.constant 0 : i32
      %dma_wait3A_886 = tpu.memref_slice %arg3[%dma_wait3A_885, %multiple_of3A_288] : memref<16x1000000xf32, #tpu.memory_space<hbm>> -> memref<16x128xf32, #tpu.memory_space<hbm>>
      tpu.wait_dma2 semaphore(%arg8 : memref<!tpu.dma_semaphore, #tpu.memory_space<semaphore_mem>>) src(%dma_wait3A_886 : memref<16x128xf32, #tpu.memory_space<hbm>>) dst(%dma_wait3A_884 : memref<16x128xf32, #tpu.memory_space<vmem>>)
      %dma_wait3A_887 = arith.constant 0 : i32
      %dma_wait3A_888 = arith.constant 14 : i32
      %dma_wait3A_889 = arith.constant 0 : i32
      %dma_wait3A_890 = arith.constant 0 : i32
      %dma_wait3A_891 = tpu.memref_slice %arg6[%dma_wait3A_887, %dma_wait3A_888, %dma_wait3A_889, %dma_wait3A_890] : memref<2x16x16x128xf32, #tpu.memory_space<vmem>> -> memref<1x1x16x128xf32, #tpu.memory_space<vmem>>
      %dma_wait3A_892 = tpu.memref_squeeze %dma_wait3A_891 : memref<1x1x16x128xf32, #tpu.memory_space<vmem>> -> memref<16x128xf32, #tpu.memory_space<vmem>>
      %dma_wait3A_893 = arith.constant 0 : i32
      %dma_wait3A_894 = tpu.memref_slice %arg3[%dma_wait3A_893, %multiple_of3A_309] : memref<16x1000000xf32, #tpu.memory_space<hbm>> -> memref<16x128xf32, #tpu.memory_space<hbm>>
      %dma_wait3A_895 = arith.constant 0 : i32
      %dma_wait3A_896 = arith.constant 0 : i32
      %dma_wait3A_897 = tpu.memref_slice %arg6[%dma_wait3A_887, %dma_wait3A_888, %dma_wait3A_895, %dma_wait3A_896] : memref<2x16x16x128xf32, #tpu.memory_space<vmem>> -> memref<1x1x16x128xf32, #tpu.memory_space<vmem>>
      %dma_wait3A_898 = tpu.memref_squeeze %dma_wait3A_897 : memref<1x1x16x128xf32, #tpu.memory_space<vmem>> -> memref<16x128xf32, #tpu.memory_space<vmem>>
      %dma_wait3A_899 = arith.constant 0 : i32
      %dma_wait3A_900 = tpu.memref_slice %arg3[%dma_wait3A_899, %multiple_of3A_309] : memref<16x1000000xf32, #tpu.memory_space<hbm>> -> memref<16x128xf32, #tpu.memory_space<hbm>>
      tpu.wait_dma2 semaphore(%arg8 : memref<!tpu.dma_semaphore, #tpu.memory_space<semaphore_mem>>) src(%dma_wait3A_900 : memref<16x128xf32, #tpu.memory_space<hbm>>) dst(%dma_wait3A_898 : memref<16x128xf32, #tpu.memory_space<vmem>>)
      %dma_wait3A_901 = arith.constant 0 : i32
      %dma_wait3A_902 = arith.constant 15 : i32
      %dma_wait3A_903 = arith.constant 0 : i32
      %dma_wait3A_904 = arith.constant 0 : i32
      %dma_wait3A_905 = tpu.memref_slice %arg6[%dma_wait3A_901, %dma_wait3A_902, %dma_wait3A_903, %dma_wait3A_904] : memref<2x16x16x128xf32, #tpu.memory_space<vmem>> -> memref<1x1x16x128xf32, #tpu.memory_space<vmem>>
      %dma_wait3A_906 = tpu.memref_squeeze %dma_wait3A_905 : memref<1x1x16x128xf32, #tpu.memory_space<vmem>> -> memref<16x128xf32, #tpu.memory_space<vmem>>
      %dma_wait3A_907 = arith.constant 0 : i32
      %dma_wait3A_908 = tpu.memref_slice %arg3[%dma_wait3A_907, %multiple_of3A_330] : memref<16x1000000xf32, #tpu.memory_space<hbm>> -> memref<16x128xf32, #tpu.memory_space<hbm>>
      %dma_wait3A_909 = arith.constant 0 : i32
      %dma_wait3A_910 = arith.constant 0 : i32
      %dma_wait3A_911 = tpu.memref_slice %arg6[%dma_wait3A_901, %dma_wait3A_902, %dma_wait3A_909, %dma_wait3A_910] : memref<2x16x16x128xf32, #tpu.memory_space<vmem>> -> memref<1x1x16x128xf32, #tpu.memory_space<vmem>>
      %dma_wait3A_912 = tpu.memref_squeeze %dma_wait3A_911 : memref<1x1x16x128xf32, #tpu.memory_space<vmem>> -> memref<16x128xf32, #tpu.memory_space<vmem>>
      %dma_wait3A_913 = arith.constant 0 : i32
      %dma_wait3A_914 = tpu.memref_slice %arg3[%dma_wait3A_913, %multiple_of3A_330] : memref<16x1000000xf32, #tpu.memory_space<hbm>> -> memref<16x128xf32, #tpu.memory_space<hbm>>
      tpu.wait_dma2 semaphore(%arg8 : memref<!tpu.dma_semaphore, #tpu.memory_space<semaphore_mem>>) src(%dma_wait3A_914 : memref<16x128xf32, #tpu.memory_space<hbm>>) dst(%dma_wait3A_912 : memref<16x128xf32, #tpu.memory_space<vmem>>)
      %slice3A_915 = vector.extract_strided_slice %get3A_13 {offsets = [0], sizes = [1], strides = [1]} : vector<16xi32> to vector<1xi32>
      %squeeze3A_916 = vector.extract %slice3A_915[0] : i32 from vector<1xi32>
      %and3A = arith.constant 127 : i32
      %and3A_917 = arith.andi %squeeze3A_916, %and3A : i32
      %broadcast_in_dim3A = vector.broadcast %and3A_917 : i32 to vector<16xi32>
      %gather3A = arith.constant 0 : i32
      %gather3A_918 = arith.constant 0 : i32
      %gather3A_919 = arith.constant 0 : i32
      %gather3A_920 = arith.constant 0 : i32
      %gather3A_921 = tpu.memref_slice %arg6[%gather3A, %gather3A_918, %gather3A_919, %gather3A_920] : memref<2x16x16x128xf32, #tpu.memory_space<vmem>> -> memref<1x1x16x128xf32, #tpu.memory_space<vmem>>
      %gather3A_922 = tpu.memref_squeeze %gather3A_921 : memref<1x1x16x128xf32, #tpu.memory_space<vmem>> -> memref<16x128xf32, #tpu.memory_space<vmem>>
      %gather3A_923 = tpu.vector_load_idx %gather3A_922[%iota3A, %broadcast_in_dim3A] : memref<16x128xf32, #tpu.memory_space<vmem>>[vector<16xi32>, vector<16xi32>], vector<16xf32>,
      %mul3A_924 = arith.constant 16 : i32
      %mul3A_925 = arith.muli %add3A_691, %mul3A_924 : i32
      %add3A_926 = arith.constant 0 : i32
      %add3A_927 = arith.addi %mul3A_925, %add3A_926 : i32
      %broadcast_in_dim3A_928 = vector.broadcast %add3A_927 : i32 to vector<16xi32>
      tpu.vector_store_idx %arg7[%iota3A, %broadcast_in_dim3A_928], %gather3A_923 : memref<16x512xf32, #tpu.memory_space<vmem>>[vector<16xi32>, vector<16xi32>], vector<16xf32>,
      %slice3A_929 = vector.extract_strided_slice %get3A_13 {offsets = [1], sizes = [1], strides = [1]} : vector<16xi32> to vector<1xi32>
      %squeeze3A_930 = vector.extract %slice3A_929[0] : i32 from vector<1xi32>
      %and3A_931 = arith.constant 127 : i32
      %and3A_932 = arith.andi %squeeze3A_930, %and3A_931 : i32
      %broadcast_in_dim3A_933 = vector.broadcast %and3A_932 : i32 to vector<16xi32>
      %gather3A_934 = arith.constant 0 : i32
      %gather3A_935 = arith.constant 1 : i32
      %gather3A_936 = arith.constant 0 : i32
      %gather3A_937 = arith.constant 0 : i32
      %gather3A_938 = tpu.memref_slice %arg6[%gather3A_934, %gather3A_935, %gather3A_936, %gather3A_937] : memref<2x16x16x128xf32, #tpu.memory_space<vmem>> -> memref<1x1x16x128xf32, #tpu.memory_space<vmem>>
      %gather3A_939 = tpu.memref_squeeze %gather3A_938 : memref<1x1x16x128xf32, #tpu.memory_space<vmem>> -> memref<16x128xf32, #tpu.memory_space<vmem>>
      %gather3A_940 = tpu.vector_load_idx %gather3A_939[%iota3A, %broadcast_in_dim3A_933] : memref<16x128xf32, #tpu.memory_space<vmem>>[vector<16xi32>, vector<16xi32>], vector<16xf32>,
      %mul3A_941 = arith.constant 16 : i32
      %mul3A_942 = arith.muli %add3A_691, %mul3A_941 : i32
      %add3A_943 = arith.constant 1 : i32
      %add3A_944 = arith.addi %mul3A_942, %add3A_943 : i32
      %broadcast_in_dim3A_945 = vector.broadcast %add3A_944 : i32 to vector<16xi32>
      tpu.vector_store_idx %arg7[%iota3A, %broadcast_in_dim3A_945], %gather3A_940 : memref<16x512xf32, #tpu.memory_space<vmem>>[vector<16xi32>, vector<16xi32>], vector<16xf32>,
      %slice3A_946 = vector.extract_strided_slice %get3A_13 {offsets = [2], sizes = [1], strides = [1]} : vector<16xi32> to vector<1xi32>
      %squeeze3A_947 = vector.extract %slice3A_946[0] : i32 from vector<1xi32>
      %and3A_948 = arith.constant 127 : i32
      %and3A_949 = arith.andi %squeeze3A_947, %and3A_948 : i32
      %broadcast_in_dim3A_950 = vector.broadcast %and3A_949 : i32 to vector<16xi32>
      %gather3A_951 = arith.constant 0 : i32
      %gather3A_952 = arith.constant 2 : i32
      %gather3A_953 = arith.constant 0 : i32
      %gather3A_954 = arith.constant 0 : i32
      %gather3A_955 = tpu.memref_slice %arg6[%gather3A_951, %gather3A_952, %gather3A_953, %gather3A_954] : memref<2x16x16x128xf32, #tpu.memory_space<vmem>> -> memref<1x1x16x128xf32, #tpu.memory_space<vmem>>
      %gather3A_956 = tpu.memref_squeeze %gather3A_955 : memref<1x1x16x128xf32, #tpu.memory_space<vmem>> -> memref<16x128xf32, #tpu.memory_space<vmem>>
      %gather3A_957 = tpu.vector_load_idx %gather3A_956[%iota3A, %broadcast_in_dim3A_950] : memref<16x128xf32, #tpu.memory_space<vmem>>[vector<16xi32>, vector<16xi32>], vector<16xf32>,
      %mul3A_958 = arith.constant 16 : i32
      %mul3A_959 = arith.muli %add3A_691, %mul3A_958 : i32
      %add3A_960 = arith.constant 2 : i32
      %add3A_961 = arith.addi %mul3A_959, %add3A_960 : i32
      %broadcast_in_dim3A_962 = vector.broadcast %add3A_961 : i32 to vector<16xi32>
      tpu.vector_store_idx %arg7[%iota3A, %broadcast_in_dim3A_962], %gather3A_957 : memref<16x512xf32, #tpu.memory_space<vmem>>[vector<16xi32>, vector<16xi32>], vector<16xf32>,
      %slice3A_963 = vector.extract_strided_slice %get3A_13 {offsets = [3], sizes = [1], strides = [1]} : vector<16xi32> to vector<1xi32>
      %squeeze3A_964 = vector.extract %slice3A_963[0] : i32 from vector<1xi32>
      %and3A_965 = arith.constant 127 : i32
      %and3A_966 = arith.andi %squeeze3A_964, %and3A_965 : i32
      %broadcast_in_dim3A_967 = vector.broadcast %and3A_966 : i32 to vector<16xi32>
      %gather3A_968 = arith.constant 0 : i32
      %gather3A_969 = arith.constant 3 : i32
      %gather3A_970 = arith.constant 0 : i32
      %gather3A_971 = arith.constant 0 : i32
      %gather3A_972 = tpu.memref_slice %arg6[%gather3A_968, %gather3A_969, %gather3A_970, %gather3A_971] : memref<2x16x16x128xf32, #tpu.memory_space<vmem>> -> memref<1x1x16x128xf32, #tpu.memory_space<vmem>>
      %gather3A_973 = tpu.memref_squeeze %gather3A_972 : memref<1x1x16x128xf32, #tpu.memory_space<vmem>> -> memref<16x128xf32, #tpu.memory_space<vmem>>
      %gather3A_974 = tpu.vector_load_idx %gather3A_973[%iota3A, %broadcast_in_dim3A_967] : memref<16x128xf32, #tpu.memory_space<vmem>>[vector<16xi32>, vector<16xi32>], vector<16xf32>,
      %mul3A_975 = arith.constant 16 : i32
      %mul3A_976 = arith.muli %add3A_691, %mul3A_975 : i32
      %add3A_977 = arith.constant 3 : i32
      %add3A_978 = arith.addi %mul3A_976, %add3A_977 : i32
      %broadcast_in_dim3A_979 = vector.broadcast %add3A_978 : i32 to vector<16xi32>
      tpu.vector_store_idx %arg7[%iota3A, %broadcast_in_dim3A_979], %gather3A_974 : memref<16x512xf32, #tpu.memory_space<vmem>>[vector<16xi32>, vector<16xi32>], vector<16xf32>,
      %slice3A_980 = vector.extract_strided_slice %get3A_13 {offsets = [4], sizes = [1], strides = [1]} : vector<16xi32> to vector<1xi32>
      %squeeze3A_981 = vector.extract %slice3A_980[0] : i32 from vector<1xi32>
      %and3A_982 = arith.constant 127 : i32
      %and3A_983 = arith.andi %squeeze3A_981, %and3A_982 : i32
      %broadcast_in_dim3A_984 = vector.broadcast %and3A_983 : i32 to vector<16xi32>
      %gather3A_985 = arith.constant 0 : i32
      %gather3A_986 = arith.constant 4 : i32
      %gather3A_987 = arith.constant 0 : i32
      %gather3A_988 = arith.constant 0 : i32
      %gather3A_989 = tpu.memref_slice %arg6[%gather3A_985, %gather3A_986, %gather3A_987, %gather3A_988] : memref<2x16x16x128xf32, #tpu.memory_space<vmem>> -> memref<1x1x16x128xf32, #tpu.memory_space<vmem>>
      %gather3A_990 = tpu.memref_squeeze %gather3A_989 : memref<1x1x16x128xf32, #tpu.memory_space<vmem>> -> memref<16x128xf32, #tpu.memory_space<vmem>>
      %gather3A_991 = tpu.vector_load_idx %gather3A_990[%iota3A, %broadcast_in_dim3A_984] : memref<16x128xf32, #tpu.memory_space<vmem>>[vector<16xi32>, vector<16xi32>], vector<16xf32>,
      %mul3A_992 = arith.constant 16 : i32
      %mul3A_993 = arith.muli %add3A_691, %mul3A_992 : i32
      %add3A_994 = arith.constant 4 : i32
      %add3A_995 = arith.addi %mul3A_993, %add3A_994 : i32
      %broadcast_in_dim3A_996 = vector.broadcast %add3A_995 : i32 to vector<16xi32>
      tpu.vector_store_idx %arg7[%iota3A, %broadcast_in_dim3A_996], %gather3A_991 : memref<16x512xf32, #tpu.memory_space<vmem>>[vector<16xi32>, vector<16xi32>], vector<16xf32>,
      %slice3A_997 = vector.extract_strided_slice %get3A_13 {offsets = [5], sizes = [1], strides = [1]} : vector<16xi32> to vector<1xi32>
      %squeeze3A_998 = vector.extract %slice3A_997[0] : i32 from vector<1xi32>
      %and3A_999 = arith.constant 127 : i32
      %and3A_1000 = arith.andi %squeeze3A_998, %and3A_999 : i32
      %broadcast_in_dim3A_1001 = vector.broadcast %and3A_1000 : i32 to vector<16xi32>
      %gather3A_1002 = arith.constant 0 : i32
      %gather3A_1003 = arith.constant 5 : i32
      %gather3A_1004 = arith.constant 0 : i32
      %gather3A_1005 = arith.constant 0 : i32
      %gather3A_1006 = tpu.memref_slice %arg6[%gather3A_1002, %gather3A_1003, %gather3A_1004, %gather3A_1005] : memref<2x16x16x128xf32, #tpu.memory_space<vmem>> -> memref<1x1x16x128xf32, #tpu.memory_space<vmem>>
      %gather3A_1007 = tpu.memref_squeeze %gather3A_1006 : memref<1x1x16x128xf32, #tpu.memory_space<vmem>> -> memref<16x128xf32, #tpu.memory_space<vmem>>
      %gather3A_1008 = tpu.vector_load_idx %gather3A_1007[%iota3A, %broadcast_in_dim3A_1001] : memref<16x128xf32, #tpu.memory_space<vmem>>[vector<16xi32>, vector<16xi32>], vector<16xf32>,
      %mul3A_1009 = arith.constant 16 : i32
      %mul3A_1010 = arith.muli %add3A_691, %mul3A_1009 : i32
      %add3A_1011 = arith.constant 5 : i32
      %add3A_1012 = arith.addi %mul3A_1010, %add3A_1011 : i32
      %broadcast_in_dim3A_1013 = vector.broadcast %add3A_1012 : i32 to vector<16xi32>
      tpu.vector_store_idx %arg7[%iota3A, %broadcast_in_dim3A_1013], %gather3A_1008 : memref<16x512xf32, #tpu.memory_space<vmem>>[vector<16xi32>, vector<16xi32>], vector<16xf32>,
      %slice3A_1014 = vector.extract_strided_slice %get3A_13 {offsets = [6], sizes = [1], strides = [1]} : vector<16xi32> to vector<1xi32>
      %squeeze3A_1015 = vector.extract %slice3A_1014[0] : i32 from vector<1xi32>
      %and3A_1016 = arith.constant 127 : i32
      %and3A_1017 = arith.andi %squeeze3A_1015, %and3A_1016 : i32
      %broadcast_in_dim3A_1018 = vector.broadcast %and3A_1017 : i32 to vector<16xi32>
      %gather3A_1019 = arith.constant 0 : i32
      %gather3A_1020 = arith.constant 6 : i32
      %gather3A_1021 = arith.constant 0 : i32
      %gather3A_1022 = arith.constant 0 : i32
      %gather3A_1023 = tpu.memref_slice %arg6[%gather3A_1019, %gather3A_1020, %gather3A_1021, %gather3A_1022] : memref<2x16x16x128xf32, #tpu.memory_space<vmem>> -> memref<1x1x16x128xf32, #tpu.memory_space<vmem>>
      %gather3A_1024 = tpu.memref_squeeze %gather3A_1023 : memref<1x1x16x128xf32, #tpu.memory_space<vmem>> -> memref<16x128xf32, #tpu.memory_space<vmem>>
      %gather3A_1025 = tpu.vector_load_idx %gather3A_1024[%iota3A, %broadcast_in_dim3A_1018] : memref<16x128xf32, #tpu.memory_space<vmem>>[vector<16xi32>, vector<16xi32>], vector<16xf32>,
      %mul3A_1026 = arith.constant 16 : i32
      %mul3A_1027 = arith.muli %add3A_691, %mul3A_1026 : i32
      %add3A_1028 = arith.constant 6 : i32
      %add3A_1029 = arith.addi %mul3A_1027, %add3A_1028 : i32
      %broadcast_in_dim3A_1030 = vector.broadcast %add3A_1029 : i32 to vector<16xi32>
      tpu.vector_store_idx %arg7[%iota3A, %broadcast_in_dim3A_1030], %gather3A_1025 : memref<16x512xf32, #tpu.memory_space<vmem>>[vector<16xi32>, vector<16xi32>], vector<16xf32>,
      %slice3A_1031 = vector.extract_strided_slice %get3A_13 {offsets = [7], sizes = [1], strides = [1]} : vector<16xi32> to vector<1xi32>
      %squeeze3A_1032 = vector.extract %slice3A_1031[0] : i32 from vector<1xi32>
      %and3A_1033 = arith.constant 127 : i32
      %and3A_1034 = arith.andi %squeeze3A_1032, %and3A_1033 : i32
      %broadcast_in_dim3A_1035 = vector.broadcast %and3A_1034 : i32 to vector<16xi32>
      %gather3A_1036 = arith.constant 0 : i32
      %gather3A_1037 = arith.constant 7 : i32
      %gather3A_1038 = arith.constant 0 : i32
      %gather3A_1039 = arith.constant 0 : i32
      %gather3A_1040 = tpu.memref_slice %arg6[%gather3A_1036, %gather3A_1037, %gather3A_1038, %gather3A_1039] : memref<2x16x16x128xf32, #tpu.memory_space<vmem>> -> memref<1x1x16x128xf32, #tpu.memory_space<vmem>>
      %gather3A_1041 = tpu.memref_squeeze %gather3A_1040 : memref<1x1x16x128xf32, #tpu.memory_space<vmem>> -> memref<16x128xf32, #tpu.memory_space<vmem>>
      %gather3A_1042 = tpu.vector_load_idx %gather3A_1041[%iota3A, %broadcast_in_dim3A_1035] : memref<16x128xf32, #tpu.memory_space<vmem>>[vector<16xi32>, vector<16xi32>], vector<16xf32>,
      %mul3A_1043 = arith.constant 16 : i32
      %mul3A_1044 = arith.muli %add3A_691, %mul3A_1043 : i32
      %add3A_1045 = arith.constant 7 : i32
      %add3A_1046 = arith.addi %mul3A_1044, %add3A_1045 : i32
      %broadcast_in_dim3A_1047 = vector.broadcast %add3A_1046 : i32 to vector<16xi32>
      tpu.vector_store_idx %arg7[%iota3A, %broadcast_in_dim3A_1047], %gather3A_1042 : memref<16x512xf32, #tpu.memory_space<vmem>>[vector<16xi32>, vector<16xi32>], vector<16xf32>,
      %slice3A_1048 = vector.extract_strided_slice %get3A_13 {offsets = [8], sizes = [1], strides = [1]} : vector<16xi32> to vector<1xi32>
      %squeeze3A_1049 = vector.extract %slice3A_1048[0] : i32 from vector<1xi32>
      %and3A_1050 = arith.constant 127 : i32
      %and3A_1051 = arith.andi %squeeze3A_1049, %and3A_1050 : i32
      %broadcast_in_dim3A_1052 = vector.broadcast %and3A_1051 : i32 to vector<16xi32>
      %gather3A_1053 = arith.constant 0 : i32
      %gather3A_1054 = arith.constant 8 : i32
      %gather3A_1055 = arith.constant 0 : i32
      %gather3A_1056 = arith.constant 0 : i32
      %gather3A_1057 = tpu.memref_slice %arg6[%gather3A_1053, %gather3A_1054, %gather3A_1055, %gather3A_1056] : memref<2x16x16x128xf32, #tpu.memory_space<vmem>> -> memref<1x1x16x128xf32, #tpu.memory_space<vmem>>
      %gather3A_1058 = tpu.memref_squeeze %gather3A_1057 : memref<1x1x16x128xf32, #tpu.memory_space<vmem>> -> memref<16x128xf32, #tpu.memory_space<vmem>>
      %gather3A_1059 = tpu.vector_load_idx %gather3A_1058[%iota3A, %broadcast_in_dim3A_1052] : memref<16x128xf32, #tpu.memory_space<vmem>>[vector<16xi32>, vector<16xi32>], vector<16xf32>,
      %mul3A_1060 = arith.constant 16 : i32
      %mul3A_1061 = arith.muli %add3A_691, %mul3A_1060 : i32
      %add3A_1062 = arith.constant 8 : i32
      %add3A_1063 = arith.addi %mul3A_1061, %add3A_1062 : i32
      %broadcast_in_dim3A_1064 = vector.broadcast %add3A_1063 : i32 to vector<16xi32>
      tpu.vector_store_idx %arg7[%iota3A, %broadcast_in_dim3A_1064], %gather3A_1059 : memref<16x512xf32, #tpu.memory_space<vmem>>[vector<16xi32>, vector<16xi32>], vector<16xf32>,
      %slice3A_1065 = vector.extract_strided_slice %get3A_13 {offsets = [9], sizes = [1], strides = [1]} : vector<16xi32> to vector<1xi32>
      %squeeze3A_1066 = vector.extract %slice3A_1065[0] : i32 from vector<1xi32>
      %and3A_1067 = arith.constant 127 : i32
      %and3A_1068 = arith.andi %squeeze3A_1066, %and3A_1067 : i32
      %broadcast_in_dim3A_1069 = vector.broadcast %and3A_1068 : i32 to vector<16xi32>
      %gather3A_1070 = arith.constant 0 : i32
      %gather3A_1071 = arith.constant 9 : i32
      %gather3A_1072 = arith.constant 0 : i32
      %gather3A_1073 = arith.constant 0 : i32
      %gather3A_1074 = tpu.memref_slice %arg6[%gather3A_1070, %gather3A_1071, %gather3A_1072, %gather3A_1073] : memref<2x16x16x128xf32, #tpu.memory_space<vmem>> -> memref<1x1x16x128xf32, #tpu.memory_space<vmem>>
      %gather3A_1075 = tpu.memref_squeeze %gather3A_1074 : memref<1x1x16x128xf32, #tpu.memory_space<vmem>> -> memref<16x128xf32, #tpu.memory_space<vmem>>
      %gather3A_1076 = tpu.vector_load_idx %gather3A_1075[%iota3A, %broadcast_in_dim3A_1069] : memref<16x128xf32, #tpu.memory_space<vmem>>[vector<16xi32>, vector<16xi32>], vector<16xf32>,
      %mul3A_1077 = arith.constant 16 : i32
      %mul3A_1078 = arith.muli %add3A_691, %mul3A_1077 : i32
      %add3A_1079 = arith.constant 9 : i32
      %add3A_1080 = arith.addi %mul3A_1078, %add3A_1079 : i32
      %broadcast_in_dim3A_1081 = vector.broadcast %add3A_1080 : i32 to vector<16xi32>
      tpu.vector_store_idx %arg7[%iota3A, %broadcast_in_dim3A_1081], %gather3A_1076 : memref<16x512xf32, #tpu.memory_space<vmem>>[vector<16xi32>, vector<16xi32>], vector<16xf32>,
      %slice3A_1082 = vector.extract_strided_slice %get3A_13 {offsets = [10], sizes = [1], strides = [1]} : vector<16xi32> to vector<1xi32>
      %squeeze3A_1083 = vector.extract %slice3A_1082[0] : i32 from vector<1xi32>
      %and3A_1084 = arith.constant 127 : i32
      %and3A_1085 = arith.andi %squeeze3A_1083, %and3A_1084 : i32
      %broadcast_in_dim3A_1086 = vector.broadcast %and3A_1085 : i32 to vector<16xi32>
      %gather3A_1087 = arith.constant 0 : i32
      %gather3A_1088 = arith.constant 10 : i32
      %gather3A_1089 = arith.constant 0 : i32
      %gather3A_1090 = arith.constant 0 : i32
      %gather3A_1091 = tpu.memref_slice %arg6[%gather3A_1087, %gather3A_1088, %gather3A_1089, %gather3A_1090] : memref<2x16x16x128xf32, #tpu.memory_space<vmem>> -> memref<1x1x16x128xf32, #tpu.memory_space<vmem>>
      %gather3A_1092 = tpu.memref_squeeze %gather3A_1091 : memref<1x1x16x128xf32, #tpu.memory_space<vmem>> -> memref<16x128xf32, #tpu.memory_space<vmem>>
      %gather3A_1093 = tpu.vector_load_idx %gather3A_1092[%iota3A, %broadcast_in_dim3A_1086] : memref<16x128xf32, #tpu.memory_space<vmem>>[vector<16xi32>, vector<16xi32>], vector<16xf32>,
      %mul3A_1094 = arith.constant 16 : i32
      %mul3A_1095 = arith.muli %add3A_691, %mul3A_1094 : i32
      %add3A_1096 = arith.constant 10 : i32
      %add3A_1097 = arith.addi %mul3A_1095, %add3A_1096 : i32
      %broadcast_in_dim3A_1098 = vector.broadcast %add3A_1097 : i32 to vector<16xi32>
      tpu.vector_store_idx %arg7[%iota3A, %broadcast_in_dim3A_1098], %gather3A_1093 : memref<16x512xf32, #tpu.memory_space<vmem>>[vector<16xi32>, vector<16xi32>], vector<16xf32>,
      %slice3A_1099 = vector.extract_strided_slice %get3A_13 {offsets = [11], sizes = [1], strides = [1]} : vector<16xi32> to vector<1xi32>
      %squeeze3A_1100 = vector.extract %slice3A_1099[0] : i32 from vector<1xi32>
      %and3A_1101 = arith.constant 127 : i32
      %and3A_1102 = arith.andi %squeeze3A_1100, %and3A_1101 : i32
      %broadcast_in_dim3A_1103 = vector.broadcast %and3A_1102 : i32 to vector<16xi32>
      %gather3A_1104 = arith.constant 0 : i32
      %gather3A_1105 = arith.constant 11 : i32
      %gather3A_1106 = arith.constant 0 : i32
      %gather3A_1107 = arith.constant 0 : i32
      %gather3A_1108 = tpu.memref_slice %arg6[%gather3A_1104, %gather3A_1105, %gather3A_1106, %gather3A_1107] : memref<2x16x16x128xf32, #tpu.memory_space<vmem>> -> memref<1x1x16x128xf32, #tpu.memory_space<vmem>>
      %gather3A_1109 = tpu.memref_squeeze %gather3A_1108 : memref<1x1x16x128xf32, #tpu.memory_space<vmem>> -> memref<16x128xf32, #tpu.memory_space<vmem>>
      %gather3A_1110 = tpu.vector_load_idx %gather3A_1109[%iota3A, %broadcast_in_dim3A_1103] : memref<16x128xf32, #tpu.memory_space<vmem>>[vector<16xi32>, vector<16xi32>], vector<16xf32>,
      %mul3A_1111 = arith.constant 16 : i32
      %mul3A_1112 = arith.muli %add3A_691, %mul3A_1111 : i32
      %add3A_1113 = arith.constant 11 : i32
      %add3A_1114 = arith.addi %mul3A_1112, %add3A_1113 : i32
      %broadcast_in_dim3A_1115 = vector.broadcast %add3A_1114 : i32 to vector<16xi32>
      tpu.vector_store_idx %arg7[%iota3A, %broadcast_in_dim3A_1115], %gather3A_1110 : memref<16x512xf32, #tpu.memory_space<vmem>>[vector<16xi32>, vector<16xi32>], vector<16xf32>,
      %slice3A_1116 = vector.extract_strided_slice %get3A_13 {offsets = [12], sizes = [1], strides = [1]} : vector<16xi32> to vector<1xi32>
      %squeeze3A_1117 = vector.extract %slice3A_1116[0] : i32 from vector<1xi32>
      %and3A_1118 = arith.constant 127 : i32
      %and3A_1119 = arith.andi %squeeze3A_1117, %and3A_1118 : i32
      %broadcast_in_dim3A_1120 = vector.broadcast %and3A_1119 : i32 to vector<16xi32>
      %gather3A_1121 = arith.constant 0 : i32
      %gather3A_1122 = arith.constant 12 : i32
      %gather3A_1123 = arith.constant 0 : i32
      %gather3A_1124 = arith.constant 0 : i32
      %gather3A_1125 = tpu.memref_slice %arg6[%gather3A_1121, %gather3A_1122, %gather3A_1123, %gather3A_1124] : memref<2x16x16x128xf32, #tpu.memory_space<vmem>> -> memref<1x1x16x128xf32, #tpu.memory_space<vmem>>
      %gather3A_1126 = tpu.memref_squeeze %gather3A_1125 : memref<1x1x16x128xf32, #tpu.memory_space<vmem>> -> memref<16x128xf32, #tpu.memory_space<vmem>>
      %gather3A_1127 = tpu.vector_load_idx %gather3A_1126[%iota3A, %broadcast_in_dim3A_1120] : memref<16x128xf32, #tpu.memory_space<vmem>>[vector<16xi32>, vector<16xi32>], vector<16xf32>,
      %mul3A_1128 = arith.constant 16 : i32
      %mul3A_1129 = arith.muli %add3A_691, %mul3A_1128 : i32
      %add3A_1130 = arith.constant 12 : i32
      %add3A_1131 = arith.addi %mul3A_1129, %add3A_1130 : i32
      %broadcast_in_dim3A_1132 = vector.broadcast %add3A_1131 : i32 to vector<16xi32>
      tpu.vector_store_idx %arg7[%iota3A, %broadcast_in_dim3A_1132], %gather3A_1127 : memref<16x512xf32, #tpu.memory_space<vmem>>[vector<16xi32>, vector<16xi32>], vector<16xf32>,
      %slice3A_1133 = vector.extract_strided_slice %get3A_13 {offsets = [13], sizes = [1], strides = [1]} : vector<16xi32> to vector<1xi32>
      %squeeze3A_1134 = vector.extract %slice3A_1133[0] : i32 from vector<1xi32>
      %and3A_1135 = arith.constant 127 : i32
      %and3A_1136 = arith.andi %squeeze3A_1134, %and3A_1135 : i32
      %broadcast_in_dim3A_1137 = vector.broadcast %and3A_1136 : i32 to vector<16xi32>
      %gather3A_1138 = arith.constant 0 : i32
      %gather3A_1139 = arith.constant 13 : i32
      %gather3A_1140 = arith.constant 0 : i32
      %gather3A_1141 = arith.constant 0 : i32
      %gather3A_1142 = tpu.memref_slice %arg6[%gather3A_1138, %gather3A_1139, %gather3A_1140, %gather3A_1141] : memref<2x16x16x128xf32, #tpu.memory_space<vmem>> -> memref<1x1x16x128xf32, #tpu.memory_space<vmem>>
      %gather3A_1143 = tpu.memref_squeeze %gather3A_1142 : memref<1x1x16x128xf32, #tpu.memory_space<vmem>> -> memref<16x128xf32, #tpu.memory_space<vmem>>
      %gather3A_1144 = tpu.vector_load_idx %gather3A_1143[%iota3A, %broadcast_in_dim3A_1137] : memref<16x128xf32, #tpu.memory_space<vmem>>[vector<16xi32>, vector<16xi32>], vector<16xf32>,
      %mul3A_1145 = arith.constant 16 : i32
      %mul3A_1146 = arith.muli %add3A_691, %mul3A_1145 : i32
      %add3A_1147 = arith.constant 13 : i32
      %add3A_1148 = arith.addi %mul3A_1146, %add3A_1147 : i32
      %broadcast_in_dim3A_1149 = vector.broadcast %add3A_1148 : i32 to vector<16xi32>
      tpu.vector_store_idx %arg7[%iota3A, %broadcast_in_dim3A_1149], %gather3A_1144 : memref<16x512xf32, #tpu.memory_space<vmem>>[vector<16xi32>, vector<16xi32>], vector<16xf32>,
      %slice3A_1150 = vector.extract_strided_slice %get3A_13 {offsets = [14], sizes = [1], strides = [1]} : vector<16xi32> to vector<1xi32>
      %squeeze3A_1151 = vector.extract %slice3A_1150[0] : i32 from vector<1xi32>
      %and3A_1152 = arith.constant 127 : i32
      %and3A_1153 = arith.andi %squeeze3A_1151, %and3A_1152 : i32
      %broadcast_in_dim3A_1154 = vector.broadcast %and3A_1153 : i32 to vector<16xi32>
      %gather3A_1155 = arith.constant 0 : i32
      %gather3A_1156 = arith.constant 14 : i32
      %gather3A_1157 = arith.constant 0 : i32
      %gather3A_1158 = arith.constant 0 : i32
      %gather3A_1159 = tpu.memref_slice %arg6[%gather3A_1155, %gather3A_1156, %gather3A_1157, %gather3A_1158] : memref<2x16x16x128xf32, #tpu.memory_space<vmem>> -> memref<1x1x16x128xf32, #tpu.memory_space<vmem>>
      %gather3A_1160 = tpu.memref_squeeze %gather3A_1159 : memref<1x1x16x128xf32, #tpu.memory_space<vmem>> -> memref<16x128xf32, #tpu.memory_space<vmem>>
      %gather3A_1161 = tpu.vector_load_idx %gather3A_1160[%iota3A, %broadcast_in_dim3A_1154] : memref<16x128xf32, #tpu.memory_space<vmem>>[vector<16xi32>, vector<16xi32>], vector<16xf32>,
      %mul3A_1162 = arith.constant 16 : i32
      %mul3A_1163 = arith.muli %add3A_691, %mul3A_1162 : i32
      %add3A_1164 = arith.constant 14 : i32
      %add3A_1165 = arith.addi %mul3A_1163, %add3A_1164 : i32
      %broadcast_in_dim3A_1166 = vector.broadcast %add3A_1165 : i32 to vector<16xi32>
      tpu.vector_store_idx %arg7[%iota3A, %broadcast_in_dim3A_1166], %gather3A_1161 : memref<16x512xf32, #tpu.memory_space<vmem>>[vector<16xi32>, vector<16xi32>], vector<16xf32>,
      %slice3A_1167 = vector.extract_strided_slice %get3A_13 {offsets = [15], sizes = [1], strides = [1]} : vector<16xi32> to vector<1xi32>
      %squeeze3A_1168 = vector.extract %slice3A_1167[0] : i32 from vector<1xi32>
      %and3A_1169 = arith.constant 127 : i32
      %and3A_1170 = arith.andi %squeeze3A_1168, %and3A_1169 : i32
      %broadcast_in_dim3A_1171 = vector.broadcast %and3A_1170 : i32 to vector<16xi32>
      %gather3A_1172 = arith.constant 0 : i32
      %gather3A_1173 = arith.constant 15 : i32
      %gather3A_1174 = arith.constant 0 : i32
      %gather3A_1175 = arith.constant 0 : i32
      %gather3A_1176 = tpu.memref_slice %arg6[%gather3A_1172, %gather3A_1173, %gather3A_1174, %gather3A_1175] : memref<2x16x16x128xf32, #tpu.memory_space<vmem>> -> memref<1x1x16x128xf32, #tpu.memory_space<vmem>>
      %gather3A_1177 = tpu.memref_squeeze %gather3A_1176 : memref<1x1x16x128xf32, #tpu.memory_space<vmem>> -> memref<16x128xf32, #tpu.memory_space<vmem>>
      %gather3A_1178 = tpu.vector_load_idx %gather3A_1177[%iota3A, %broadcast_in_dim3A_1171] : memref<16x128xf32, #tpu.memory_space<vmem>>[vector<16xi32>, vector<16xi32>], vector<16xf32>,
      %mul3A_1179 = arith.constant 16 : i32
      %mul3A_1180 = arith.muli %add3A_691, %mul3A_1179 : i32
      %add3A_1181 = arith.constant 15 : i32
      %add3A_1182 = arith.addi %mul3A_1180, %add3A_1181 : i32
      %broadcast_in_dim3A_1183 = vector.broadcast %add3A_1182 : i32 to vector<16xi32>
      tpu.vector_store_idx %arg7[%iota3A, %broadcast_in_dim3A_1183], %gather3A_1178 : memref<16x512xf32, #tpu.memory_space<vmem>>[vector<16xi32>, vector<16xi32>], vector<16xf32>,
      %add3A_1184 = arith.constant 1 : i32
      %add3A_1185 = arith.addi %mul3A_10, %add3A_1184 : i32
      %add3A_1186 = arith.constant 1 : i32
      %add3A_1187 = arith.addi %add3A_1185, %add3A_1186 : i32
      %mul3A_1188 = arith.constant 16 : i32
      %mul3A_1189 = arith.muli %add3A_1187, %mul3A_1188 : i32
      %multiple_of3A_1190 = tpu.assume_multiple %mul3A_1189, 16 : i32
      %get3A_1191 = arith.index_cast %multiple_of3A_1190 : i32 to index
      %get3A_1192 = tpu.vector_load %arg5[%get3A_1191] {strides = array<i32>} : memref<512xi32, #tpu.memory_space<vmem>>, vector<16xi32>,
      %slice3A_1193 = vector.extract_strided_slice %get3A_1192 {offsets = [0], sizes = [1], strides = [1]} : vector<16xi32> to vector<1xi32>
      %squeeze3A_1194 = vector.extract %slice3A_1193[0] : i32 from vector<1xi32>
      %shift_right_arithmetic3A_1195 = arith.constant 7 : i32
      %shift_right_arithmetic3A_1196 = arith.shrsi %squeeze3A_1194, %shift_right_arithmetic3A_1195 : i32
      %shift_left3A_1197 = arith.constant 7 : i32
      %shift_left3A_1198 = arith.shli %shift_right_arithmetic3A_1196, %shift_left3A_1197 : i32
      %multiple_of3A_1199 = tpu.assume_multiple %shift_left3A_1198, 128 : i32
      %dma_start3A_1200 = arith.constant 0 : i32
      %dma_start3A_1201 = arith.constant 0 : i32
      %dma_start3A_1202 = arith.constant 0 : i32
      %dma_start3A_1203 = arith.constant 0 : i32
      %dma_start3A_1204 = tpu.memref_slice %arg6[%dma_start3A_1200, %dma_start3A_1201, %dma_start3A_1202, %dma_start3A_1203] : memref<2x16x16x128xf32, #tpu.memory_space<vmem>> -> memref<1x1x16x128xf32, #tpu.memory_space<vmem>>
      %dma_start3A_1205 = tpu.memref_squeeze %dma_start3A_1204 : memref<1x1x16x128xf32, #tpu.memory_space<vmem>> -> memref<16x128xf32, #tpu.memory_space<vmem>>
      %dma_start3A_1206 = arith.constant 0 : i32
      %dma_start3A_1207 = tpu.memref_slice %arg3[%dma_start3A_1206, %multiple_of3A_1199] : memref<16x1000000xf32, #tpu.memory_space<hbm>> -> memref<16x128xf32, #tpu.memory_space<hbm>>
      %dma_start3A_1208 = arith.constant 0 : i32
      %dma_start3A_1209 = arith.constant 0 : i32
      %dma_start3A_1210 = tpu.memref_slice %arg6[%dma_start3A_1200, %dma_start3A_1201, %dma_start3A_1208, %dma_start3A_1209] : memref<2x16x16x128xf32, #tpu.memory_space<vmem>> -> memref<1x1x16x128xf32, #tpu.memory_space<vmem>>
      %dma_start3A_1211 = tpu.memref_squeeze %dma_start3A_1210 : memref<1x1x16x128xf32, #tpu.memory_space<vmem>> -> memref<16x128xf32, #tpu.memory_space<vmem>>
      %dma_start3A_1212 = arith.constant 0 : i32
      %dma_start3A_1213 = tpu.memref_slice %arg3[%dma_start3A_1212, %multiple_of3A_1199] : memref<16x1000000xf32, #tpu.memory_space<hbm>> -> memref<16x128xf32, #tpu.memory_space<hbm>>
      tpu.enqueue_dma source(%dma_start3A_1213 : memref<16x128xf32, #tpu.memory_space<hbm>>) target(%dma_start3A_1211 : memref<16x128xf32, #tpu.memory_space<vmem>>) target_semaphore(%arg8 : memref<!tpu.dma_semaphore, #tpu.memory_space<semaphore_mem>>)
      %slice3A_1214 = vector.extract_strided_slice %get3A_1192 {offsets = [1], sizes = [1], strides = [1]} : vector<16xi32> to vector<1xi32>
      %squeeze3A_1215 = vector.extract %slice3A_1214[0] : i32 from vector<1xi32>
      %shift_right_arithmetic3A_1216 = arith.constant 7 : i32
      %shift_right_arithmetic3A_1217 = arith.shrsi %squeeze3A_1215, %shift_right_arithmetic3A_1216 : i32
      %shift_left3A_1218 = arith.constant 7 : i32
      %shift_left3A_1219 = arith.shli %shift_right_arithmetic3A_1217, %shift_left3A_1218 : i32
      %multiple_of3A_1220 = tpu.assume_multiple %shift_left3A_1219, 128 : i32
      %dma_start3A_1221 = arith.constant 0 : i32
      %dma_start3A_1222 = arith.constant 1 : i32
      %dma_start3A_1223 = arith.constant 0 : i32
      %dma_start3A_1224 = arith.constant 0 : i32
      %dma_start3A_1225 = tpu.memref_slice %arg6[%dma_start3A_1221, %dma_start3A_1222, %dma_start3A_1223, %dma_start3A_1224] : memref<2x16x16x128xf32, #tpu.memory_space<vmem>> -> memref<1x1x16x128xf32, #tpu.memory_space<vmem>>
      %dma_start3A_1226 = tpu.memref_squeeze %dma_start3A_1225 : memref<1x1x16x128xf32, #tpu.memory_space<vmem>> -> memref<16x128xf32, #tpu.memory_space<vmem>>
      %dma_start3A_1227 = arith.constant 0 : i32
      %dma_start3A_1228 = tpu.memref_slice %arg3[%dma_start3A_1227, %multiple_of3A_1220] : memref<16x1000000xf32, #tpu.memory_space<hbm>> -> memref<16x128xf32, #tpu.memory_space<hbm>>
      %dma_start3A_1229 = arith.constant 0 : i32
      %dma_start3A_1230 = arith.constant 0 : i32
      %dma_start3A_1231 = tpu.memref_slice %arg6[%dma_start3A_1221, %dma_start3A_1222, %dma_start3A_1229, %dma_start3A_1230] : memref<2x16x16x128xf32, #tpu.memory_space<vmem>> -> memref<1x1x16x128xf32, #tpu.memory_space<vmem>>
      %dma_start3A_1232 = tpu.memref_squeeze %dma_start3A_1231 : memref<1x1x16x128xf32, #tpu.memory_space<vmem>> -> memref<16x128xf32, #tpu.memory_space<vmem>>
      %dma_start3A_1233 = arith.constant 0 : i32
      %dma_start3A_1234 = tpu.memref_slice %arg3[%dma_start3A_1233, %multiple_of3A_1220] : memref<16x1000000xf32, #tpu.memory_space<hbm>> -> memref<16x128xf32, #tpu.memory_space<hbm>>
      tpu.enqueue_dma source(%dma_start3A_1234 : memref<16x128xf32, #tpu.memory_space<hbm>>) target(%dma_start3A_1232 : memref<16x128xf32, #tpu.memory_space<vmem>>) target_semaphore(%arg8 : memref<!tpu.dma_semaphore, #tpu.memory_space<semaphore_mem>>)
      %slice3A_1235 = vector.extract_strided_slice %get3A_1192 {offsets = [2], sizes = [1], strides = [1]} : vector<16xi32> to vector<1xi32>
      %squeeze3A_1236 = vector.extract %slice3A_1235[0] : i32 from vector<1xi32>
      %shift_right_arithmetic3A_1237 = arith.constant 7 : i32
      %shift_right_arithmetic3A_1238 = arith.shrsi %squeeze3A_1236, %shift_right_arithmetic3A_1237 : i32
      %shift_left3A_1239 = arith.constant 7 : i32
      %shift_left3A_1240 = arith.shli %shift_right_arithmetic3A_1238, %shift_left3A_1239 : i32
      %multiple_of3A_1241 = tpu.assume_multiple %shift_left3A_1240, 128 : i32
      %dma_start3A_1242 = arith.constant 0 : i32
      %dma_start3A_1243 = arith.constant 2 : i32
      %dma_start3A_1244 = arith.constant 0 : i32
      %dma_start3A_1245 = arith.constant 0 : i32
      %dma_start3A_1246 = tpu.memref_slice %arg6[%dma_start3A_1242, %dma_start3A_1243, %dma_start3A_1244, %dma_start3A_1245] : memref<2x16x16x128xf32, #tpu.memory_space<vmem>> -> memref<1x1x16x128xf32, #tpu.memory_space<vmem>>
      %dma_start3A_1247 = tpu.memref_squeeze %dma_start3A_1246 : memref<1x1x16x128xf32, #tpu.memory_space<vmem>> -> memref<16x128xf32, #tpu.memory_space<vmem>>
      %dma_start3A_1248 = arith.constant 0 : i32
      %dma_start3A_1249 = tpu.memref_slice %arg3[%dma_start3A_1248, %multiple_of3A_1241] : memref<16x1000000xf32, #tpu.memory_space<hbm>> -> memref<16x128xf32, #tpu.memory_space<hbm>>
      %dma_start3A_1250 = arith.constant 0 : i32
      %dma_start3A_1251 = arith.constant 0 : i32
      %dma_start3A_1252 = tpu.memref_slice %arg6[%dma_start3A_1242, %dma_start3A_1243, %dma_start3A_1250, %dma_start3A_1251] : memref<2x16x16x128xf32, #tpu.memory_space<vmem>> -> memref<1x1x16x128xf32, #tpu.memory_space<vmem>>
      %dma_start3A_1253 = tpu.memref_squeeze %dma_start3A_1252 : memref<1x1x16x128xf32, #tpu.memory_space<vmem>> -> memref<16x128xf32, #tpu.memory_space<vmem>>
      %dma_start3A_1254 = arith.constant 0 : i32
      %dma_start3A_1255 = tpu.memref_slice %arg3[%dma_start3A_1254, %multiple_of3A_1241] : memref<16x1000000xf32, #tpu.memory_space<hbm>> -> memref<16x128xf32, #tpu.memory_space<hbm>>
      tpu.enqueue_dma source(%dma_start3A_1255 : memref<16x128xf32, #tpu.memory_space<hbm>>) target(%dma_start3A_1253 : memref<16x128xf32, #tpu.memory_space<vmem>>) target_semaphore(%arg8 : memref<!tpu.dma_semaphore, #tpu.memory_space<semaphore_mem>>)
      %slice3A_1256 = vector.extract_strided_slice %get3A_1192 {offsets = [3], sizes = [1], strides = [1]} : vector<16xi32> to vector<1xi32>
      %squeeze3A_1257 = vector.extract %slice3A_1256[0] : i32 from vector<1xi32>
      %shift_right_arithmetic3A_1258 = arith.constant 7 : i32
      %shift_right_arithmetic3A_1259 = arith.shrsi %squeeze3A_1257, %shift_right_arithmetic3A_1258 : i32
      %shift_left3A_1260 = arith.constant 7 : i32
      %shift_left3A_1261 = arith.shli %shift_right_arithmetic3A_1259, %shift_left3A_1260 : i32
      %multiple_of3A_1262 = tpu.assume_multiple %shift_left3A_1261, 128 : i32
      %dma_start3A_1263 = arith.constant 0 : i32
      %dma_start3A_1264 = arith.constant 3 : i32
      %dma_start3A_1265 = arith.constant 0 : i32
      %dma_start3A_1266 = arith.constant 0 : i32
      %dma_start3A_1267 = tpu.memref_slice %arg6[%dma_start3A_1263, %dma_start3A_1264, %dma_start3A_1265, %dma_start3A_1266] : memref<2x16x16x128xf32, #tpu.memory_space<vmem>> -> memref<1x1x16x128xf32, #tpu.memory_space<vmem>>
      %dma_start3A_1268 = tpu.memref_squeeze %dma_start3A_1267 : memref<1x1x16x128xf32, #tpu.memory_space<vmem>> -> memref<16x128xf32, #tpu.memory_space<vmem>>
      %dma_start3A_1269 = arith.constant 0 : i32
      %dma_start3A_1270 = tpu.memref_slice %arg3[%dma_start3A_1269, %multiple_of3A_1262] : memref<16x1000000xf32, #tpu.memory_space<hbm>> -> memref<16x128xf32, #tpu.memory_space<hbm>>
      %dma_start3A_1271 = arith.constant 0 : i32
      %dma_start3A_1272 = arith.constant 0 : i32
      %dma_start3A_1273 = tpu.memref_slice %arg6[%dma_start3A_1263, %dma_start3A_1264, %dma_start3A_1271, %dma_start3A_1272] : memref<2x16x16x128xf32, #tpu.memory_space<vmem>> -> memref<1x1x16x128xf32, #tpu.memory_space<vmem>>
      %dma_start3A_1274 = tpu.memref_squeeze %dma_start3A_1273 : memref<1x1x16x128xf32, #tpu.memory_space<vmem>> -> memref<16x128xf32, #tpu.memory_space<vmem>>
      %dma_start3A_1275 = arith.constant 0 : i32
      %dma_start3A_1276 = tpu.memref_slice %arg3[%dma_start3A_1275, %multiple_of3A_1262] : memref<16x1000000xf32, #tpu.memory_space<hbm>> -> memref<16x128xf32, #tpu.memory_space<hbm>>
      tpu.enqueue_dma source(%dma_start3A_1276 : memref<16x128xf32, #tpu.memory_space<hbm>>) target(%dma_start3A_1274 : memref<16x128xf32, #tpu.memory_space<vmem>>) target_semaphore(%arg8 : memref<!tpu.dma_semaphore, #tpu.memory_space<semaphore_mem>>)
      %slice3A_1277 = vector.extract_strided_slice %get3A_1192 {offsets = [4], sizes = [1], strides = [1]} : vector<16xi32> to vector<1xi32>
      %squeeze3A_1278 = vector.extract %slice3A_1277[0] : i32 from vector<1xi32>
      %shift_right_arithmetic3A_1279 = arith.constant 7 : i32
      %shift_right_arithmetic3A_1280 = arith.shrsi %squeeze3A_1278, %shift_right_arithmetic3A_1279 : i32
      %shift_left3A_1281 = arith.constant 7 : i32
      %shift_left3A_1282 = arith.shli %shift_right_arithmetic3A_1280, %shift_left3A_1281 : i32
      %multiple_of3A_1283 = tpu.assume_multiple %shift_left3A_1282, 128 : i32
      %dma_start3A_1284 = arith.constant 0 : i32
      %dma_start3A_1285 = arith.constant 4 : i32
      %dma_start3A_1286 = arith.constant 0 : i32
      %dma_start3A_1287 = arith.constant 0 : i32
      %dma_start3A_1288 = tpu.memref_slice %arg6[%dma_start3A_1284, %dma_start3A_1285, %dma_start3A_1286, %dma_start3A_1287] : memref<2x16x16x128xf32, #tpu.memory_space<vmem>> -> memref<1x1x16x128xf32, #tpu.memory_space<vmem>>
      %dma_start3A_1289 = tpu.memref_squeeze %dma_start3A_1288 : memref<1x1x16x128xf32, #tpu.memory_space<vmem>> -> memref<16x128xf32, #tpu.memory_space<vmem>>
      %dma_start3A_1290 = arith.constant 0 : i32
      %dma_start3A_1291 = tpu.memref_slice %arg3[%dma_start3A_1290, %multiple_of3A_1283] : memref<16x1000000xf32, #tpu.memory_space<hbm>> -> memref<16x128xf32, #tpu.memory_space<hbm>>
      %dma_start3A_1292 = arith.constant 0 : i32
      %dma_start3A_1293 = arith.constant 0 : i32
      %dma_start3A_1294 = tpu.memref_slice %arg6[%dma_start3A_1284, %dma_start3A_1285, %dma_start3A_1292, %dma_start3A_1293] : memref<2x16x16x128xf32, #tpu.memory_space<vmem>> -> memref<1x1x16x128xf32, #tpu.memory_space<vmem>>
      %dma_start3A_1295 = tpu.memref_squeeze %dma_start3A_1294 : memref<1x1x16x128xf32, #tpu.memory_space<vmem>> -> memref<16x128xf32, #tpu.memory_space<vmem>>
      %dma_start3A_1296 = arith.constant 0 : i32
      %dma_start3A_1297 = tpu.memref_slice %arg3[%dma_start3A_1296, %multiple_of3A_1283] : memref<16x1000000xf32, #tpu.memory_space<hbm>> -> memref<16x128xf32, #tpu.memory_space<hbm>>
      tpu.enqueue_dma source(%dma_start3A_1297 : memref<16x128xf32, #tpu.memory_space<hbm>>) target(%dma_start3A_1295 : memref<16x128xf32, #tpu.memory_space<vmem>>) target_semaphore(%arg8 : memref<!tpu.dma_semaphore, #tpu.memory_space<semaphore_mem>>)
      %slice3A_1298 = vector.extract_strided_slice %get3A_1192 {offsets = [5], sizes = [1], strides = [1]} : vector<16xi32> to vector<1xi32>
      %squeeze3A_1299 = vector.extract %slice3A_1298[0] : i32 from vector<1xi32>
      %shift_right_arithmetic3A_1300 = arith.constant 7 : i32
      %shift_right_arithmetic3A_1301 = arith.shrsi %squeeze3A_1299, %shift_right_arithmetic3A_1300 : i32
      %shift_left3A_1302 = arith.constant 7 : i32
      %shift_left3A_1303 = arith.shli %shift_right_arithmetic3A_1301, %shift_left3A_1302 : i32
      %multiple_of3A_1304 = tpu.assume_multiple %shift_left3A_1303, 128 : i32
      %dma_start3A_1305 = arith.constant 0 : i32
      %dma_start3A_1306 = arith.constant 5 : i32
      %dma_start3A_1307 = arith.constant 0 : i32
      %dma_start3A_1308 = arith.constant 0 : i32
      %dma_start3A_1309 = tpu.memref_slice %arg6[%dma_start3A_1305, %dma_start3A_1306, %dma_start3A_1307, %dma_start3A_1308] : memref<2x16x16x128xf32, #tpu.memory_space<vmem>> -> memref<1x1x16x128xf32, #tpu.memory_space<vmem>>
      %dma_start3A_1310 = tpu.memref_squeeze %dma_start3A_1309 : memref<1x1x16x128xf32, #tpu.memory_space<vmem>> -> memref<16x128xf32, #tpu.memory_space<vmem>>
      %dma_start3A_1311 = arith.constant 0 : i32
      %dma_start3A_1312 = tpu.memref_slice %arg3[%dma_start3A_1311, %multiple_of3A_1304] : memref<16x1000000xf32, #tpu.memory_space<hbm>> -> memref<16x128xf32, #tpu.memory_space<hbm>>
      %dma_start3A_1313 = arith.constant 0 : i32
      %dma_start3A_1314 = arith.constant 0 : i32
      %dma_start3A_1315 = tpu.memref_slice %arg6[%dma_start3A_1305, %dma_start3A_1306, %dma_start3A_1313, %dma_start3A_1314] : memref<2x16x16x128xf32, #tpu.memory_space<vmem>> -> memref<1x1x16x128xf32, #tpu.memory_space<vmem>>
      %dma_start3A_1316 = tpu.memref_squeeze %dma_start3A_1315 : memref<1x1x16x128xf32, #tpu.memory_space<vmem>> -> memref<16x128xf32, #tpu.memory_space<vmem>>
      %dma_start3A_1317 = arith.constant 0 : i32
      %dma_start3A_1318 = tpu.memref_slice %arg3[%dma_start3A_1317, %multiple_of3A_1304] : memref<16x1000000xf32, #tpu.memory_space<hbm>> -> memref<16x128xf32, #tpu.memory_space<hbm>>
      tpu.enqueue_dma source(%dma_start3A_1318 : memref<16x128xf32, #tpu.memory_space<hbm>>) target(%dma_start3A_1316 : memref<16x128xf32, #tpu.memory_space<vmem>>) target_semaphore(%arg8 : memref<!tpu.dma_semaphore, #tpu.memory_space<semaphore_mem>>)
      %slice3A_1319 = vector.extract_strided_slice %get3A_1192 {offsets = [6], sizes = [1], strides = [1]} : vector<16xi32> to vector<1xi32>
      %squeeze3A_1320 = vector.extract %slice3A_1319[0] : i32 from vector<1xi32>
      %shift_right_arithmetic3A_1321 = arith.constant 7 : i32
      %shift_right_arithmetic3A_1322 = arith.shrsi %squeeze3A_1320, %shift_right_arithmetic3A_1321 : i32
      %shift_left3A_1323 = arith.constant 7 : i32
      %shift_left3A_1324 = arith.shli %shift_right_arithmetic3A_1322, %shift_left3A_1323 : i32
      %multiple_of3A_1325 = tpu.assume_multiple %shift_left3A_1324, 128 : i32
      %dma_start3A_1326 = arith.constant 0 : i32
      %dma_start3A_1327 = arith.constant 6 : i32
      %dma_start3A_1328 = arith.constant 0 : i32
      %dma_start3A_1329 = arith.constant 0 : i32
      %dma_start3A_1330 = tpu.memref_slice %arg6[%dma_start3A_1326, %dma_start3A_1327, %dma_start3A_1328, %dma_start3A_1329] : memref<2x16x16x128xf32, #tpu.memory_space<vmem>> -> memref<1x1x16x128xf32, #tpu.memory_space<vmem>>
      %dma_start3A_1331 = tpu.memref_squeeze %dma_start3A_1330 : memref<1x1x16x128xf32, #tpu.memory_space<vmem>> -> memref<16x128xf32, #tpu.memory_space<vmem>>
      %dma_start3A_1332 = arith.constant 0 : i32
      %dma_start3A_1333 = tpu.memref_slice %arg3[%dma_start3A_1332, %multiple_of3A_1325] : memref<16x1000000xf32, #tpu.memory_space<hbm>> -> memref<16x128xf32, #tpu.memory_space<hbm>>
      %dma_start3A_1334 = arith.constant 0 : i32
      %dma_start3A_1335 = arith.constant 0 : i32
      %dma_start3A_1336 = tpu.memref_slice %arg6[%dma_start3A_1326, %dma_start3A_1327, %dma_start3A_1334, %dma_start3A_1335] : memref<2x16x16x128xf32, #tpu.memory_space<vmem>> -> memref<1x1x16x128xf32, #tpu.memory_space<vmem>>
      %dma_start3A_1337 = tpu.memref_squeeze %dma_start3A_1336 : memref<1x1x16x128xf32, #tpu.memory_space<vmem>> -> memref<16x128xf32, #tpu.memory_space<vmem>>
      %dma_start3A_1338 = arith.constant 0 : i32
      %dma_start3A_1339 = tpu.memref_slice %arg3[%dma_start3A_1338, %multiple_of3A_1325] : memref<16x1000000xf32, #tpu.memory_space<hbm>> -> memref<16x128xf32, #tpu.memory_space<hbm>>
      tpu.enqueue_dma source(%dma_start3A_1339 : memref<16x128xf32, #tpu.memory_space<hbm>>) target(%dma_start3A_1337 : memref<16x128xf32, #tpu.memory_space<vmem>>) target_semaphore(%arg8 : memref<!tpu.dma_semaphore, #tpu.memory_space<semaphore_mem>>)
      %slice3A_1340 = vector.extract_strided_slice %get3A_1192 {offsets = [7], sizes = [1], strides = [1]} : vector<16xi32> to vector<1xi32>
      %squeeze3A_1341 = vector.extract %slice3A_1340[0] : i32 from vector<1xi32>
      %shift_right_arithmetic3A_1342 = arith.constant 7 : i32
      %shift_right_arithmetic3A_1343 = arith.shrsi %squeeze3A_1341, %shift_right_arithmetic3A_1342 : i32
      %shift_left3A_1344 = arith.constant 7 : i32
      %shift_left3A_1345 = arith.shli %shift_right_arithmetic3A_1343, %shift_left3A_1344 : i32
      %multiple_of3A_1346 = tpu.assume_multiple %shift_left3A_1345, 128 : i32
      %dma_start3A_1347 = arith.constant 0 : i32
      %dma_start3A_1348 = arith.constant 7 : i32
      %dma_start3A_1349 = arith.constant 0 : i32
      %dma_start3A_1350 = arith.constant 0 : i32
      %dma_start3A_1351 = tpu.memref_slice %arg6[%dma_start3A_1347, %dma_start3A_1348, %dma_start3A_1349, %dma_start3A_1350] : memref<2x16x16x128xf32, #tpu.memory_space<vmem>> -> memref<1x1x16x128xf32, #tpu.memory_space<vmem>>
      %dma_start3A_1352 = tpu.memref_squeeze %dma_start3A_1351 : memref<1x1x16x128xf32, #tpu.memory_space<vmem>> -> memref<16x128xf32, #tpu.memory_space<vmem>>
      %dma_start3A_1353 = arith.constant 0 : i32
      %dma_start3A_1354 = tpu.memref_slice %arg3[%dma_start3A_1353, %multiple_of3A_1346] : memref<16x1000000xf32, #tpu.memory_space<hbm>> -> memref<16x128xf32, #tpu.memory_space<hbm>>
      %dma_start3A_1355 = arith.constant 0 : i32
      %dma_start3A_1356 = arith.constant 0 : i32
      %dma_start3A_1357 = tpu.memref_slice %arg6[%dma_start3A_1347, %dma_start3A_1348, %dma_start3A_1355, %dma_start3A_1356] : memref<2x16x16x128xf32, #tpu.memory_space<vmem>> -> memref<1x1x16x128xf32, #tpu.memory_space<vmem>>
      %dma_start3A_1358 = tpu.memref_squeeze %dma_start3A_1357 : memref<1x1x16x128xf32, #tpu.memory_space<vmem>> -> memref<16x128xf32, #tpu.memory_space<vmem>>
      %dma_start3A_1359 = arith.constant 0 : i32
      %dma_start3A_1360 = tpu.memref_slice %arg3[%dma_start3A_1359, %multiple_of3A_1346] : memref<16x1000000xf32, #tpu.memory_space<hbm>> -> memref<16x128xf32, #tpu.memory_space<hbm>>
      tpu.enqueue_dma source(%dma_start3A_1360 : memref<16x128xf32, #tpu.memory_space<hbm>>) target(%dma_start3A_1358 : memref<16x128xf32, #tpu.memory_space<vmem>>) target_semaphore(%arg8 : memref<!tpu.dma_semaphore, #tpu.memory_space<semaphore_mem>>)
      %slice3A_1361 = vector.extract_strided_slice %get3A_1192 {offsets = [8], sizes = [1], strides = [1]} : vector<16xi32> to vector<1xi32>
      %squeeze3A_1362 = vector.extract %slice3A_1361[0] : i32 from vector<1xi32>
      %shift_right_arithmetic3A_1363 = arith.constant 7 : i32
      %shift_right_arithmetic3A_1364 = arith.shrsi %squeeze3A_1362, %shift_right_arithmetic3A_1363 : i32
      %shift_left3A_1365 = arith.constant 7 : i32
      %shift_left3A_1366 = arith.shli %shift_right_arithmetic3A_1364, %shift_left3A_1365 : i32
      %multiple_of3A_1367 = tpu.assume_multiple %shift_left3A_1366, 128 : i32
      %dma_start3A_1368 = arith.constant 0 : i32
      %dma_start3A_1369 = arith.constant 8 : i32
      %dma_start3A_1370 = arith.constant 0 : i32
      %dma_start3A_1371 = arith.constant 0 : i32
      %dma_start3A_1372 = tpu.memref_slice %arg6[%dma_start3A_1368, %dma_start3A_1369, %dma_start3A_1370, %dma_start3A_1371] : memref<2x16x16x128xf32, #tpu.memory_space<vmem>> -> memref<1x1x16x128xf32, #tpu.memory_space<vmem>>
      %dma_start3A_1373 = tpu.memref_squeeze %dma_start3A_1372 : memref<1x1x16x128xf32, #tpu.memory_space<vmem>> -> memref<16x128xf32, #tpu.memory_space<vmem>>
      %dma_start3A_1374 = arith.constant 0 : i32
      %dma_start3A_1375 = tpu.memref_slice %arg3[%dma_start3A_1374, %multiple_of3A_1367] : memref<16x1000000xf32, #tpu.memory_space<hbm>> -> memref<16x128xf32, #tpu.memory_space<hbm>>
      %dma_start3A_1376 = arith.constant 0 : i32
      %dma_start3A_1377 = arith.constant 0 : i32
      %dma_start3A_1378 = tpu.memref_slice %arg6[%dma_start3A_1368, %dma_start3A_1369, %dma_start3A_1376, %dma_start3A_1377] : memref<2x16x16x128xf32, #tpu.memory_space<vmem>> -> memref<1x1x16x128xf32, #tpu.memory_space<vmem>>
      %dma_start3A_1379 = tpu.memref_squeeze %dma_start3A_1378 : memref<1x1x16x128xf32, #tpu.memory_space<vmem>> -> memref<16x128xf32, #tpu.memory_space<vmem>>
      %dma_start3A_1380 = arith.constant 0 : i32
      %dma_start3A_1381 = tpu.memref_slice %arg3[%dma_start3A_1380, %multiple_of3A_1367] : memref<16x1000000xf32, #tpu.memory_space<hbm>> -> memref<16x128xf32, #tpu.memory_space<hbm>>
      tpu.enqueue_dma source(%dma_start3A_1381 : memref<16x128xf32, #tpu.memory_space<hbm>>) target(%dma_start3A_1379 : memref<16x128xf32, #tpu.memory_space<vmem>>) target_semaphore(%arg8 : memref<!tpu.dma_semaphore, #tpu.memory_space<semaphore_mem>>)
      %slice3A_1382 = vector.extract_strided_slice %get3A_1192 {offsets = [9], sizes = [1], strides = [1]} : vector<16xi32> to vector<1xi32>
      %squeeze3A_1383 = vector.extract %slice3A_1382[0] : i32 from vector<1xi32>
      %shift_right_arithmetic3A_1384 = arith.constant 7 : i32
      %shift_right_arithmetic3A_1385 = arith.shrsi %squeeze3A_1383, %shift_right_arithmetic3A_1384 : i32
      %shift_left3A_1386 = arith.constant 7 : i32
      %shift_left3A_1387 = arith.shli %shift_right_arithmetic3A_1385, %shift_left3A_1386 : i32
      %multiple_of3A_1388 = tpu.assume_multiple %shift_left3A_1387, 128 : i32
      %dma_start3A_1389 = arith.constant 0 : i32
      %dma_start3A_1390 = arith.constant 9 : i32
      %dma_start3A_1391 = arith.constant 0 : i32
      %dma_start3A_1392 = arith.constant 0 : i32
      %dma_start3A_1393 = tpu.memref_slice %arg6[%dma_start3A_1389, %dma_start3A_1390, %dma_start3A_1391, %dma_start3A_1392] : memref<2x16x16x128xf32, #tpu.memory_space<vmem>> -> memref<1x1x16x128xf32, #tpu.memory_space<vmem>>
      %dma_start3A_1394 = tpu.memref_squeeze %dma_start3A_1393 : memref<1x1x16x128xf32, #tpu.memory_space<vmem>> -> memref<16x128xf32, #tpu.memory_space<vmem>>
      %dma_start3A_1395 = arith.constant 0 : i32
      %dma_start3A_1396 = tpu.memref_slice %arg3[%dma_start3A_1395, %multiple_of3A_1388] : memref<16x1000000xf32, #tpu.memory_space<hbm>> -> memref<16x128xf32, #tpu.memory_space<hbm>>
      %dma_start3A_1397 = arith.constant 0 : i32
      %dma_start3A_1398 = arith.constant 0 : i32
      %dma_start3A_1399 = tpu.memref_slice %arg6[%dma_start3A_1389, %dma_start3A_1390, %dma_start3A_1397, %dma_start3A_1398] : memref<2x16x16x128xf32, #tpu.memory_space<vmem>> -> memref<1x1x16x128xf32, #tpu.memory_space<vmem>>
      %dma_start3A_1400 = tpu.memref_squeeze %dma_start3A_1399 : memref<1x1x16x128xf32, #tpu.memory_space<vmem>> -> memref<16x128xf32, #tpu.memory_space<vmem>>
      %dma_start3A_1401 = arith.constant 0 : i32
      %dma_start3A_1402 = tpu.memref_slice %arg3[%dma_start3A_1401, %multiple_of3A_1388] : memref<16x1000000xf32, #tpu.memory_space<hbm>> -> memref<16x128xf32, #tpu.memory_space<hbm>>
      tpu.enqueue_dma source(%dma_start3A_1402 : memref<16x128xf32, #tpu.memory_space<hbm>>) target(%dma_start3A_1400 : memref<16x128xf32, #tpu.memory_space<vmem>>) target_semaphore(%arg8 : memref<!tpu.dma_semaphore, #tpu.memory_space<semaphore_mem>>)
      %slice3A_1403 = vector.extract_strided_slice %get3A_1192 {offsets = [10], sizes = [1], strides = [1]} : vector<16xi32> to vector<1xi32>
      %squeeze3A_1404 = vector.extract %slice3A_1403[0] : i32 from vector<1xi32>
      %shift_right_arithmetic3A_1405 = arith.constant 7 : i32
      %shift_right_arithmetic3A_1406 = arith.shrsi %squeeze3A_1404, %shift_right_arithmetic3A_1405 : i32
      %shift_left3A_1407 = arith.constant 7 : i32
      %shift_left3A_1408 = arith.shli %shift_right_arithmetic3A_1406, %shift_left3A_1407 : i32
      %multiple_of3A_1409 = tpu.assume_multiple %shift_left3A_1408, 128 : i32
      %dma_start3A_1410 = arith.constant 0 : i32
      %dma_start3A_1411 = arith.constant 10 : i32
      %dma_start3A_1412 = arith.constant 0 : i32
      %dma_start3A_1413 = arith.constant 0 : i32
      %dma_start3A_1414 = tpu.memref_slice %arg6[%dma_start3A_1410, %dma_start3A_1411, %dma_start3A_1412, %dma_start3A_1413] : memref<2x16x16x128xf32, #tpu.memory_space<vmem>> -> memref<1x1x16x128xf32, #tpu.memory_space<vmem>>
      %dma_start3A_1415 = tpu.memref_squeeze %dma_start3A_1414 : memref<1x1x16x128xf32, #tpu.memory_space<vmem>> -> memref<16x128xf32, #tpu.memory_space<vmem>>
      %dma_start3A_1416 = arith.constant 0 : i32
      %dma_start3A_1417 = tpu.memref_slice %arg3[%dma_start3A_1416, %multiple_of3A_1409] : memref<16x1000000xf32, #tpu.memory_space<hbm>> -> memref<16x128xf32, #tpu.memory_space<hbm>>
      %dma_start3A_1418 = arith.constant 0 : i32
      %dma_start3A_1419 = arith.constant 0 : i32
      %dma_start3A_1420 = tpu.memref_slice %arg6[%dma_start3A_1410, %dma_start3A_1411, %dma_start3A_1418, %dma_start3A_1419] : memref<2x16x16x128xf32, #tpu.memory_space<vmem>> -> memref<1x1x16x128xf32, #tpu.memory_space<vmem>>
      %dma_start3A_1421 = tpu.memref_squeeze %dma_start3A_1420 : memref<1x1x16x128xf32, #tpu.memory_space<vmem>> -> memref<16x128xf32, #tpu.memory_space<vmem>>
      %dma_start3A_1422 = arith.constant 0 : i32
      %dma_start3A_1423 = tpu.memref_slice %arg3[%dma_start3A_1422, %multiple_of3A_1409] : memref<16x1000000xf32, #tpu.memory_space<hbm>> -> memref<16x128xf32, #tpu.memory_space<hbm>>
      tpu.enqueue_dma source(%dma_start3A_1423 : memref<16x128xf32, #tpu.memory_space<hbm>>) target(%dma_start3A_1421 : memref<16x128xf32, #tpu.memory_space<vmem>>) target_semaphore(%arg8 : memref<!tpu.dma_semaphore, #tpu.memory_space<semaphore_mem>>)
      %slice3A_1424 = vector.extract_strided_slice %get3A_1192 {offsets = [11], sizes = [1], strides = [1]} : vector<16xi32> to vector<1xi32>
      %squeeze3A_1425 = vector.extract %slice3A_1424[0] : i32 from vector<1xi32>
      %shift_right_arithmetic3A_1426 = arith.constant 7 : i32
      %shift_right_arithmetic3A_1427 = arith.shrsi %squeeze3A_1425, %shift_right_arithmetic3A_1426 : i32
      %shift_left3A_1428 = arith.constant 7 : i32
      %shift_left3A_1429 = arith.shli %shift_right_arithmetic3A_1427, %shift_left3A_1428 : i32
      %multiple_of3A_1430 = tpu.assume_multiple %shift_left3A_1429, 128 : i32
      %dma_start3A_1431 = arith.constant 0 : i32
      %dma_start3A_1432 = arith.constant 11 : i32
      %dma_start3A_1433 = arith.constant 0 : i32
      %dma_start3A_1434 = arith.constant 0 : i32
      %dma_start3A_1435 = tpu.memref_slice %arg6[%dma_start3A_1431, %dma_start3A_1432, %dma_start3A_1433, %dma_start3A_1434] : memref<2x16x16x128xf32, #tpu.memory_space<vmem>> -> memref<1x1x16x128xf32, #tpu.memory_space<vmem>>
      %dma_start3A_1436 = tpu.memref_squeeze %dma_start3A_1435 : memref<1x1x16x128xf32, #tpu.memory_space<vmem>> -> memref<16x128xf32, #tpu.memory_space<vmem>>
      %dma_start3A_1437 = arith.constant 0 : i32
      %dma_start3A_1438 = tpu.memref_slice %arg3[%dma_start3A_1437, %multiple_of3A_1430] : memref<16x1000000xf32, #tpu.memory_space<hbm>> -> memref<16x128xf32, #tpu.memory_space<hbm>>
      %dma_start3A_1439 = arith.constant 0 : i32
      %dma_start3A_1440 = arith.constant 0 : i32
      %dma_start3A_1441 = tpu.memref_slice %arg6[%dma_start3A_1431, %dma_start3A_1432, %dma_start3A_1439, %dma_start3A_1440] : memref<2x16x16x128xf32, #tpu.memory_space<vmem>> -> memref<1x1x16x128xf32, #tpu.memory_space<vmem>>
      %dma_start3A_1442 = tpu.memref_squeeze %dma_start3A_1441 : memref<1x1x16x128xf32, #tpu.memory_space<vmem>> -> memref<16x128xf32, #tpu.memory_space<vmem>>
      %dma_start3A_1443 = arith.constant 0 : i32
      %dma_start3A_1444 = tpu.memref_slice %arg3[%dma_start3A_1443, %multiple_of3A_1430] : memref<16x1000000xf32, #tpu.memory_space<hbm>> -> memref<16x128xf32, #tpu.memory_space<hbm>>
      tpu.enqueue_dma source(%dma_start3A_1444 : memref<16x128xf32, #tpu.memory_space<hbm>>) target(%dma_start3A_1442 : memref<16x128xf32, #tpu.memory_space<vmem>>) target_semaphore(%arg8 : memref<!tpu.dma_semaphore, #tpu.memory_space<semaphore_mem>>)
      %slice3A_1445 = vector.extract_strided_slice %get3A_1192 {offsets = [12], sizes = [1], strides = [1]} : vector<16xi32> to vector<1xi32>
      %squeeze3A_1446 = vector.extract %slice3A_1445[0] : i32 from vector<1xi32>
      %shift_right_arithmetic3A_1447 = arith.constant 7 : i32
      %shift_right_arithmetic3A_1448 = arith.shrsi %squeeze3A_1446, %shift_right_arithmetic3A_1447 : i32
      %shift_left3A_1449 = arith.constant 7 : i32
      %shift_left3A_1450 = arith.shli %shift_right_arithmetic3A_1448, %shift_left3A_1449 : i32
      %multiple_of3A_1451 = tpu.assume_multiple %shift_left3A_1450, 128 : i32
      %dma_start3A_1452 = arith.constant 0 : i32
      %dma_start3A_1453 = arith.constant 12 : i32
      %dma_start3A_1454 = arith.constant 0 : i32
      %dma_start3A_1455 = arith.constant 0 : i32
      %dma_start3A_1456 = tpu.memref_slice %arg6[%dma_start3A_1452, %dma_start3A_1453, %dma_start3A_1454, %dma_start3A_1455] : memref<2x16x16x128xf32, #tpu.memory_space<vmem>> -> memref<1x1x16x128xf32, #tpu.memory_space<vmem>>
      %dma_start3A_1457 = tpu.memref_squeeze %dma_start3A_1456 : memref<1x1x16x128xf32, #tpu.memory_space<vmem>> -> memref<16x128xf32, #tpu.memory_space<vmem>>
      %dma_start3A_1458 = arith.constant 0 : i32
      %dma_start3A_1459 = tpu.memref_slice %arg3[%dma_start3A_1458, %multiple_of3A_1451] : memref<16x1000000xf32, #tpu.memory_space<hbm>> -> memref<16x128xf32, #tpu.memory_space<hbm>>
      %dma_start3A_1460 = arith.constant 0 : i32
      %dma_start3A_1461 = arith.constant 0 : i32
      %dma_start3A_1462 = tpu.memref_slice %arg6[%dma_start3A_1452, %dma_start3A_1453, %dma_start3A_1460, %dma_start3A_1461] : memref<2x16x16x128xf32, #tpu.memory_space<vmem>> -> memref<1x1x16x128xf32, #tpu.memory_space<vmem>>
      %dma_start3A_1463 = tpu.memref_squeeze %dma_start3A_1462 : memref<1x1x16x128xf32, #tpu.memory_space<vmem>> -> memref<16x128xf32, #tpu.memory_space<vmem>>
      %dma_start3A_1464 = arith.constant 0 : i32
      %dma_start3A_1465 = tpu.memref_slice %arg3[%dma_start3A_1464, %multiple_of3A_1451] : memref<16x1000000xf32, #tpu.memory_space<hbm>> -> memref<16x128xf32, #tpu.memory_space<hbm>>
      tpu.enqueue_dma source(%dma_start3A_1465 : memref<16x128xf32, #tpu.memory_space<hbm>>) target(%dma_start3A_1463 : memref<16x128xf32, #tpu.memory_space<vmem>>) target_semaphore(%arg8 : memref<!tpu.dma_semaphore, #tpu.memory_space<semaphore_mem>>)
      %slice3A_1466 = vector.extract_strided_slice %get3A_1192 {offsets = [13], sizes = [1], strides = [1]} : vector<16xi32> to vector<1xi32>
      %squeeze3A_1467 = vector.extract %slice3A_1466[0] : i32 from vector<1xi32>
      %shift_right_arithmetic3A_1468 = arith.constant 7 : i32
      %shift_right_arithmetic3A_1469 = arith.shrsi %squeeze3A_1467, %shift_right_arithmetic3A_1468 : i32
      %shift_left3A_1470 = arith.constant 7 : i32
      %shift_left3A_1471 = arith.shli %shift_right_arithmetic3A_1469, %shift_left3A_1470 : i32
      %multiple_of3A_1472 = tpu.assume_multiple %shift_left3A_1471, 128 : i32
      %dma_start3A_1473 = arith.constant 0 : i32
      %dma_start3A_1474 = arith.constant 13 : i32
      %dma_start3A_1475 = arith.constant 0 : i32
      %dma_start3A_1476 = arith.constant 0 : i32
      %dma_start3A_1477 = tpu.memref_slice %arg6[%dma_start3A_1473, %dma_start3A_1474, %dma_start3A_1475, %dma_start3A_1476] : memref<2x16x16x128xf32, #tpu.memory_space<vmem>> -> memref<1x1x16x128xf32, #tpu.memory_space<vmem>>
      %dma_start3A_1478 = tpu.memref_squeeze %dma_start3A_1477 : memref<1x1x16x128xf32, #tpu.memory_space<vmem>> -> memref<16x128xf32, #tpu.memory_space<vmem>>
      %dma_start3A_1479 = arith.constant 0 : i32
      %dma_start3A_1480 = tpu.memref_slice %arg3[%dma_start3A_1479, %multiple_of3A_1472] : memref<16x1000000xf32, #tpu.memory_space<hbm>> -> memref<16x128xf32, #tpu.memory_space<hbm>>
      %dma_start3A_1481 = arith.constant 0 : i32
      %dma_start3A_1482 = arith.constant 0 : i32
      %dma_start3A_1483 = tpu.memref_slice %arg6[%dma_start3A_1473, %dma_start3A_1474, %dma_start3A_1481, %dma_start3A_1482] : memref<2x16x16x128xf32, #tpu.memory_space<vmem>> -> memref<1x1x16x128xf32, #tpu.memory_space<vmem>>
      %dma_start3A_1484 = tpu.memref_squeeze %dma_start3A_1483 : memref<1x1x16x128xf32, #tpu.memory_space<vmem>> -> memref<16x128xf32, #tpu.memory_space<vmem>>
      %dma_start3A_1485 = arith.constant 0 : i32
      %dma_start3A_1486 = tpu.memref_slice %arg3[%dma_start3A_1485, %multiple_of3A_1472] : memref<16x1000000xf32, #tpu.memory_space<hbm>> -> memref<16x128xf32, #tpu.memory_space<hbm>>
      tpu.enqueue_dma source(%dma_start3A_1486 : memref<16x128xf32, #tpu.memory_space<hbm>>) target(%dma_start3A_1484 : memref<16x128xf32, #tpu.memory_space<vmem>>) target_semaphore(%arg8 : memref<!tpu.dma_semaphore, #tpu.memory_space<semaphore_mem>>)
      %slice3A_1487 = vector.extract_strided_slice %get3A_1192 {offsets = [14], sizes = [1], strides = [1]} : vector<16xi32> to vector<1xi32>
      %squeeze3A_1488 = vector.extract %slice3A_1487[0] : i32 from vector<1xi32>
      %shift_right_arithmetic3A_1489 = arith.constant 7 : i32
      %shift_right_arithmetic3A_1490 = arith.shrsi %squeeze3A_1488, %shift_right_arithmetic3A_1489 : i32
      %shift_left3A_1491 = arith.constant 7 : i32
      %shift_left3A_1492 = arith.shli %shift_right_arithmetic3A_1490, %shift_left3A_1491 : i32
      %multiple_of3A_1493 = tpu.assume_multiple %shift_left3A_1492, 128 : i32
      %dma_start3A_1494 = arith.constant 0 : i32
      %dma_start3A_1495 = arith.constant 14 : i32
      %dma_start3A_1496 = arith.constant 0 : i32
      %dma_start3A_1497 = arith.constant 0 : i32
      %dma_start3A_1498 = tpu.memref_slice %arg6[%dma_start3A_1494, %dma_start3A_1495, %dma_start3A_1496, %dma_start3A_1497] : memref<2x16x16x128xf32, #tpu.memory_space<vmem>> -> memref<1x1x16x128xf32, #tpu.memory_space<vmem>>
      %dma_start3A_1499 = tpu.memref_squeeze %dma_start3A_1498 : memref<1x1x16x128xf32, #tpu.memory_space<vmem>> -> memref<16x128xf32, #tpu.memory_space<vmem>>
      %dma_start3A_1500 = arith.constant 0 : i32
      %dma_start3A_1501 = tpu.memref_slice %arg3[%dma_start3A_1500, %multiple_of3A_1493] : memref<16x1000000xf32, #tpu.memory_space<hbm>> -> memref<16x128xf32, #tpu.memory_space<hbm>>
      %dma_start3A_1502 = arith.constant 0 : i32
      %dma_start3A_1503 = arith.constant 0 : i32
      %dma_start3A_1504 = tpu.memref_slice %arg6[%dma_start3A_1494, %dma_start3A_1495, %dma_start3A_1502, %dma_start3A_1503] : memref<2x16x16x128xf32, #tpu.memory_space<vmem>> -> memref<1x1x16x128xf32, #tpu.memory_space<vmem>>
      %dma_start3A_1505 = tpu.memref_squeeze %dma_start3A_1504 : memref<1x1x16x128xf32, #tpu.memory_space<vmem>> -> memref<16x128xf32, #tpu.memory_space<vmem>>
      %dma_start3A_1506 = arith.constant 0 : i32
      %dma_start3A_1507 = tpu.memref_slice %arg3[%dma_start3A_1506, %multiple_of3A_1493] : memref<16x1000000xf32, #tpu.memory_space<hbm>> -> memref<16x128xf32, #tpu.memory_space<hbm>>
      tpu.enqueue_dma source(%dma_start3A_1507 : memref<16x128xf32, #tpu.memory_space<hbm>>) target(%dma_start3A_1505 : memref<16x128xf32, #tpu.memory_space<vmem>>) target_semaphore(%arg8 : memref<!tpu.dma_semaphore, #tpu.memory_space<semaphore_mem>>)
      %slice3A_1508 = vector.extract_strided_slice %get3A_1192 {offsets = [15], sizes = [1], strides = [1]} : vector<16xi32> to vector<1xi32>
      %squeeze3A_1509 = vector.extract %slice3A_1508[0] : i32 from vector<1xi32>
      %shift_right_arithmetic3A_1510 = arith.constant 7 : i32
      %shift_right_arithmetic3A_1511 = arith.shrsi %squeeze3A_1509, %shift_right_arithmetic3A_1510 : i32
      %shift_left3A_1512 = arith.constant 7 : i32
      %shift_left3A_1513 = arith.shli %shift_right_arithmetic3A_1511, %shift_left3A_1512 : i32
      %multiple_of3A_1514 = tpu.assume_multiple %shift_left3A_1513, 128 : i32
      %dma_start3A_1515 = arith.constant 0 : i32
      %dma_start3A_1516 = arith.constant 15 : i32
      %dma_start3A_1517 = arith.constant 0 : i32
      %dma_start3A_1518 = arith.constant 0 : i32
      %dma_start3A_1519 = tpu.memref_slice %arg6[%dma_start3A_1515, %dma_start3A_1516, %dma_start3A_1517, %dma_start3A_1518] : memref<2x16x16x128xf32, #tpu.memory_space<vmem>> -> memref<1x1x16x128xf32, #tpu.memory_space<vmem>>
      %dma_start3A_1520 = tpu.memref_squeeze %dma_start3A_1519 : memref<1x1x16x128xf32, #tpu.memory_space<vmem>> -> memref<16x128xf32, #tpu.memory_space<vmem>>
      %dma_start3A_1521 = arith.constant 0 : i32
      %dma_start3A_1522 = tpu.memref_slice %arg3[%dma_start3A_1521, %multiple_of3A_1514] : memref<16x1000000xf32, #tpu.memory_space<hbm>> -> memref<16x128xf32, #tpu.memory_space<hbm>>
      %dma_start3A_1523 = arith.constant 0 : i32
      %dma_start3A_1524 = arith.constant 0 : i32
      %dma_start3A_1525 = tpu.memref_slice %arg6[%dma_start3A_1515, %dma_start3A_1516, %dma_start3A_1523, %dma_start3A_1524] : memref<2x16x16x128xf32, #tpu.memory_space<vmem>> -> memref<1x1x16x128xf32, #tpu.memory_space<vmem>>
      %dma_start3A_1526 = tpu.memref_squeeze %dma_start3A_1525 : memref<1x1x16x128xf32, #tpu.memory_space<vmem>> -> memref<16x128xf32, #tpu.memory_space<vmem>>
      %dma_start3A_1527 = arith.constant 0 : i32
      %dma_start3A_1528 = tpu.memref_slice %arg3[%dma_start3A_1527, %multiple_of3A_1514] : memref<16x1000000xf32, #tpu.memory_space<hbm>> -> memref<16x128xf32, #tpu.memory_space<hbm>>
      tpu.enqueue_dma source(%dma_start3A_1528 : memref<16x128xf32, #tpu.memory_space<hbm>>) target(%dma_start3A_1526 : memref<16x128xf32, #tpu.memory_space<vmem>>) target_semaphore(%arg8 : memref<!tpu.dma_semaphore, #tpu.memory_space<semaphore_mem>>)
      %add3A_1529 = arith.constant 1 : i32
      %add3A_1530 = arith.addi %mul3A_10, %add3A_1529 : i32
      %dma_wait3A_1531 = arith.constant 1 : i32
      %dma_wait3A_1532 = arith.constant 0 : i32
      %dma_wait3A_1533 = arith.constant 0 : i32
      %dma_wait3A_1534 = arith.constant 0 : i32
      %dma_wait3A_1535 = tpu.memref_slice %arg6[%dma_wait3A_1531, %dma_wait3A_1532, %dma_wait3A_1533, %dma_wait3A_1534] : memref<2x16x16x128xf32, #tpu.memory_space<vmem>> -> memref<1x1x16x128xf32, #tpu.memory_space<vmem>>
      %dma_wait3A_1536 = tpu.memref_squeeze %dma_wait3A_1535 : memref<1x1x16x128xf32, #tpu.memory_space<vmem>> -> memref<16x128xf32, #tpu.memory_space<vmem>>
      %dma_wait3A_1537 = arith.constant 0 : i32
      %dma_wait3A_1538 = tpu.memref_slice %arg3[%dma_wait3A_1537, %multiple_of3A_360] : memref<16x1000000xf32, #tpu.memory_space<hbm>> -> memref<16x128xf32, #tpu.memory_space<hbm>>
      %dma_wait3A_1539 = arith.constant 0 : i32
      %dma_wait3A_1540 = arith.constant 0 : i32
      %dma_wait3A_1541 = tpu.memref_slice %arg6[%dma_wait3A_1531, %dma_wait3A_1532, %dma_wait3A_1539, %dma_wait3A_1540] : memref<2x16x16x128xf32, #tpu.memory_space<vmem>> -> memref<1x1x16x128xf32, #tpu.memory_space<vmem>>
      %dma_wait3A_1542 = tpu.memref_squeeze %dma_wait3A_1541 : memref<1x1x16x128xf32, #tpu.memory_space<vmem>> -> memref<16x128xf32, #tpu.memory_space<vmem>>
      %dma_wait3A_1543 = arith.constant 0 : i32
      %dma_wait3A_1544 = tpu.memref_slice %arg3[%dma_wait3A_1543, %multiple_of3A_360] : memref<16x1000000xf32, #tpu.memory_space<hbm>> -> memref<16x128xf32, #tpu.memory_space<hbm>>
      tpu.wait_dma2 semaphore(%arg9 : memref<!tpu.dma_semaphore, #tpu.memory_space<semaphore_mem>>) src(%dma_wait3A_1544 : memref<16x128xf32, #tpu.memory_space<hbm>>) dst(%dma_wait3A_1542 : memref<16x128xf32, #tpu.memory_space<vmem>>)
      %dma_wait3A_1545 = arith.constant 1 : i32
      %dma_wait3A_1546 = arith.constant 1 : i32
      %dma_wait3A_1547 = arith.constant 0 : i32
      %dma_wait3A_1548 = arith.constant 0 : i32
      %dma_wait3A_1549 = tpu.memref_slice %arg6[%dma_wait3A_1545, %dma_wait3A_1546, %dma_wait3A_1547, %dma_wait3A_1548] : memref<2x16x16x128xf32, #tpu.memory_space<vmem>> -> memref<1x1x16x128xf32, #tpu.memory_space<vmem>>
      %dma_wait3A_1550 = tpu.memref_squeeze %dma_wait3A_1549 : memref<1x1x16x128xf32, #tpu.memory_space<vmem>> -> memref<16x128xf32, #tpu.memory_space<vmem>>
      %dma_wait3A_1551 = arith.constant 0 : i32
      %dma_wait3A_1552 = tpu.memref_slice %arg3[%dma_wait3A_1551, %multiple_of3A_381] : memref<16x1000000xf32, #tpu.memory_space<hbm>> -> memref<16x128xf32, #tpu.memory_space<hbm>>
      %dma_wait3A_1553 = arith.constant 0 : i32
      %dma_wait3A_1554 = arith.constant 0 : i32
      %dma_wait3A_1555 = tpu.memref_slice %arg6[%dma_wait3A_1545, %dma_wait3A_1546, %dma_wait3A_1553, %dma_wait3A_1554] : memref<2x16x16x128xf32, #tpu.memory_space<vmem>> -> memref<1x1x16x128xf32, #tpu.memory_space<vmem>>
      %dma_wait3A_1556 = tpu.memref_squeeze %dma_wait3A_1555 : memref<1x1x16x128xf32, #tpu.memory_space<vmem>> -> memref<16x128xf32, #tpu.memory_space<vmem>>
      %dma_wait3A_1557 = arith.constant 0 : i32
      %dma_wait3A_1558 = tpu.memref_slice %arg3[%dma_wait3A_1557, %multiple_of3A_381] : memref<16x1000000xf32, #tpu.memory_space<hbm>> -> memref<16x128xf32, #tpu.memory_space<hbm>>
      tpu.wait_dma2 semaphore(%arg9 : memref<!tpu.dma_semaphore, #tpu.memory_space<semaphore_mem>>) src(%dma_wait3A_1558 : memref<16x128xf32, #tpu.memory_space<hbm>>) dst(%dma_wait3A_1556 : memref<16x128xf32, #tpu.memory_space<vmem>>)
      %dma_wait3A_1559 = arith.constant 1 : i32
      %dma_wait3A_1560 = arith.constant 2 : i32
      %dma_wait3A_1561 = arith.constant 0 : i32
      %dma_wait3A_1562 = arith.constant 0 : i32
      %dma_wait3A_1563 = tpu.memref_slice %arg6[%dma_wait3A_1559, %dma_wait3A_1560, %dma_wait3A_1561, %dma_wait3A_1562] : memref<2x16x16x128xf32, #tpu.memory_space<vmem>> -> memref<1x1x16x128xf32, #tpu.memory_space<vmem>>
      %dma_wait3A_1564 = tpu.memref_squeeze %dma_wait3A_1563 : memref<1x1x16x128xf32, #tpu.memory_space<vmem>> -> memref<16x128xf32, #tpu.memory_space<vmem>>
      %dma_wait3A_1565 = arith.constant 0 : i32
      %dma_wait3A_1566 = tpu.memref_slice %arg3[%dma_wait3A_1565, %multiple_of3A_402] : memref<16x1000000xf32, #tpu.memory_space<hbm>> -> memref<16x128xf32, #tpu.memory_space<hbm>>
      %dma_wait3A_1567 = arith.constant 0 : i32
      %dma_wait3A_1568 = arith.constant 0 : i32
      %dma_wait3A_1569 = tpu.memref_slice %arg6[%dma_wait3A_1559, %dma_wait3A_1560, %dma_wait3A_1567, %dma_wait3A_1568] : memref<2x16x16x128xf32, #tpu.memory_space<vmem>> -> memref<1x1x16x128xf32, #tpu.memory_space<vmem>>
      %dma_wait3A_1570 = tpu.memref_squeeze %dma_wait3A_1569 : memref<1x1x16x128xf32, #tpu.memory_space<vmem>> -> memref<16x128xf32, #tpu.memory_space<vmem>>
      %dma_wait3A_1571 = arith.constant 0 : i32
      %dma_wait3A_1572 = tpu.memref_slice %arg3[%dma_wait3A_1571, %multiple_of3A_402] : memref<16x1000000xf32, #tpu.memory_space<hbm>> -> memref<16x128xf32, #tpu.memory_space<hbm>>
      tpu.wait_dma2 semaphore(%arg9 : memref<!tpu.dma_semaphore, #tpu.memory_space<semaphore_mem>>) src(%dma_wait3A_1572 : memref<16x128xf32, #tpu.memory_space<hbm>>) dst(%dma_wait3A_1570 : memref<16x128xf32, #tpu.memory_space<vmem>>)
      %dma_wait3A_1573 = arith.constant 1 : i32
      %dma_wait3A_1574 = arith.constant 3 : i32
      %dma_wait3A_1575 = arith.constant 0 : i32
      %dma_wait3A_1576 = arith.constant 0 : i32
      %dma_wait3A_1577 = tpu.memref_slice %arg6[%dma_wait3A_1573, %dma_wait3A_1574, %dma_wait3A_1575, %dma_wait3A_1576] : memref<2x16x16x128xf32, #tpu.memory_space<vmem>> -> memref<1x1x16x128xf32, #tpu.memory_space<vmem>>
      %dma_wait3A_1578 = tpu.memref_squeeze %dma_wait3A_1577 : memref<1x1x16x128xf32, #tpu.memory_space<vmem>> -> memref<16x128xf32, #tpu.memory_space<vmem>>
      %dma_wait3A_1579 = arith.constant 0 : i32
      %dma_wait3A_1580 = tpu.memref_slice %arg3[%dma_wait3A_1579, %multiple_of3A_423] : memref<16x1000000xf32, #tpu.memory_space<hbm>> -> memref<16x128xf32, #tpu.memory_space<hbm>>
      %dma_wait3A_1581 = arith.constant 0 : i32
      %dma_wait3A_1582 = arith.constant 0 : i32
      %dma_wait3A_1583 = tpu.memref_slice %arg6[%dma_wait3A_1573, %dma_wait3A_1574, %dma_wait3A_1581, %dma_wait3A_1582] : memref<2x16x16x128xf32, #tpu.memory_space<vmem>> -> memref<1x1x16x128xf32, #tpu.memory_space<vmem>>
      %dma_wait3A_1584 = tpu.memref_squeeze %dma_wait3A_1583 : memref<1x1x16x128xf32, #tpu.memory_space<vmem>> -> memref<16x128xf32, #tpu.memory_space<vmem>>
      %dma_wait3A_1585 = arith.constant 0 : i32
      %dma_wait3A_1586 = tpu.memref_slice %arg3[%dma_wait3A_1585, %multiple_of3A_423] : memref<16x1000000xf32, #tpu.memory_space<hbm>> -> memref<16x128xf32, #tpu.memory_space<hbm>>
      tpu.wait_dma2 semaphore(%arg9 : memref<!tpu.dma_semaphore, #tpu.memory_space<semaphore_mem>>) src(%dma_wait3A_1586 : memref<16x128xf32, #tpu.memory_space<hbm>>) dst(%dma_wait3A_1584 : memref<16x128xf32, #tpu.memory_space<vmem>>)
      %dma_wait3A_1587 = arith.constant 1 : i32
      %dma_wait3A_1588 = arith.constant 4 : i32
      %dma_wait3A_1589 = arith.constant 0 : i32
      %dma_wait3A_1590 = arith.constant 0 : i32
      %dma_wait3A_1591 = tpu.memref_slice %arg6[%dma_wait3A_1587, %dma_wait3A_1588, %dma_wait3A_1589, %dma_wait3A_1590] : memref<2x16x16x128xf32, #tpu.memory_space<vmem>> -> memref<1x1x16x128xf32, #tpu.memory_space<vmem>>
      %dma_wait3A_1592 = tpu.memref_squeeze %dma_wait3A_1591 : memref<1x1x16x128xf32, #tpu.memory_space<vmem>> -> memref<16x128xf32, #tpu.memory_space<vmem>>
      %dma_wait3A_1593 = arith.constant 0 : i32
      %dma_wait3A_1594 = tpu.memref_slice %arg3[%dma_wait3A_1593, %multiple_of3A_444] : memref<16x1000000xf32, #tpu.memory_space<hbm>> -> memref<16x128xf32, #tpu.memory_space<hbm>>
      %dma_wait3A_1595 = arith.constant 0 : i32
      %dma_wait3A_1596 = arith.constant 0 : i32
      %dma_wait3A_1597 = tpu.memref_slice %arg6[%dma_wait3A_1587, %dma_wait3A_1588, %dma_wait3A_1595, %dma_wait3A_1596] : memref<2x16x16x128xf32, #tpu.memory_space<vmem>> -> memref<1x1x16x128xf32, #tpu.memory_space<vmem>>
      %dma_wait3A_1598 = tpu.memref_squeeze %dma_wait3A_1597 : memref<1x1x16x128xf32, #tpu.memory_space<vmem>> -> memref<16x128xf32, #tpu.memory_space<vmem>>
      %dma_wait3A_1599 = arith.constant 0 : i32
      %dma_wait3A_1600 = tpu.memref_slice %arg3[%dma_wait3A_1599, %multiple_of3A_444] : memref<16x1000000xf32, #tpu.memory_space<hbm>> -> memref<16x128xf32, #tpu.memory_space<hbm>>
      tpu.wait_dma2 semaphore(%arg9 : memref<!tpu.dma_semaphore, #tpu.memory_space<semaphore_mem>>) src(%dma_wait3A_1600 : memref<16x128xf32, #tpu.memory_space<hbm>>) dst(%dma_wait3A_1598 : memref<16x128xf32, #tpu.memory_space<vmem>>)
      %dma_wait3A_1601 = arith.constant 1 : i32
      %dma_wait3A_1602 = arith.constant 5 : i32
      %dma_wait3A_1603 = arith.constant 0 : i32
      %dma_wait3A_1604 = arith.constant 0 : i32
      %dma_wait3A_1605 = tpu.memref_slice %arg6[%dma_wait3A_1601, %dma_wait3A_1602, %dma_wait3A_1603, %dma_wait3A_1604] : memref<2x16x16x128xf32, #tpu.memory_space<vmem>> -> memref<1x1x16x128xf32, #tpu.memory_space<vmem>>
      %dma_wait3A_1606 = tpu.memref_squeeze %dma_wait3A_1605 : memref<1x1x16x128xf32, #tpu.memory_space<vmem>> -> memref<16x128xf32, #tpu.memory_space<vmem>>
      %dma_wait3A_1607 = arith.constant 0 : i32
      %dma_wait3A_1608 = tpu.memref_slice %arg3[%dma_wait3A_1607, %multiple_of3A_465] : memref<16x1000000xf32, #tpu.memory_space<hbm>> -> memref<16x128xf32, #tpu.memory_space<hbm>>
      %dma_wait3A_1609 = arith.constant 0 : i32
      %dma_wait3A_1610 = arith.constant 0 : i32
      %dma_wait3A_1611 = tpu.memref_slice %arg6[%dma_wait3A_1601, %dma_wait3A_1602, %dma_wait3A_1609, %dma_wait3A_1610] : memref<2x16x16x128xf32, #tpu.memory_space<vmem>> -> memref<1x1x16x128xf32, #tpu.memory_space<vmem>>
      %dma_wait3A_1612 = tpu.memref_squeeze %dma_wait3A_1611 : memref<1x1x16x128xf32, #tpu.memory_space<vmem>> -> memref<16x128xf32, #tpu.memory_space<vmem>>
      %dma_wait3A_1613 = arith.constant 0 : i32
      %dma_wait3A_1614 = tpu.memref_slice %arg3[%dma_wait3A_1613, %multiple_of3A_465] : memref<16x1000000xf32, #tpu.memory_space<hbm>> -> memref<16x128xf32, #tpu.memory_space<hbm>>
      tpu.wait_dma2 semaphore(%arg9 : memref<!tpu.dma_semaphore, #tpu.memory_space<semaphore_mem>>) src(%dma_wait3A_1614 : memref<16x128xf32, #tpu.memory_space<hbm>>) dst(%dma_wait3A_1612 : memref<16x128xf32, #tpu.memory_space<vmem>>)
      %dma_wait3A_1615 = arith.constant 1 : i32
      %dma_wait3A_1616 = arith.constant 6 : i32
      %dma_wait3A_1617 = arith.constant 0 : i32
      %dma_wait3A_1618 = arith.constant 0 : i32
      %dma_wait3A_1619 = tpu.memref_slice %arg6[%dma_wait3A_1615, %dma_wait3A_1616, %dma_wait3A_1617, %dma_wait3A_1618] : memref<2x16x16x128xf32, #tpu.memory_space<vmem>> -> memref<1x1x16x128xf32, #tpu.memory_space<vmem>>
      %dma_wait3A_1620 = tpu.memref_squeeze %dma_wait3A_1619 : memref<1x1x16x128xf32, #tpu.memory_space<vmem>> -> memref<16x128xf32, #tpu.memory_space<vmem>>
      %dma_wait3A_1621 = arith.constant 0 : i32
      %dma_wait3A_1622 = tpu.memref_slice %arg3[%dma_wait3A_1621, %multiple_of3A_486] : memref<16x1000000xf32, #tpu.memory_space<hbm>> -> memref<16x128xf32, #tpu.memory_space<hbm>>
      %dma_wait3A_1623 = arith.constant 0 : i32
      %dma_wait3A_1624 = arith.constant 0 : i32
      %dma_wait3A_1625 = tpu.memref_slice %arg6[%dma_wait3A_1615, %dma_wait3A_1616, %dma_wait3A_1623, %dma_wait3A_1624] : memref<2x16x16x128xf32, #tpu.memory_space<vmem>> -> memref<1x1x16x128xf32, #tpu.memory_space<vmem>>
      %dma_wait3A_1626 = tpu.memref_squeeze %dma_wait3A_1625 : memref<1x1x16x128xf32, #tpu.memory_space<vmem>> -> memref<16x128xf32, #tpu.memory_space<vmem>>
      %dma_wait3A_1627 = arith.constant 0 : i32
      %dma_wait3A_1628 = tpu.memref_slice %arg3[%dma_wait3A_1627, %multiple_of3A_486] : memref<16x1000000xf32, #tpu.memory_space<hbm>> -> memref<16x128xf32, #tpu.memory_space<hbm>>
      tpu.wait_dma2 semaphore(%arg9 : memref<!tpu.dma_semaphore, #tpu.memory_space<semaphore_mem>>) src(%dma_wait3A_1628 : memref<16x128xf32, #tpu.memory_space<hbm>>) dst(%dma_wait3A_1626 : memref<16x128xf32, #tpu.memory_space<vmem>>)
      %dma_wait3A_1629 = arith.constant 1 : i32
      %dma_wait3A_1630 = arith.constant 7 : i32
      %dma_wait3A_1631 = arith.constant 0 : i32
      %dma_wait3A_1632 = arith.constant 0 : i32
      %dma_wait3A_1633 = tpu.memref_slice %arg6[%dma_wait3A_1629, %dma_wait3A_1630, %dma_wait3A_1631, %dma_wait3A_1632] : memref<2x16x16x128xf32, #tpu.memory_space<vmem>> -> memref<1x1x16x128xf32, #tpu.memory_space<vmem>>
      %dma_wait3A_1634 = tpu.memref_squeeze %dma_wait3A_1633 : memref<1x1x16x128xf32, #tpu.memory_space<vmem>> -> memref<16x128xf32, #tpu.memory_space<vmem>>
      %dma_wait3A_1635 = arith.constant 0 : i32
      %dma_wait3A_1636 = tpu.memref_slice %arg3[%dma_wait3A_1635, %multiple_of3A_507] : memref<16x1000000xf32, #tpu.memory_space<hbm>> -> memref<16x128xf32, #tpu.memory_space<hbm>>
      %dma_wait3A_1637 = arith.constant 0 : i32
      %dma_wait3A_1638 = arith.constant 0 : i32
      %dma_wait3A_1639 = tpu.memref_slice %arg6[%dma_wait3A_1629, %dma_wait3A_1630, %dma_wait3A_1637, %dma_wait3A_1638] : memref<2x16x16x128xf32, #tpu.memory_space<vmem>> -> memref<1x1x16x128xf32, #tpu.memory_space<vmem>>
      %dma_wait3A_1640 = tpu.memref_squeeze %dma_wait3A_1639 : memref<1x1x16x128xf32, #tpu.memory_space<vmem>> -> memref<16x128xf32, #tpu.memory_space<vmem>>
      %dma_wait3A_1641 = arith.constant 0 : i32
      %dma_wait3A_1642 = tpu.memref_slice %arg3[%dma_wait3A_1641, %multiple_of3A_507] : memref<16x1000000xf32, #tpu.memory_space<hbm>> -> memref<16x128xf32, #tpu.memory_space<hbm>>
      tpu.wait_dma2 semaphore(%arg9 : memref<!tpu.dma_semaphore, #tpu.memory_space<semaphore_mem>>) src(%dma_wait3A_1642 : memref<16x128xf32, #tpu.memory_space<hbm>>) dst(%dma_wait3A_1640 : memref<16x128xf32, #tpu.memory_space<vmem>>)
      %dma_wait3A_1643 = arith.constant 1 : i32
      %dma_wait3A_1644 = arith.constant 8 : i32
      %dma_wait3A_1645 = arith.constant 0 : i32
      %dma_wait3A_1646 = arith.constant 0 : i32
      %dma_wait3A_1647 = tpu.memref_slice %arg6[%dma_wait3A_1643, %dma_wait3A_1644, %dma_wait3A_1645, %dma_wait3A_1646] : memref<2x16x16x128xf32, #tpu.memory_space<vmem>> -> memref<1x1x16x128xf32, #tpu.memory_space<vmem>>
      %dma_wait3A_1648 = tpu.memref_squeeze %dma_wait3A_1647 : memref<1x1x16x128xf32, #tpu.memory_space<vmem>> -> memref<16x128xf32, #tpu.memory_space<vmem>>
      %dma_wait3A_1649 = arith.constant 0 : i32
      %dma_wait3A_1650 = tpu.memref_slice %arg3[%dma_wait3A_1649, %multiple_of3A_528] : memref<16x1000000xf32, #tpu.memory_space<hbm>> -> memref<16x128xf32, #tpu.memory_space<hbm>>
      %dma_wait3A_1651 = arith.constant 0 : i32
      %dma_wait3A_1652 = arith.constant 0 : i32
      %dma_wait3A_1653 = tpu.memref_slice %arg6[%dma_wait3A_1643, %dma_wait3A_1644, %dma_wait3A_1651, %dma_wait3A_1652] : memref<2x16x16x128xf32, #tpu.memory_space<vmem>> -> memref<1x1x16x128xf32, #tpu.memory_space<vmem>>
      %dma_wait3A_1654 = tpu.memref_squeeze %dma_wait3A_1653 : memref<1x1x16x128xf32, #tpu.memory_space<vmem>> -> memref<16x128xf32, #tpu.memory_space<vmem>>
      %dma_wait3A_1655 = arith.constant 0 : i32
      %dma_wait3A_1656 = tpu.memref_slice %arg3[%dma_wait3A_1655, %multiple_of3A_528] : memref<16x1000000xf32, #tpu.memory_space<hbm>> -> memref<16x128xf32, #tpu.memory_space<hbm>>
      tpu.wait_dma2 semaphore(%arg9 : memref<!tpu.dma_semaphore, #tpu.memory_space<semaphore_mem>>) src(%dma_wait3A_1656 : memref<16x128xf32, #tpu.memory_space<hbm>>) dst(%dma_wait3A_1654 : memref<16x128xf32, #tpu.memory_space<vmem>>)
      %dma_wait3A_1657 = arith.constant 1 : i32
      %dma_wait3A_1658 = arith.constant 9 : i32
      %dma_wait3A_1659 = arith.constant 0 : i32
      %dma_wait3A_1660 = arith.constant 0 : i32
      %dma_wait3A_1661 = tpu.memref_slice %arg6[%dma_wait3A_1657, %dma_wait3A_1658, %dma_wait3A_1659, %dma_wait3A_1660] : memref<2x16x16x128xf32, #tpu.memory_space<vmem>> -> memref<1x1x16x128xf32, #tpu.memory_space<vmem>>
      %dma_wait3A_1662 = tpu.memref_squeeze %dma_wait3A_1661 : memref<1x1x16x128xf32, #tpu.memory_space<vmem>> -> memref<16x128xf32, #tpu.memory_space<vmem>>
      %dma_wait3A_1663 = arith.constant 0 : i32
      %dma_wait3A_1664 = tpu.memref_slice %arg3[%dma_wait3A_1663, %multiple_of3A_549] : memref<16x1000000xf32, #tpu.memory_space<hbm>> -> memref<16x128xf32, #tpu.memory_space<hbm>>
      %dma_wait3A_1665 = arith.constant 0 : i32
      %dma_wait3A_1666 = arith.constant 0 : i32
      %dma_wait3A_1667 = tpu.memref_slice %arg6[%dma_wait3A_1657, %dma_wait3A_1658, %dma_wait3A_1665, %dma_wait3A_1666] : memref<2x16x16x128xf32, #tpu.memory_space<vmem>> -> memref<1x1x16x128xf32, #tpu.memory_space<vmem>>
      %dma_wait3A_1668 = tpu.memref_squeeze %dma_wait3A_1667 : memref<1x1x16x128xf32, #tpu.memory_space<vmem>> -> memref<16x128xf32, #tpu.memory_space<vmem>>
      %dma_wait3A_1669 = arith.constant 0 : i32
      %dma_wait3A_1670 = tpu.memref_slice %arg3[%dma_wait3A_1669, %multiple_of3A_549] : memref<16x1000000xf32, #tpu.memory_space<hbm>> -> memref<16x128xf32, #tpu.memory_space<hbm>>
      tpu.wait_dma2 semaphore(%arg9 : memref<!tpu.dma_semaphore, #tpu.memory_space<semaphore_mem>>) src(%dma_wait3A_1670 : memref<16x128xf32, #tpu.memory_space<hbm>>) dst(%dma_wait3A_1668 : memref<16x128xf32, #tpu.memory_space<vmem>>)
      %dma_wait3A_1671 = arith.constant 1 : i32
      %dma_wait3A_1672 = arith.constant 10 : i32
      %dma_wait3A_1673 = arith.constant 0 : i32
      %dma_wait3A_1674 = arith.constant 0 : i32
      %dma_wait3A_1675 = tpu.memref_slice %arg6[%dma_wait3A_1671, %dma_wait3A_1672, %dma_wait3A_1673, %dma_wait3A_1674] : memref<2x16x16x128xf32, #tpu.memory_space<vmem>> -> memref<1x1x16x128xf32, #tpu.memory_space<vmem>>
      %dma_wait3A_1676 = tpu.memref_squeeze %dma_wait3A_1675 : memref<1x1x16x128xf32, #tpu.memory_space<vmem>> -> memref<16x128xf32, #tpu.memory_space<vmem>>
      %dma_wait3A_1677 = arith.constant 0 : i32
      %dma_wait3A_1678 = tpu.memref_slice %arg3[%dma_wait3A_1677, %multiple_of3A_570] : memref<16x1000000xf32, #tpu.memory_space<hbm>> -> memref<16x128xf32, #tpu.memory_space<hbm>>
      %dma_wait3A_1679 = arith.constant 0 : i32
      %dma_wait3A_1680 = arith.constant 0 : i32
      %dma_wait3A_1681 = tpu.memref_slice %arg6[%dma_wait3A_1671, %dma_wait3A_1672, %dma_wait3A_1679, %dma_wait3A_1680] : memref<2x16x16x128xf32, #tpu.memory_space<vmem>> -> memref<1x1x16x128xf32, #tpu.memory_space<vmem>>
      %dma_wait3A_1682 = tpu.memref_squeeze %dma_wait3A_1681 : memref<1x1x16x128xf32, #tpu.memory_space<vmem>> -> memref<16x128xf32, #tpu.memory_space<vmem>>
      %dma_wait3A_1683 = arith.constant 0 : i32
      %dma_wait3A_1684 = tpu.memref_slice %arg3[%dma_wait3A_1683, %multiple_of3A_570] : memref<16x1000000xf32, #tpu.memory_space<hbm>> -> memref<16x128xf32, #tpu.memory_space<hbm>>
      tpu.wait_dma2 semaphore(%arg9 : memref<!tpu.dma_semaphore, #tpu.memory_space<semaphore_mem>>) src(%dma_wait3A_1684 : memref<16x128xf32, #tpu.memory_space<hbm>>) dst(%dma_wait3A_1682 : memref<16x128xf32, #tpu.memory_space<vmem>>)
      %dma_wait3A_1685 = arith.constant 1 : i32
      %dma_wait3A_1686 = arith.constant 11 : i32
      %dma_wait3A_1687 = arith.constant 0 : i32
      %dma_wait3A_1688 = arith.constant 0 : i32
      %dma_wait3A_1689 = tpu.memref_slice %arg6[%dma_wait3A_1685, %dma_wait3A_1686, %dma_wait3A_1687, %dma_wait3A_1688] : memref<2x16x16x128xf32, #tpu.memory_space<vmem>> -> memref<1x1x16x128xf32, #tpu.memory_space<vmem>>
      %dma_wait3A_1690 = tpu.memref_squeeze %dma_wait3A_1689 : memref<1x1x16x128xf32, #tpu.memory_space<vmem>> -> memref<16x128xf32, #tpu.memory_space<vmem>>
      %dma_wait3A_1691 = arith.constant 0 : i32
      %dma_wait3A_1692 = tpu.memref_slice %arg3[%dma_wait3A_1691, %multiple_of3A_591] : memref<16x1000000xf32, #tpu.memory_space<hbm>> -> memref<16x128xf32, #tpu.memory_space<hbm>>
      %dma_wait3A_1693 = arith.constant 0 : i32
      %dma_wait3A_1694 = arith.constant 0 : i32
      %dma_wait3A_1695 = tpu.memref_slice %arg6[%dma_wait3A_1685, %dma_wait3A_1686, %dma_wait3A_1693, %dma_wait3A_1694] : memref<2x16x16x128xf32, #tpu.memory_space<vmem>> -> memref<1x1x16x128xf32, #tpu.memory_space<vmem>>
      %dma_wait3A_1696 = tpu.memref_squeeze %dma_wait3A_1695 : memref<1x1x16x128xf32, #tpu.memory_space<vmem>> -> memref<16x128xf32, #tpu.memory_space<vmem>>
      %dma_wait3A_1697 = arith.constant 0 : i32
      %dma_wait3A_1698 = tpu.memref_slice %arg3[%dma_wait3A_1697, %multiple_of3A_591] : memref<16x1000000xf32, #tpu.memory_space<hbm>> -> memref<16x128xf32, #tpu.memory_space<hbm>>
      tpu.wait_dma2 semaphore(%arg9 : memref<!tpu.dma_semaphore, #tpu.memory_space<semaphore_mem>>) src(%dma_wait3A_1698 : memref<16x128xf32, #tpu.memory_space<hbm>>) dst(%dma_wait3A_1696 : memref<16x128xf32, #tpu.memory_space<vmem>>)
      %dma_wait3A_1699 = arith.constant 1 : i32
      %dma_wait3A_1700 = arith.constant 12 : i32
      %dma_wait3A_1701 = arith.constant 0 : i32
      %dma_wait3A_1702 = arith.constant 0 : i32
      %dma_wait3A_1703 = tpu.memref_slice %arg6[%dma_wait3A_1699, %dma_wait3A_1700, %dma_wait3A_1701, %dma_wait3A_1702] : memref<2x16x16x128xf32, #tpu.memory_space<vmem>> -> memref<1x1x16x128xf32, #tpu.memory_space<vmem>>
      %dma_wait3A_1704 = tpu.memref_squeeze %dma_wait3A_1703 : memref<1x1x16x128xf32, #tpu.memory_space<vmem>> -> memref<16x128xf32, #tpu.memory_space<vmem>>
      %dma_wait3A_1705 = arith.constant 0 : i32
      %dma_wait3A_1706 = tpu.memref_slice %arg3[%dma_wait3A_1705, %multiple_of3A_612] : memref<16x1000000xf32, #tpu.memory_space<hbm>> -> memref<16x128xf32, #tpu.memory_space<hbm>>
      %dma_wait3A_1707 = arith.constant 0 : i32
      %dma_wait3A_1708 = arith.constant 0 : i32
      %dma_wait3A_1709 = tpu.memref_slice %arg6[%dma_wait3A_1699, %dma_wait3A_1700, %dma_wait3A_1707, %dma_wait3A_1708] : memref<2x16x16x128xf32, #tpu.memory_space<vmem>> -> memref<1x1x16x128xf32, #tpu.memory_space<vmem>>
      %dma_wait3A_1710 = tpu.memref_squeeze %dma_wait3A_1709 : memref<1x1x16x128xf32, #tpu.memory_space<vmem>> -> memref<16x128xf32, #tpu.memory_space<vmem>>
      %dma_wait3A_1711 = arith.constant 0 : i32
      %dma_wait3A_1712 = tpu.memref_slice %arg3[%dma_wait3A_1711, %multiple_of3A_612] : memref<16x1000000xf32, #tpu.memory_space<hbm>> -> memref<16x128xf32, #tpu.memory_space<hbm>>
      tpu.wait_dma2 semaphore(%arg9 : memref<!tpu.dma_semaphore, #tpu.memory_space<semaphore_mem>>) src(%dma_wait3A_1712 : memref<16x128xf32, #tpu.memory_space<hbm>>) dst(%dma_wait3A_1710 : memref<16x128xf32, #tpu.memory_space<vmem>>)
      %dma_wait3A_1713 = arith.constant 1 : i32
      %dma_wait3A_1714 = arith.constant 13 : i32
      %dma_wait3A_1715 = arith.constant 0 : i32
      %dma_wait3A_1716 = arith.constant 0 : i32
      %dma_wait3A_1717 = tpu.memref_slice %arg6[%dma_wait3A_1713, %dma_wait3A_1714, %dma_wait3A_1715, %dma_wait3A_1716] : memref<2x16x16x128xf32, #tpu.memory_space<vmem>> -> memref<1x1x16x128xf32, #tpu.memory_space<vmem>>
      %dma_wait3A_1718 = tpu.memref_squeeze %dma_wait3A_1717 : memref<1x1x16x128xf32, #tpu.memory_space<vmem>> -> memref<16x128xf32, #tpu.memory_space<vmem>>
      %dma_wait3A_1719 = arith.constant 0 : i32
      %dma_wait3A_1720 = tpu.memref_slice %arg3[%dma_wait3A_1719, %multiple_of3A_633] : memref<16x1000000xf32, #tpu.memory_space<hbm>> -> memref<16x128xf32, #tpu.memory_space<hbm>>
      %dma_wait3A_1721 = arith.constant 0 : i32
      %dma_wait3A_1722 = arith.constant 0 : i32
      %dma_wait3A_1723 = tpu.memref_slice %arg6[%dma_wait3A_1713, %dma_wait3A_1714, %dma_wait3A_1721, %dma_wait3A_1722] : memref<2x16x16x128xf32, #tpu.memory_space<vmem>> -> memref<1x1x16x128xf32, #tpu.memory_space<vmem>>
      %dma_wait3A_1724 = tpu.memref_squeeze %dma_wait3A_1723 : memref<1x1x16x128xf32, #tpu.memory_space<vmem>> -> memref<16x128xf32, #tpu.memory_space<vmem>>
      %dma_wait3A_1725 = arith.constant 0 : i32
      %dma_wait3A_1726 = tpu.memref_slice %arg3[%dma_wait3A_1725, %multiple_of3A_633] : memref<16x1000000xf32, #tpu.memory_space<hbm>> -> memref<16x128xf32, #tpu.memory_space<hbm>>
      tpu.wait_dma2 semaphore(%arg9 : memref<!tpu.dma_semaphore, #tpu.memory_space<semaphore_mem>>) src(%dma_wait3A_1726 : memref<16x128xf32, #tpu.memory_space<hbm>>) dst(%dma_wait3A_1724 : memref<16x128xf32, #tpu.memory_space<vmem>>)
      %dma_wait3A_1727 = arith.constant 1 : i32
      %dma_wait3A_1728 = arith.constant 14 : i32
      %dma_wait3A_1729 = arith.constant 0 : i32
      %dma_wait3A_1730 = arith.constant 0 : i32
      %dma_wait3A_1731 = tpu.memref_slice %arg6[%dma_wait3A_1727, %dma_wait3A_1728, %dma_wait3A_1729, %dma_wait3A_1730] : memref<2x16x16x128xf32, #tpu.memory_space<vmem>> -> memref<1x1x16x128xf32, #tpu.memory_space<vmem>>
      %dma_wait3A_1732 = tpu.memref_squeeze %dma_wait3A_1731 : memref<1x1x16x128xf32, #tpu.memory_space<vmem>> -> memref<16x128xf32, #tpu.memory_space<vmem>>
      %dma_wait3A_1733 = arith.constant 0 : i32
      %dma_wait3A_1734 = tpu.memref_slice %arg3[%dma_wait3A_1733, %multiple_of3A_654] : memref<16x1000000xf32, #tpu.memory_space<hbm>> -> memref<16x128xf32, #tpu.memory_space<hbm>>
      %dma_wait3A_1735 = arith.constant 0 : i32
      %dma_wait3A_1736 = arith.constant 0 : i32
      %dma_wait3A_1737 = tpu.memref_slice %arg6[%dma_wait3A_1727, %dma_wait3A_1728, %dma_wait3A_1735, %dma_wait3A_1736] : memref<2x16x16x128xf32, #tpu.memory_space<vmem>> -> memref<1x1x16x128xf32, #tpu.memory_space<vmem>>
      %dma_wait3A_1738 = tpu.memref_squeeze %dma_wait3A_1737 : memref<1x1x16x128xf32, #tpu.memory_space<vmem>> -> memref<16x128xf32, #tpu.memory_space<vmem>>
      %dma_wait3A_1739 = arith.constant 0 : i32
      %dma_wait3A_1740 = tpu.memref_slice %arg3[%dma_wait3A_1739, %multiple_of3A_654] : memref<16x1000000xf32, #tpu.memory_space<hbm>> -> memref<16x128xf32, #tpu.memory_space<hbm>>
      tpu.wait_dma2 semaphore(%arg9 : memref<!tpu.dma_semaphore, #tpu.memory_space<semaphore_mem>>) src(%dma_wait3A_1740 : memref<16x128xf32, #tpu.memory_space<hbm>>) dst(%dma_wait3A_1738 : memref<16x128xf32, #tpu.memory_space<vmem>>)
      %dma_wait3A_1741 = arith.constant 1 : i32
      %dma_wait3A_1742 = arith.constant 15 : i32
      %dma_wait3A_1743 = arith.constant 0 : i32
      %dma_wait3A_1744 = arith.constant 0 : i32
      %dma_wait3A_1745 = tpu.memref_slice %arg6[%dma_wait3A_1741, %dma_wait3A_1742, %dma_wait3A_1743, %dma_wait3A_1744] : memref<2x16x16x128xf32, #tpu.memory_space<vmem>> -> memref<1x1x16x128xf32, #tpu.memory_space<vmem>>
      %dma_wait3A_1746 = tpu.memref_squeeze %dma_wait3A_1745 : memref<1x1x16x128xf32, #tpu.memory_space<vmem>> -> memref<16x128xf32, #tpu.memory_space<vmem>>
      %dma_wait3A_1747 = arith.constant 0 : i32
      %dma_wait3A_1748 = tpu.memref_slice %arg3[%dma_wait3A_1747, %multiple_of3A_675] : memref<16x1000000xf32, #tpu.memory_space<hbm>> -> memref<16x128xf32, #tpu.memory_space<hbm>>
      %dma_wait3A_1749 = arith.constant 0 : i32
      %dma_wait3A_1750 = arith.constant 0 : i32
      %dma_wait3A_1751 = tpu.memref_slice %arg6[%dma_wait3A_1741, %dma_wait3A_1742, %dma_wait3A_1749, %dma_wait3A_1750] : memref<2x16x16x128xf32, #tpu.memory_space<vmem>> -> memref<1x1x16x128xf32, #tpu.memory_space<vmem>>
      %dma_wait3A_1752 = tpu.memref_squeeze %dma_wait3A_1751 : memref<1x1x16x128xf32, #tpu.memory_space<vmem>> -> memref<16x128xf32, #tpu.memory_space<vmem>>
      %dma_wait3A_1753 = arith.constant 0 : i32
      %dma_wait3A_1754 = tpu.memref_slice %arg3[%dma_wait3A_1753, %multiple_of3A_675] : memref<16x1000000xf32, #tpu.memory_space<hbm>> -> memref<16x128xf32, #tpu.memory_space<hbm>>
      tpu.wait_dma2 semaphore(%arg9 : memref<!tpu.dma_semaphore, #tpu.memory_space<semaphore_mem>>) src(%dma_wait3A_1754 : memref<16x128xf32, #tpu.memory_space<hbm>>) dst(%dma_wait3A_1752 : memref<16x128xf32, #tpu.memory_space<vmem>>)
      %slice3A_1755 = vector.extract_strided_slice %get3A_353 {offsets = [0], sizes = [1], strides = [1]} : vector<16xi32> to vector<1xi32>
      %squeeze3A_1756 = vector.extract %slice3A_1755[0] : i32 from vector<1xi32>
      %and3A_1757 = arith.constant 127 : i32
      %and3A_1758 = arith.andi %squeeze3A_1756, %and3A_1757 : i32
      %broadcast_in_dim3A_1759 = vector.broadcast %and3A_1758 : i32 to vector<16xi32>
      %gather3A_1760 = arith.constant 1 : i32
      %gather3A_1761 = arith.constant 0 : i32
      %gather3A_1762 = arith.constant 0 : i32
      %gather3A_1763 = arith.constant 0 : i32
      %gather3A_1764 = tpu.memref_slice %arg6[%gather3A_1760, %gather3A_1761, %gather3A_1762, %gather3A_1763] : memref<2x16x16x128xf32, #tpu.memory_space<vmem>> -> memref<1x1x16x128xf32, #tpu.memory_space<vmem>>
      %gather3A_1765 = tpu.memref_squeeze %gather3A_1764 : memref<1x1x16x128xf32, #tpu.memory_space<vmem>> -> memref<16x128xf32, #tpu.memory_space<vmem>>
      %gather3A_1766 = tpu.vector_load_idx %gather3A_1765[%iota3A, %broadcast_in_dim3A_1759] : memref<16x128xf32, #tpu.memory_space<vmem>>[vector<16xi32>, vector<16xi32>], vector<16xf32>,
      %mul3A_1767 = arith.constant 16 : i32
      %mul3A_1768 = arith.muli %add3A_1530, %mul3A_1767 : i32
      %add3A_1769 = arith.constant 0 : i32
      %add3A_1770 = arith.addi %mul3A_1768, %add3A_1769 : i32
      %broadcast_in_dim3A_1771 = vector.broadcast %add3A_1770 : i32 to vector<16xi32>
      tpu.vector_store_idx %arg7[%iota3A, %broadcast_in_dim3A_1771], %gather3A_1766 : memref<16x512xf32, #tpu.memory_space<vmem>>[vector<16xi32>, vector<16xi32>], vector<16xf32>,
      %slice3A_1772 = vector.extract_strided_slice %get3A_353 {offsets = [1], sizes = [1], strides = [1]} : vector<16xi32> to vector<1xi32>
      %squeeze3A_1773 = vector.extract %slice3A_1772[0] : i32 from vector<1xi32>
      %and3A_1774 = arith.constant 127 : i32
      %and3A_1775 = arith.andi %squeeze3A_1773, %and3A_1774 : i32
      %broadcast_in_dim3A_1776 = vector.broadcast %and3A_1775 : i32 to vector<16xi32>
      %gather3A_1777 = arith.constant 1 : i32
      %gather3A_1778 = arith.constant 1 : i32
      %gather3A_1779 = arith.constant 0 : i32
      %gather3A_1780 = arith.constant 0 : i32
      %gather3A_1781 = tpu.memref_slice %arg6[%gather3A_1777, %gather3A_1778, %gather3A_1779, %gather3A_1780] : memref<2x16x16x128xf32, #tpu.memory_space<vmem>> -> memref<1x1x16x128xf32, #tpu.memory_space<vmem>>
      %gather3A_1782 = tpu.memref_squeeze %gather3A_1781 : memref<1x1x16x128xf32, #tpu.memory_space<vmem>> -> memref<16x128xf32, #tpu.memory_space<vmem>>
      %gather3A_1783 = tpu.vector_load_idx %gather3A_1782[%iota3A, %broadcast_in_dim3A_1776] : memref<16x128xf32, #tpu.memory_space<vmem>>[vector<16xi32>, vector<16xi32>], vector<16xf32>,
      %mul3A_1784 = arith.constant 16 : i32
      %mul3A_1785 = arith.muli %add3A_1530, %mul3A_1784 : i32
      %add3A_1786 = arith.constant 1 : i32
      %add3A_1787 = arith.addi %mul3A_1785, %add3A_1786 : i32
      %broadcast_in_dim3A_1788 = vector.broadcast %add3A_1787 : i32 to vector<16xi32>
      tpu.vector_store_idx %arg7[%iota3A, %broadcast_in_dim3A_1788], %gather3A_1783 : memref<16x512xf32, #tpu.memory_space<vmem>>[vector<16xi32>, vector<16xi32>], vector<16xf32>,
      %slice3A_1789 = vector.extract_strided_slice %get3A_353 {offsets = [2], sizes = [1], strides = [1]} : vector<16xi32> to vector<1xi32>
      %squeeze3A_1790 = vector.extract %slice3A_1789[0] : i32 from vector<1xi32>
      %and3A_1791 = arith.constant 127 : i32
      %and3A_1792 = arith.andi %squeeze3A_1790, %and3A_1791 : i32
      %broadcast_in_dim3A_1793 = vector.broadcast %and3A_1792 : i32 to vector<16xi32>
      %gather3A_1794 = arith.constant 1 : i32
      %gather3A_1795 = arith.constant 2 : i32
      %gather3A_1796 = arith.constant 0 : i32
      %gather3A_1797 = arith.constant 0 : i32
      %gather3A_1798 = tpu.memref_slice %arg6[%gather3A_1794, %gather3A_1795, %gather3A_1796, %gather3A_1797] : memref<2x16x16x128xf32, #tpu.memory_space<vmem>> -> memref<1x1x16x128xf32, #tpu.memory_space<vmem>>
      %gather3A_1799 = tpu.memref_squeeze %gather3A_1798 : memref<1x1x16x128xf32, #tpu.memory_space<vmem>> -> memref<16x128xf32, #tpu.memory_space<vmem>>
      %gather3A_1800 = tpu.vector_load_idx %gather3A_1799[%iota3A, %broadcast_in_dim3A_1793] : memref<16x128xf32, #tpu.memory_space<vmem>>[vector<16xi32>, vector<16xi32>], vector<16xf32>,
      %mul3A_1801 = arith.constant 16 : i32
      %mul3A_1802 = arith.muli %add3A_1530, %mul3A_1801 : i32
      %add3A_1803 = arith.constant 2 : i32
      %add3A_1804 = arith.addi %mul3A_1802, %add3A_1803 : i32
      %broadcast_in_dim3A_1805 = vector.broadcast %add3A_1804 : i32 to vector<16xi32>
      tpu.vector_store_idx %arg7[%iota3A, %broadcast_in_dim3A_1805], %gather3A_1800 : memref<16x512xf32, #tpu.memory_space<vmem>>[vector<16xi32>, vector<16xi32>], vector<16xf32>,
      %slice3A_1806 = vector.extract_strided_slice %get3A_353 {offsets = [3], sizes = [1], strides = [1]} : vector<16xi32> to vector<1xi32>
      %squeeze3A_1807 = vector.extract %slice3A_1806[0] : i32 from vector<1xi32>
      %and3A_1808 = arith.constant 127 : i32
      %and3A_1809 = arith.andi %squeeze3A_1807, %and3A_1808 : i32
      %broadcast_in_dim3A_1810 = vector.broadcast %and3A_1809 : i32 to vector<16xi32>
      %gather3A_1811 = arith.constant 1 : i32
      %gather3A_1812 = arith.constant 3 : i32
      %gather3A_1813 = arith.constant 0 : i32
      %gather3A_1814 = arith.constant 0 : i32
      %gather3A_1815 = tpu.memref_slice %arg6[%gather3A_1811, %gather3A_1812, %gather3A_1813, %gather3A_1814] : memref<2x16x16x128xf32, #tpu.memory_space<vmem>> -> memref<1x1x16x128xf32, #tpu.memory_space<vmem>>
      %gather3A_1816 = tpu.memref_squeeze %gather3A_1815 : memref<1x1x16x128xf32, #tpu.memory_space<vmem>> -> memref<16x128xf32, #tpu.memory_space<vmem>>
      %gather3A_1817 = tpu.vector_load_idx %gather3A_1816[%iota3A, %broadcast_in_dim3A_1810] : memref<16x128xf32, #tpu.memory_space<vmem>>[vector<16xi32>, vector<16xi32>], vector<16xf32>,
      %mul3A_1818 = arith.constant 16 : i32
      %mul3A_1819 = arith.muli %add3A_1530, %mul3A_1818 : i32
      %add3A_1820 = arith.constant 3 : i32
      %add3A_1821 = arith.addi %mul3A_1819, %add3A_1820 : i32
      %broadcast_in_dim3A_1822 = vector.broadcast %add3A_1821 : i32 to vector<16xi32>
      tpu.vector_store_idx %arg7[%iota3A, %broadcast_in_dim3A_1822], %gather3A_1817 : memref<16x512xf32, #tpu.memory_space<vmem>>[vector<16xi32>, vector<16xi32>], vector<16xf32>,
      %slice3A_1823 = vector.extract_strided_slice %get3A_353 {offsets = [4], sizes = [1], strides = [1]} : vector<16xi32> to vector<1xi32>
      %squeeze3A_1824 = vector.extract %slice3A_1823[0] : i32 from vector<1xi32>
      %and3A_1825 = arith.constant 127 : i32
      %and3A_1826 = arith.andi %squeeze3A_1824, %and3A_1825 : i32
      %broadcast_in_dim3A_1827 = vector.broadcast %and3A_1826 : i32 to vector<16xi32>
      %gather3A_1828 = arith.constant 1 : i32
      %gather3A_1829 = arith.constant 4 : i32
      %gather3A_1830 = arith.constant 0 : i32
      %gather3A_1831 = arith.constant 0 : i32
      %gather3A_1832 = tpu.memref_slice %arg6[%gather3A_1828, %gather3A_1829, %gather3A_1830, %gather3A_1831] : memref<2x16x16x128xf32, #tpu.memory_space<vmem>> -> memref<1x1x16x128xf32, #tpu.memory_space<vmem>>
      %gather3A_1833 = tpu.memref_squeeze %gather3A_1832 : memref<1x1x16x128xf32, #tpu.memory_space<vmem>> -> memref<16x128xf32, #tpu.memory_space<vmem>>
      %gather3A_1834 = tpu.vector_load_idx %gather3A_1833[%iota3A, %broadcast_in_dim3A_1827] : memref<16x128xf32, #tpu.memory_space<vmem>>[vector<16xi32>, vector<16xi32>], vector<16xf32>,
      %mul3A_1835 = arith.constant 16 : i32
      %mul3A_1836 = arith.muli %add3A_1530, %mul3A_1835 : i32
      %add3A_1837 = arith.constant 4 : i32
      %add3A_1838 = arith.addi %mul3A_1836, %add3A_1837 : i32
      %broadcast_in_dim3A_1839 = vector.broadcast %add3A_1838 : i32 to vector<16xi32>
      tpu.vector_store_idx %arg7[%iota3A, %broadcast_in_dim3A_1839], %gather3A_1834 : memref<16x512xf32, #tpu.memory_space<vmem>>[vector<16xi32>, vector<16xi32>], vector<16xf32>,
      %slice3A_1840 = vector.extract_strided_slice %get3A_353 {offsets = [5], sizes = [1], strides = [1]} : vector<16xi32> to vector<1xi32>
      %squeeze3A_1841 = vector.extract %slice3A_1840[0] : i32 from vector<1xi32>
      %and3A_1842 = arith.constant 127 : i32
      %and3A_1843 = arith.andi %squeeze3A_1841, %and3A_1842 : i32
      %broadcast_in_dim3A_1844 = vector.broadcast %and3A_1843 : i32 to vector<16xi32>
      %gather3A_1845 = arith.constant 1 : i32
      %gather3A_1846 = arith.constant 5 : i32
      %gather3A_1847 = arith.constant 0 : i32
      %gather3A_1848 = arith.constant 0 : i32
      %gather3A_1849 = tpu.memref_slice %arg6[%gather3A_1845, %gather3A_1846, %gather3A_1847, %gather3A_1848] : memref<2x16x16x128xf32, #tpu.memory_space<vmem>> -> memref<1x1x16x128xf32, #tpu.memory_space<vmem>>
      %gather3A_1850 = tpu.memref_squeeze %gather3A_1849 : memref<1x1x16x128xf32, #tpu.memory_space<vmem>> -> memref<16x128xf32, #tpu.memory_space<vmem>>
      %gather3A_1851 = tpu.vector_load_idx %gather3A_1850[%iota3A, %broadcast_in_dim3A_1844] : memref<16x128xf32, #tpu.memory_space<vmem>>[vector<16xi32>, vector<16xi32>], vector<16xf32>,
      %mul3A_1852 = arith.constant 16 : i32
      %mul3A_1853 = arith.muli %add3A_1530, %mul3A_1852 : i32
      %add3A_1854 = arith.constant 5 : i32
      %add3A_1855 = arith.addi %mul3A_1853, %add3A_1854 : i32
      %broadcast_in_dim3A_1856 = vector.broadcast %add3A_1855 : i32 to vector<16xi32>
      tpu.vector_store_idx %arg7[%iota3A, %broadcast_in_dim3A_1856], %gather3A_1851 : memref<16x512xf32, #tpu.memory_space<vmem>>[vector<16xi32>, vector<16xi32>], vector<16xf32>,
      %slice3A_1857 = vector.extract_strided_slice %get3A_353 {offsets = [6], sizes = [1], strides = [1]} : vector<16xi32> to vector<1xi32>
      %squeeze3A_1858 = vector.extract %slice3A_1857[0] : i32 from vector<1xi32>
      %and3A_1859 = arith.constant 127 : i32
      %and3A_1860 = arith.andi %squeeze3A_1858, %and3A_1859 : i32
      %broadcast_in_dim3A_1861 = vector.broadcast %and3A_1860 : i32 to vector<16xi32>
      %gather3A_1862 = arith.constant 1 : i32
      %gather3A_1863 = arith.constant 6 : i32
      %gather3A_1864 = arith.constant 0 : i32
      %gather3A_1865 = arith.constant 0 : i32
      %gather3A_1866 = tpu.memref_slice %arg6[%gather3A_1862, %gather3A_1863, %gather3A_1864, %gather3A_1865] : memref<2x16x16x128xf32, #tpu.memory_space<vmem>> -> memref<1x1x16x128xf32, #tpu.memory_space<vmem>>
      %gather3A_1867 = tpu.memref_squeeze %gather3A_1866 : memref<1x1x16x128xf32, #tpu.memory_space<vmem>> -> memref<16x128xf32, #tpu.memory_space<vmem>>
      %gather3A_1868 = tpu.vector_load_idx %gather3A_1867[%iota3A, %broadcast_in_dim3A_1861] : memref<16x128xf32, #tpu.memory_space<vmem>>[vector<16xi32>, vector<16xi32>], vector<16xf32>,
      %mul3A_1869 = arith.constant 16 : i32
      %mul3A_1870 = arith.muli %add3A_1530, %mul3A_1869 : i32
      %add3A_1871 = arith.constant 6 : i32
      %add3A_1872 = arith.addi %mul3A_1870, %add3A_1871 : i32
      %broadcast_in_dim3A_1873 = vector.broadcast %add3A_1872 : i32 to vector<16xi32>
      tpu.vector_store_idx %arg7[%iota3A, %broadcast_in_dim3A_1873], %gather3A_1868 : memref<16x512xf32, #tpu.memory_space<vmem>>[vector<16xi32>, vector<16xi32>], vector<16xf32>,
      %slice3A_1874 = vector.extract_strided_slice %get3A_353 {offsets = [7], sizes = [1], strides = [1]} : vector<16xi32> to vector<1xi32>
      %squeeze3A_1875 = vector.extract %slice3A_1874[0] : i32 from vector<1xi32>
      %and3A_1876 = arith.constant 127 : i32
      %and3A_1877 = arith.andi %squeeze3A_1875, %and3A_1876 : i32
      %broadcast_in_dim3A_1878 = vector.broadcast %and3A_1877 : i32 to vector<16xi32>
      %gather3A_1879 = arith.constant 1 : i32
      %gather3A_1880 = arith.constant 7 : i32
      %gather3A_1881 = arith.constant 0 : i32
      %gather3A_1882 = arith.constant 0 : i32
      %gather3A_1883 = tpu.memref_slice %arg6[%gather3A_1879, %gather3A_1880, %gather3A_1881, %gather3A_1882] : memref<2x16x16x128xf32, #tpu.memory_space<vmem>> -> memref<1x1x16x128xf32, #tpu.memory_space<vmem>>
      %gather3A_1884 = tpu.memref_squeeze %gather3A_1883 : memref<1x1x16x128xf32, #tpu.memory_space<vmem>> -> memref<16x128xf32, #tpu.memory_space<vmem>>
      %gather3A_1885 = tpu.vector_load_idx %gather3A_1884[%iota3A, %broadcast_in_dim3A_1878] : memref<16x128xf32, #tpu.memory_space<vmem>>[vector<16xi32>, vector<16xi32>], vector<16xf32>,
      %mul3A_1886 = arith.constant 16 : i32
      %mul3A_1887 = arith.muli %add3A_1530, %mul3A_1886 : i32
      %add3A_1888 = arith.constant 7 : i32
      %add3A_1889 = arith.addi %mul3A_1887, %add3A_1888 : i32
      %broadcast_in_dim3A_1890 = vector.broadcast %add3A_1889 : i32 to vector<16xi32>
      tpu.vector_store_idx %arg7[%iota3A, %broadcast_in_dim3A_1890], %gather3A_1885 : memref<16x512xf32, #tpu.memory_space<vmem>>[vector<16xi32>, vector<16xi32>], vector<16xf32>,
      %slice3A_1891 = vector.extract_strided_slice %get3A_353 {offsets = [8], sizes = [1], strides = [1]} : vector<16xi32> to vector<1xi32>
      %squeeze3A_1892 = vector.extract %slice3A_1891[0] : i32 from vector<1xi32>
      %and3A_1893 = arith.constant 127 : i32
      %and3A_1894 = arith.andi %squeeze3A_1892, %and3A_1893 : i32
      %broadcast_in_dim3A_1895 = vector.broadcast %and3A_1894 : i32 to vector<16xi32>
      %gather3A_1896 = arith.constant 1 : i32
      %gather3A_1897 = arith.constant 8 : i32
      %gather3A_1898 = arith.constant 0 : i32
      %gather3A_1899 = arith.constant 0 : i32
      %gather3A_1900 = tpu.memref_slice %arg6[%gather3A_1896, %gather3A_1897, %gather3A_1898, %gather3A_1899] : memref<2x16x16x128xf32, #tpu.memory_space<vmem>> -> memref<1x1x16x128xf32, #tpu.memory_space<vmem>>
      %gather3A_1901 = tpu.memref_squeeze %gather3A_1900 : memref<1x1x16x128xf32, #tpu.memory_space<vmem>> -> memref<16x128xf32, #tpu.memory_space<vmem>>
      %gather3A_1902 = tpu.vector_load_idx %gather3A_1901[%iota3A, %broadcast_in_dim3A_1895] : memref<16x128xf32, #tpu.memory_space<vmem>>[vector<16xi32>, vector<16xi32>], vector<16xf32>,
      %mul3A_1903 = arith.constant 16 : i32
      %mul3A_1904 = arith.muli %add3A_1530, %mul3A_1903 : i32
      %add3A_1905 = arith.constant 8 : i32
      %add3A_1906 = arith.addi %mul3A_1904, %add3A_1905 : i32
      %broadcast_in_dim3A_1907 = vector.broadcast %add3A_1906 : i32 to vector<16xi32>
      tpu.vector_store_idx %arg7[%iota3A, %broadcast_in_dim3A_1907], %gather3A_1902 : memref<16x512xf32, #tpu.memory_space<vmem>>[vector<16xi32>, vector<16xi32>], vector<16xf32>,
      %slice3A_1908 = vector.extract_strided_slice %get3A_353 {offsets = [9], sizes = [1], strides = [1]} : vector<16xi32> to vector<1xi32>
      %squeeze3A_1909 = vector.extract %slice3A_1908[0] : i32 from vector<1xi32>
      %and3A_1910 = arith.constant 127 : i32
      %and3A_1911 = arith.andi %squeeze3A_1909, %and3A_1910 : i32
      %broadcast_in_dim3A_1912 = vector.broadcast %and3A_1911 : i32 to vector<16xi32>
      %gather3A_1913 = arith.constant 1 : i32
      %gather3A_1914 = arith.constant 9 : i32
      %gather3A_1915 = arith.constant 0 : i32
      %gather3A_1916 = arith.constant 0 : i32
      %gather3A_1917 = tpu.memref_slice %arg6[%gather3A_1913, %gather3A_1914, %gather3A_1915, %gather3A_1916] : memref<2x16x16x128xf32, #tpu.memory_space<vmem>> -> memref<1x1x16x128xf32, #tpu.memory_space<vmem>>
      %gather3A_1918 = tpu.memref_squeeze %gather3A_1917 : memref<1x1x16x128xf32, #tpu.memory_space<vmem>> -> memref<16x128xf32, #tpu.memory_space<vmem>>
      %gather3A_1919 = tpu.vector_load_idx %gather3A_1918[%iota3A, %broadcast_in_dim3A_1912] : memref<16x128xf32, #tpu.memory_space<vmem>>[vector<16xi32>, vector<16xi32>], vector<16xf32>,
      %mul3A_1920 = arith.constant 16 : i32
      %mul3A_1921 = arith.muli %add3A_1530, %mul3A_1920 : i32
      %add3A_1922 = arith.constant 9 : i32
      %add3A_1923 = arith.addi %mul3A_1921, %add3A_1922 : i32
      %broadcast_in_dim3A_1924 = vector.broadcast %add3A_1923 : i32 to vector<16xi32>
      tpu.vector_store_idx %arg7[%iota3A, %broadcast_in_dim3A_1924], %gather3A_1919 : memref<16x512xf32, #tpu.memory_space<vmem>>[vector<16xi32>, vector<16xi32>], vector<16xf32>,
      %slice3A_1925 = vector.extract_strided_slice %get3A_353 {offsets = [10], sizes = [1], strides = [1]} : vector<16xi32> to vector<1xi32>
      %squeeze3A_1926 = vector.extract %slice3A_1925[0] : i32 from vector<1xi32>
      %and3A_1927 = arith.constant 127 : i32
      %and3A_1928 = arith.andi %squeeze3A_1926, %and3A_1927 : i32
      %broadcast_in_dim3A_1929 = vector.broadcast %and3A_1928 : i32 to vector<16xi32>
      %gather3A_1930 = arith.constant 1 : i32
      %gather3A_1931 = arith.constant 10 : i32
      %gather3A_1932 = arith.constant 0 : i32
      %gather3A_1933 = arith.constant 0 : i32
      %gather3A_1934 = tpu.memref_slice %arg6[%gather3A_1930, %gather3A_1931, %gather3A_1932, %gather3A_1933] : memref<2x16x16x128xf32, #tpu.memory_space<vmem>> -> memref<1x1x16x128xf32, #tpu.memory_space<vmem>>
      %gather3A_1935 = tpu.memref_squeeze %gather3A_1934 : memref<1x1x16x128xf32, #tpu.memory_space<vmem>> -> memref<16x128xf32, #tpu.memory_space<vmem>>
      %gather3A_1936 = tpu.vector_load_idx %gather3A_1935[%iota3A, %broadcast_in_dim3A_1929] : memref<16x128xf32, #tpu.memory_space<vmem>>[vector<16xi32>, vector<16xi32>], vector<16xf32>,
      %mul3A_1937 = arith.constant 16 : i32
      %mul3A_1938 = arith.muli %add3A_1530, %mul3A_1937 : i32
      %add3A_1939 = arith.constant 10 : i32
      %add3A_1940 = arith.addi %mul3A_1938, %add3A_1939 : i32
      %broadcast_in_dim3A_1941 = vector.broadcast %add3A_1940 : i32 to vector<16xi32>
      tpu.vector_store_idx %arg7[%iota3A, %broadcast_in_dim3A_1941], %gather3A_1936 : memref<16x512xf32, #tpu.memory_space<vmem>>[vector<16xi32>, vector<16xi32>], vector<16xf32>,
      %slice3A_1942 = vector.extract_strided_slice %get3A_353 {offsets = [11], sizes = [1], strides = [1]} : vector<16xi32> to vector<1xi32>
      %squeeze3A_1943 = vector.extract %slice3A_1942[0] : i32 from vector<1xi32>
      %and3A_1944 = arith.constant 127 : i32
      %and3A_1945 = arith.andi %squeeze3A_1943, %and3A_1944 : i32
      %broadcast_in_dim3A_1946 = vector.broadcast %and3A_1945 : i32 to vector<16xi32>
      %gather3A_1947 = arith.constant 1 : i32
      %gather3A_1948 = arith.constant 11 : i32
      %gather3A_1949 = arith.constant 0 : i32
      %gather3A_1950 = arith.constant 0 : i32
      %gather3A_1951 = tpu.memref_slice %arg6[%gather3A_1947, %gather3A_1948, %gather3A_1949, %gather3A_1950] : memref<2x16x16x128xf32, #tpu.memory_space<vmem>> -> memref<1x1x16x128xf32, #tpu.memory_space<vmem>>
      %gather3A_1952 = tpu.memref_squeeze %gather3A_1951 : memref<1x1x16x128xf32, #tpu.memory_space<vmem>> -> memref<16x128xf32, #tpu.memory_space<vmem>>
      %gather3A_1953 = tpu.vector_load_idx %gather3A_1952[%iota3A, %broadcast_in_dim3A_1946] : memref<16x128xf32, #tpu.memory_space<vmem>>[vector<16xi32>, vector<16xi32>], vector<16xf32>,
      %mul3A_1954 = arith.constant 16 : i32
      %mul3A_1955 = arith.muli %add3A_1530, %mul3A_1954 : i32
      %add3A_1956 = arith.constant 11 : i32
      %add3A_1957 = arith.addi %mul3A_1955, %add3A_1956 : i32
      %broadcast_in_dim3A_1958 = vector.broadcast %add3A_1957 : i32 to vector<16xi32>
      tpu.vector_store_idx %arg7[%iota3A, %broadcast_in_dim3A_1958], %gather3A_1953 : memref<16x512xf32, #tpu.memory_space<vmem>>[vector<16xi32>, vector<16xi32>], vector<16xf32>,
      %slice3A_1959 = vector.extract_strided_slice %get3A_353 {offsets = [12], sizes = [1], strides = [1]} : vector<16xi32> to vector<1xi32>
      %squeeze3A_1960 = vector.extract %slice3A_1959[0] : i32 from vector<1xi32>
      %and3A_1961 = arith.constant 127 : i32
      %and3A_1962 = arith.andi %squeeze3A_1960, %and3A_1961 : i32
      %broadcast_in_dim3A_1963 = vector.broadcast %and3A_1962 : i32 to vector<16xi32>
      %gather3A_1964 = arith.constant 1 : i32
      %gather3A_1965 = arith.constant 12 : i32
      %gather3A_1966 = arith.constant 0 : i32
      %gather3A_1967 = arith.constant 0 : i32
      %gather3A_1968 = tpu.memref_slice %arg6[%gather3A_1964, %gather3A_1965, %gather3A_1966, %gather3A_1967] : memref<2x16x16x128xf32, #tpu.memory_space<vmem>> -> memref<1x1x16x128xf32, #tpu.memory_space<vmem>>
      %gather3A_1969 = tpu.memref_squeeze %gather3A_1968 : memref<1x1x16x128xf32, #tpu.memory_space<vmem>> -> memref<16x128xf32, #tpu.memory_space<vmem>>
      %gather3A_1970 = tpu.vector_load_idx %gather3A_1969[%iota3A, %broadcast_in_dim3A_1963] : memref<16x128xf32, #tpu.memory_space<vmem>>[vector<16xi32>, vector<16xi32>], vector<16xf32>,
      %mul3A_1971 = arith.constant 16 : i32
      %mul3A_1972 = arith.muli %add3A_1530, %mul3A_1971 : i32
      %add3A_1973 = arith.constant 12 : i32
      %add3A_1974 = arith.addi %mul3A_1972, %add3A_1973 : i32
      %broadcast_in_dim3A_1975 = vector.broadcast %add3A_1974 : i32 to vector<16xi32>
      tpu.vector_store_idx %arg7[%iota3A, %broadcast_in_dim3A_1975], %gather3A_1970 : memref<16x512xf32, #tpu.memory_space<vmem>>[vector<16xi32>, vector<16xi32>], vector<16xf32>,
      %slice3A_1976 = vector.extract_strided_slice %get3A_353 {offsets = [13], sizes = [1], strides = [1]} : vector<16xi32> to vector<1xi32>
      %squeeze3A_1977 = vector.extract %slice3A_1976[0] : i32 from vector<1xi32>
      %and3A_1978 = arith.constant 127 : i32
      %and3A_1979 = arith.andi %squeeze3A_1977, %and3A_1978 : i32
      %broadcast_in_dim3A_1980 = vector.broadcast %and3A_1979 : i32 to vector<16xi32>
      %gather3A_1981 = arith.constant 1 : i32
      %gather3A_1982 = arith.constant 13 : i32
      %gather3A_1983 = arith.constant 0 : i32
      %gather3A_1984 = arith.constant 0 : i32
      %gather3A_1985 = tpu.memref_slice %arg6[%gather3A_1981, %gather3A_1982, %gather3A_1983, %gather3A_1984] : memref<2x16x16x128xf32, #tpu.memory_space<vmem>> -> memref<1x1x16x128xf32, #tpu.memory_space<vmem>>
      %gather3A_1986 = tpu.memref_squeeze %gather3A_1985 : memref<1x1x16x128xf32, #tpu.memory_space<vmem>> -> memref<16x128xf32, #tpu.memory_space<vmem>>
      %gather3A_1987 = tpu.vector_load_idx %gather3A_1986[%iota3A, %broadcast_in_dim3A_1980] : memref<16x128xf32, #tpu.memory_space<vmem>>[vector<16xi32>, vector<16xi32>], vector<16xf32>,
      %mul3A_1988 = arith.constant 16 : i32
      %mul3A_1989 = arith.muli %add3A_1530, %mul3A_1988 : i32
      %add3A_1990 = arith.constant 13 : i32
      %add3A_1991 = arith.addi %mul3A_1989, %add3A_1990 : i32
      %broadcast_in_dim3A_1992 = vector.broadcast %add3A_1991 : i32 to vector<16xi32>
      tpu.vector_store_idx %arg7[%iota3A, %broadcast_in_dim3A_1992], %gather3A_1987 : memref<16x512xf32, #tpu.memory_space<vmem>>[vector<16xi32>, vector<16xi32>], vector<16xf32>,
      %slice3A_1993 = vector.extract_strided_slice %get3A_353 {offsets = [14], sizes = [1], strides = [1]} : vector<16xi32> to vector<1xi32>
      %squeeze3A_1994 = vector.extract %slice3A_1993[0] : i32 from vector<1xi32>
      %and3A_1995 = arith.constant 127 : i32
      %and3A_1996 = arith.andi %squeeze3A_1994, %and3A_1995 : i32
      %broadcast_in_dim3A_1997 = vector.broadcast %and3A_1996 : i32 to vector<16xi32>
      %gather3A_1998 = arith.constant 1 : i32
      %gather3A_1999 = arith.constant 14 : i32
      %gather3A_2000 = arith.constant 0 : i32
      %gather3A_2001 = arith.constant 0 : i32
      %gather3A_2002 = tpu.memref_slice %arg6[%gather3A_1998, %gather3A_1999, %gather3A_2000, %gather3A_2001] : memref<2x16x16x128xf32, #tpu.memory_space<vmem>> -> memref<1x1x16x128xf32, #tpu.memory_space<vmem>>
      %gather3A_2003 = tpu.memref_squeeze %gather3A_2002 : memref<1x1x16x128xf32, #tpu.memory_space<vmem>> -> memref<16x128xf32, #tpu.memory_space<vmem>>
      %gather3A_2004 = tpu.vector_load_idx %gather3A_2003[%iota3A, %broadcast_in_dim3A_1997] : memref<16x128xf32, #tpu.memory_space<vmem>>[vector<16xi32>, vector<16xi32>], vector<16xf32>,
      %mul3A_2005 = arith.constant 16 : i32
      %mul3A_2006 = arith.muli %add3A_1530, %mul3A_2005 : i32
      %add3A_2007 = arith.constant 14 : i32
      %add3A_2008 = arith.addi %mul3A_2006, %add3A_2007 : i32
      %broadcast_in_dim3A_2009 = vector.broadcast %add3A_2008 : i32 to vector<16xi32>
      tpu.vector_store_idx %arg7[%iota3A, %broadcast_in_dim3A_2009], %gather3A_2004 : memref<16x512xf32, #tpu.memory_space<vmem>>[vector<16xi32>, vector<16xi32>], vector<16xf32>,
      %slice3A_2010 = vector.extract_strided_slice %get3A_353 {offsets = [15], sizes = [1], strides = [1]} : vector<16xi32> to vector<1xi32>
      %squeeze3A_2011 = vector.extract %slice3A_2010[0] : i32 from vector<1xi32>
      %and3A_2012 = arith.constant 127 : i32
      %and3A_2013 = arith.andi %squeeze3A_2011, %and3A_2012 : i32
      %broadcast_in_dim3A_2014 = vector.broadcast %and3A_2013 : i32 to vector<16xi32>
      %gather3A_2015 = arith.constant 1 : i32
      %gather3A_2016 = arith.constant 15 : i32
      %gather3A_2017 = arith.constant 0 : i32
      %gather3A_2018 = arith.constant 0 : i32
      %gather3A_2019 = tpu.memref_slice %arg6[%gather3A_2015, %gather3A_2016, %gather3A_2017, %gather3A_2018] : memref<2x16x16x128xf32, #tpu.memory_space<vmem>> -> memref<1x1x16x128xf32, #tpu.memory_space<vmem>>
      %gather3A_2020 = tpu.memref_squeeze %gather3A_2019 : memref<1x1x16x128xf32, #tpu.memory_space<vmem>> -> memref<16x128xf32, #tpu.memory_space<vmem>>
      %gather3A_2021 = tpu.vector_load_idx %gather3A_2020[%iota3A, %broadcast_in_dim3A_2014] : memref<16x128xf32, #tpu.memory_space<vmem>>[vector<16xi32>, vector<16xi32>], vector<16xf32>,
      %mul3A_2022 = arith.constant 16 : i32
      %mul3A_2023 = arith.muli %add3A_1530, %mul3A_2022 : i32
      %add3A_2024 = arith.constant 15 : i32
      %add3A_2025 = arith.addi %mul3A_2023, %add3A_2024 : i32
      %broadcast_in_dim3A_2026 = vector.broadcast %add3A_2025 : i32 to vector<16xi32>
      tpu.vector_store_idx %arg7[%iota3A, %broadcast_in_dim3A_2026], %gather3A_2021 : memref<16x512xf32, #tpu.memory_space<vmem>>[vector<16xi32>, vector<16xi32>], vector<16xf32>,
      %add3A_2027 = arith.constant 2 : i32
      %add3A_2028 = arith.addi %mul3A_10, %add3A_2027 : i32
      %add3A_2029 = arith.constant 1 : i32
      %add3A_2030 = arith.addi %add3A_2028, %add3A_2029 : i32
      %mul3A_2031 = arith.constant 16 : i32
      %mul3A_2032 = arith.muli %add3A_2030, %mul3A_2031 : i32
      %multiple_of3A_2033 = tpu.assume_multiple %mul3A_2032, 16 : i32
      %get3A_2034 = arith.index_cast %multiple_of3A_2033 : i32 to index
      %get3A_2035 = tpu.vector_load %arg5[%get3A_2034] {strides = array<i32>} : memref<512xi32, #tpu.memory_space<vmem>>, vector<16xi32>,
      %slice3A_2036 = vector.extract_strided_slice %get3A_2035 {offsets = [0], sizes = [1], strides = [1]} : vector<16xi32> to vector<1xi32>
      %squeeze3A_2037 = vector.extract %slice3A_2036[0] : i32 from vector<1xi32>
      %shift_right_arithmetic3A_2038 = arith.constant 7 : i32
      %shift_right_arithmetic3A_2039 = arith.shrsi %squeeze3A_2037, %shift_right_arithmetic3A_2038 : i32
      %shift_left3A_2040 = arith.constant 7 : i32
      %shift_left3A_2041 = arith.shli %shift_right_arithmetic3A_2039, %shift_left3A_2040 : i32
      %multiple_of3A_2042 = tpu.assume_multiple %shift_left3A_2041, 128 : i32
      %dma_start3A_2043 = arith.constant 1 : i32
      %dma_start3A_2044 = arith.constant 0 : i32
      %dma_start3A_2045 = arith.constant 0 : i32
      %dma_start3A_2046 = arith.constant 0 : i32
      %dma_start3A_2047 = tpu.memref_slice %arg6[%dma_start3A_2043, %dma_start3A_2044, %dma_start3A_2045, %dma_start3A_2046] : memref<2x16x16x128xf32, #tpu.memory_space<vmem>> -> memref<1x1x16x128xf32, #tpu.memory_space<vmem>>
      %dma_start3A_2048 = tpu.memref_squeeze %dma_start3A_2047 : memref<1x1x16x128xf32, #tpu.memory_space<vmem>> -> memref<16x128xf32, #tpu.memory_space<vmem>>
      %dma_start3A_2049 = arith.constant 0 : i32
      %dma_start3A_2050 = tpu.memref_slice %arg3[%dma_start3A_2049, %multiple_of3A_2042] : memref<16x1000000xf32, #tpu.memory_space<hbm>> -> memref<16x128xf32, #tpu.memory_space<hbm>>
      %dma_start3A_2051 = arith.constant 0 : i32
      %dma_start3A_2052 = arith.constant 0 : i32
      %dma_start3A_2053 = tpu.memref_slice %arg6[%dma_start3A_2043, %dma_start3A_2044, %dma_start3A_2051, %dma_start3A_2052] : memref<2x16x16x128xf32, #tpu.memory_space<vmem>> -> memref<1x1x16x128xf32, #tpu.memory_space<vmem>>
      %dma_start3A_2054 = tpu.memref_squeeze %dma_start3A_2053 : memref<1x1x16x128xf32, #tpu.memory_space<vmem>> -> memref<16x128xf32, #tpu.memory_space<vmem>>
      %dma_start3A_2055 = arith.constant 0 : i32
      %dma_start3A_2056 = tpu.memref_slice %arg3[%dma_start3A_2055, %multiple_of3A_2042] : memref<16x1000000xf32, #tpu.memory_space<hbm>> -> memref<16x128xf32, #tpu.memory_space<hbm>>
      tpu.enqueue_dma source(%dma_start3A_2056 : memref<16x128xf32, #tpu.memory_space<hbm>>) target(%dma_start3A_2054 : memref<16x128xf32, #tpu.memory_space<vmem>>) target_semaphore(%arg9 : memref<!tpu.dma_semaphore, #tpu.memory_space<semaphore_mem>>)
      %slice3A_2057 = vector.extract_strided_slice %get3A_2035 {offsets = [1], sizes = [1], strides = [1]} : vector<16xi32> to vector<1xi32>
      %squeeze3A_2058 = vector.extract %slice3A_2057[0] : i32 from vector<1xi32>
      %shift_right_arithmetic3A_2059 = arith.constant 7 : i32
      %shift_right_arithmetic3A_2060 = arith.shrsi %squeeze3A_2058, %shift_right_arithmetic3A_2059 : i32
      %shift_left3A_2061 = arith.constant 7 : i32
      %shift_left3A_2062 = arith.shli %shift_right_arithmetic3A_2060, %shift_left3A_2061 : i32
      %multiple_of3A_2063 = tpu.assume_multiple %shift_left3A_2062, 128 : i32
      %dma_start3A_2064 = arith.constant 1 : i32
      %dma_start3A_2065 = arith.constant 1 : i32
      %dma_start3A_2066 = arith.constant 0 : i32
      %dma_start3A_2067 = arith.constant 0 : i32
      %dma_start3A_2068 = tpu.memref_slice %arg6[%dma_start3A_2064, %dma_start3A_2065, %dma_start3A_2066, %dma_start3A_2067] : memref<2x16x16x128xf32, #tpu.memory_space<vmem>> -> memref<1x1x16x128xf32, #tpu.memory_space<vmem>>
      %dma_start3A_2069 = tpu.memref_squeeze %dma_start3A_2068 : memref<1x1x16x128xf32, #tpu.memory_space<vmem>> -> memref<16x128xf32, #tpu.memory_space<vmem>>
      %dma_start3A_2070 = arith.constant 0 : i32
      %dma_start3A_2071 = tpu.memref_slice %arg3[%dma_start3A_2070, %multiple_of3A_2063] : memref<16x1000000xf32, #tpu.memory_space<hbm>> -> memref<16x128xf32, #tpu.memory_space<hbm>>
      %dma_start3A_2072 = arith.constant 0 : i32
      %dma_start3A_2073 = arith.constant 0 : i32
      %dma_start3A_2074 = tpu.memref_slice %arg6[%dma_start3A_2064, %dma_start3A_2065, %dma_start3A_2072, %dma_start3A_2073] : memref<2x16x16x128xf32, #tpu.memory_space<vmem>> -> memref<1x1x16x128xf32, #tpu.memory_space<vmem>>
      %dma_start3A_2075 = tpu.memref_squeeze %dma_start3A_2074 : memref<1x1x16x128xf32, #tpu.memory_space<vmem>> -> memref<16x128xf32, #tpu.memory_space<vmem>>
      %dma_start3A_2076 = arith.constant 0 : i32
      %dma_start3A_2077 = tpu.memref_slice %arg3[%dma_start3A_2076, %multiple_of3A_2063] : memref<16x1000000xf32, #tpu.memory_space<hbm>> -> memref<16x128xf32, #tpu.memory_space<hbm>>
      tpu.enqueue_dma source(%dma_start3A_2077 : memref<16x128xf32, #tpu.memory_space<hbm>>) target(%dma_start3A_2075 : memref<16x128xf32, #tpu.memory_space<vmem>>) target_semaphore(%arg9 : memref<!tpu.dma_semaphore, #tpu.memory_space<semaphore_mem>>)
      %slice3A_2078 = vector.extract_strided_slice %get3A_2035 {offsets = [2], sizes = [1], strides = [1]} : vector<16xi32> to vector<1xi32>
      %squeeze3A_2079 = vector.extract %slice3A_2078[0] : i32 from vector<1xi32>
      %shift_right_arithmetic3A_2080 = arith.constant 7 : i32
      %shift_right_arithmetic3A_2081 = arith.shrsi %squeeze3A_2079, %shift_right_arithmetic3A_2080 : i32
      %shift_left3A_2082 = arith.constant 7 : i32
      %shift_left3A_2083 = arith.shli %shift_right_arithmetic3A_2081, %shift_left3A_2082 : i32
      %multiple_of3A_2084 = tpu.assume_multiple %shift_left3A_2083, 128 : i32
      %dma_start3A_2085 = arith.constant 1 : i32
      %dma_start3A_2086 = arith.constant 2 : i32
      %dma_start3A_2087 = arith.constant 0 : i32
      %dma_start3A_2088 = arith.constant 0 : i32
      %dma_start3A_2089 = tpu.memref_slice %arg6[%dma_start3A_2085, %dma_start3A_2086, %dma_start3A_2087, %dma_start3A_2088] : memref<2x16x16x128xf32, #tpu.memory_space<vmem>> -> memref<1x1x16x128xf32, #tpu.memory_space<vmem>>
      %dma_start3A_2090 = tpu.memref_squeeze %dma_start3A_2089 : memref<1x1x16x128xf32, #tpu.memory_space<vmem>> -> memref<16x128xf32, #tpu.memory_space<vmem>>
      %dma_start3A_2091 = arith.constant 0 : i32
      %dma_start3A_2092 = tpu.memref_slice %arg3[%dma_start3A_2091, %multiple_of3A_2084] : memref<16x1000000xf32, #tpu.memory_space<hbm>> -> memref<16x128xf32, #tpu.memory_space<hbm>>
      %dma_start3A_2093 = arith.constant 0 : i32
      %dma_start3A_2094 = arith.constant 0 : i32
      %dma_start3A_2095 = tpu.memref_slice %arg6[%dma_start3A_2085, %dma_start3A_2086, %dma_start3A_2093, %dma_start3A_2094] : memref<2x16x16x128xf32, #tpu.memory_space<vmem>> -> memref<1x1x16x128xf32, #tpu.memory_space<vmem>>
      %dma_start3A_2096 = tpu.memref_squeeze %dma_start3A_2095 : memref<1x1x16x128xf32, #tpu.memory_space<vmem>> -> memref<16x128xf32, #tpu.memory_space<vmem>>
      %dma_start3A_2097 = arith.constant 0 : i32
      %dma_start3A_2098 = tpu.memref_slice %arg3[%dma_start3A_2097, %multiple_of3A_2084] : memref<16x1000000xf32, #tpu.memory_space<hbm>> -> memref<16x128xf32, #tpu.memory_space<hbm>>
      tpu.enqueue_dma source(%dma_start3A_2098 : memref<16x128xf32, #tpu.memory_space<hbm>>) target(%dma_start3A_2096 : memref<16x128xf32, #tpu.memory_space<vmem>>) target_semaphore(%arg9 : memref<!tpu.dma_semaphore, #tpu.memory_space<semaphore_mem>>)
      %slice3A_2099 = vector.extract_strided_slice %get3A_2035 {offsets = [3], sizes = [1], strides = [1]} : vector<16xi32> to vector<1xi32>
      %squeeze3A_2100 = vector.extract %slice3A_2099[0] : i32 from vector<1xi32>
      %shift_right_arithmetic3A_2101 = arith.constant 7 : i32
      %shift_right_arithmetic3A_2102 = arith.shrsi %squeeze3A_2100, %shift_right_arithmetic3A_2101 : i32
      %shift_left3A_2103 = arith.constant 7 : i32
      %shift_left3A_2104 = arith.shli %shift_right_arithmetic3A_2102, %shift_left3A_2103 : i32
      %multiple_of3A_2105 = tpu.assume_multiple %shift_left3A_2104, 128 : i32
      %dma_start3A_2106 = arith.constant 1 : i32
      %dma_start3A_2107 = arith.constant 3 : i32
      %dma_start3A_2108 = arith.constant 0 : i32
      %dma_start3A_2109 = arith.constant 0 : i32
      %dma_start3A_2110 = tpu.memref_slice %arg6[%dma_start3A_2106, %dma_start3A_2107, %dma_start3A_2108, %dma_start3A_2109] : memref<2x16x16x128xf32, #tpu.memory_space<vmem>> -> memref<1x1x16x128xf32, #tpu.memory_space<vmem>>
      %dma_start3A_2111 = tpu.memref_squeeze %dma_start3A_2110 : memref<1x1x16x128xf32, #tpu.memory_space<vmem>> -> memref<16x128xf32, #tpu.memory_space<vmem>>
      %dma_start3A_2112 = arith.constant 0 : i32
      %dma_start3A_2113 = tpu.memref_slice %arg3[%dma_start3A_2112, %multiple_of3A_2105] : memref<16x1000000xf32, #tpu.memory_space<hbm>> -> memref<16x128xf32, #tpu.memory_space<hbm>>
      %dma_start3A_2114 = arith.constant 0 : i32
      %dma_start3A_2115 = arith.constant 0 : i32
      %dma_start3A_2116 = tpu.memref_slice %arg6[%dma_start3A_2106, %dma_start3A_2107, %dma_start3A_2114, %dma_start3A_2115] : memref<2x16x16x128xf32, #tpu.memory_space<vmem>> -> memref<1x1x16x128xf32, #tpu.memory_space<vmem>>
      %dma_start3A_2117 = tpu.memref_squeeze %dma_start3A_2116 : memref<1x1x16x128xf32, #tpu.memory_space<vmem>> -> memref<16x128xf32, #tpu.memory_space<vmem>>
      %dma_start3A_2118 = arith.constant 0 : i32
      %dma_start3A_2119 = tpu.memref_slice %arg3[%dma_start3A_2118, %multiple_of3A_2105] : memref<16x1000000xf32, #tpu.memory_space<hbm>> -> memref<16x128xf32, #tpu.memory_space<hbm>>
      tpu.enqueue_dma source(%dma_start3A_2119 : memref<16x128xf32, #tpu.memory_space<hbm>>) target(%dma_start3A_2117 : memref<16x128xf32, #tpu.memory_space<vmem>>) target_semaphore(%arg9 : memref<!tpu.dma_semaphore, #tpu.memory_space<semaphore_mem>>)
      %slice3A_2120 = vector.extract_strided_slice %get3A_2035 {offsets = [4], sizes = [1], strides = [1]} : vector<16xi32> to vector<1xi32>
      %squeeze3A_2121 = vector.extract %slice3A_2120[0] : i32 from vector<1xi32>
      %shift_right_arithmetic3A_2122 = arith.constant 7 : i32
      %shift_right_arithmetic3A_2123 = arith.shrsi %squeeze3A_2121, %shift_right_arithmetic3A_2122 : i32
      %shift_left3A_2124 = arith.constant 7 : i32
      %shift_left3A_2125 = arith.shli %shift_right_arithmetic3A_2123, %shift_left3A_2124 : i32
      %multiple_of3A_2126 = tpu.assume_multiple %shift_left3A_2125, 128 : i32
      %dma_start3A_2127 = arith.constant 1 : i32
      %dma_start3A_2128 = arith.constant 4 : i32
      %dma_start3A_2129 = arith.constant 0 : i32
      %dma_start3A_2130 = arith.constant 0 : i32
      %dma_start3A_2131 = tpu.memref_slice %arg6[%dma_start3A_2127, %dma_start3A_2128, %dma_start3A_2129, %dma_start3A_2130] : memref<2x16x16x128xf32, #tpu.memory_space<vmem>> -> memref<1x1x16x128xf32, #tpu.memory_space<vmem>>
      %dma_start3A_2132 = tpu.memref_squeeze %dma_start3A_2131 : memref<1x1x16x128xf32, #tpu.memory_space<vmem>> -> memref<16x128xf32, #tpu.memory_space<vmem>>
      %dma_start3A_2133 = arith.constant 0 : i32
      %dma_start3A_2134 = tpu.memref_slice %arg3[%dma_start3A_2133, %multiple_of3A_2126] : memref<16x1000000xf32, #tpu.memory_space<hbm>> -> memref<16x128xf32, #tpu.memory_space<hbm>>
      %dma_start3A_2135 = arith.constant 0 : i32
      %dma_start3A_2136 = arith.constant 0 : i32
      %dma_start3A_2137 = tpu.memref_slice %arg6[%dma_start3A_2127, %dma_start3A_2128, %dma_start3A_2135, %dma_start3A_2136] : memref<2x16x16x128xf32, #tpu.memory_space<vmem>> -> memref<1x1x16x128xf32, #tpu.memory_space<vmem>>
      %dma_start3A_2138 = tpu.memref_squeeze %dma_start3A_2137 : memref<1x1x16x128xf32, #tpu.memory_space<vmem>> -> memref<16x128xf32, #tpu.memory_space<vmem>>
      %dma_start3A_2139 = arith.constant 0 : i32
      %dma_start3A_2140 = tpu.memref_slice %arg3[%dma_start3A_2139, %multiple_of3A_2126] : memref<16x1000000xf32, #tpu.memory_space<hbm>> -> memref<16x128xf32, #tpu.memory_space<hbm>>
      tpu.enqueue_dma source(%dma_start3A_2140 : memref<16x128xf32, #tpu.memory_space<hbm>>) target(%dma_start3A_2138 : memref<16x128xf32, #tpu.memory_space<vmem>>) target_semaphore(%arg9 : memref<!tpu.dma_semaphore, #tpu.memory_space<semaphore_mem>>)
      %slice3A_2141 = vector.extract_strided_slice %get3A_2035 {offsets = [5], sizes = [1], strides = [1]} : vector<16xi32> to vector<1xi32>
      %squeeze3A_2142 = vector.extract %slice3A_2141[0] : i32 from vector<1xi32>
      %shift_right_arithmetic3A_2143 = arith.constant 7 : i32
      %shift_right_arithmetic3A_2144 = arith.shrsi %squeeze3A_2142, %shift_right_arithmetic3A_2143 : i32
      %shift_left3A_2145 = arith.constant 7 : i32
      %shift_left3A_2146 = arith.shli %shift_right_arithmetic3A_2144, %shift_left3A_2145 : i32
      %multiple_of3A_2147 = tpu.assume_multiple %shift_left3A_2146, 128 : i32
      %dma_start3A_2148 = arith.constant 1 : i32
      %dma_start3A_2149 = arith.constant 5 : i32
      %dma_start3A_2150 = arith.constant 0 : i32
      %dma_start3A_2151 = arith.constant 0 : i32
      %dma_start3A_2152 = tpu.memref_slice %arg6[%dma_start3A_2148, %dma_start3A_2149, %dma_start3A_2150, %dma_start3A_2151] : memref<2x16x16x128xf32, #tpu.memory_space<vmem>> -> memref<1x1x16x128xf32, #tpu.memory_space<vmem>>
      %dma_start3A_2153 = tpu.memref_squeeze %dma_start3A_2152 : memref<1x1x16x128xf32, #tpu.memory_space<vmem>> -> memref<16x128xf32, #tpu.memory_space<vmem>>
      %dma_start3A_2154 = arith.constant 0 : i32
      %dma_start3A_2155 = tpu.memref_slice %arg3[%dma_start3A_2154, %multiple_of3A_2147] : memref<16x1000000xf32, #tpu.memory_space<hbm>> -> memref<16x128xf32, #tpu.memory_space<hbm>>
      %dma_start3A_2156 = arith.constant 0 : i32
      %dma_start3A_2157 = arith.constant 0 : i32
      %dma_start3A_2158 = tpu.memref_slice %arg6[%dma_start3A_2148, %dma_start3A_2149, %dma_start3A_2156, %dma_start3A_2157] : memref<2x16x16x128xf32, #tpu.memory_space<vmem>> -> memref<1x1x16x128xf32, #tpu.memory_space<vmem>>
      %dma_start3A_2159 = tpu.memref_squeeze %dma_start3A_2158 : memref<1x1x16x128xf32, #tpu.memory_space<vmem>> -> memref<16x128xf32, #tpu.memory_space<vmem>>
      %dma_start3A_2160 = arith.constant 0 : i32
      %dma_start3A_2161 = tpu.memref_slice %arg3[%dma_start3A_2160, %multiple_of3A_2147] : memref<16x1000000xf32, #tpu.memory_space<hbm>> -> memref<16x128xf32, #tpu.memory_space<hbm>>
      tpu.enqueue_dma source(%dma_start3A_2161 : memref<16x128xf32, #tpu.memory_space<hbm>>) target(%dma_start3A_2159 : memref<16x128xf32, #tpu.memory_space<vmem>>) target_semaphore(%arg9 : memref<!tpu.dma_semaphore, #tpu.memory_space<semaphore_mem>>)
      %slice3A_2162 = vector.extract_strided_slice %get3A_2035 {offsets = [6], sizes = [1], strides = [1]} : vector<16xi32> to vector<1xi32>
      %squeeze3A_2163 = vector.extract %slice3A_2162[0] : i32 from vector<1xi32>
      %shift_right_arithmetic3A_2164 = arith.constant 7 : i32
      %shift_right_arithmetic3A_2165 = arith.shrsi %squeeze3A_2163, %shift_right_arithmetic3A_2164 : i32
      %shift_left3A_2166 = arith.constant 7 : i32
      %shift_left3A_2167 = arith.shli %shift_right_arithmetic3A_2165, %shift_left3A_2166 : i32
      %multiple_of3A_2168 = tpu.assume_multiple %shift_left3A_2167, 128 : i32
      %dma_start3A_2169 = arith.constant 1 : i32
      %dma_start3A_2170 = arith.constant 6 : i32
      %dma_start3A_2171 = arith.constant 0 : i32
      %dma_start3A_2172 = arith.constant 0 : i32
      %dma_start3A_2173 = tpu.memref_slice %arg6[%dma_start3A_2169, %dma_start3A_2170, %dma_start3A_2171, %dma_start3A_2172] : memref<2x16x16x128xf32, #tpu.memory_space<vmem>> -> memref<1x1x16x128xf32, #tpu.memory_space<vmem>>
      %dma_start3A_2174 = tpu.memref_squeeze %dma_start3A_2173 : memref<1x1x16x128xf32, #tpu.memory_space<vmem>> -> memref<16x128xf32, #tpu.memory_space<vmem>>
      %dma_start3A_2175 = arith.constant 0 : i32
      %dma_start3A_2176 = tpu.memref_slice %arg3[%dma_start3A_2175, %multiple_of3A_2168] : memref<16x1000000xf32, #tpu.memory_space<hbm>> -> memref<16x128xf32, #tpu.memory_space<hbm>>
      %dma_start3A_2177 = arith.constant 0 : i32
      %dma_start3A_2178 = arith.constant 0 : i32
      %dma_start3A_2179 = tpu.memref_slice %arg6[%dma_start3A_2169, %dma_start3A_2170, %dma_start3A_2177, %dma_start3A_2178] : memref<2x16x16x128xf32, #tpu.memory_space<vmem>> -> memref<1x1x16x128xf32, #tpu.memory_space<vmem>>
      %dma_start3A_2180 = tpu.memref_squeeze %dma_start3A_2179 : memref<1x1x16x128xf32, #tpu.memory_space<vmem>> -> memref<16x128xf32, #tpu.memory_space<vmem>>
      %dma_start3A_2181 = arith.constant 0 : i32
      %dma_start3A_2182 = tpu.memref_slice %arg3[%dma_start3A_2181, %multiple_of3A_2168] : memref<16x1000000xf32, #tpu.memory_space<hbm>> -> memref<16x128xf32, #tpu.memory_space<hbm>>
      tpu.enqueue_dma source(%dma_start3A_2182 : memref<16x128xf32, #tpu.memory_space<hbm>>) target(%dma_start3A_2180 : memref<16x128xf32, #tpu.memory_space<vmem>>) target_semaphore(%arg9 : memref<!tpu.dma_semaphore, #tpu.memory_space<semaphore_mem>>)
      %slice3A_2183 = vector.extract_strided_slice %get3A_2035 {offsets = [7], sizes = [1], strides = [1]} : vector<16xi32> to vector<1xi32>
      %squeeze3A_2184 = vector.extract %slice3A_2183[0] : i32 from vector<1xi32>
      %shift_right_arithmetic3A_2185 = arith.constant 7 : i32
      %shift_right_arithmetic3A_2186 = arith.shrsi %squeeze3A_2184, %shift_right_arithmetic3A_2185 : i32
      %shift_left3A_2187 = arith.constant 7 : i32
      %shift_left3A_2188 = arith.shli %shift_right_arithmetic3A_2186, %shift_left3A_2187 : i32
      %multiple_of3A_2189 = tpu.assume_multiple %shift_left3A_2188, 128 : i32
      %dma_start3A_2190 = arith.constant 1 : i32
      %dma_start3A_2191 = arith.constant 7 : i32
      %dma_start3A_2192 = arith.constant 0 : i32
      %dma_start3A_2193 = arith.constant 0 : i32
      %dma_start3A_2194 = tpu.memref_slice %arg6[%dma_start3A_2190, %dma_start3A_2191, %dma_start3A_2192, %dma_start3A_2193] : memref<2x16x16x128xf32, #tpu.memory_space<vmem>> -> memref<1x1x16x128xf32, #tpu.memory_space<vmem>>
      %dma_start3A_2195 = tpu.memref_squeeze %dma_start3A_2194 : memref<1x1x16x128xf32, #tpu.memory_space<vmem>> -> memref<16x128xf32, #tpu.memory_space<vmem>>
      %dma_start3A_2196 = arith.constant 0 : i32
      %dma_start3A_2197 = tpu.memref_slice %arg3[%dma_start3A_2196, %multiple_of3A_2189] : memref<16x1000000xf32, #tpu.memory_space<hbm>> -> memref<16x128xf32, #tpu.memory_space<hbm>>
      %dma_start3A_2198 = arith.constant 0 : i32
      %dma_start3A_2199 = arith.constant 0 : i32
      %dma_start3A_2200 = tpu.memref_slice %arg6[%dma_start3A_2190, %dma_start3A_2191, %dma_start3A_2198, %dma_start3A_2199] : memref<2x16x16x128xf32, #tpu.memory_space<vmem>> -> memref<1x1x16x128xf32, #tpu.memory_space<vmem>>
      %dma_start3A_2201 = tpu.memref_squeeze %dma_start3A_2200 : memref<1x1x16x128xf32, #tpu.memory_space<vmem>> -> memref<16x128xf32, #tpu.memory_space<vmem>>
      %dma_start3A_2202 = arith.constant 0 : i32
      %dma_start3A_2203 = tpu.memref_slice %arg3[%dma_start3A_2202, %multiple_of3A_2189] : memref<16x1000000xf32, #tpu.memory_space<hbm>> -> memref<16x128xf32, #tpu.memory_space<hbm>>
      tpu.enqueue_dma source(%dma_start3A_2203 : memref<16x128xf32, #tpu.memory_space<hbm>>) target(%dma_start3A_2201 : memref<16x128xf32, #tpu.memory_space<vmem>>) target_semaphore(%arg9 : memref<!tpu.dma_semaphore, #tpu.memory_space<semaphore_mem>>)
      %slice3A_2204 = vector.extract_strided_slice %get3A_2035 {offsets = [8], sizes = [1], strides = [1]} : vector<16xi32> to vector<1xi32>
      %squeeze3A_2205 = vector.extract %slice3A_2204[0] : i32 from vector<1xi32>
      %shift_right_arithmetic3A_2206 = arith.constant 7 : i32
      %shift_right_arithmetic3A_2207 = arith.shrsi %squeeze3A_2205, %shift_right_arithmetic3A_2206 : i32
      %shift_left3A_2208 = arith.constant 7 : i32
      %shift_left3A_2209 = arith.shli %shift_right_arithmetic3A_2207, %shift_left3A_2208 : i32
      %multiple_of3A_2210 = tpu.assume_multiple %shift_left3A_2209, 128 : i32
      %dma_start3A_2211 = arith.constant 1 : i32
      %dma_start3A_2212 = arith.constant 8 : i32
      %dma_start3A_2213 = arith.constant 0 : i32
      %dma_start3A_2214 = arith.constant 0 : i32
      %dma_start3A_2215 = tpu.memref_slice %arg6[%dma_start3A_2211, %dma_start3A_2212, %dma_start3A_2213, %dma_start3A_2214] : memref<2x16x16x128xf32, #tpu.memory_space<vmem>> -> memref<1x1x16x128xf32, #tpu.memory_space<vmem>>
      %dma_start3A_2216 = tpu.memref_squeeze %dma_start3A_2215 : memref<1x1x16x128xf32, #tpu.memory_space<vmem>> -> memref<16x128xf32, #tpu.memory_space<vmem>>
      %dma_start3A_2217 = arith.constant 0 : i32
      %dma_start3A_2218 = tpu.memref_slice %arg3[%dma_start3A_2217, %multiple_of3A_2210] : memref<16x1000000xf32, #tpu.memory_space<hbm>> -> memref<16x128xf32, #tpu.memory_space<hbm>>
      %dma_start3A_2219 = arith.constant 0 : i32
      %dma_start3A_2220 = arith.constant 0 : i32
      %dma_start3A_2221 = tpu.memref_slice %arg6[%dma_start3A_2211, %dma_start3A_2212, %dma_start3A_2219, %dma_start3A_2220] : memref<2x16x16x128xf32, #tpu.memory_space<vmem>> -> memref<1x1x16x128xf32, #tpu.memory_space<vmem>>
      %dma_start3A_2222 = tpu.memref_squeeze %dma_start3A_2221 : memref<1x1x16x128xf32, #tpu.memory_space<vmem>> -> memref<16x128xf32, #tpu.memory_space<vmem>>
      %dma_start3A_2223 = arith.constant 0 : i32
      %dma_start3A_2224 = tpu.memref_slice %arg3[%dma_start3A_2223, %multiple_of3A_2210] : memref<16x1000000xf32, #tpu.memory_space<hbm>> -> memref<16x128xf32, #tpu.memory_space<hbm>>
      tpu.enqueue_dma source(%dma_start3A_2224 : memref<16x128xf32, #tpu.memory_space<hbm>>) target(%dma_start3A_2222 : memref<16x128xf32, #tpu.memory_space<vmem>>) target_semaphore(%arg9 : memref<!tpu.dma_semaphore, #tpu.memory_space<semaphore_mem>>)
      %slice3A_2225 = vector.extract_strided_slice %get3A_2035 {offsets = [9], sizes = [1], strides = [1]} : vector<16xi32> to vector<1xi32>
      %squeeze3A_2226 = vector.extract %slice3A_2225[0] : i32 from vector<1xi32>
      %shift_right_arithmetic3A_2227 = arith.constant 7 : i32
      %shift_right_arithmetic3A_2228 = arith.shrsi %squeeze3A_2226, %shift_right_arithmetic3A_2227 : i32
      %shift_left3A_2229 = arith.constant 7 : i32
      %shift_left3A_2230 = arith.shli %shift_right_arithmetic3A_2228, %shift_left3A_2229 : i32
      %multiple_of3A_2231 = tpu.assume_multiple %shift_left3A_2230, 128 : i32
      %dma_start3A_2232 = arith.constant 1 : i32
      %dma_start3A_2233 = arith.constant 9 : i32
      %dma_start3A_2234 = arith.constant 0 : i32
      %dma_start3A_2235 = arith.constant 0 : i32
      %dma_start3A_2236 = tpu.memref_slice %arg6[%dma_start3A_2232, %dma_start3A_2233, %dma_start3A_2234, %dma_start3A_2235] : memref<2x16x16x128xf32, #tpu.memory_space<vmem>> -> memref<1x1x16x128xf32, #tpu.memory_space<vmem>>
      %dma_start3A_2237 = tpu.memref_squeeze %dma_start3A_2236 : memref<1x1x16x128xf32, #tpu.memory_space<vmem>> -> memref<16x128xf32, #tpu.memory_space<vmem>>
      %dma_start3A_2238 = arith.constant 0 : i32
      %dma_start3A_2239 = tpu.memref_slice %arg3[%dma_start3A_2238, %multiple_of3A_2231] : memref<16x1000000xf32, #tpu.memory_space<hbm>> -> memref<16x128xf32, #tpu.memory_space<hbm>>
      %dma_start3A_2240 = arith.constant 0 : i32
      %dma_start3A_2241 = arith.constant 0 : i32
      %dma_start3A_2242 = tpu.memref_slice %arg6[%dma_start3A_2232, %dma_start3A_2233, %dma_start3A_2240, %dma_start3A_2241] : memref<2x16x16x128xf32, #tpu.memory_space<vmem>> -> memref<1x1x16x128xf32, #tpu.memory_space<vmem>>
      %dma_start3A_2243 = tpu.memref_squeeze %dma_start3A_2242 : memref<1x1x16x128xf32, #tpu.memory_space<vmem>> -> memref<16x128xf32, #tpu.memory_space<vmem>>
      %dma_start3A_2244 = arith.constant 0 : i32
      %dma_start3A_2245 = tpu.memref_slice %arg3[%dma_start3A_2244, %multiple_of3A_2231] : memref<16x1000000xf32, #tpu.memory_space<hbm>> -> memref<16x128xf32, #tpu.memory_space<hbm>>
      tpu.enqueue_dma source(%dma_start3A_2245 : memref<16x128xf32, #tpu.memory_space<hbm>>) target(%dma_start3A_2243 : memref<16x128xf32, #tpu.memory_space<vmem>>) target_semaphore(%arg9 : memref<!tpu.dma_semaphore, #tpu.memory_space<semaphore_mem>>)
      %slice3A_2246 = vector.extract_strided_slice %get3A_2035 {offsets = [10], sizes = [1], strides = [1]} : vector<16xi32> to vector<1xi32>
      %squeeze3A_2247 = vector.extract %slice3A_2246[0] : i32 from vector<1xi32>
      %shift_right_arithmetic3A_2248 = arith.constant 7 : i32
      %shift_right_arithmetic3A_2249 = arith.shrsi %squeeze3A_2247, %shift_right_arithmetic3A_2248 : i32
      %shift_left3A_2250 = arith.constant 7 : i32
      %shift_left3A_2251 = arith.shli %shift_right_arithmetic3A_2249, %shift_left3A_2250 : i32
      %multiple_of3A_2252 = tpu.assume_multiple %shift_left3A_2251, 128 : i32
      %dma_start3A_2253 = arith.constant 1 : i32
      %dma_start3A_2254 = arith.constant 10 : i32
      %dma_start3A_2255 = arith.constant 0 : i32
      %dma_start3A_2256 = arith.constant 0 : i32
      %dma_start3A_2257 = tpu.memref_slice %arg6[%dma_start3A_2253, %dma_start3A_2254, %dma_start3A_2255, %dma_start3A_2256] : memref<2x16x16x128xf32, #tpu.memory_space<vmem>> -> memref<1x1x16x128xf32, #tpu.memory_space<vmem>>
      %dma_start3A_2258 = tpu.memref_squeeze %dma_start3A_2257 : memref<1x1x16x128xf32, #tpu.memory_space<vmem>> -> memref<16x128xf32, #tpu.memory_space<vmem>>
      %dma_start3A_2259 = arith.constant 0 : i32
      %dma_start3A_2260 = tpu.memref_slice %arg3[%dma_start3A_2259, %multiple_of3A_2252] : memref<16x1000000xf32, #tpu.memory_space<hbm>> -> memref<16x128xf32, #tpu.memory_space<hbm>>
      %dma_start3A_2261 = arith.constant 0 : i32
      %dma_start3A_2262 = arith.constant 0 : i32
      %dma_start3A_2263 = tpu.memref_slice %arg6[%dma_start3A_2253, %dma_start3A_2254, %dma_start3A_2261, %dma_start3A_2262] : memref<2x16x16x128xf32, #tpu.memory_space<vmem>> -> memref<1x1x16x128xf32, #tpu.memory_space<vmem>>
      %dma_start3A_2264 = tpu.memref_squeeze %dma_start3A_2263 : memref<1x1x16x128xf32, #tpu.memory_space<vmem>> -> memref<16x128xf32, #tpu.memory_space<vmem>>
      %dma_start3A_2265 = arith.constant 0 : i32
      %dma_start3A_2266 = tpu.memref_slice %arg3[%dma_start3A_2265, %multiple_of3A_2252] : memref<16x1000000xf32, #tpu.memory_space<hbm>> -> memref<16x128xf32, #tpu.memory_space<hbm>>
      tpu.enqueue_dma source(%dma_start3A_2266 : memref<16x128xf32, #tpu.memory_space<hbm>>) target(%dma_start3A_2264 : memref<16x128xf32, #tpu.memory_space<vmem>>) target_semaphore(%arg9 : memref<!tpu.dma_semaphore, #tpu.memory_space<semaphore_mem>>)
      %slice3A_2267 = vector.extract_strided_slice %get3A_2035 {offsets = [11], sizes = [1], strides = [1]} : vector<16xi32> to vector<1xi32>
      %squeeze3A_2268 = vector.extract %slice3A_2267[0] : i32 from vector<1xi32>
      %shift_right_arithmetic3A_2269 = arith.constant 7 : i32
      %shift_right_arithmetic3A_2270 = arith.shrsi %squeeze3A_2268, %shift_right_arithmetic3A_2269 : i32
      %shift_left3A_2271 = arith.constant 7 : i32
      %shift_left3A_2272 = arith.shli %shift_right_arithmetic3A_2270, %shift_left3A_2271 : i32
      %multiple_of3A_2273 = tpu.assume_multiple %shift_left3A_2272, 128 : i32
      %dma_start3A_2274 = arith.constant 1 : i32
      %dma_start3A_2275 = arith.constant 11 : i32
      %dma_start3A_2276 = arith.constant 0 : i32
      %dma_start3A_2277 = arith.constant 0 : i32
      %dma_start3A_2278 = tpu.memref_slice %arg6[%dma_start3A_2274, %dma_start3A_2275, %dma_start3A_2276, %dma_start3A_2277] : memref<2x16x16x128xf32, #tpu.memory_space<vmem>> -> memref<1x1x16x128xf32, #tpu.memory_space<vmem>>
      %dma_start3A_2279 = tpu.memref_squeeze %dma_start3A_2278 : memref<1x1x16x128xf32, #tpu.memory_space<vmem>> -> memref<16x128xf32, #tpu.memory_space<vmem>>
      %dma_start3A_2280 = arith.constant 0 : i32
      %dma_start3A_2281 = tpu.memref_slice %arg3[%dma_start3A_2280, %multiple_of3A_2273] : memref<16x1000000xf32, #tpu.memory_space<hbm>> -> memref<16x128xf32, #tpu.memory_space<hbm>>
      %dma_start3A_2282 = arith.constant 0 : i32
      %dma_start3A_2283 = arith.constant 0 : i32
      %dma_start3A_2284 = tpu.memref_slice %arg6[%dma_start3A_2274, %dma_start3A_2275, %dma_start3A_2282, %dma_start3A_2283] : memref<2x16x16x128xf32, #tpu.memory_space<vmem>> -> memref<1x1x16x128xf32, #tpu.memory_space<vmem>>
      %dma_start3A_2285 = tpu.memref_squeeze %dma_start3A_2284 : memref<1x1x16x128xf32, #tpu.memory_space<vmem>> -> memref<16x128xf32, #tpu.memory_space<vmem>>
      %dma_start3A_2286 = arith.constant 0 : i32
      %dma_start3A_2287 = tpu.memref_slice %arg3[%dma_start3A_2286, %multiple_of3A_2273] : memref<16x1000000xf32, #tpu.memory_space<hbm>> -> memref<16x128xf32, #tpu.memory_space<hbm>>
      tpu.enqueue_dma source(%dma_start3A_2287 : memref<16x128xf32, #tpu.memory_space<hbm>>) target(%dma_start3A_2285 : memref<16x128xf32, #tpu.memory_space<vmem>>) target_semaphore(%arg9 : memref<!tpu.dma_semaphore, #tpu.memory_space<semaphore_mem>>)
      %slice3A_2288 = vector.extract_strided_slice %get3A_2035 {offsets = [12], sizes = [1], strides = [1]} : vector<16xi32> to vector<1xi32>
      %squeeze3A_2289 = vector.extract %slice3A_2288[0] : i32 from vector<1xi32>
      %shift_right_arithmetic3A_2290 = arith.constant 7 : i32
      %shift_right_arithmetic3A_2291 = arith.shrsi %squeeze3A_2289, %shift_right_arithmetic3A_2290 : i32
      %shift_left3A_2292 = arith.constant 7 : i32
      %shift_left3A_2293 = arith.shli %shift_right_arithmetic3A_2291, %shift_left3A_2292 : i32
      %multiple_of3A_2294 = tpu.assume_multiple %shift_left3A_2293, 128 : i32
      %dma_start3A_2295 = arith.constant 1 : i32
      %dma_start3A_2296 = arith.constant 12 : i32
      %dma_start3A_2297 = arith.constant 0 : i32
      %dma_start3A_2298 = arith.constant 0 : i32
      %dma_start3A_2299 = tpu.memref_slice %arg6[%dma_start3A_2295, %dma_start3A_2296, %dma_start3A_2297, %dma_start3A_2298] : memref<2x16x16x128xf32, #tpu.memory_space<vmem>> -> memref<1x1x16x128xf32, #tpu.memory_space<vmem>>
      %dma_start3A_2300 = tpu.memref_squeeze %dma_start3A_2299 : memref<1x1x16x128xf32, #tpu.memory_space<vmem>> -> memref<16x128xf32, #tpu.memory_space<vmem>>
      %dma_start3A_2301 = arith.constant 0 : i32
      %dma_start3A_2302 = tpu.memref_slice %arg3[%dma_start3A_2301, %multiple_of3A_2294] : memref<16x1000000xf32, #tpu.memory_space<hbm>> -> memref<16x128xf32, #tpu.memory_space<hbm>>
      %dma_start3A_2303 = arith.constant 0 : i32
      %dma_start3A_2304 = arith.constant 0 : i32
      %dma_start3A_2305 = tpu.memref_slice %arg6[%dma_start3A_2295, %dma_start3A_2296, %dma_start3A_2303, %dma_start3A_2304] : memref<2x16x16x128xf32, #tpu.memory_space<vmem>> -> memref<1x1x16x128xf32, #tpu.memory_space<vmem>>
      %dma_start3A_2306 = tpu.memref_squeeze %dma_start3A_2305 : memref<1x1x16x128xf32, #tpu.memory_space<vmem>> -> memref<16x128xf32, #tpu.memory_space<vmem>>
      %dma_start3A_2307 = arith.constant 0 : i32
      %dma_start3A_2308 = tpu.memref_slice %arg3[%dma_start3A_2307, %multiple_of3A_2294] : memref<16x1000000xf32, #tpu.memory_space<hbm>> -> memref<16x128xf32, #tpu.memory_space<hbm>>
      tpu.enqueue_dma source(%dma_start3A_2308 : memref<16x128xf32, #tpu.memory_space<hbm>>) target(%dma_start3A_2306 : memref<16x128xf32, #tpu.memory_space<vmem>>) target_semaphore(%arg9 : memref<!tpu.dma_semaphore, #tpu.memory_space<semaphore_mem>>)
      %slice3A_2309 = vector.extract_strided_slice %get3A_2035 {offsets = [13], sizes = [1], strides = [1]} : vector<16xi32> to vector<1xi32>
      %squeeze3A_2310 = vector.extract %slice3A_2309[0] : i32 from vector<1xi32>
      %shift_right_arithmetic3A_2311 = arith.constant 7 : i32
      %shift_right_arithmetic3A_2312 = arith.shrsi %squeeze3A_2310, %shift_right_arithmetic3A_2311 : i32
      %shift_left3A_2313 = arith.constant 7 : i32
      %shift_left3A_2314 = arith.shli %shift_right_arithmetic3A_2312, %shift_left3A_2313 : i32
      %multiple_of3A_2315 = tpu.assume_multiple %shift_left3A_2314, 128 : i32
      %dma_start3A_2316 = arith.constant 1 : i32
      %dma_start3A_2317 = arith.constant 13 : i32
      %dma_start3A_2318 = arith.constant 0 : i32
      %dma_start3A_2319 = arith.constant 0 : i32
      %dma_start3A_2320 = tpu.memref_slice %arg6[%dma_start3A_2316, %dma_start3A_2317, %dma_start3A_2318, %dma_start3A_2319] : memref<2x16x16x128xf32, #tpu.memory_space<vmem>> -> memref<1x1x16x128xf32, #tpu.memory_space<vmem>>
      %dma_start3A_2321 = tpu.memref_squeeze %dma_start3A_2320 : memref<1x1x16x128xf32, #tpu.memory_space<vmem>> -> memref<16x128xf32, #tpu.memory_space<vmem>>
      %dma_start3A_2322 = arith.constant 0 : i32
      %dma_start3A_2323 = tpu.memref_slice %arg3[%dma_start3A_2322, %multiple_of3A_2315] : memref<16x1000000xf32, #tpu.memory_space<hbm>> -> memref<16x128xf32, #tpu.memory_space<hbm>>
      %dma_start3A_2324 = arith.constant 0 : i32
      %dma_start3A_2325 = arith.constant 0 : i32
      %dma_start3A_2326 = tpu.memref_slice %arg6[%dma_start3A_2316, %dma_start3A_2317, %dma_start3A_2324, %dma_start3A_2325] : memref<2x16x16x128xf32, #tpu.memory_space<vmem>> -> memref<1x1x16x128xf32, #tpu.memory_space<vmem>>
      %dma_start3A_2327 = tpu.memref_squeeze %dma_start3A_2326 : memref<1x1x16x128xf32, #tpu.memory_space<vmem>> -> memref<16x128xf32, #tpu.memory_space<vmem>>
      %dma_start3A_2328 = arith.constant 0 : i32
      %dma_start3A_2329 = tpu.memref_slice %arg3[%dma_start3A_2328, %multiple_of3A_2315] : memref<16x1000000xf32, #tpu.memory_space<hbm>> -> memref<16x128xf32, #tpu.memory_space<hbm>>
      tpu.enqueue_dma source(%dma_start3A_2329 : memref<16x128xf32, #tpu.memory_space<hbm>>) target(%dma_start3A_2327 : memref<16x128xf32, #tpu.memory_space<vmem>>) target_semaphore(%arg9 : memref<!tpu.dma_semaphore, #tpu.memory_space<semaphore_mem>>)
      %slice3A_2330 = vector.extract_strided_slice %get3A_2035 {offsets = [14], sizes = [1], strides = [1]} : vector<16xi32> to vector<1xi32>
      %squeeze3A_2331 = vector.extract %slice3A_2330[0] : i32 from vector<1xi32>
      %shift_right_arithmetic3A_2332 = arith.constant 7 : i32
      %shift_right_arithmetic3A_2333 = arith.shrsi %squeeze3A_2331, %shift_right_arithmetic3A_2332 : i32
      %shift_left3A_2334 = arith.constant 7 : i32
      %shift_left3A_2335 = arith.shli %shift_right_arithmetic3A_2333, %shift_left3A_2334 : i32
      %multiple_of3A_2336 = tpu.assume_multiple %shift_left3A_2335, 128 : i32
      %dma_start3A_2337 = arith.constant 1 : i32
      %dma_start3A_2338 = arith.constant 14 : i32
      %dma_start3A_2339 = arith.constant 0 : i32
      %dma_start3A_2340 = arith.constant 0 : i32
      %dma_start3A_2341 = tpu.memref_slice %arg6[%dma_start3A_2337, %dma_start3A_2338, %dma_start3A_2339, %dma_start3A_2340] : memref<2x16x16x128xf32, #tpu.memory_space<vmem>> -> memref<1x1x16x128xf32, #tpu.memory_space<vmem>>
      %dma_start3A_2342 = tpu.memref_squeeze %dma_start3A_2341 : memref<1x1x16x128xf32, #tpu.memory_space<vmem>> -> memref<16x128xf32, #tpu.memory_space<vmem>>
      %dma_start3A_2343 = arith.constant 0 : i32
      %dma_start3A_2344 = tpu.memref_slice %arg3[%dma_start3A_2343, %multiple_of3A_2336] : memref<16x1000000xf32, #tpu.memory_space<hbm>> -> memref<16x128xf32, #tpu.memory_space<hbm>>
      %dma_start3A_2345 = arith.constant 0 : i32
      %dma_start3A_2346 = arith.constant 0 : i32
      %dma_start3A_2347 = tpu.memref_slice %arg6[%dma_start3A_2337, %dma_start3A_2338, %dma_start3A_2345, %dma_start3A_2346] : memref<2x16x16x128xf32, #tpu.memory_space<vmem>> -> memref<1x1x16x128xf32, #tpu.memory_space<vmem>>
      %dma_start3A_2348 = tpu.memref_squeeze %dma_start3A_2347 : memref<1x1x16x128xf32, #tpu.memory_space<vmem>> -> memref<16x128xf32, #tpu.memory_space<vmem>>
      %dma_start3A_2349 = arith.constant 0 : i32
      %dma_start3A_2350 = tpu.memref_slice %arg3[%dma_start3A_2349, %multiple_of3A_2336] : memref<16x1000000xf32, #tpu.memory_space<hbm>> -> memref<16x128xf32, #tpu.memory_space<hbm>>
      tpu.enqueue_dma source(%dma_start3A_2350 : memref<16x128xf32, #tpu.memory_space<hbm>>) target(%dma_start3A_2348 : memref<16x128xf32, #tpu.memory_space<vmem>>) target_semaphore(%arg9 : memref<!tpu.dma_semaphore, #tpu.memory_space<semaphore_mem>>)
      %slice3A_2351 = vector.extract_strided_slice %get3A_2035 {offsets = [15], sizes = [1], strides = [1]} : vector<16xi32> to vector<1xi32>
      %squeeze3A_2352 = vector.extract %slice3A_2351[0] : i32 from vector<1xi32>
      %shift_right_arithmetic3A_2353 = arith.constant 7 : i32
      %shift_right_arithmetic3A_2354 = arith.shrsi %squeeze3A_2352, %shift_right_arithmetic3A_2353 : i32
      %shift_left3A_2355 = arith.constant 7 : i32
      %shift_left3A_2356 = arith.shli %shift_right_arithmetic3A_2354, %shift_left3A_2355 : i32
      %multiple_of3A_2357 = tpu.assume_multiple %shift_left3A_2356, 128 : i32
      %dma_start3A_2358 = arith.constant 1 : i32
      %dma_start3A_2359 = arith.constant 15 : i32
      %dma_start3A_2360 = arith.constant 0 : i32
      %dma_start3A_2361 = arith.constant 0 : i32
      %dma_start3A_2362 = tpu.memref_slice %arg6[%dma_start3A_2358, %dma_start3A_2359, %dma_start3A_2360, %dma_start3A_2361] : memref<2x16x16x128xf32, #tpu.memory_space<vmem>> -> memref<1x1x16x128xf32, #tpu.memory_space<vmem>>
      %dma_start3A_2363 = tpu.memref_squeeze %dma_start3A_2362 : memref<1x1x16x128xf32, #tpu.memory_space<vmem>> -> memref<16x128xf32, #tpu.memory_space<vmem>>
      %dma_start3A_2364 = arith.constant 0 : i32
      %dma_start3A_2365 = tpu.memref_slice %arg3[%dma_start3A_2364, %multiple_of3A_2357] : memref<16x1000000xf32, #tpu.memory_space<hbm>> -> memref<16x128xf32, #tpu.memory_space<hbm>>
      %dma_start3A_2366 = arith.constant 0 : i32
      %dma_start3A_2367 = arith.constant 0 : i32
      %dma_start3A_2368 = tpu.memref_slice %arg6[%dma_start3A_2358, %dma_start3A_2359, %dma_start3A_2366, %dma_start3A_2367] : memref<2x16x16x128xf32, #tpu.memory_space<vmem>> -> memref<1x1x16x128xf32, #tpu.memory_space<vmem>>
      %dma_start3A_2369 = tpu.memref_squeeze %dma_start3A_2368 : memref<1x1x16x128xf32, #tpu.memory_space<vmem>> -> memref<16x128xf32, #tpu.memory_space<vmem>>
      %dma_start3A_2370 = arith.constant 0 : i32
      %dma_start3A_2371 = tpu.memref_slice %arg3[%dma_start3A_2370, %multiple_of3A_2357] : memref<16x1000000xf32, #tpu.memory_space<hbm>> -> memref<16x128xf32, #tpu.memory_space<hbm>>
      tpu.enqueue_dma source(%dma_start3A_2371 : memref<16x128xf32, #tpu.memory_space<hbm>>) target(%dma_start3A_2369 : memref<16x128xf32, #tpu.memory_space<vmem>>) target_semaphore(%arg9 : memref<!tpu.dma_semaphore, #tpu.memory_space<semaphore_mem>>)
      %add3A_2372 = arith.constant 2 : i32
      %add3A_2373 = arith.addi %mul3A_10, %add3A_2372 : i32
      %dma_wait3A_2374 = arith.constant 0 : i32
      %dma_wait3A_2375 = arith.constant 0 : i32
      %dma_wait3A_2376 = arith.constant 0 : i32
      %dma_wait3A_2377 = arith.constant 0 : i32
      %dma_wait3A_2378 = tpu.memref_slice %arg6[%dma_wait3A_2374, %dma_wait3A_2375, %dma_wait3A_2376, %dma_wait3A_2377] : memref<2x16x16x128xf32, #tpu.memory_space<vmem>> -> memref<1x1x16x128xf32, #tpu.memory_space<vmem>>
      %dma_wait3A_2379 = tpu.memref_squeeze %dma_wait3A_2378 : memref<1x1x16x128xf32, #tpu.memory_space<vmem>> -> memref<16x128xf32, #tpu.memory_space<vmem>>
      %dma_wait3A_2380 = arith.constant 0 : i32
      %dma_wait3A_2381 = tpu.memref_slice %arg3[%dma_wait3A_2380, %multiple_of3A_1199] : memref<16x1000000xf32, #tpu.memory_space<hbm>> -> memref<16x128xf32, #tpu.memory_space<hbm>>
      %dma_wait3A_2382 = arith.constant 0 : i32
      %dma_wait3A_2383 = arith.constant 0 : i32
      %dma_wait3A_2384 = tpu.memref_slice %arg6[%dma_wait3A_2374, %dma_wait3A_2375, %dma_wait3A_2382, %dma_wait3A_2383] : memref<2x16x16x128xf32, #tpu.memory_space<vmem>> -> memref<1x1x16x128xf32, #tpu.memory_space<vmem>>
      %dma_wait3A_2385 = tpu.memref_squeeze %dma_wait3A_2384 : memref<1x1x16x128xf32, #tpu.memory_space<vmem>> -> memref<16x128xf32, #tpu.memory_space<vmem>>
      %dma_wait3A_2386 = arith.constant 0 : i32
      %dma_wait3A_2387 = tpu.memref_slice %arg3[%dma_wait3A_2386, %multiple_of3A_1199] : memref<16x1000000xf32, #tpu.memory_space<hbm>> -> memref<16x128xf32, #tpu.memory_space<hbm>>
      tpu.wait_dma2 semaphore(%arg8 : memref<!tpu.dma_semaphore, #tpu.memory_space<semaphore_mem>>) src(%dma_wait3A_2387 : memref<16x128xf32, #tpu.memory_space<hbm>>) dst(%dma_wait3A_2385 : memref<16x128xf32, #tpu.memory_space<vmem>>)
      %dma_wait3A_2388 = arith.constant 0 : i32
      %dma_wait3A_2389 = arith.constant 1 : i32
      %dma_wait3A_2390 = arith.constant 0 : i32
      %dma_wait3A_2391 = arith.constant 0 : i32
      %dma_wait3A_2392 = tpu.memref_slice %arg6[%dma_wait3A_2388, %dma_wait3A_2389, %dma_wait3A_2390, %dma_wait3A_2391] : memref<2x16x16x128xf32, #tpu.memory_space<vmem>> -> memref<1x1x16x128xf32, #tpu.memory_space<vmem>>
      %dma_wait3A_2393 = tpu.memref_squeeze %dma_wait3A_2392 : memref<1x1x16x128xf32, #tpu.memory_space<vmem>> -> memref<16x128xf32, #tpu.memory_space<vmem>>
      %dma_wait3A_2394 = arith.constant 0 : i32
      %dma_wait3A_2395 = tpu.memref_slice %arg3[%dma_wait3A_2394, %multiple_of3A_1220] : memref<16x1000000xf32, #tpu.memory_space<hbm>> -> memref<16x128xf32, #tpu.memory_space<hbm>>
      %dma_wait3A_2396 = arith.constant 0 : i32
      %dma_wait3A_2397 = arith.constant 0 : i32
      %dma_wait3A_2398 = tpu.memref_slice %arg6[%dma_wait3A_2388, %dma_wait3A_2389, %dma_wait3A_2396, %dma_wait3A_2397] : memref<2x16x16x128xf32, #tpu.memory_space<vmem>> -> memref<1x1x16x128xf32, #tpu.memory_space<vmem>>
      %dma_wait3A_2399 = tpu.memref_squeeze %dma_wait3A_2398 : memref<1x1x16x128xf32, #tpu.memory_space<vmem>> -> memref<16x128xf32, #tpu.memory_space<vmem>>
      %dma_wait3A_2400 = arith.constant 0 : i32
      %dma_wait3A_2401 = tpu.memref_slice %arg3[%dma_wait3A_2400, %multiple_of3A_1220] : memref<16x1000000xf32, #tpu.memory_space<hbm>> -> memref<16x128xf32, #tpu.memory_space<hbm>>
      tpu.wait_dma2 semaphore(%arg8 : memref<!tpu.dma_semaphore, #tpu.memory_space<semaphore_mem>>) src(%dma_wait3A_2401 : memref<16x128xf32, #tpu.memory_space<hbm>>) dst(%dma_wait3A_2399 : memref<16x128xf32, #tpu.memory_space<vmem>>)
      %dma_wait3A_2402 = arith.constant 0 : i32
      %dma_wait3A_2403 = arith.constant 2 : i32
      %dma_wait3A_2404 = arith.constant 0 : i32
      %dma_wait3A_2405 = arith.constant 0 : i32
      %dma_wait3A_2406 = tpu.memref_slice %arg6[%dma_wait3A_2402, %dma_wait3A_2403, %dma_wait3A_2404, %dma_wait3A_2405] : memref<2x16x16x128xf32, #tpu.memory_space<vmem>> -> memref<1x1x16x128xf32, #tpu.memory_space<vmem>>
      %dma_wait3A_2407 = tpu.memref_squeeze %dma_wait3A_2406 : memref<1x1x16x128xf32, #tpu.memory_space<vmem>> -> memref<16x128xf32, #tpu.memory_space<vmem>>
      %dma_wait3A_2408 = arith.constant 0 : i32
      %dma_wait3A_2409 = tpu.memref_slice %arg3[%dma_wait3A_2408, %multiple_of3A_1241] : memref<16x1000000xf32, #tpu.memory_space<hbm>> -> memref<16x128xf32, #tpu.memory_space<hbm>>
      %dma_wait3A_2410 = arith.constant 0 : i32
      %dma_wait3A_2411 = arith.constant 0 : i32
      %dma_wait3A_2412 = tpu.memref_slice %arg6[%dma_wait3A_2402, %dma_wait3A_2403, %dma_wait3A_2410, %dma_wait3A_2411] : memref<2x16x16x128xf32, #tpu.memory_space<vmem>> -> memref<1x1x16x128xf32, #tpu.memory_space<vmem>>
      %dma_wait3A_2413 = tpu.memref_squeeze %dma_wait3A_2412 : memref<1x1x16x128xf32, #tpu.memory_space<vmem>> -> memref<16x128xf32, #tpu.memory_space<vmem>>
      %dma_wait3A_2414 = arith.constant 0 : i32
      %dma_wait3A_2415 = tpu.memref_slice %arg3[%dma_wait3A_2414, %multiple_of3A_1241] : memref<16x1000000xf32, #tpu.memory_space<hbm>> -> memref<16x128xf32, #tpu.memory_space<hbm>>
      tpu.wait_dma2 semaphore(%arg8 : memref<!tpu.dma_semaphore, #tpu.memory_space<semaphore_mem>>) src(%dma_wait3A_2415 : memref<16x128xf32, #tpu.memory_space<hbm>>) dst(%dma_wait3A_2413 : memref<16x128xf32, #tpu.memory_space<vmem>>)
      %dma_wait3A_2416 = arith.constant 0 : i32
      %dma_wait3A_2417 = arith.constant 3 : i32
      %dma_wait3A_2418 = arith.constant 0 : i32
      %dma_wait3A_2419 = arith.constant 0 : i32
      %dma_wait3A_2420 = tpu.memref_slice %arg6[%dma_wait3A_2416, %dma_wait3A_2417, %dma_wait3A_2418, %dma_wait3A_2419] : memref<2x16x16x128xf32, #tpu.memory_space<vmem>> -> memref<1x1x16x128xf32, #tpu.memory_space<vmem>>
      %dma_wait3A_2421 = tpu.memref_squeeze %dma_wait3A_2420 : memref<1x1x16x128xf32, #tpu.memory_space<vmem>> -> memref<16x128xf32, #tpu.memory_space<vmem>>
      %dma_wait3A_2422 = arith.constant 0 : i32
      %dma_wait3A_2423 = tpu.memref_slice %arg3[%dma_wait3A_2422, %multiple_of3A_1262] : memref<16x1000000xf32, #tpu.memory_space<hbm>> -> memref<16x128xf32, #tpu.memory_space<hbm>>
      %dma_wait3A_2424 = arith.constant 0 : i32
      %dma_wait3A_2425 = arith.constant 0 : i32
      %dma_wait3A_2426 = tpu.memref_slice %arg6[%dma_wait3A_2416, %dma_wait3A_2417, %dma_wait3A_2424, %dma_wait3A_2425] : memref<2x16x16x128xf32, #tpu.memory_space<vmem>> -> memref<1x1x16x128xf32, #tpu.memory_space<vmem>>
      %dma_wait3A_2427 = tpu.memref_squeeze %dma_wait3A_2426 : memref<1x1x16x128xf32, #tpu.memory_space<vmem>> -> memref<16x128xf32, #tpu.memory_space<vmem>>
      %dma_wait3A_2428 = arith.constant 0 : i32
      %dma_wait3A_2429 = tpu.memref_slice %arg3[%dma_wait3A_2428, %multiple_of3A_1262] : memref<16x1000000xf32, #tpu.memory_space<hbm>> -> memref<16x128xf32, #tpu.memory_space<hbm>>
      tpu.wait_dma2 semaphore(%arg8 : memref<!tpu.dma_semaphore, #tpu.memory_space<semaphore_mem>>) src(%dma_wait3A_2429 : memref<16x128xf32, #tpu.memory_space<hbm>>) dst(%dma_wait3A_2427 : memref<16x128xf32, #tpu.memory_space<vmem>>)
      %dma_wait3A_2430 = arith.constant 0 : i32
      %dma_wait3A_2431 = arith.constant 4 : i32
      %dma_wait3A_2432 = arith.constant 0 : i32
      %dma_wait3A_2433 = arith.constant 0 : i32
      %dma_wait3A_2434 = tpu.memref_slice %arg6[%dma_wait3A_2430, %dma_wait3A_2431, %dma_wait3A_2432, %dma_wait3A_2433] : memref<2x16x16x128xf32, #tpu.memory_space<vmem>> -> memref<1x1x16x128xf32, #tpu.memory_space<vmem>>
      %dma_wait3A_2435 = tpu.memref_squeeze %dma_wait3A_2434 : memref<1x1x16x128xf32, #tpu.memory_space<vmem>> -> memref<16x128xf32, #tpu.memory_space<vmem>>
      %dma_wait3A_2436 = arith.constant 0 : i32
      %dma_wait3A_2437 = tpu.memref_slice %arg3[%dma_wait3A_2436, %multiple_of3A_1283] : memref<16x1000000xf32, #tpu.memory_space<hbm>> -> memref<16x128xf32, #tpu.memory_space<hbm>>
      %dma_wait3A_2438 = arith.constant 0 : i32
      %dma_wait3A_2439 = arith.constant 0 : i32
      %dma_wait3A_2440 = tpu.memref_slice %arg6[%dma_wait3A_2430, %dma_wait3A_2431, %dma_wait3A_2438, %dma_wait3A_2439] : memref<2x16x16x128xf32, #tpu.memory_space<vmem>> -> memref<1x1x16x128xf32, #tpu.memory_space<vmem>>
      %dma_wait3A_2441 = tpu.memref_squeeze %dma_wait3A_2440 : memref<1x1x16x128xf32, #tpu.memory_space<vmem>> -> memref<16x128xf32, #tpu.memory_space<vmem>>
      %dma_wait3A_2442 = arith.constant 0 : i32
      %dma_wait3A_2443 = tpu.memref_slice %arg3[%dma_wait3A_2442, %multiple_of3A_1283] : memref<16x1000000xf32, #tpu.memory_space<hbm>> -> memref<16x128xf32, #tpu.memory_space<hbm>>
      tpu.wait_dma2 semaphore(%arg8 : memref<!tpu.dma_semaphore, #tpu.memory_space<semaphore_mem>>) src(%dma_wait3A_2443 : memref<16x128xf32, #tpu.memory_space<hbm>>) dst(%dma_wait3A_2441 : memref<16x128xf32, #tpu.memory_space<vmem>>)
      %dma_wait3A_2444 = arith.constant 0 : i32
      %dma_wait3A_2445 = arith.constant 5 : i32
      %dma_wait3A_2446 = arith.constant 0 : i32
      %dma_wait3A_2447 = arith.constant 0 : i32
      %dma_wait3A_2448 = tpu.memref_slice %arg6[%dma_wait3A_2444, %dma_wait3A_2445, %dma_wait3A_2446, %dma_wait3A_2447] : memref<2x16x16x128xf32, #tpu.memory_space<vmem>> -> memref<1x1x16x128xf32, #tpu.memory_space<vmem>>
      %dma_wait3A_2449 = tpu.memref_squeeze %dma_wait3A_2448 : memref<1x1x16x128xf32, #tpu.memory_space<vmem>> -> memref<16x128xf32, #tpu.memory_space<vmem>>
      %dma_wait3A_2450 = arith.constant 0 : i32
      %dma_wait3A_2451 = tpu.memref_slice %arg3[%dma_wait3A_2450, %multiple_of3A_1304] : memref<16x1000000xf32, #tpu.memory_space<hbm>> -> memref<16x128xf32, #tpu.memory_space<hbm>>
      %dma_wait3A_2452 = arith.constant 0 : i32
      %dma_wait3A_2453 = arith.constant 0 : i32
      %dma_wait3A_2454 = tpu.memref_slice %arg6[%dma_wait3A_2444, %dma_wait3A_2445, %dma_wait3A_2452, %dma_wait3A_2453] : memref<2x16x16x128xf32, #tpu.memory_space<vmem>> -> memref<1x1x16x128xf32, #tpu.memory_space<vmem>>
      %dma_wait3A_2455 = tpu.memref_squeeze %dma_wait3A_2454 : memref<1x1x16x128xf32, #tpu.memory_space<vmem>> -> memref<16x128xf32, #tpu.memory_space<vmem>>
      %dma_wait3A_2456 = arith.constant 0 : i32
      %dma_wait3A_2457 = tpu.memref_slice %arg3[%dma_wait3A_2456, %multiple_of3A_1304] : memref<16x1000000xf32, #tpu.memory_space<hbm>> -> memref<16x128xf32, #tpu.memory_space<hbm>>
      tpu.wait_dma2 semaphore(%arg8 : memref<!tpu.dma_semaphore, #tpu.memory_space<semaphore_mem>>) src(%dma_wait3A_2457 : memref<16x128xf32, #tpu.memory_space<hbm>>) dst(%dma_wait3A_2455 : memref<16x128xf32, #tpu.memory_space<vmem>>)
      %dma_wait3A_2458 = arith.constant 0 : i32
      %dma_wait3A_2459 = arith.constant 6 : i32
      %dma_wait3A_2460 = arith.constant 0 : i32
      %dma_wait3A_2461 = arith.constant 0 : i32
      %dma_wait3A_2462 = tpu.memref_slice %arg6[%dma_wait3A_2458, %dma_wait3A_2459, %dma_wait3A_2460, %dma_wait3A_2461] : memref<2x16x16x128xf32, #tpu.memory_space<vmem>> -> memref<1x1x16x128xf32, #tpu.memory_space<vmem>>
      %dma_wait3A_2463 = tpu.memref_squeeze %dma_wait3A_2462 : memref<1x1x16x128xf32, #tpu.memory_space<vmem>> -> memref<16x128xf32, #tpu.memory_space<vmem>>
      %dma_wait3A_2464 = arith.constant 0 : i32
      %dma_wait3A_2465 = tpu.memref_slice %arg3[%dma_wait3A_2464, %multiple_of3A_1325] : memref<16x1000000xf32, #tpu.memory_space<hbm>> -> memref<16x128xf32, #tpu.memory_space<hbm>>
      %dma_wait3A_2466 = arith.constant 0 : i32
      %dma_wait3A_2467 = arith.constant 0 : i32
      %dma_wait3A_2468 = tpu.memref_slice %arg6[%dma_wait3A_2458, %dma_wait3A_2459, %dma_wait3A_2466, %dma_wait3A_2467] : memref<2x16x16x128xf32, #tpu.memory_space<vmem>> -> memref<1x1x16x128xf32, #tpu.memory_space<vmem>>
      %dma_wait3A_2469 = tpu.memref_squeeze %dma_wait3A_2468 : memref<1x1x16x128xf32, #tpu.memory_space<vmem>> -> memref<16x128xf32, #tpu.memory_space<vmem>>
      %dma_wait3A_2470 = arith.constant 0 : i32
      %dma_wait3A_2471 = tpu.memref_slice %arg3[%dma_wait3A_2470, %multiple_of3A_1325] : memref<16x1000000xf32, #tpu.memory_space<hbm>> -> memref<16x128xf32, #tpu.memory_space<hbm>>
      tpu.wait_dma2 semaphore(%arg8 : memref<!tpu.dma_semaphore, #tpu.memory_space<semaphore_mem>>) src(%dma_wait3A_2471 : memref<16x128xf32, #tpu.memory_space<hbm>>) dst(%dma_wait3A_2469 : memref<16x128xf32, #tpu.memory_space<vmem>>)
      %dma_wait3A_2472 = arith.constant 0 : i32
      %dma_wait3A_2473 = arith.constant 7 : i32
      %dma_wait3A_2474 = arith.constant 0 : i32
      %dma_wait3A_2475 = arith.constant 0 : i32
      %dma_wait3A_2476 = tpu.memref_slice %arg6[%dma_wait3A_2472, %dma_wait3A_2473, %dma_wait3A_2474, %dma_wait3A_2475] : memref<2x16x16x128xf32, #tpu.memory_space<vmem>> -> memref<1x1x16x128xf32, #tpu.memory_space<vmem>>
      %dma_wait3A_2477 = tpu.memref_squeeze %dma_wait3A_2476 : memref<1x1x16x128xf32, #tpu.memory_space<vmem>> -> memref<16x128xf32, #tpu.memory_space<vmem>>
      %dma_wait3A_2478 = arith.constant 0 : i32
      %dma_wait3A_2479 = tpu.memref_slice %arg3[%dma_wait3A_2478, %multiple_of3A_1346] : memref<16x1000000xf32, #tpu.memory_space<hbm>> -> memref<16x128xf32, #tpu.memory_space<hbm>>
      %dma_wait3A_2480 = arith.constant 0 : i32
      %dma_wait3A_2481 = arith.constant 0 : i32
      %dma_wait3A_2482 = tpu.memref_slice %arg6[%dma_wait3A_2472, %dma_wait3A_2473, %dma_wait3A_2480, %dma_wait3A_2481] : memref<2x16x16x128xf32, #tpu.memory_space<vmem>> -> memref<1x1x16x128xf32, #tpu.memory_space<vmem>>
      %dma_wait3A_2483 = tpu.memref_squeeze %dma_wait3A_2482 : memref<1x1x16x128xf32, #tpu.memory_space<vmem>> -> memref<16x128xf32, #tpu.memory_space<vmem>>
      %dma_wait3A_2484 = arith.constant 0 : i32
      %dma_wait3A_2485 = tpu.memref_slice %arg3[%dma_wait3A_2484, %multiple_of3A_1346] : memref<16x1000000xf32, #tpu.memory_space<hbm>> -> memref<16x128xf32, #tpu.memory_space<hbm>>
      tpu.wait_dma2 semaphore(%arg8 : memref<!tpu.dma_semaphore, #tpu.memory_space<semaphore_mem>>) src(%dma_wait3A_2485 : memref<16x128xf32, #tpu.memory_space<hbm>>) dst(%dma_wait3A_2483 : memref<16x128xf32, #tpu.memory_space<vmem>>)
      %dma_wait3A_2486 = arith.constant 0 : i32
      %dma_wait3A_2487 = arith.constant 8 : i32
      %dma_wait3A_2488 = arith.constant 0 : i32
      %dma_wait3A_2489 = arith.constant 0 : i32
      %dma_wait3A_2490 = tpu.memref_slice %arg6[%dma_wait3A_2486, %dma_wait3A_2487, %dma_wait3A_2488, %dma_wait3A_2489] : memref<2x16x16x128xf32, #tpu.memory_space<vmem>> -> memref<1x1x16x128xf32, #tpu.memory_space<vmem>>
      %dma_wait3A_2491 = tpu.memref_squeeze %dma_wait3A_2490 : memref<1x1x16x128xf32, #tpu.memory_space<vmem>> -> memref<16x128xf32, #tpu.memory_space<vmem>>
      %dma_wait3A_2492 = arith.constant 0 : i32
      %dma_wait3A_2493 = tpu.memref_slice %arg3[%dma_wait3A_2492, %multiple_of3A_1367] : memref<16x1000000xf32, #tpu.memory_space<hbm>> -> memref<16x128xf32, #tpu.memory_space<hbm>>
      %dma_wait3A_2494 = arith.constant 0 : i32
      %dma_wait3A_2495 = arith.constant 0 : i32
      %dma_wait3A_2496 = tpu.memref_slice %arg6[%dma_wait3A_2486, %dma_wait3A_2487, %dma_wait3A_2494, %dma_wait3A_2495] : memref<2x16x16x128xf32, #tpu.memory_space<vmem>> -> memref<1x1x16x128xf32, #tpu.memory_space<vmem>>
      %dma_wait3A_2497 = tpu.memref_squeeze %dma_wait3A_2496 : memref<1x1x16x128xf32, #tpu.memory_space<vmem>> -> memref<16x128xf32, #tpu.memory_space<vmem>>
      %dma_wait3A_2498 = arith.constant 0 : i32
      %dma_wait3A_2499 = tpu.memref_slice %arg3[%dma_wait3A_2498, %multiple_of3A_1367] : memref<16x1000000xf32, #tpu.memory_space<hbm>> -> memref<16x128xf32, #tpu.memory_space<hbm>>
      tpu.wait_dma2 semaphore(%arg8 : memref<!tpu.dma_semaphore, #tpu.memory_space<semaphore_mem>>) src(%dma_wait3A_2499 : memref<16x128xf32, #tpu.memory_space<hbm>>) dst(%dma_wait3A_2497 : memref<16x128xf32, #tpu.memory_space<vmem>>)
      %dma_wait3A_2500 = arith.constant 0 : i32
      %dma_wait3A_2501 = arith.constant 9 : i32
      %dma_wait3A_2502 = arith.constant 0 : i32
      %dma_wait3A_2503 = arith.constant 0 : i32
      %dma_wait3A_2504 = tpu.memref_slice %arg6[%dma_wait3A_2500, %dma_wait3A_2501, %dma_wait3A_2502, %dma_wait3A_2503] : memref<2x16x16x128xf32, #tpu.memory_space<vmem>> -> memref<1x1x16x128xf32, #tpu.memory_space<vmem>>
      %dma_wait3A_2505 = tpu.memref_squeeze %dma_wait3A_2504 : memref<1x1x16x128xf32, #tpu.memory_space<vmem>> -> memref<16x128xf32, #tpu.memory_space<vmem>>
      %dma_wait3A_2506 = arith.constant 0 : i32
      %dma_wait3A_2507 = tpu.memref_slice %arg3[%dma_wait3A_2506, %multiple_of3A_1388] : memref<16x1000000xf32, #tpu.memory_space<hbm>> -> memref<16x128xf32, #tpu.memory_space<hbm>>
      %dma_wait3A_2508 = arith.constant 0 : i32
      %dma_wait3A_2509 = arith.constant 0 : i32
      %dma_wait3A_2510 = tpu.memref_slice %arg6[%dma_wait3A_2500, %dma_wait3A_2501, %dma_wait3A_2508, %dma_wait3A_2509] : memref<2x16x16x128xf32, #tpu.memory_space<vmem>> -> memref<1x1x16x128xf32, #tpu.memory_space<vmem>>
      %dma_wait3A_2511 = tpu.memref_squeeze %dma_wait3A_2510 : memref<1x1x16x128xf32, #tpu.memory_space<vmem>> -> memref<16x128xf32, #tpu.memory_space<vmem>>
      %dma_wait3A_2512 = arith.constant 0 : i32
      %dma_wait3A_2513 = tpu.memref_slice %arg3[%dma_wait3A_2512, %multiple_of3A_1388] : memref<16x1000000xf32, #tpu.memory_space<hbm>> -> memref<16x128xf32, #tpu.memory_space<hbm>>
      tpu.wait_dma2 semaphore(%arg8 : memref<!tpu.dma_semaphore, #tpu.memory_space<semaphore_mem>>) src(%dma_wait3A_2513 : memref<16x128xf32, #tpu.memory_space<hbm>>) dst(%dma_wait3A_2511 : memref<16x128xf32, #tpu.memory_space<vmem>>)
      %dma_wait3A_2514 = arith.constant 0 : i32
      %dma_wait3A_2515 = arith.constant 10 : i32
      %dma_wait3A_2516 = arith.constant 0 : i32
      %dma_wait3A_2517 = arith.constant 0 : i32
      %dma_wait3A_2518 = tpu.memref_slice %arg6[%dma_wait3A_2514, %dma_wait3A_2515, %dma_wait3A_2516, %dma_wait3A_2517] : memref<2x16x16x128xf32, #tpu.memory_space<vmem>> -> memref<1x1x16x128xf32, #tpu.memory_space<vmem>>
      %dma_wait3A_2519 = tpu.memref_squeeze %dma_wait3A_2518 : memref<1x1x16x128xf32, #tpu.memory_space<vmem>> -> memref<16x128xf32, #tpu.memory_space<vmem>>
      %dma_wait3A_2520 = arith.constant 0 : i32
      %dma_wait3A_2521 = tpu.memref_slice %arg3[%dma_wait3A_2520, %multiple_of3A_1409] : memref<16x1000000xf32, #tpu.memory_space<hbm>> -> memref<16x128xf32, #tpu.memory_space<hbm>>
      %dma_wait3A_2522 = arith.constant 0 : i32
      %dma_wait3A_2523 = arith.constant 0 : i32
      %dma_wait3A_2524 = tpu.memref_slice %arg6[%dma_wait3A_2514, %dma_wait3A_2515, %dma_wait3A_2522, %dma_wait3A_2523] : memref<2x16x16x128xf32, #tpu.memory_space<vmem>> -> memref<1x1x16x128xf32, #tpu.memory_space<vmem>>
      %dma_wait3A_2525 = tpu.memref_squeeze %dma_wait3A_2524 : memref<1x1x16x128xf32, #tpu.memory_space<vmem>> -> memref<16x128xf32, #tpu.memory_space<vmem>>
      %dma_wait3A_2526 = arith.constant 0 : i32
      %dma_wait3A_2527 = tpu.memref_slice %arg3[%dma_wait3A_2526, %multiple_of3A_1409] : memref<16x1000000xf32, #tpu.memory_space<hbm>> -> memref<16x128xf32, #tpu.memory_space<hbm>>
      tpu.wait_dma2 semaphore(%arg8 : memref<!tpu.dma_semaphore, #tpu.memory_space<semaphore_mem>>) src(%dma_wait3A_2527 : memref<16x128xf32, #tpu.memory_space<hbm>>) dst(%dma_wait3A_2525 : memref<16x128xf32, #tpu.memory_space<vmem>>)
      %dma_wait3A_2528 = arith.constant 0 : i32
      %dma_wait3A_2529 = arith.constant 11 : i32
      %dma_wait3A_2530 = arith.constant 0 : i32
      %dma_wait3A_2531 = arith.constant 0 : i32
      %dma_wait3A_2532 = tpu.memref_slice %arg6[%dma_wait3A_2528, %dma_wait3A_2529, %dma_wait3A_2530, %dma_wait3A_2531] : memref<2x16x16x128xf32, #tpu.memory_space<vmem>> -> memref<1x1x16x128xf32, #tpu.memory_space<vmem>>
      %dma_wait3A_2533 = tpu.memref_squeeze %dma_wait3A_2532 : memref<1x1x16x128xf32, #tpu.memory_space<vmem>> -> memref<16x128xf32, #tpu.memory_space<vmem>>
      %dma_wait3A_2534 = arith.constant 0 : i32
      %dma_wait3A_2535 = tpu.memref_slice %arg3[%dma_wait3A_2534, %multiple_of3A_1430] : memref<16x1000000xf32, #tpu.memory_space<hbm>> -> memref<16x128xf32, #tpu.memory_space<hbm>>
      %dma_wait3A_2536 = arith.constant 0 : i32
      %dma_wait3A_2537 = arith.constant 0 : i32
      %dma_wait3A_2538 = tpu.memref_slice %arg6[%dma_wait3A_2528, %dma_wait3A_2529, %dma_wait3A_2536, %dma_wait3A_2537] : memref<2x16x16x128xf32, #tpu.memory_space<vmem>> -> memref<1x1x16x128xf32, #tpu.memory_space<vmem>>
      %dma_wait3A_2539 = tpu.memref_squeeze %dma_wait3A_2538 : memref<1x1x16x128xf32, #tpu.memory_space<vmem>> -> memref<16x128xf32, #tpu.memory_space<vmem>>
      %dma_wait3A_2540 = arith.constant 0 : i32
      %dma_wait3A_2541 = tpu.memref_slice %arg3[%dma_wait3A_2540, %multiple_of3A_1430] : memref<16x1000000xf32, #tpu.memory_space<hbm>> -> memref<16x128xf32, #tpu.memory_space<hbm>>
      tpu.wait_dma2 semaphore(%arg8 : memref<!tpu.dma_semaphore, #tpu.memory_space<semaphore_mem>>) src(%dma_wait3A_2541 : memref<16x128xf32, #tpu.memory_space<hbm>>) dst(%dma_wait3A_2539 : memref<16x128xf32, #tpu.memory_space<vmem>>)
      %dma_wait3A_2542 = arith.constant 0 : i32
      %dma_wait3A_2543 = arith.constant 12 : i32
      %dma_wait3A_2544 = arith.constant 0 : i32
      %dma_wait3A_2545 = arith.constant 0 : i32
      %dma_wait3A_2546 = tpu.memref_slice %arg6[%dma_wait3A_2542, %dma_wait3A_2543, %dma_wait3A_2544, %dma_wait3A_2545] : memref<2x16x16x128xf32, #tpu.memory_space<vmem>> -> memref<1x1x16x128xf32, #tpu.memory_space<vmem>>
      %dma_wait3A_2547 = tpu.memref_squeeze %dma_wait3A_2546 : memref<1x1x16x128xf32, #tpu.memory_space<vmem>> -> memref<16x128xf32, #tpu.memory_space<vmem>>
      %dma_wait3A_2548 = arith.constant 0 : i32
      %dma_wait3A_2549 = tpu.memref_slice %arg3[%dma_wait3A_2548, %multiple_of3A_1451] : memref<16x1000000xf32, #tpu.memory_space<hbm>> -> memref<16x128xf32, #tpu.memory_space<hbm>>
      %dma_wait3A_2550 = arith.constant 0 : i32
      %dma_wait3A_2551 = arith.constant 0 : i32
      %dma_wait3A_2552 = tpu.memref_slice %arg6[%dma_wait3A_2542, %dma_wait3A_2543, %dma_wait3A_2550, %dma_wait3A_2551] : memref<2x16x16x128xf32, #tpu.memory_space<vmem>> -> memref<1x1x16x128xf32, #tpu.memory_space<vmem>>
      %dma_wait3A_2553 = tpu.memref_squeeze %dma_wait3A_2552 : memref<1x1x16x128xf32, #tpu.memory_space<vmem>> -> memref<16x128xf32, #tpu.memory_space<vmem>>
      %dma_wait3A_2554 = arith.constant 0 : i32
      %dma_wait3A_2555 = tpu.memref_slice %arg3[%dma_wait3A_2554, %multiple_of3A_1451] : memref<16x1000000xf32, #tpu.memory_space<hbm>> -> memref<16x128xf32, #tpu.memory_space<hbm>>
      tpu.wait_dma2 semaphore(%arg8 : memref<!tpu.dma_semaphore, #tpu.memory_space<semaphore_mem>>) src(%dma_wait3A_2555 : memref<16x128xf32, #tpu.memory_space<hbm>>) dst(%dma_wait3A_2553 : memref<16x128xf32, #tpu.memory_space<vmem>>)
      %dma_wait3A_2556 = arith.constant 0 : i32
      %dma_wait3A_2557 = arith.constant 13 : i32
      %dma_wait3A_2558 = arith.constant 0 : i32
      %dma_wait3A_2559 = arith.constant 0 : i32
      %dma_wait3A_2560 = tpu.memref_slice %arg6[%dma_wait3A_2556, %dma_wait3A_2557, %dma_wait3A_2558, %dma_wait3A_2559] : memref<2x16x16x128xf32, #tpu.memory_space<vmem>> -> memref<1x1x16x128xf32, #tpu.memory_space<vmem>>
      %dma_wait3A_2561 = tpu.memref_squeeze %dma_wait3A_2560 : memref<1x1x16x128xf32, #tpu.memory_space<vmem>> -> memref<16x128xf32, #tpu.memory_space<vmem>>
      %dma_wait3A_2562 = arith.constant 0 : i32
      %dma_wait3A_2563 = tpu.memref_slice %arg3[%dma_wait3A_2562, %multiple_of3A_1472] : memref<16x1000000xf32, #tpu.memory_space<hbm>> -> memref<16x128xf32, #tpu.memory_space<hbm>>
      %dma_wait3A_2564 = arith.constant 0 : i32
      %dma_wait3A_2565 = arith.constant 0 : i32
      %dma_wait3A_2566 = tpu.memref_slice %arg6[%dma_wait3A_2556, %dma_wait3A_2557, %dma_wait3A_2564, %dma_wait3A_2565] : memref<2x16x16x128xf32, #tpu.memory_space<vmem>> -> memref<1x1x16x128xf32, #tpu.memory_space<vmem>>
      %dma_wait3A_2567 = tpu.memref_squeeze %dma_wait3A_2566 : memref<1x1x16x128xf32, #tpu.memory_space<vmem>> -> memref<16x128xf32, #tpu.memory_space<vmem>>
      %dma_wait3A_2568 = arith.constant 0 : i32
      %dma_wait3A_2569 = tpu.memref_slice %arg3[%dma_wait3A_2568, %multiple_of3A_1472] : memref<16x1000000xf32, #tpu.memory_space<hbm>> -> memref<16x128xf32, #tpu.memory_space<hbm>>
      tpu.wait_dma2 semaphore(%arg8 : memref<!tpu.dma_semaphore, #tpu.memory_space<semaphore_mem>>) src(%dma_wait3A_2569 : memref<16x128xf32, #tpu.memory_space<hbm>>) dst(%dma_wait3A_2567 : memref<16x128xf32, #tpu.memory_space<vmem>>)
      %dma_wait3A_2570 = arith.constant 0 : i32
      %dma_wait3A_2571 = arith.constant 14 : i32
      %dma_wait3A_2572 = arith.constant 0 : i32
      %dma_wait3A_2573 = arith.constant 0 : i32
      %dma_wait3A_2574 = tpu.memref_slice %arg6[%dma_wait3A_2570, %dma_wait3A_2571, %dma_wait3A_2572, %dma_wait3A_2573] : memref<2x16x16x128xf32, #tpu.memory_space<vmem>> -> memref<1x1x16x128xf32, #tpu.memory_space<vmem>>
      %dma_wait3A_2575 = tpu.memref_squeeze %dma_wait3A_2574 : memref<1x1x16x128xf32, #tpu.memory_space<vmem>> -> memref<16x128xf32, #tpu.memory_space<vmem>>
      %dma_wait3A_2576 = arith.constant 0 : i32
      %dma_wait3A_2577 = tpu.memref_slice %arg3[%dma_wait3A_2576, %multiple_of3A_1493] : memref<16x1000000xf32, #tpu.memory_space<hbm>> -> memref<16x128xf32, #tpu.memory_space<hbm>>
      %dma_wait3A_2578 = arith.constant 0 : i32
      %dma_wait3A_2579 = arith.constant 0 : i32
      %dma_wait3A_2580 = tpu.memref_slice %arg6[%dma_wait3A_2570, %dma_wait3A_2571, %dma_wait3A_2578, %dma_wait3A_2579] : memref<2x16x16x128xf32, #tpu.memory_space<vmem>> -> memref<1x1x16x128xf32, #tpu.memory_space<vmem>>
      %dma_wait3A_2581 = tpu.memref_squeeze %dma_wait3A_2580 : memref<1x1x16x128xf32, #tpu.memory_space<vmem>> -> memref<16x128xf32, #tpu.memory_space<vmem>>
      %dma_wait3A_2582 = arith.constant 0 : i32
      %dma_wait3A_2583 = tpu.memref_slice %arg3[%dma_wait3A_2582, %multiple_of3A_1493] : memref<16x1000000xf32, #tpu.memory_space<hbm>> -> memref<16x128xf32, #tpu.memory_space<hbm>>
      tpu.wait_dma2 semaphore(%arg8 : memref<!tpu.dma_semaphore, #tpu.memory_space<semaphore_mem>>) src(%dma_wait3A_2583 : memref<16x128xf32, #tpu.memory_space<hbm>>) dst(%dma_wait3A_2581 : memref<16x128xf32, #tpu.memory_space<vmem>>)
      %dma_wait3A_2584 = arith.constant 0 : i32
      %dma_wait3A_2585 = arith.constant 15 : i32
      %dma_wait3A_2586 = arith.constant 0 : i32
      %dma_wait3A_2587 = arith.constant 0 : i32
      %dma_wait3A_2588 = tpu.memref_slice %arg6[%dma_wait3A_2584, %dma_wait3A_2585, %dma_wait3A_2586, %dma_wait3A_2587] : memref<2x16x16x128xf32, #tpu.memory_space<vmem>> -> memref<1x1x16x128xf32, #tpu.memory_space<vmem>>
      %dma_wait3A_2589 = tpu.memref_squeeze %dma_wait3A_2588 : memref<1x1x16x128xf32, #tpu.memory_space<vmem>> -> memref<16x128xf32, #tpu.memory_space<vmem>>
      %dma_wait3A_2590 = arith.constant 0 : i32
      %dma_wait3A_2591 = tpu.memref_slice %arg3[%dma_wait3A_2590, %multiple_of3A_1514] : memref<16x1000000xf32, #tpu.memory_space<hbm>> -> memref<16x128xf32, #tpu.memory_space<hbm>>
      %dma_wait3A_2592 = arith.constant 0 : i32
      %dma_wait3A_2593 = arith.constant 0 : i32
      %dma_wait3A_2594 = tpu.memref_slice %arg6[%dma_wait3A_2584, %dma_wait3A_2585, %dma_wait3A_2592, %dma_wait3A_2593] : memref<2x16x16x128xf32, #tpu.memory_space<vmem>> -> memref<1x1x16x128xf32, #tpu.memory_space<vmem>>
      %dma_wait3A_2595 = tpu.memref_squeeze %dma_wait3A_2594 : memref<1x1x16x128xf32, #tpu.memory_space<vmem>> -> memref<16x128xf32, #tpu.memory_space<vmem>>
      %dma_wait3A_2596 = arith.constant 0 : i32
      %dma_wait3A_2597 = tpu.memref_slice %arg3[%dma_wait3A_2596, %multiple_of3A_1514] : memref<16x1000000xf32, #tpu.memory_space<hbm>> -> memref<16x128xf32, #tpu.memory_space<hbm>>
      tpu.wait_dma2 semaphore(%arg8 : memref<!tpu.dma_semaphore, #tpu.memory_space<semaphore_mem>>) src(%dma_wait3A_2597 : memref<16x128xf32, #tpu.memory_space<hbm>>) dst(%dma_wait3A_2595 : memref<16x128xf32, #tpu.memory_space<vmem>>)
      %slice3A_2598 = vector.extract_strided_slice %get3A_1192 {offsets = [0], sizes = [1], strides = [1]} : vector<16xi32> to vector<1xi32>
      %squeeze3A_2599 = vector.extract %slice3A_2598[0] : i32 from vector<1xi32>
      %and3A_2600 = arith.constant 127 : i32
      %and3A_2601 = arith.andi %squeeze3A_2599, %and3A_2600 : i32
      %broadcast_in_dim3A_2602 = vector.broadcast %and3A_2601 : i32 to vector<16xi32>
      %gather3A_2603 = arith.constant 0 : i32
      %gather3A_2604 = arith.constant 0 : i32
      %gather3A_2605 = arith.constant 0 : i32
      %gather3A_2606 = arith.constant 0 : i32
      %gather3A_2607 = tpu.memref_slice %arg6[%gather3A_2603, %gather3A_2604, %gather3A_2605, %gather3A_2606] : memref<2x16x16x128xf32, #tpu.memory_space<vmem>> -> memref<1x1x16x128xf32, #tpu.memory_space<vmem>>
      %gather3A_2608 = tpu.memref_squeeze %gather3A_2607 : memref<1x1x16x128xf32, #tpu.memory_space<vmem>> -> memref<16x128xf32, #tpu.memory_space<vmem>>
      %gather3A_2609 = tpu.vector_load_idx %gather3A_2608[%iota3A, %broadcast_in_dim3A_2602] : memref<16x128xf32, #tpu.memory_space<vmem>>[vector<16xi32>, vector<16xi32>], vector<16xf32>,
      %mul3A_2610 = arith.constant 16 : i32
      %mul3A_2611 = arith.muli %add3A_2373, %mul3A_2610 : i32
      %add3A_2612 = arith.constant 0 : i32
      %add3A_2613 = arith.addi %mul3A_2611, %add3A_2612 : i32
      %broadcast_in_dim3A_2614 = vector.broadcast %add3A_2613 : i32 to vector<16xi32>
      tpu.vector_store_idx %arg7[%iota3A, %broadcast_in_dim3A_2614], %gather3A_2609 : memref<16x512xf32, #tpu.memory_space<vmem>>[vector<16xi32>, vector<16xi32>], vector<16xf32>,
      %slice3A_2615 = vector.extract_strided_slice %get3A_1192 {offsets = [1], sizes = [1], strides = [1]} : vector<16xi32> to vector<1xi32>
      %squeeze3A_2616 = vector.extract %slice3A_2615[0] : i32 from vector<1xi32>
      %and3A_2617 = arith.constant 127 : i32
      %and3A_2618 = arith.andi %squeeze3A_2616, %and3A_2617 : i32
      %broadcast_in_dim3A_2619 = vector.broadcast %and3A_2618 : i32 to vector<16xi32>
      %gather3A_2620 = arith.constant 0 : i32
      %gather3A_2621 = arith.constant 1 : i32
      %gather3A_2622 = arith.constant 0 : i32
      %gather3A_2623 = arith.constant 0 : i32
      %gather3A_2624 = tpu.memref_slice %arg6[%gather3A_2620, %gather3A_2621, %gather3A_2622, %gather3A_2623] : memref<2x16x16x128xf32, #tpu.memory_space<vmem>> -> memref<1x1x16x128xf32, #tpu.memory_space<vmem>>
      %gather3A_2625 = tpu.memref_squeeze %gather3A_2624 : memref<1x1x16x128xf32, #tpu.memory_space<vmem>> -> memref<16x128xf32, #tpu.memory_space<vmem>>
      %gather3A_2626 = tpu.vector_load_idx %gather3A_2625[%iota3A, %broadcast_in_dim3A_2619] : memref<16x128xf32, #tpu.memory_space<vmem>>[vector<16xi32>, vector<16xi32>], vector<16xf32>,
      %mul3A_2627 = arith.constant 16 : i32
      %mul3A_2628 = arith.muli %add3A_2373, %mul3A_2627 : i32
      %add3A_2629 = arith.constant 1 : i32
      %add3A_2630 = arith.addi %mul3A_2628, %add3A_2629 : i32
      %broadcast_in_dim3A_2631 = vector.broadcast %add3A_2630 : i32 to vector<16xi32>
      tpu.vector_store_idx %arg7[%iota3A, %broadcast_in_dim3A_2631], %gather3A_2626 : memref<16x512xf32, #tpu.memory_space<vmem>>[vector<16xi32>, vector<16xi32>], vector<16xf32>,
      %slice3A_2632 = vector.extract_strided_slice %get3A_1192 {offsets = [2], sizes = [1], strides = [1]} : vector<16xi32> to vector<1xi32>
      %squeeze3A_2633 = vector.extract %slice3A_2632[0] : i32 from vector<1xi32>
      %and3A_2634 = arith.constant 127 : i32
      %and3A_2635 = arith.andi %squeeze3A_2633, %and3A_2634 : i32
      %broadcast_in_dim3A_2636 = vector.broadcast %and3A_2635 : i32 to vector<16xi32>
      %gather3A_2637 = arith.constant 0 : i32
      %gather3A_2638 = arith.constant 2 : i32
      %gather3A_2639 = arith.constant 0 : i32
      %gather3A_2640 = arith.constant 0 : i32
      %gather3A_2641 = tpu.memref_slice %arg6[%gather3A_2637, %gather3A_2638, %gather3A_2639, %gather3A_2640] : memref<2x16x16x128xf32, #tpu.memory_space<vmem>> -> memref<1x1x16x128xf32, #tpu.memory_space<vmem>>
      %gather3A_2642 = tpu.memref_squeeze %gather3A_2641 : memref<1x1x16x128xf32, #tpu.memory_space<vmem>> -> memref<16x128xf32, #tpu.memory_space<vmem>>
      %gather3A_2643 = tpu.vector_load_idx %gather3A_2642[%iota3A, %broadcast_in_dim3A_2636] : memref<16x128xf32, #tpu.memory_space<vmem>>[vector<16xi32>, vector<16xi32>], vector<16xf32>,
      %mul3A_2644 = arith.constant 16 : i32
      %mul3A_2645 = arith.muli %add3A_2373, %mul3A_2644 : i32
      %add3A_2646 = arith.constant 2 : i32
      %add3A_2647 = arith.addi %mul3A_2645, %add3A_2646 : i32
      %broadcast_in_dim3A_2648 = vector.broadcast %add3A_2647 : i32 to vector<16xi32>
      tpu.vector_store_idx %arg7[%iota3A, %broadcast_in_dim3A_2648], %gather3A_2643 : memref<16x512xf32, #tpu.memory_space<vmem>>[vector<16xi32>, vector<16xi32>], vector<16xf32>,
      %slice3A_2649 = vector.extract_strided_slice %get3A_1192 {offsets = [3], sizes = [1], strides = [1]} : vector<16xi32> to vector<1xi32>
      %squeeze3A_2650 = vector.extract %slice3A_2649[0] : i32 from vector<1xi32>
      %and3A_2651 = arith.constant 127 : i32
      %and3A_2652 = arith.andi %squeeze3A_2650, %and3A_2651 : i32
      %broadcast_in_dim3A_2653 = vector.broadcast %and3A_2652 : i32 to vector<16xi32>
      %gather3A_2654 = arith.constant 0 : i32
      %gather3A_2655 = arith.constant 3 : i32
      %gather3A_2656 = arith.constant 0 : i32
      %gather3A_2657 = arith.constant 0 : i32
      %gather3A_2658 = tpu.memref_slice %arg6[%gather3A_2654, %gather3A_2655, %gather3A_2656, %gather3A_2657] : memref<2x16x16x128xf32, #tpu.memory_space<vmem>> -> memref<1x1x16x128xf32, #tpu.memory_space<vmem>>
      %gather3A_2659 = tpu.memref_squeeze %gather3A_2658 : memref<1x1x16x128xf32, #tpu.memory_space<vmem>> -> memref<16x128xf32, #tpu.memory_space<vmem>>
      %gather3A_2660 = tpu.vector_load_idx %gather3A_2659[%iota3A, %broadcast_in_dim3A_2653] : memref<16x128xf32, #tpu.memory_space<vmem>>[vector<16xi32>, vector<16xi32>], vector<16xf32>,
      %mul3A_2661 = arith.constant 16 : i32
      %mul3A_2662 = arith.muli %add3A_2373, %mul3A_2661 : i32
      %add3A_2663 = arith.constant 3 : i32
      %add3A_2664 = arith.addi %mul3A_2662, %add3A_2663 : i32
      %broadcast_in_dim3A_2665 = vector.broadcast %add3A_2664 : i32 to vector<16xi32>
      tpu.vector_store_idx %arg7[%iota3A, %broadcast_in_dim3A_2665], %gather3A_2660 : memref<16x512xf32, #tpu.memory_space<vmem>>[vector<16xi32>, vector<16xi32>], vector<16xf32>,
      %slice3A_2666 = vector.extract_strided_slice %get3A_1192 {offsets = [4], sizes = [1], strides = [1]} : vector<16xi32> to vector<1xi32>
      %squeeze3A_2667 = vector.extract %slice3A_2666[0] : i32 from vector<1xi32>
      %and3A_2668 = arith.constant 127 : i32
      %and3A_2669 = arith.andi %squeeze3A_2667, %and3A_2668 : i32
      %broadcast_in_dim3A_2670 = vector.broadcast %and3A_2669 : i32 to vector<16xi32>
      %gather3A_2671 = arith.constant 0 : i32
      %gather3A_2672 = arith.constant 4 : i32
      %gather3A_2673 = arith.constant 0 : i32
      %gather3A_2674 = arith.constant 0 : i32
      %gather3A_2675 = tpu.memref_slice %arg6[%gather3A_2671, %gather3A_2672, %gather3A_2673, %gather3A_2674] : memref<2x16x16x128xf32, #tpu.memory_space<vmem>> -> memref<1x1x16x128xf32, #tpu.memory_space<vmem>>
      %gather3A_2676 = tpu.memref_squeeze %gather3A_2675 : memref<1x1x16x128xf32, #tpu.memory_space<vmem>> -> memref<16x128xf32, #tpu.memory_space<vmem>>
      %gather3A_2677 = tpu.vector_load_idx %gather3A_2676[%iota3A, %broadcast_in_dim3A_2670] : memref<16x128xf32, #tpu.memory_space<vmem>>[vector<16xi32>, vector<16xi32>], vector<16xf32>,
      %mul3A_2678 = arith.constant 16 : i32
      %mul3A_2679 = arith.muli %add3A_2373, %mul3A_2678 : i32
      %add3A_2680 = arith.constant 4 : i32
      %add3A_2681 = arith.addi %mul3A_2679, %add3A_2680 : i32
      %broadcast_in_dim3A_2682 = vector.broadcast %add3A_2681 : i32 to vector<16xi32>
      tpu.vector_store_idx %arg7[%iota3A, %broadcast_in_dim3A_2682], %gather3A_2677 : memref<16x512xf32, #tpu.memory_space<vmem>>[vector<16xi32>, vector<16xi32>], vector<16xf32>,
      %slice3A_2683 = vector.extract_strided_slice %get3A_1192 {offsets = [5], sizes = [1], strides = [1]} : vector<16xi32> to vector<1xi32>
      %squeeze3A_2684 = vector.extract %slice3A_2683[0] : i32 from vector<1xi32>
      %and3A_2685 = arith.constant 127 : i32
      %and3A_2686 = arith.andi %squeeze3A_2684, %and3A_2685 : i32
      %broadcast_in_dim3A_2687 = vector.broadcast %and3A_2686 : i32 to vector<16xi32>
      %gather3A_2688 = arith.constant 0 : i32
      %gather3A_2689 = arith.constant 5 : i32
      %gather3A_2690 = arith.constant 0 : i32
      %gather3A_2691 = arith.constant 0 : i32
      %gather3A_2692 = tpu.memref_slice %arg6[%gather3A_2688, %gather3A_2689, %gather3A_2690, %gather3A_2691] : memref<2x16x16x128xf32, #tpu.memory_space<vmem>> -> memref<1x1x16x128xf32, #tpu.memory_space<vmem>>
      %gather3A_2693 = tpu.memref_squeeze %gather3A_2692 : memref<1x1x16x128xf32, #tpu.memory_space<vmem>> -> memref<16x128xf32, #tpu.memory_space<vmem>>
      %gather3A_2694 = tpu.vector_load_idx %gather3A_2693[%iota3A, %broadcast_in_dim3A_2687] : memref<16x128xf32, #tpu.memory_space<vmem>>[vector<16xi32>, vector<16xi32>], vector<16xf32>,
      %mul3A_2695 = arith.constant 16 : i32
      %mul3A_2696 = arith.muli %add3A_2373, %mul3A_2695 : i32
      %add3A_2697 = arith.constant 5 : i32
      %add3A_2698 = arith.addi %mul3A_2696, %add3A_2697 : i32
      %broadcast_in_dim3A_2699 = vector.broadcast %add3A_2698 : i32 to vector<16xi32>
      tpu.vector_store_idx %arg7[%iota3A, %broadcast_in_dim3A_2699], %gather3A_2694 : memref<16x512xf32, #tpu.memory_space<vmem>>[vector<16xi32>, vector<16xi32>], vector<16xf32>,
      %slice3A_2700 = vector.extract_strided_slice %get3A_1192 {offsets = [6], sizes = [1], strides = [1]} : vector<16xi32> to vector<1xi32>
      %squeeze3A_2701 = vector.extract %slice3A_2700[0] : i32 from vector<1xi32>
      %and3A_2702 = arith.constant 127 : i32
      %and3A_2703 = arith.andi %squeeze3A_2701, %and3A_2702 : i32
      %broadcast_in_dim3A_2704 = vector.broadcast %and3A_2703 : i32 to vector<16xi32>
      %gather3A_2705 = arith.constant 0 : i32
      %gather3A_2706 = arith.constant 6 : i32
      %gather3A_2707 = arith.constant 0 : i32
      %gather3A_2708 = arith.constant 0 : i32
      %gather3A_2709 = tpu.memref_slice %arg6[%gather3A_2705, %gather3A_2706, %gather3A_2707, %gather3A_2708] : memref<2x16x16x128xf32, #tpu.memory_space<vmem>> -> memref<1x1x16x128xf32, #tpu.memory_space<vmem>>
      %gather3A_2710 = tpu.memref_squeeze %gather3A_2709 : memref<1x1x16x128xf32, #tpu.memory_space<vmem>> -> memref<16x128xf32, #tpu.memory_space<vmem>>
      %gather3A_2711 = tpu.vector_load_idx %gather3A_2710[%iota3A, %broadcast_in_dim3A_2704] : memref<16x128xf32, #tpu.memory_space<vmem>>[vector<16xi32>, vector<16xi32>], vector<16xf32>,
      %mul3A_2712 = arith.constant 16 : i32
      %mul3A_2713 = arith.muli %add3A_2373, %mul3A_2712 : i32
      %add3A_2714 = arith.constant 6 : i32
      %add3A_2715 = arith.addi %mul3A_2713, %add3A_2714 : i32
      %broadcast_in_dim3A_2716 = vector.broadcast %add3A_2715 : i32 to vector<16xi32>
      tpu.vector_store_idx %arg7[%iota3A, %broadcast_in_dim3A_2716], %gather3A_2711 : memref<16x512xf32, #tpu.memory_space<vmem>>[vector<16xi32>, vector<16xi32>], vector<16xf32>,
      %slice3A_2717 = vector.extract_strided_slice %get3A_1192 {offsets = [7], sizes = [1], strides = [1]} : vector<16xi32> to vector<1xi32>
      %squeeze3A_2718 = vector.extract %slice3A_2717[0] : i32 from vector<1xi32>
      %and3A_2719 = arith.constant 127 : i32
      %and3A_2720 = arith.andi %squeeze3A_2718, %and3A_2719 : i32
      %broadcast_in_dim3A_2721 = vector.broadcast %and3A_2720 : i32 to vector<16xi32>
      %gather3A_2722 = arith.constant 0 : i32
      %gather3A_2723 = arith.constant 7 : i32
      %gather3A_2724 = arith.constant 0 : i32
      %gather3A_2725 = arith.constant 0 : i32
      %gather3A_2726 = tpu.memref_slice %arg6[%gather3A_2722, %gather3A_2723, %gather3A_2724, %gather3A_2725] : memref<2x16x16x128xf32, #tpu.memory_space<vmem>> -> memref<1x1x16x128xf32, #tpu.memory_space<vmem>>
      %gather3A_2727 = tpu.memref_squeeze %gather3A_2726 : memref<1x1x16x128xf32, #tpu.memory_space<vmem>> -> memref<16x128xf32, #tpu.memory_space<vmem>>
      %gather3A_2728 = tpu.vector_load_idx %gather3A_2727[%iota3A, %broadcast_in_dim3A_2721] : memref<16x128xf32, #tpu.memory_space<vmem>>[vector<16xi32>, vector<16xi32>], vector<16xf32>,
      %mul3A_2729 = arith.constant 16 : i32
      %mul3A_2730 = arith.muli %add3A_2373, %mul3A_2729 : i32
      %add3A_2731 = arith.constant 7 : i32
      %add3A_2732 = arith.addi %mul3A_2730, %add3A_2731 : i32
      %broadcast_in_dim3A_2733 = vector.broadcast %add3A_2732 : i32 to vector<16xi32>
      tpu.vector_store_idx %arg7[%iota3A, %broadcast_in_dim3A_2733], %gather3A_2728 : memref<16x512xf32, #tpu.memory_space<vmem>>[vector<16xi32>, vector<16xi32>], vector<16xf32>,
      %slice3A_2734 = vector.extract_strided_slice %get3A_1192 {offsets = [8], sizes = [1], strides = [1]} : vector<16xi32> to vector<1xi32>
      %squeeze3A_2735 = vector.extract %slice3A_2734[0] : i32 from vector<1xi32>
      %and3A_2736 = arith.constant 127 : i32
      %and3A_2737 = arith.andi %squeeze3A_2735, %and3A_2736 : i32
      %broadcast_in_dim3A_2738 = vector.broadcast %and3A_2737 : i32 to vector<16xi32>
      %gather3A_2739 = arith.constant 0 : i32
      %gather3A_2740 = arith.constant 8 : i32
      %gather3A_2741 = arith.constant 0 : i32
      %gather3A_2742 = arith.constant 0 : i32
      %gather3A_2743 = tpu.memref_slice %arg6[%gather3A_2739, %gather3A_2740, %gather3A_2741, %gather3A_2742] : memref<2x16x16x128xf32, #tpu.memory_space<vmem>> -> memref<1x1x16x128xf32, #tpu.memory_space<vmem>>
      %gather3A_2744 = tpu.memref_squeeze %gather3A_2743 : memref<1x1x16x128xf32, #tpu.memory_space<vmem>> -> memref<16x128xf32, #tpu.memory_space<vmem>>
      %gather3A_2745 = tpu.vector_load_idx %gather3A_2744[%iota3A, %broadcast_in_dim3A_2738] : memref<16x128xf32, #tpu.memory_space<vmem>>[vector<16xi32>, vector<16xi32>], vector<16xf32>,
      %mul3A_2746 = arith.constant 16 : i32
      %mul3A_2747 = arith.muli %add3A_2373, %mul3A_2746 : i32
      %add3A_2748 = arith.constant 8 : i32
      %add3A_2749 = arith.addi %mul3A_2747, %add3A_2748 : i32
      %broadcast_in_dim3A_2750 = vector.broadcast %add3A_2749 : i32 to vector<16xi32>
      tpu.vector_store_idx %arg7[%iota3A, %broadcast_in_dim3A_2750], %gather3A_2745 : memref<16x512xf32, #tpu.memory_space<vmem>>[vector<16xi32>, vector<16xi32>], vector<16xf32>,
      %slice3A_2751 = vector.extract_strided_slice %get3A_1192 {offsets = [9], sizes = [1], strides = [1]} : vector<16xi32> to vector<1xi32>
      %squeeze3A_2752 = vector.extract %slice3A_2751[0] : i32 from vector<1xi32>
      %and3A_2753 = arith.constant 127 : i32
      %and3A_2754 = arith.andi %squeeze3A_2752, %and3A_2753 : i32
      %broadcast_in_dim3A_2755 = vector.broadcast %and3A_2754 : i32 to vector<16xi32>
      %gather3A_2756 = arith.constant 0 : i32
      %gather3A_2757 = arith.constant 9 : i32
      %gather3A_2758 = arith.constant 0 : i32
      %gather3A_2759 = arith.constant 0 : i32
      %gather3A_2760 = tpu.memref_slice %arg6[%gather3A_2756, %gather3A_2757, %gather3A_2758, %gather3A_2759] : memref<2x16x16x128xf32, #tpu.memory_space<vmem>> -> memref<1x1x16x128xf32, #tpu.memory_space<vmem>>
      %gather3A_2761 = tpu.memref_squeeze %gather3A_2760 : memref<1x1x16x128xf32, #tpu.memory_space<vmem>> -> memref<16x128xf32, #tpu.memory_space<vmem>>
      %gather3A_2762 = tpu.vector_load_idx %gather3A_2761[%iota3A, %broadcast_in_dim3A_2755] : memref<16x128xf32, #tpu.memory_space<vmem>>[vector<16xi32>, vector<16xi32>], vector<16xf32>,
      %mul3A_2763 = arith.constant 16 : i32
      %mul3A_2764 = arith.muli %add3A_2373, %mul3A_2763 : i32
      %add3A_2765 = arith.constant 9 : i32
      %add3A_2766 = arith.addi %mul3A_2764, %add3A_2765 : i32
      %broadcast_in_dim3A_2767 = vector.broadcast %add3A_2766 : i32 to vector<16xi32>
      tpu.vector_store_idx %arg7[%iota3A, %broadcast_in_dim3A_2767], %gather3A_2762 : memref<16x512xf32, #tpu.memory_space<vmem>>[vector<16xi32>, vector<16xi32>], vector<16xf32>,
      %slice3A_2768 = vector.extract_strided_slice %get3A_1192 {offsets = [10], sizes = [1], strides = [1]} : vector<16xi32> to vector<1xi32>
      %squeeze3A_2769 = vector.extract %slice3A_2768[0] : i32 from vector<1xi32>
      %and3A_2770 = arith.constant 127 : i32
      %and3A_2771 = arith.andi %squeeze3A_2769, %and3A_2770 : i32
      %broadcast_in_dim3A_2772 = vector.broadcast %and3A_2771 : i32 to vector<16xi32>
      %gather3A_2773 = arith.constant 0 : i32
      %gather3A_2774 = arith.constant 10 : i32
      %gather3A_2775 = arith.constant 0 : i32
      %gather3A_2776 = arith.constant 0 : i32
      %gather3A_2777 = tpu.memref_slice %arg6[%gather3A_2773, %gather3A_2774, %gather3A_2775, %gather3A_2776] : memref<2x16x16x128xf32, #tpu.memory_space<vmem>> -> memref<1x1x16x128xf32, #tpu.memory_space<vmem>>
      %gather3A_2778 = tpu.memref_squeeze %gather3A_2777 : memref<1x1x16x128xf32, #tpu.memory_space<vmem>> -> memref<16x128xf32, #tpu.memory_space<vmem>>
      %gather3A_2779 = tpu.vector_load_idx %gather3A_2778[%iota3A, %broadcast_in_dim3A_2772] : memref<16x128xf32, #tpu.memory_space<vmem>>[vector<16xi32>, vector<16xi32>], vector<16xf32>,
      %mul3A_2780 = arith.constant 16 : i32
      %mul3A_2781 = arith.muli %add3A_2373, %mul3A_2780 : i32
      %add3A_2782 = arith.constant 10 : i32
      %add3A_2783 = arith.addi %mul3A_2781, %add3A_2782 : i32
      %broadcast_in_dim3A_2784 = vector.broadcast %add3A_2783 : i32 to vector<16xi32>
      tpu.vector_store_idx %arg7[%iota3A, %broadcast_in_dim3A_2784], %gather3A_2779 : memref<16x512xf32, #tpu.memory_space<vmem>>[vector<16xi32>, vector<16xi32>], vector<16xf32>,
      %slice3A_2785 = vector.extract_strided_slice %get3A_1192 {offsets = [11], sizes = [1], strides = [1]} : vector<16xi32> to vector<1xi32>
      %squeeze3A_2786 = vector.extract %slice3A_2785[0] : i32 from vector<1xi32>
      %and3A_2787 = arith.constant 127 : i32
      %and3A_2788 = arith.andi %squeeze3A_2786, %and3A_2787 : i32
      %broadcast_in_dim3A_2789 = vector.broadcast %and3A_2788 : i32 to vector<16xi32>
      %gather3A_2790 = arith.constant 0 : i32
      %gather3A_2791 = arith.constant 11 : i32
      %gather3A_2792 = arith.constant 0 : i32
      %gather3A_2793 = arith.constant 0 : i32
      %gather3A_2794 = tpu.memref_slice %arg6[%gather3A_2790, %gather3A_2791, %gather3A_2792, %gather3A_2793] : memref<2x16x16x128xf32, #tpu.memory_space<vmem>> -> memref<1x1x16x128xf32, #tpu.memory_space<vmem>>
      %gather3A_2795 = tpu.memref_squeeze %gather3A_2794 : memref<1x1x16x128xf32, #tpu.memory_space<vmem>> -> memref<16x128xf32, #tpu.memory_space<vmem>>
      %gather3A_2796 = tpu.vector_load_idx %gather3A_2795[%iota3A, %broadcast_in_dim3A_2789] : memref<16x128xf32, #tpu.memory_space<vmem>>[vector<16xi32>, vector<16xi32>], vector<16xf32>,
      %mul3A_2797 = arith.constant 16 : i32
      %mul3A_2798 = arith.muli %add3A_2373, %mul3A_2797 : i32
      %add3A_2799 = arith.constant 11 : i32
      %add3A_2800 = arith.addi %mul3A_2798, %add3A_2799 : i32
      %broadcast_in_dim3A_2801 = vector.broadcast %add3A_2800 : i32 to vector<16xi32>
      tpu.vector_store_idx %arg7[%iota3A, %broadcast_in_dim3A_2801], %gather3A_2796 : memref<16x512xf32, #tpu.memory_space<vmem>>[vector<16xi32>, vector<16xi32>], vector<16xf32>,
      %slice3A_2802 = vector.extract_strided_slice %get3A_1192 {offsets = [12], sizes = [1], strides = [1]} : vector<16xi32> to vector<1xi32>
      %squeeze3A_2803 = vector.extract %slice3A_2802[0] : i32 from vector<1xi32>
      %and3A_2804 = arith.constant 127 : i32
      %and3A_2805 = arith.andi %squeeze3A_2803, %and3A_2804 : i32
      %broadcast_in_dim3A_2806 = vector.broadcast %and3A_2805 : i32 to vector<16xi32>
      %gather3A_2807 = arith.constant 0 : i32
      %gather3A_2808 = arith.constant 12 : i32
      %gather3A_2809 = arith.constant 0 : i32
      %gather3A_2810 = arith.constant 0 : i32
      %gather3A_2811 = tpu.memref_slice %arg6[%gather3A_2807, %gather3A_2808, %gather3A_2809, %gather3A_2810] : memref<2x16x16x128xf32, #tpu.memory_space<vmem>> -> memref<1x1x16x128xf32, #tpu.memory_space<vmem>>
      %gather3A_2812 = tpu.memref_squeeze %gather3A_2811 : memref<1x1x16x128xf32, #tpu.memory_space<vmem>> -> memref<16x128xf32, #tpu.memory_space<vmem>>
      %gather3A_2813 = tpu.vector_load_idx %gather3A_2812[%iota3A, %broadcast_in_dim3A_2806] : memref<16x128xf32, #tpu.memory_space<vmem>>[vector<16xi32>, vector<16xi32>], vector<16xf32>,
      %mul3A_2814 = arith.constant 16 : i32
      %mul3A_2815 = arith.muli %add3A_2373, %mul3A_2814 : i32
      %add3A_2816 = arith.constant 12 : i32
      %add3A_2817 = arith.addi %mul3A_2815, %add3A_2816 : i32
      %broadcast_in_dim3A_2818 = vector.broadcast %add3A_2817 : i32 to vector<16xi32>
      tpu.vector_store_idx %arg7[%iota3A, %broadcast_in_dim3A_2818], %gather3A_2813 : memref<16x512xf32, #tpu.memory_space<vmem>>[vector<16xi32>, vector<16xi32>], vector<16xf32>,
      %slice3A_2819 = vector.extract_strided_slice %get3A_1192 {offsets = [13], sizes = [1], strides = [1]} : vector<16xi32> to vector<1xi32>
      %squeeze3A_2820 = vector.extract %slice3A_2819[0] : i32 from vector<1xi32>
      %and3A_2821 = arith.constant 127 : i32
      %and3A_2822 = arith.andi %squeeze3A_2820, %and3A_2821 : i32
      %broadcast_in_dim3A_2823 = vector.broadcast %and3A_2822 : i32 to vector<16xi32>
      %gather3A_2824 = arith.constant 0 : i32
      %gather3A_2825 = arith.constant 13 : i32
      %gather3A_2826 = arith.constant 0 : i32
      %gather3A_2827 = arith.constant 0 : i32
      %gather3A_2828 = tpu.memref_slice %arg6[%gather3A_2824, %gather3A_2825, %gather3A_2826, %gather3A_2827] : memref<2x16x16x128xf32, #tpu.memory_space<vmem>> -> memref<1x1x16x128xf32, #tpu.memory_space<vmem>>
      %gather3A_2829 = tpu.memref_squeeze %gather3A_2828 : memref<1x1x16x128xf32, #tpu.memory_space<vmem>> -> memref<16x128xf32, #tpu.memory_space<vmem>>
      %gather3A_2830 = tpu.vector_load_idx %gather3A_2829[%iota3A, %broadcast_in_dim3A_2823] : memref<16x128xf32, #tpu.memory_space<vmem>>[vector<16xi32>, vector<16xi32>], vector<16xf32>,
      %mul3A_2831 = arith.constant 16 : i32
      %mul3A_2832 = arith.muli %add3A_2373, %mul3A_2831 : i32
      %add3A_2833 = arith.constant 13 : i32
      %add3A_2834 = arith.addi %mul3A_2832, %add3A_2833 : i32
      %broadcast_in_dim3A_2835 = vector.broadcast %add3A_2834 : i32 to vector<16xi32>
      tpu.vector_store_idx %arg7[%iota3A, %broadcast_in_dim3A_2835], %gather3A_2830 : memref<16x512xf32, #tpu.memory_space<vmem>>[vector<16xi32>, vector<16xi32>], vector<16xf32>,
      %slice3A_2836 = vector.extract_strided_slice %get3A_1192 {offsets = [14], sizes = [1], strides = [1]} : vector<16xi32> to vector<1xi32>
      %squeeze3A_2837 = vector.extract %slice3A_2836[0] : i32 from vector<1xi32>
      %and3A_2838 = arith.constant 127 : i32
      %and3A_2839 = arith.andi %squeeze3A_2837, %and3A_2838 : i32
      %broadcast_in_dim3A_2840 = vector.broadcast %and3A_2839 : i32 to vector<16xi32>
      %gather3A_2841 = arith.constant 0 : i32
      %gather3A_2842 = arith.constant 14 : i32
      %gather3A_2843 = arith.constant 0 : i32
      %gather3A_2844 = arith.constant 0 : i32
      %gather3A_2845 = tpu.memref_slice %arg6[%gather3A_2841, %gather3A_2842, %gather3A_2843, %gather3A_2844] : memref<2x16x16x128xf32, #tpu.memory_space<vmem>> -> memref<1x1x16x128xf32, #tpu.memory_space<vmem>>
      %gather3A_2846 = tpu.memref_squeeze %gather3A_2845 : memref<1x1x16x128xf32, #tpu.memory_space<vmem>> -> memref<16x128xf32, #tpu.memory_space<vmem>>
      %gather3A_2847 = tpu.vector_load_idx %gather3A_2846[%iota3A, %broadcast_in_dim3A_2840] : memref<16x128xf32, #tpu.memory_space<vmem>>[vector<16xi32>, vector<16xi32>], vector<16xf32>,
      %mul3A_2848 = arith.constant 16 : i32
      %mul3A_2849 = arith.muli %add3A_2373, %mul3A_2848 : i32
      %add3A_2850 = arith.constant 14 : i32
      %add3A_2851 = arith.addi %mul3A_2849, %add3A_2850 : i32
      %broadcast_in_dim3A_2852 = vector.broadcast %add3A_2851 : i32 to vector<16xi32>
      tpu.vector_store_idx %arg7[%iota3A, %broadcast_in_dim3A_2852], %gather3A_2847 : memref<16x512xf32, #tpu.memory_space<vmem>>[vector<16xi32>, vector<16xi32>], vector<16xf32>,
      %slice3A_2853 = vector.extract_strided_slice %get3A_1192 {offsets = [15], sizes = [1], strides = [1]} : vector<16xi32> to vector<1xi32>
      %squeeze3A_2854 = vector.extract %slice3A_2853[0] : i32 from vector<1xi32>
      %and3A_2855 = arith.constant 127 : i32
      %and3A_2856 = arith.andi %squeeze3A_2854, %and3A_2855 : i32
      %broadcast_in_dim3A_2857 = vector.broadcast %and3A_2856 : i32 to vector<16xi32>
      %gather3A_2858 = arith.constant 0 : i32
      %gather3A_2859 = arith.constant 15 : i32
      %gather3A_2860 = arith.constant 0 : i32
      %gather3A_2861 = arith.constant 0 : i32
      %gather3A_2862 = tpu.memref_slice %arg6[%gather3A_2858, %gather3A_2859, %gather3A_2860, %gather3A_2861] : memref<2x16x16x128xf32, #tpu.memory_space<vmem>> -> memref<1x1x16x128xf32, #tpu.memory_space<vmem>>
      %gather3A_2863 = tpu.memref_squeeze %gather3A_2862 : memref<1x1x16x128xf32, #tpu.memory_space<vmem>> -> memref<16x128xf32, #tpu.memory_space<vmem>>
      %gather3A_2864 = tpu.vector_load_idx %gather3A_2863[%iota3A, %broadcast_in_dim3A_2857] : memref<16x128xf32, #tpu.memory_space<vmem>>[vector<16xi32>, vector<16xi32>], vector<16xf32>,
      %mul3A_2865 = arith.constant 16 : i32
      %mul3A_2866 = arith.muli %add3A_2373, %mul3A_2865 : i32
      %add3A_2867 = arith.constant 15 : i32
      %add3A_2868 = arith.addi %mul3A_2866, %add3A_2867 : i32
      %broadcast_in_dim3A_2869 = vector.broadcast %add3A_2868 : i32 to vector<16xi32>
      tpu.vector_store_idx %arg7[%iota3A, %broadcast_in_dim3A_2869], %gather3A_2864 : memref<16x512xf32, #tpu.memory_space<vmem>>[vector<16xi32>, vector<16xi32>], vector<16xf32>,
      %add3A_2870 = arith.constant 3 : i32
      %add3A_2871 = arith.addi %mul3A_10, %add3A_2870 : i32
      %dma_wait3A_2872 = arith.constant 1 : i32
      %dma_wait3A_2873 = arith.constant 0 : i32
      %dma_wait3A_2874 = arith.constant 0 : i32
      %dma_wait3A_2875 = arith.constant 0 : i32
      %dma_wait3A_2876 = tpu.memref_slice %arg6[%dma_wait3A_2872, %dma_wait3A_2873, %dma_wait3A_2874, %dma_wait3A_2875] : memref<2x16x16x128xf32, #tpu.memory_space<vmem>> -> memref<1x1x16x128xf32, #tpu.memory_space<vmem>>
      %dma_wait3A_2877 = tpu.memref_squeeze %dma_wait3A_2876 : memref<1x1x16x128xf32, #tpu.memory_space<vmem>> -> memref<16x128xf32, #tpu.memory_space<vmem>>
      %dma_wait3A_2878 = arith.constant 0 : i32
      %dma_wait3A_2879 = tpu.memref_slice %arg3[%dma_wait3A_2878, %multiple_of3A_2042] : memref<16x1000000xf32, #tpu.memory_space<hbm>> -> memref<16x128xf32, #tpu.memory_space<hbm>>
      %dma_wait3A_2880 = arith.constant 0 : i32
      %dma_wait3A_2881 = arith.constant 0 : i32
      %dma_wait3A_2882 = tpu.memref_slice %arg6[%dma_wait3A_2872, %dma_wait3A_2873, %dma_wait3A_2880, %dma_wait3A_2881] : memref<2x16x16x128xf32, #tpu.memory_space<vmem>> -> memref<1x1x16x128xf32, #tpu.memory_space<vmem>>
      %dma_wait3A_2883 = tpu.memref_squeeze %dma_wait3A_2882 : memref<1x1x16x128xf32, #tpu.memory_space<vmem>> -> memref<16x128xf32, #tpu.memory_space<vmem>>
      %dma_wait3A_2884 = arith.constant 0 : i32
      %dma_wait3A_2885 = tpu.memref_slice %arg3[%dma_wait3A_2884, %multiple_of3A_2042] : memref<16x1000000xf32, #tpu.memory_space<hbm>> -> memref<16x128xf32, #tpu.memory_space<hbm>>
      tpu.wait_dma2 semaphore(%arg9 : memref<!tpu.dma_semaphore, #tpu.memory_space<semaphore_mem>>) src(%dma_wait3A_2885 : memref<16x128xf32, #tpu.memory_space<hbm>>) dst(%dma_wait3A_2883 : memref<16x128xf32, #tpu.memory_space<vmem>>)
      %dma_wait3A_2886 = arith.constant 1 : i32
      %dma_wait3A_2887 = arith.constant 1 : i32
      %dma_wait3A_2888 = arith.constant 0 : i32
      %dma_wait3A_2889 = arith.constant 0 : i32
      %dma_wait3A_2890 = tpu.memref_slice %arg6[%dma_wait3A_2886, %dma_wait3A_2887, %dma_wait3A_2888, %dma_wait3A_2889] : memref<2x16x16x128xf32, #tpu.memory_space<vmem>> -> memref<1x1x16x128xf32, #tpu.memory_space<vmem>>
      %dma_wait3A_2891 = tpu.memref_squeeze %dma_wait3A_2890 : memref<1x1x16x128xf32, #tpu.memory_space<vmem>> -> memref<16x128xf32, #tpu.memory_space<vmem>>
      %dma_wait3A_2892 = arith.constant 0 : i32
      %dma_wait3A_2893 = tpu.memref_slice %arg3[%dma_wait3A_2892, %multiple_of3A_2063] : memref<16x1000000xf32, #tpu.memory_space<hbm>> -> memref<16x128xf32, #tpu.memory_space<hbm>>
      %dma_wait3A_2894 = arith.constant 0 : i32
      %dma_wait3A_2895 = arith.constant 0 : i32
      %dma_wait3A_2896 = tpu.memref_slice %arg6[%dma_wait3A_2886, %dma_wait3A_2887, %dma_wait3A_2894, %dma_wait3A_2895] : memref<2x16x16x128xf32, #tpu.memory_space<vmem>> -> memref<1x1x16x128xf32, #tpu.memory_space<vmem>>
      %dma_wait3A_2897 = tpu.memref_squeeze %dma_wait3A_2896 : memref<1x1x16x128xf32, #tpu.memory_space<vmem>> -> memref<16x128xf32, #tpu.memory_space<vmem>>
      %dma_wait3A_2898 = arith.constant 0 : i32
      %dma_wait3A_2899 = tpu.memref_slice %arg3[%dma_wait3A_2898, %multiple_of3A_2063] : memref<16x1000000xf32, #tpu.memory_space<hbm>> -> memref<16x128xf32, #tpu.memory_space<hbm>>
      tpu.wait_dma2 semaphore(%arg9 : memref<!tpu.dma_semaphore, #tpu.memory_space<semaphore_mem>>) src(%dma_wait3A_2899 : memref<16x128xf32, #tpu.memory_space<hbm>>) dst(%dma_wait3A_2897 : memref<16x128xf32, #tpu.memory_space<vmem>>)
      %dma_wait3A_2900 = arith.constant 1 : i32
      %dma_wait3A_2901 = arith.constant 2 : i32
      %dma_wait3A_2902 = arith.constant 0 : i32
      %dma_wait3A_2903 = arith.constant 0 : i32
      %dma_wait3A_2904 = tpu.memref_slice %arg6[%dma_wait3A_2900, %dma_wait3A_2901, %dma_wait3A_2902, %dma_wait3A_2903] : memref<2x16x16x128xf32, #tpu.memory_space<vmem>> -> memref<1x1x16x128xf32, #tpu.memory_space<vmem>>
      %dma_wait3A_2905 = tpu.memref_squeeze %dma_wait3A_2904 : memref<1x1x16x128xf32, #tpu.memory_space<vmem>> -> memref<16x128xf32, #tpu.memory_space<vmem>>
      %dma_wait3A_2906 = arith.constant 0 : i32
      %dma_wait3A_2907 = tpu.memref_slice %arg3[%dma_wait3A_2906, %multiple_of3A_2084] : memref<16x1000000xf32, #tpu.memory_space<hbm>> -> memref<16x128xf32, #tpu.memory_space<hbm>>
      %dma_wait3A_2908 = arith.constant 0 : i32
      %dma_wait3A_2909 = arith.constant 0 : i32
      %dma_wait3A_2910 = tpu.memref_slice %arg6[%dma_wait3A_2900, %dma_wait3A_2901, %dma_wait3A_2908, %dma_wait3A_2909] : memref<2x16x16x128xf32, #tpu.memory_space<vmem>> -> memref<1x1x16x128xf32, #tpu.memory_space<vmem>>
      %dma_wait3A_2911 = tpu.memref_squeeze %dma_wait3A_2910 : memref<1x1x16x128xf32, #tpu.memory_space<vmem>> -> memref<16x128xf32, #tpu.memory_space<vmem>>
      %dma_wait3A_2912 = arith.constant 0 : i32
      %dma_wait3A_2913 = tpu.memref_slice %arg3[%dma_wait3A_2912, %multiple_of3A_2084] : memref<16x1000000xf32, #tpu.memory_space<hbm>> -> memref<16x128xf32, #tpu.memory_space<hbm>>
      tpu.wait_dma2 semaphore(%arg9 : memref<!tpu.dma_semaphore, #tpu.memory_space<semaphore_mem>>) src(%dma_wait3A_2913 : memref<16x128xf32, #tpu.memory_space<hbm>>) dst(%dma_wait3A_2911 : memref<16x128xf32, #tpu.memory_space<vmem>>)
      %dma_wait3A_2914 = arith.constant 1 : i32
      %dma_wait3A_2915 = arith.constant 3 : i32
      %dma_wait3A_2916 = arith.constant 0 : i32
      %dma_wait3A_2917 = arith.constant 0 : i32
      %dma_wait3A_2918 = tpu.memref_slice %arg6[%dma_wait3A_2914, %dma_wait3A_2915, %dma_wait3A_2916, %dma_wait3A_2917] : memref<2x16x16x128xf32, #tpu.memory_space<vmem>> -> memref<1x1x16x128xf32, #tpu.memory_space<vmem>>
      %dma_wait3A_2919 = tpu.memref_squeeze %dma_wait3A_2918 : memref<1x1x16x128xf32, #tpu.memory_space<vmem>> -> memref<16x128xf32, #tpu.memory_space<vmem>>
      %dma_wait3A_2920 = arith.constant 0 : i32
      %dma_wait3A_2921 = tpu.memref_slice %arg3[%dma_wait3A_2920, %multiple_of3A_2105] : memref<16x1000000xf32, #tpu.memory_space<hbm>> -> memref<16x128xf32, #tpu.memory_space<hbm>>
      %dma_wait3A_2922 = arith.constant 0 : i32
      %dma_wait3A_2923 = arith.constant 0 : i32
      %dma_wait3A_2924 = tpu.memref_slice %arg6[%dma_wait3A_2914, %dma_wait3A_2915, %dma_wait3A_2922, %dma_wait3A_2923] : memref<2x16x16x128xf32, #tpu.memory_space<vmem>> -> memref<1x1x16x128xf32, #tpu.memory_space<vmem>>
      %dma_wait3A_2925 = tpu.memref_squeeze %dma_wait3A_2924 : memref<1x1x16x128xf32, #tpu.memory_space<vmem>> -> memref<16x128xf32, #tpu.memory_space<vmem>>
      %dma_wait3A_2926 = arith.constant 0 : i32
      %dma_wait3A_2927 = tpu.memref_slice %arg3[%dma_wait3A_2926, %multiple_of3A_2105] : memref<16x1000000xf32, #tpu.memory_space<hbm>> -> memref<16x128xf32, #tpu.memory_space<hbm>>
      tpu.wait_dma2 semaphore(%arg9 : memref<!tpu.dma_semaphore, #tpu.memory_space<semaphore_mem>>) src(%dma_wait3A_2927 : memref<16x128xf32, #tpu.memory_space<hbm>>) dst(%dma_wait3A_2925 : memref<16x128xf32, #tpu.memory_space<vmem>>)
      %dma_wait3A_2928 = arith.constant 1 : i32
      %dma_wait3A_2929 = arith.constant 4 : i32
      %dma_wait3A_2930 = arith.constant 0 : i32
      %dma_wait3A_2931 = arith.constant 0 : i32
      %dma_wait3A_2932 = tpu.memref_slice %arg6[%dma_wait3A_2928, %dma_wait3A_2929, %dma_wait3A_2930, %dma_wait3A_2931] : memref<2x16x16x128xf32, #tpu.memory_space<vmem>> -> memref<1x1x16x128xf32, #tpu.memory_space<vmem>>
      %dma_wait3A_2933 = tpu.memref_squeeze %dma_wait3A_2932 : memref<1x1x16x128xf32, #tpu.memory_space<vmem>> -> memref<16x128xf32, #tpu.memory_space<vmem>>
      %dma_wait3A_2934 = arith.constant 0 : i32
      %dma_wait3A_2935 = tpu.memref_slice %arg3[%dma_wait3A_2934, %multiple_of3A_2126] : memref<16x1000000xf32, #tpu.memory_space<hbm>> -> memref<16x128xf32, #tpu.memory_space<hbm>>
      %dma_wait3A_2936 = arith.constant 0 : i32
      %dma_wait3A_2937 = arith.constant 0 : i32
      %dma_wait3A_2938 = tpu.memref_slice %arg6[%dma_wait3A_2928, %dma_wait3A_2929, %dma_wait3A_2936, %dma_wait3A_2937] : memref<2x16x16x128xf32, #tpu.memory_space<vmem>> -> memref<1x1x16x128xf32, #tpu.memory_space<vmem>>
      %dma_wait3A_2939 = tpu.memref_squeeze %dma_wait3A_2938 : memref<1x1x16x128xf32, #tpu.memory_space<vmem>> -> memref<16x128xf32, #tpu.memory_space<vmem>>
      %dma_wait3A_2940 = arith.constant 0 : i32
      %dma_wait3A_2941 = tpu.memref_slice %arg3[%dma_wait3A_2940, %multiple_of3A_2126] : memref<16x1000000xf32, #tpu.memory_space<hbm>> -> memref<16x128xf32, #tpu.memory_space<hbm>>
      tpu.wait_dma2 semaphore(%arg9 : memref<!tpu.dma_semaphore, #tpu.memory_space<semaphore_mem>>) src(%dma_wait3A_2941 : memref<16x128xf32, #tpu.memory_space<hbm>>) dst(%dma_wait3A_2939 : memref<16x128xf32, #tpu.memory_space<vmem>>)
      %dma_wait3A_2942 = arith.constant 1 : i32
      %dma_wait3A_2943 = arith.constant 5 : i32
      %dma_wait3A_2944 = arith.constant 0 : i32
      %dma_wait3A_2945 = arith.constant 0 : i32
      %dma_wait3A_2946 = tpu.memref_slice %arg6[%dma_wait3A_2942, %dma_wait3A_2943, %dma_wait3A_2944, %dma_wait3A_2945] : memref<2x16x16x128xf32, #tpu.memory_space<vmem>> -> memref<1x1x16x128xf32, #tpu.memory_space<vmem>>
      %dma_wait3A_2947 = tpu.memref_squeeze %dma_wait3A_2946 : memref<1x1x16x128xf32, #tpu.memory_space<vmem>> -> memref<16x128xf32, #tpu.memory_space<vmem>>
      %dma_wait3A_2948 = arith.constant 0 : i32
      %dma_wait3A_2949 = tpu.memref_slice %arg3[%dma_wait3A_2948, %multiple_of3A_2147] : memref<16x1000000xf32, #tpu.memory_space<hbm>> -> memref<16x128xf32, #tpu.memory_space<hbm>>
      %dma_wait3A_2950 = arith.constant 0 : i32
      %dma_wait3A_2951 = arith.constant 0 : i32
      %dma_wait3A_2952 = tpu.memref_slice %arg6[%dma_wait3A_2942, %dma_wait3A_2943, %dma_wait3A_2950, %dma_wait3A_2951] : memref<2x16x16x128xf32, #tpu.memory_space<vmem>> -> memref<1x1x16x128xf32, #tpu.memory_space<vmem>>
      %dma_wait3A_2953 = tpu.memref_squeeze %dma_wait3A_2952 : memref<1x1x16x128xf32, #tpu.memory_space<vmem>> -> memref<16x128xf32, #tpu.memory_space<vmem>>
      %dma_wait3A_2954 = arith.constant 0 : i32
      %dma_wait3A_2955 = tpu.memref_slice %arg3[%dma_wait3A_2954, %multiple_of3A_2147] : memref<16x1000000xf32, #tpu.memory_space<hbm>> -> memref<16x128xf32, #tpu.memory_space<hbm>>
      tpu.wait_dma2 semaphore(%arg9 : memref<!tpu.dma_semaphore, #tpu.memory_space<semaphore_mem>>) src(%dma_wait3A_2955 : memref<16x128xf32, #tpu.memory_space<hbm>>) dst(%dma_wait3A_2953 : memref<16x128xf32, #tpu.memory_space<vmem>>)
      %dma_wait3A_2956 = arith.constant 1 : i32
      %dma_wait3A_2957 = arith.constant 6 : i32
      %dma_wait3A_2958 = arith.constant 0 : i32
      %dma_wait3A_2959 = arith.constant 0 : i32
      %dma_wait3A_2960 = tpu.memref_slice %arg6[%dma_wait3A_2956, %dma_wait3A_2957, %dma_wait3A_2958, %dma_wait3A_2959] : memref<2x16x16x128xf32, #tpu.memory_space<vmem>> -> memref<1x1x16x128xf32, #tpu.memory_space<vmem>>
      %dma_wait3A_2961 = tpu.memref_squeeze %dma_wait3A_2960 : memref<1x1x16x128xf32, #tpu.memory_space<vmem>> -> memref<16x128xf32, #tpu.memory_space<vmem>>
      %dma_wait3A_2962 = arith.constant 0 : i32
      %dma_wait3A_2963 = tpu.memref_slice %arg3[%dma_wait3A_2962, %multiple_of3A_2168] : memref<16x1000000xf32, #tpu.memory_space<hbm>> -> memref<16x128xf32, #tpu.memory_space<hbm>>
      %dma_wait3A_2964 = arith.constant 0 : i32
      %dma_wait3A_2965 = arith.constant 0 : i32
      %dma_wait3A_2966 = tpu.memref_slice %arg6[%dma_wait3A_2956, %dma_wait3A_2957, %dma_wait3A_2964, %dma_wait3A_2965] : memref<2x16x16x128xf32, #tpu.memory_space<vmem>> -> memref<1x1x16x128xf32, #tpu.memory_space<vmem>>
      %dma_wait3A_2967 = tpu.memref_squeeze %dma_wait3A_2966 : memref<1x1x16x128xf32, #tpu.memory_space<vmem>> -> memref<16x128xf32, #tpu.memory_space<vmem>>
      %dma_wait3A_2968 = arith.constant 0 : i32
      %dma_wait3A_2969 = tpu.memref_slice %arg3[%dma_wait3A_2968, %multiple_of3A_2168] : memref<16x1000000xf32, #tpu.memory_space<hbm>> -> memref<16x128xf32, #tpu.memory_space<hbm>>
      tpu.wait_dma2 semaphore(%arg9 : memref<!tpu.dma_semaphore, #tpu.memory_space<semaphore_mem>>) src(%dma_wait3A_2969 : memref<16x128xf32, #tpu.memory_space<hbm>>) dst(%dma_wait3A_2967 : memref<16x128xf32, #tpu.memory_space<vmem>>)
      %dma_wait3A_2970 = arith.constant 1 : i32
      %dma_wait3A_2971 = arith.constant 7 : i32
      %dma_wait3A_2972 = arith.constant 0 : i32
      %dma_wait3A_2973 = arith.constant 0 : i32
      %dma_wait3A_2974 = tpu.memref_slice %arg6[%dma_wait3A_2970, %dma_wait3A_2971, %dma_wait3A_2972, %dma_wait3A_2973] : memref<2x16x16x128xf32, #tpu.memory_space<vmem>> -> memref<1x1x16x128xf32, #tpu.memory_space<vmem>>
      %dma_wait3A_2975 = tpu.memref_squeeze %dma_wait3A_2974 : memref<1x1x16x128xf32, #tpu.memory_space<vmem>> -> memref<16x128xf32, #tpu.memory_space<vmem>>
      %dma_wait3A_2976 = arith.constant 0 : i32
      %dma_wait3A_2977 = tpu.memref_slice %arg3[%dma_wait3A_2976, %multiple_of3A_2189] : memref<16x1000000xf32, #tpu.memory_space<hbm>> -> memref<16x128xf32, #tpu.memory_space<hbm>>
      %dma_wait3A_2978 = arith.constant 0 : i32
      %dma_wait3A_2979 = arith.constant 0 : i32
      %dma_wait3A_2980 = tpu.memref_slice %arg6[%dma_wait3A_2970, %dma_wait3A_2971, %dma_wait3A_2978, %dma_wait3A_2979] : memref<2x16x16x128xf32, #tpu.memory_space<vmem>> -> memref<1x1x16x128xf32, #tpu.memory_space<vmem>>
      %dma_wait3A_2981 = tpu.memref_squeeze %dma_wait3A_2980 : memref<1x1x16x128xf32, #tpu.memory_space<vmem>> -> memref<16x128xf32, #tpu.memory_space<vmem>>
      %dma_wait3A_2982 = arith.constant 0 : i32
      %dma_wait3A_2983 = tpu.memref_slice %arg3[%dma_wait3A_2982, %multiple_of3A_2189] : memref<16x1000000xf32, #tpu.memory_space<hbm>> -> memref<16x128xf32, #tpu.memory_space<hbm>>
      tpu.wait_dma2 semaphore(%arg9 : memref<!tpu.dma_semaphore, #tpu.memory_space<semaphore_mem>>) src(%dma_wait3A_2983 : memref<16x128xf32, #tpu.memory_space<hbm>>) dst(%dma_wait3A_2981 : memref<16x128xf32, #tpu.memory_space<vmem>>)
      %dma_wait3A_2984 = arith.constant 1 : i32
      %dma_wait3A_2985 = arith.constant 8 : i32
      %dma_wait3A_2986 = arith.constant 0 : i32
      %dma_wait3A_2987 = arith.constant 0 : i32
      %dma_wait3A_2988 = tpu.memref_slice %arg6[%dma_wait3A_2984, %dma_wait3A_2985, %dma_wait3A_2986, %dma_wait3A_2987] : memref<2x16x16x128xf32, #tpu.memory_space<vmem>> -> memref<1x1x16x128xf32, #tpu.memory_space<vmem>>
      %dma_wait3A_2989 = tpu.memref_squeeze %dma_wait3A_2988 : memref<1x1x16x128xf32, #tpu.memory_space<vmem>> -> memref<16x128xf32, #tpu.memory_space<vmem>>
      %dma_wait3A_2990 = arith.constant 0 : i32
      %dma_wait3A_2991 = tpu.memref_slice %arg3[%dma_wait3A_2990, %multiple_of3A_2210] : memref<16x1000000xf32, #tpu.memory_space<hbm>> -> memref<16x128xf32, #tpu.memory_space<hbm>>
      %dma_wait3A_2992 = arith.constant 0 : i32
      %dma_wait3A_2993 = arith.constant 0 : i32
      %dma_wait3A_2994 = tpu.memref_slice %arg6[%dma_wait3A_2984, %dma_wait3A_2985, %dma_wait3A_2992, %dma_wait3A_2993] : memref<2x16x16x128xf32, #tpu.memory_space<vmem>> -> memref<1x1x16x128xf32, #tpu.memory_space<vmem>>
      %dma_wait3A_2995 = tpu.memref_squeeze %dma_wait3A_2994 : memref<1x1x16x128xf32, #tpu.memory_space<vmem>> -> memref<16x128xf32, #tpu.memory_space<vmem>>
      %dma_wait3A_2996 = arith.constant 0 : i32
      %dma_wait3A_2997 = tpu.memref_slice %arg3[%dma_wait3A_2996, %multiple_of3A_2210] : memref<16x1000000xf32, #tpu.memory_space<hbm>> -> memref<16x128xf32, #tpu.memory_space<hbm>>
      tpu.wait_dma2 semaphore(%arg9 : memref<!tpu.dma_semaphore, #tpu.memory_space<semaphore_mem>>) src(%dma_wait3A_2997 : memref<16x128xf32, #tpu.memory_space<hbm>>) dst(%dma_wait3A_2995 : memref<16x128xf32, #tpu.memory_space<vmem>>)
      %dma_wait3A_2998 = arith.constant 1 : i32
      %dma_wait3A_2999 = arith.constant 9 : i32
      %dma_wait3A_3000 = arith.constant 0 : i32
      %dma_wait3A_3001 = arith.constant 0 : i32
      %dma_wait3A_3002 = tpu.memref_slice %arg6[%dma_wait3A_2998, %dma_wait3A_2999, %dma_wait3A_3000, %dma_wait3A_3001] : memref<2x16x16x128xf32, #tpu.memory_space<vmem>> -> memref<1x1x16x128xf32, #tpu.memory_space<vmem>>
      %dma_wait3A_3003 = tpu.memref_squeeze %dma_wait3A_3002 : memref<1x1x16x128xf32, #tpu.memory_space<vmem>> -> memref<16x128xf32, #tpu.memory_space<vmem>>
      %dma_wait3A_3004 = arith.constant 0 : i32
      %dma_wait3A_3005 = tpu.memref_slice %arg3[%dma_wait3A_3004, %multiple_of3A_2231] : memref<16x1000000xf32, #tpu.memory_space<hbm>> -> memref<16x128xf32, #tpu.memory_space<hbm>>
      %dma_wait3A_3006 = arith.constant 0 : i32
      %dma_wait3A_3007 = arith.constant 0 : i32
      %dma_wait3A_3008 = tpu.memref_slice %arg6[%dma_wait3A_2998, %dma_wait3A_2999, %dma_wait3A_3006, %dma_wait3A_3007] : memref<2x16x16x128xf32, #tpu.memory_space<vmem>> -> memref<1x1x16x128xf32, #tpu.memory_space<vmem>>
      %dma_wait3A_3009 = tpu.memref_squeeze %dma_wait3A_3008 : memref<1x1x16x128xf32, #tpu.memory_space<vmem>> -> memref<16x128xf32, #tpu.memory_space<vmem>>
      %dma_wait3A_3010 = arith.constant 0 : i32
      %dma_wait3A_3011 = tpu.memref_slice %arg3[%dma_wait3A_3010, %multiple_of3A_2231] : memref<16x1000000xf32, #tpu.memory_space<hbm>> -> memref<16x128xf32, #tpu.memory_space<hbm>>
      tpu.wait_dma2 semaphore(%arg9 : memref<!tpu.dma_semaphore, #tpu.memory_space<semaphore_mem>>) src(%dma_wait3A_3011 : memref<16x128xf32, #tpu.memory_space<hbm>>) dst(%dma_wait3A_3009 : memref<16x128xf32, #tpu.memory_space<vmem>>)
      %dma_wait3A_3012 = arith.constant 1 : i32
      %dma_wait3A_3013 = arith.constant 10 : i32
      %dma_wait3A_3014 = arith.constant 0 : i32
      %dma_wait3A_3015 = arith.constant 0 : i32
      %dma_wait3A_3016 = tpu.memref_slice %arg6[%dma_wait3A_3012, %dma_wait3A_3013, %dma_wait3A_3014, %dma_wait3A_3015] : memref<2x16x16x128xf32, #tpu.memory_space<vmem>> -> memref<1x1x16x128xf32, #tpu.memory_space<vmem>>
      %dma_wait3A_3017 = tpu.memref_squeeze %dma_wait3A_3016 : memref<1x1x16x128xf32, #tpu.memory_space<vmem>> -> memref<16x128xf32, #tpu.memory_space<vmem>>
      %dma_wait3A_3018 = arith.constant 0 : i32
      %dma_wait3A_3019 = tpu.memref_slice %arg3[%dma_wait3A_3018, %multiple_of3A_2252] : memref<16x1000000xf32, #tpu.memory_space<hbm>> -> memref<16x128xf32, #tpu.memory_space<hbm>>
      %dma_wait3A_3020 = arith.constant 0 : i32
      %dma_wait3A_3021 = arith.constant 0 : i32
      %dma_wait3A_3022 = tpu.memref_slice %arg6[%dma_wait3A_3012, %dma_wait3A_3013, %dma_wait3A_3020, %dma_wait3A_3021] : memref<2x16x16x128xf32, #tpu.memory_space<vmem>> -> memref<1x1x16x128xf32, #tpu.memory_space<vmem>>
      %dma_wait3A_3023 = tpu.memref_squeeze %dma_wait3A_3022 : memref<1x1x16x128xf32, #tpu.memory_space<vmem>> -> memref<16x128xf32, #tpu.memory_space<vmem>>
      %dma_wait3A_3024 = arith.constant 0 : i32
      %dma_wait3A_3025 = tpu.memref_slice %arg3[%dma_wait3A_3024, %multiple_of3A_2252] : memref<16x1000000xf32, #tpu.memory_space<hbm>> -> memref<16x128xf32, #tpu.memory_space<hbm>>
      tpu.wait_dma2 semaphore(%arg9 : memref<!tpu.dma_semaphore, #tpu.memory_space<semaphore_mem>>) src(%dma_wait3A_3025 : memref<16x128xf32, #tpu.memory_space<hbm>>) dst(%dma_wait3A_3023 : memref<16x128xf32, #tpu.memory_space<vmem>>)
      %dma_wait3A_3026 = arith.constant 1 : i32
      %dma_wait3A_3027 = arith.constant 11 : i32
      %dma_wait3A_3028 = arith.constant 0 : i32
      %dma_wait3A_3029 = arith.constant 0 : i32
      %dma_wait3A_3030 = tpu.memref_slice %arg6[%dma_wait3A_3026, %dma_wait3A_3027, %dma_wait3A_3028, %dma_wait3A_3029] : memref<2x16x16x128xf32, #tpu.memory_space<vmem>> -> memref<1x1x16x128xf32, #tpu.memory_space<vmem>>
      %dma_wait3A_3031 = tpu.memref_squeeze %dma_wait3A_3030 : memref<1x1x16x128xf32, #tpu.memory_space<vmem>> -> memref<16x128xf32, #tpu.memory_space<vmem>>
      %dma_wait3A_3032 = arith.constant 0 : i32
      %dma_wait3A_3033 = tpu.memref_slice %arg3[%dma_wait3A_3032, %multiple_of3A_2273] : memref<16x1000000xf32, #tpu.memory_space<hbm>> -> memref<16x128xf32, #tpu.memory_space<hbm>>
      %dma_wait3A_3034 = arith.constant 0 : i32
      %dma_wait3A_3035 = arith.constant 0 : i32
      %dma_wait3A_3036 = tpu.memref_slice %arg6[%dma_wait3A_3026, %dma_wait3A_3027, %dma_wait3A_3034, %dma_wait3A_3035] : memref<2x16x16x128xf32, #tpu.memory_space<vmem>> -> memref<1x1x16x128xf32, #tpu.memory_space<vmem>>
      %dma_wait3A_3037 = tpu.memref_squeeze %dma_wait3A_3036 : memref<1x1x16x128xf32, #tpu.memory_space<vmem>> -> memref<16x128xf32, #tpu.memory_space<vmem>>
      %dma_wait3A_3038 = arith.constant 0 : i32
      %dma_wait3A_3039 = tpu.memref_slice %arg3[%dma_wait3A_3038, %multiple_of3A_2273] : memref<16x1000000xf32, #tpu.memory_space<hbm>> -> memref<16x128xf32, #tpu.memory_space<hbm>>
      tpu.wait_dma2 semaphore(%arg9 : memref<!tpu.dma_semaphore, #tpu.memory_space<semaphore_mem>>) src(%dma_wait3A_3039 : memref<16x128xf32, #tpu.memory_space<hbm>>) dst(%dma_wait3A_3037 : memref<16x128xf32, #tpu.memory_space<vmem>>)
      %dma_wait3A_3040 = arith.constant 1 : i32
      %dma_wait3A_3041 = arith.constant 12 : i32
      %dma_wait3A_3042 = arith.constant 0 : i32
      %dma_wait3A_3043 = arith.constant 0 : i32
      %dma_wait3A_3044 = tpu.memref_slice %arg6[%dma_wait3A_3040, %dma_wait3A_3041, %dma_wait3A_3042, %dma_wait3A_3043] : memref<2x16x16x128xf32, #tpu.memory_space<vmem>> -> memref<1x1x16x128xf32, #tpu.memory_space<vmem>>
      %dma_wait3A_3045 = tpu.memref_squeeze %dma_wait3A_3044 : memref<1x1x16x128xf32, #tpu.memory_space<vmem>> -> memref<16x128xf32, #tpu.memory_space<vmem>>
      %dma_wait3A_3046 = arith.constant 0 : i32
      %dma_wait3A_3047 = tpu.memref_slice %arg3[%dma_wait3A_3046, %multiple_of3A_2294] : memref<16x1000000xf32, #tpu.memory_space<hbm>> -> memref<16x128xf32, #tpu.memory_space<hbm>>
      %dma_wait3A_3048 = arith.constant 0 : i32
      %dma_wait3A_3049 = arith.constant 0 : i32
      %dma_wait3A_3050 = tpu.memref_slice %arg6[%dma_wait3A_3040, %dma_wait3A_3041, %dma_wait3A_3048, %dma_wait3A_3049] : memref<2x16x16x128xf32, #tpu.memory_space<vmem>> -> memref<1x1x16x128xf32, #tpu.memory_space<vmem>>
      %dma_wait3A_3051 = tpu.memref_squeeze %dma_wait3A_3050 : memref<1x1x16x128xf32, #tpu.memory_space<vmem>> -> memref<16x128xf32, #tpu.memory_space<vmem>>
      %dma_wait3A_3052 = arith.constant 0 : i32
      %dma_wait3A_3053 = tpu.memref_slice %arg3[%dma_wait3A_3052, %multiple_of3A_2294] : memref<16x1000000xf32, #tpu.memory_space<hbm>> -> memref<16x128xf32, #tpu.memory_space<hbm>>
      tpu.wait_dma2 semaphore(%arg9 : memref<!tpu.dma_semaphore, #tpu.memory_space<semaphore_mem>>) src(%dma_wait3A_3053 : memref<16x128xf32, #tpu.memory_space<hbm>>) dst(%dma_wait3A_3051 : memref<16x128xf32, #tpu.memory_space<vmem>>)
      %dma_wait3A_3054 = arith.constant 1 : i32
      %dma_wait3A_3055 = arith.constant 13 : i32
      %dma_wait3A_3056 = arith.constant 0 : i32
      %dma_wait3A_3057 = arith.constant 0 : i32
      %dma_wait3A_3058 = tpu.memref_slice %arg6[%dma_wait3A_3054, %dma_wait3A_3055, %dma_wait3A_3056, %dma_wait3A_3057] : memref<2x16x16x128xf32, #tpu.memory_space<vmem>> -> memref<1x1x16x128xf32, #tpu.memory_space<vmem>>
      %dma_wait3A_3059 = tpu.memref_squeeze %dma_wait3A_3058 : memref<1x1x16x128xf32, #tpu.memory_space<vmem>> -> memref<16x128xf32, #tpu.memory_space<vmem>>
      %dma_wait3A_3060 = arith.constant 0 : i32
      %dma_wait3A_3061 = tpu.memref_slice %arg3[%dma_wait3A_3060, %multiple_of3A_2315] : memref<16x1000000xf32, #tpu.memory_space<hbm>> -> memref<16x128xf32, #tpu.memory_space<hbm>>
      %dma_wait3A_3062 = arith.constant 0 : i32
      %dma_wait3A_3063 = arith.constant 0 : i32
      %dma_wait3A_3064 = tpu.memref_slice %arg6[%dma_wait3A_3054, %dma_wait3A_3055, %dma_wait3A_3062, %dma_wait3A_3063] : memref<2x16x16x128xf32, #tpu.memory_space<vmem>> -> memref<1x1x16x128xf32, #tpu.memory_space<vmem>>
      %dma_wait3A_3065 = tpu.memref_squeeze %dma_wait3A_3064 : memref<1x1x16x128xf32, #tpu.memory_space<vmem>> -> memref<16x128xf32, #tpu.memory_space<vmem>>
      %dma_wait3A_3066 = arith.constant 0 : i32
      %dma_wait3A_3067 = tpu.memref_slice %arg3[%dma_wait3A_3066, %multiple_of3A_2315] : memref<16x1000000xf32, #tpu.memory_space<hbm>> -> memref<16x128xf32, #tpu.memory_space<hbm>>
      tpu.wait_dma2 semaphore(%arg9 : memref<!tpu.dma_semaphore, #tpu.memory_space<semaphore_mem>>) src(%dma_wait3A_3067 : memref<16x128xf32, #tpu.memory_space<hbm>>) dst(%dma_wait3A_3065 : memref<16x128xf32, #tpu.memory_space<vmem>>)
      %dma_wait3A_3068 = arith.constant 1 : i32
      %dma_wait3A_3069 = arith.constant 14 : i32
      %dma_wait3A_3070 = arith.constant 0 : i32
      %dma_wait3A_3071 = arith.constant 0 : i32
      %dma_wait3A_3072 = tpu.memref_slice %arg6[%dma_wait3A_3068, %dma_wait3A_3069, %dma_wait3A_3070, %dma_wait3A_3071] : memref<2x16x16x128xf32, #tpu.memory_space<vmem>> -> memref<1x1x16x128xf32, #tpu.memory_space<vmem>>
      %dma_wait3A_3073 = tpu.memref_squeeze %dma_wait3A_3072 : memref<1x1x16x128xf32, #tpu.memory_space<vmem>> -> memref<16x128xf32, #tpu.memory_space<vmem>>
      %dma_wait3A_3074 = arith.constant 0 : i32
      %dma_wait3A_3075 = tpu.memref_slice %arg3[%dma_wait3A_3074, %multiple_of3A_2336] : memref<16x1000000xf32, #tpu.memory_space<hbm>> -> memref<16x128xf32, #tpu.memory_space<hbm>>
      %dma_wait3A_3076 = arith.constant 0 : i32
      %dma_wait3A_3077 = arith.constant 0 : i32
      %dma_wait3A_3078 = tpu.memref_slice %arg6[%dma_wait3A_3068, %dma_wait3A_3069, %dma_wait3A_3076, %dma_wait3A_3077] : memref<2x16x16x128xf32, #tpu.memory_space<vmem>> -> memref<1x1x16x128xf32, #tpu.memory_space<vmem>>
      %dma_wait3A_3079 = tpu.memref_squeeze %dma_wait3A_3078 : memref<1x1x16x128xf32, #tpu.memory_space<vmem>> -> memref<16x128xf32, #tpu.memory_space<vmem>>
      %dma_wait3A_3080 = arith.constant 0 : i32
      %dma_wait3A_3081 = tpu.memref_slice %arg3[%dma_wait3A_3080, %multiple_of3A_2336] : memref<16x1000000xf32, #tpu.memory_space<hbm>> -> memref<16x128xf32, #tpu.memory_space<hbm>>
      tpu.wait_dma2 semaphore(%arg9 : memref<!tpu.dma_semaphore, #tpu.memory_space<semaphore_mem>>) src(%dma_wait3A_3081 : memref<16x128xf32, #tpu.memory_space<hbm>>) dst(%dma_wait3A_3079 : memref<16x128xf32, #tpu.memory_space<vmem>>)
      %dma_wait3A_3082 = arith.constant 1 : i32
      %dma_wait3A_3083 = arith.constant 15 : i32
      %dma_wait3A_3084 = arith.constant 0 : i32
      %dma_wait3A_3085 = arith.constant 0 : i32
      %dma_wait3A_3086 = tpu.memref_slice %arg6[%dma_wait3A_3082, %dma_wait3A_3083, %dma_wait3A_3084, %dma_wait3A_3085] : memref<2x16x16x128xf32, #tpu.memory_space<vmem>> -> memref<1x1x16x128xf32, #tpu.memory_space<vmem>>
      %dma_wait3A_3087 = tpu.memref_squeeze %dma_wait3A_3086 : memref<1x1x16x128xf32, #tpu.memory_space<vmem>> -> memref<16x128xf32, #tpu.memory_space<vmem>>
      %dma_wait3A_3088 = arith.constant 0 : i32
      %dma_wait3A_3089 = tpu.memref_slice %arg3[%dma_wait3A_3088, %multiple_of3A_2357] : memref<16x1000000xf32, #tpu.memory_space<hbm>> -> memref<16x128xf32, #tpu.memory_space<hbm>>
      %dma_wait3A_3090 = arith.constant 0 : i32
      %dma_wait3A_3091 = arith.constant 0 : i32
      %dma_wait3A_3092 = tpu.memref_slice %arg6[%dma_wait3A_3082, %dma_wait3A_3083, %dma_wait3A_3090, %dma_wait3A_3091] : memref<2x16x16x128xf32, #tpu.memory_space<vmem>> -> memref<1x1x16x128xf32, #tpu.memory_space<vmem>>
      %dma_wait3A_3093 = tpu.memref_squeeze %dma_wait3A_3092 : memref<1x1x16x128xf32, #tpu.memory_space<vmem>> -> memref<16x128xf32, #tpu.memory_space<vmem>>
      %dma_wait3A_3094 = arith.constant 0 : i32
      %dma_wait3A_3095 = tpu.memref_slice %arg3[%dma_wait3A_3094, %multiple_of3A_2357] : memref<16x1000000xf32, #tpu.memory_space<hbm>> -> memref<16x128xf32, #tpu.memory_space<hbm>>
      tpu.wait_dma2 semaphore(%arg9 : memref<!tpu.dma_semaphore, #tpu.memory_space<semaphore_mem>>) src(%dma_wait3A_3095 : memref<16x128xf32, #tpu.memory_space<hbm>>) dst(%dma_wait3A_3093 : memref<16x128xf32, #tpu.memory_space<vmem>>)
      %slice3A_3096 = vector.extract_strided_slice %get3A_2035 {offsets = [0], sizes = [1], strides = [1]} : vector<16xi32> to vector<1xi32>
      %squeeze3A_3097 = vector.extract %slice3A_3096[0] : i32 from vector<1xi32>
      %and3A_3098 = arith.constant 127 : i32
      %and3A_3099 = arith.andi %squeeze3A_3097, %and3A_3098 : i32
      %broadcast_in_dim3A_3100 = vector.broadcast %and3A_3099 : i32 to vector<16xi32>
      %gather3A_3101 = arith.constant 1 : i32
      %gather3A_3102 = arith.constant 0 : i32
      %gather3A_3103 = arith.constant 0 : i32
      %gather3A_3104 = arith.constant 0 : i32
      %gather3A_3105 = tpu.memref_slice %arg6[%gather3A_3101, %gather3A_3102, %gather3A_3103, %gather3A_3104] : memref<2x16x16x128xf32, #tpu.memory_space<vmem>> -> memref<1x1x16x128xf32, #tpu.memory_space<vmem>>
      %gather3A_3106 = tpu.memref_squeeze %gather3A_3105 : memref<1x1x16x128xf32, #tpu.memory_space<vmem>> -> memref<16x128xf32, #tpu.memory_space<vmem>>
      %gather3A_3107 = tpu.vector_load_idx %gather3A_3106[%iota3A, %broadcast_in_dim3A_3100] : memref<16x128xf32, #tpu.memory_space<vmem>>[vector<16xi32>, vector<16xi32>], vector<16xf32>,
      %mul3A_3108 = arith.constant 16 : i32
      %mul3A_3109 = arith.muli %add3A_2871, %mul3A_3108 : i32
      %add3A_3110 = arith.constant 0 : i32
      %add3A_3111 = arith.addi %mul3A_3109, %add3A_3110 : i32
      %broadcast_in_dim3A_3112 = vector.broadcast %add3A_3111 : i32 to vector<16xi32>
      tpu.vector_store_idx %arg7[%iota3A, %broadcast_in_dim3A_3112], %gather3A_3107 : memref<16x512xf32, #tpu.memory_space<vmem>>[vector<16xi32>, vector<16xi32>], vector<16xf32>,
      %slice3A_3113 = vector.extract_strided_slice %get3A_2035 {offsets = [1], sizes = [1], strides = [1]} : vector<16xi32> to vector<1xi32>
      %squeeze3A_3114 = vector.extract %slice3A_3113[0] : i32 from vector<1xi32>
      %and3A_3115 = arith.constant 127 : i32
      %and3A_3116 = arith.andi %squeeze3A_3114, %and3A_3115 : i32
      %broadcast_in_dim3A_3117 = vector.broadcast %and3A_3116 : i32 to vector<16xi32>
      %gather3A_3118 = arith.constant 1 : i32
      %gather3A_3119 = arith.constant 1 : i32
      %gather3A_3120 = arith.constant 0 : i32
      %gather3A_3121 = arith.constant 0 : i32
      %gather3A_3122 = tpu.memref_slice %arg6[%gather3A_3118, %gather3A_3119, %gather3A_3120, %gather3A_3121] : memref<2x16x16x128xf32, #tpu.memory_space<vmem>> -> memref<1x1x16x128xf32, #tpu.memory_space<vmem>>
      %gather3A_3123 = tpu.memref_squeeze %gather3A_3122 : memref<1x1x16x128xf32, #tpu.memory_space<vmem>> -> memref<16x128xf32, #tpu.memory_space<vmem>>
      %gather3A_3124 = tpu.vector_load_idx %gather3A_3123[%iota3A, %broadcast_in_dim3A_3117] : memref<16x128xf32, #tpu.memory_space<vmem>>[vector<16xi32>, vector<16xi32>], vector<16xf32>,
      %mul3A_3125 = arith.constant 16 : i32
      %mul3A_3126 = arith.muli %add3A_2871, %mul3A_3125 : i32
      %add3A_3127 = arith.constant 1 : i32
      %add3A_3128 = arith.addi %mul3A_3126, %add3A_3127 : i32
      %broadcast_in_dim3A_3129 = vector.broadcast %add3A_3128 : i32 to vector<16xi32>
      tpu.vector_store_idx %arg7[%iota3A, %broadcast_in_dim3A_3129], %gather3A_3124 : memref<16x512xf32, #tpu.memory_space<vmem>>[vector<16xi32>, vector<16xi32>], vector<16xf32>,
      %slice3A_3130 = vector.extract_strided_slice %get3A_2035 {offsets = [2], sizes = [1], strides = [1]} : vector<16xi32> to vector<1xi32>
      %squeeze3A_3131 = vector.extract %slice3A_3130[0] : i32 from vector<1xi32>
      %and3A_3132 = arith.constant 127 : i32
      %and3A_3133 = arith.andi %squeeze3A_3131, %and3A_3132 : i32
      %broadcast_in_dim3A_3134 = vector.broadcast %and3A_3133 : i32 to vector<16xi32>
      %gather3A_3135 = arith.constant 1 : i32
      %gather3A_3136 = arith.constant 2 : i32
      %gather3A_3137 = arith.constant 0 : i32
      %gather3A_3138 = arith.constant 0 : i32
      %gather3A_3139 = tpu.memref_slice %arg6[%gather3A_3135, %gather3A_3136, %gather3A_3137, %gather3A_3138] : memref<2x16x16x128xf32, #tpu.memory_space<vmem>> -> memref<1x1x16x128xf32, #tpu.memory_space<vmem>>
      %gather3A_3140 = tpu.memref_squeeze %gather3A_3139 : memref<1x1x16x128xf32, #tpu.memory_space<vmem>> -> memref<16x128xf32, #tpu.memory_space<vmem>>
      %gather3A_3141 = tpu.vector_load_idx %gather3A_3140[%iota3A, %broadcast_in_dim3A_3134] : memref<16x128xf32, #tpu.memory_space<vmem>>[vector<16xi32>, vector<16xi32>], vector<16xf32>,
      %mul3A_3142 = arith.constant 16 : i32
      %mul3A_3143 = arith.muli %add3A_2871, %mul3A_3142 : i32
      %add3A_3144 = arith.constant 2 : i32
      %add3A_3145 = arith.addi %mul3A_3143, %add3A_3144 : i32
      %broadcast_in_dim3A_3146 = vector.broadcast %add3A_3145 : i32 to vector<16xi32>
      tpu.vector_store_idx %arg7[%iota3A, %broadcast_in_dim3A_3146], %gather3A_3141 : memref<16x512xf32, #tpu.memory_space<vmem>>[vector<16xi32>, vector<16xi32>], vector<16xf32>,
      %slice3A_3147 = vector.extract_strided_slice %get3A_2035 {offsets = [3], sizes = [1], strides = [1]} : vector<16xi32> to vector<1xi32>
      %squeeze3A_3148 = vector.extract %slice3A_3147[0] : i32 from vector<1xi32>
      %and3A_3149 = arith.constant 127 : i32
      %and3A_3150 = arith.andi %squeeze3A_3148, %and3A_3149 : i32
      %broadcast_in_dim3A_3151 = vector.broadcast %and3A_3150 : i32 to vector<16xi32>
      %gather3A_3152 = arith.constant 1 : i32
      %gather3A_3153 = arith.constant 3 : i32
      %gather3A_3154 = arith.constant 0 : i32
      %gather3A_3155 = arith.constant 0 : i32
      %gather3A_3156 = tpu.memref_slice %arg6[%gather3A_3152, %gather3A_3153, %gather3A_3154, %gather3A_3155] : memref<2x16x16x128xf32, #tpu.memory_space<vmem>> -> memref<1x1x16x128xf32, #tpu.memory_space<vmem>>
      %gather3A_3157 = tpu.memref_squeeze %gather3A_3156 : memref<1x1x16x128xf32, #tpu.memory_space<vmem>> -> memref<16x128xf32, #tpu.memory_space<vmem>>
      %gather3A_3158 = tpu.vector_load_idx %gather3A_3157[%iota3A, %broadcast_in_dim3A_3151] : memref<16x128xf32, #tpu.memory_space<vmem>>[vector<16xi32>, vector<16xi32>], vector<16xf32>,
      %mul3A_3159 = arith.constant 16 : i32
      %mul3A_3160 = arith.muli %add3A_2871, %mul3A_3159 : i32
      %add3A_3161 = arith.constant 3 : i32
      %add3A_3162 = arith.addi %mul3A_3160, %add3A_3161 : i32
      %broadcast_in_dim3A_3163 = vector.broadcast %add3A_3162 : i32 to vector<16xi32>
      tpu.vector_store_idx %arg7[%iota3A, %broadcast_in_dim3A_3163], %gather3A_3158 : memref<16x512xf32, #tpu.memory_space<vmem>>[vector<16xi32>, vector<16xi32>], vector<16xf32>,
      %slice3A_3164 = vector.extract_strided_slice %get3A_2035 {offsets = [4], sizes = [1], strides = [1]} : vector<16xi32> to vector<1xi32>
      %squeeze3A_3165 = vector.extract %slice3A_3164[0] : i32 from vector<1xi32>
      %and3A_3166 = arith.constant 127 : i32
      %and3A_3167 = arith.andi %squeeze3A_3165, %and3A_3166 : i32
      %broadcast_in_dim3A_3168 = vector.broadcast %and3A_3167 : i32 to vector<16xi32>
      %gather3A_3169 = arith.constant 1 : i32
      %gather3A_3170 = arith.constant 4 : i32
      %gather3A_3171 = arith.constant 0 : i32
      %gather3A_3172 = arith.constant 0 : i32
      %gather3A_3173 = tpu.memref_slice %arg6[%gather3A_3169, %gather3A_3170, %gather3A_3171, %gather3A_3172] : memref<2x16x16x128xf32, #tpu.memory_space<vmem>> -> memref<1x1x16x128xf32, #tpu.memory_space<vmem>>
      %gather3A_3174 = tpu.memref_squeeze %gather3A_3173 : memref<1x1x16x128xf32, #tpu.memory_space<vmem>> -> memref<16x128xf32, #tpu.memory_space<vmem>>
      %gather3A_3175 = tpu.vector_load_idx %gather3A_3174[%iota3A, %broadcast_in_dim3A_3168] : memref<16x128xf32, #tpu.memory_space<vmem>>[vector<16xi32>, vector<16xi32>], vector<16xf32>,
      %mul3A_3176 = arith.constant 16 : i32
      %mul3A_3177 = arith.muli %add3A_2871, %mul3A_3176 : i32
      %add3A_3178 = arith.constant 4 : i32
      %add3A_3179 = arith.addi %mul3A_3177, %add3A_3178 : i32
      %broadcast_in_dim3A_3180 = vector.broadcast %add3A_3179 : i32 to vector<16xi32>
      tpu.vector_store_idx %arg7[%iota3A, %broadcast_in_dim3A_3180], %gather3A_3175 : memref<16x512xf32, #tpu.memory_space<vmem>>[vector<16xi32>, vector<16xi32>], vector<16xf32>,
      %slice3A_3181 = vector.extract_strided_slice %get3A_2035 {offsets = [5], sizes = [1], strides = [1]} : vector<16xi32> to vector<1xi32>
      %squeeze3A_3182 = vector.extract %slice3A_3181[0] : i32 from vector<1xi32>
      %and3A_3183 = arith.constant 127 : i32
      %and3A_3184 = arith.andi %squeeze3A_3182, %and3A_3183 : i32
      %broadcast_in_dim3A_3185 = vector.broadcast %and3A_3184 : i32 to vector<16xi32>
      %gather3A_3186 = arith.constant 1 : i32
      %gather3A_3187 = arith.constant 5 : i32
      %gather3A_3188 = arith.constant 0 : i32
      %gather3A_3189 = arith.constant 0 : i32
      %gather3A_3190 = tpu.memref_slice %arg6[%gather3A_3186, %gather3A_3187, %gather3A_3188, %gather3A_3189] : memref<2x16x16x128xf32, #tpu.memory_space<vmem>> -> memref<1x1x16x128xf32, #tpu.memory_space<vmem>>
      %gather3A_3191 = tpu.memref_squeeze %gather3A_3190 : memref<1x1x16x128xf32, #tpu.memory_space<vmem>> -> memref<16x128xf32, #tpu.memory_space<vmem>>
      %gather3A_3192 = tpu.vector_load_idx %gather3A_3191[%iota3A, %broadcast_in_dim3A_3185] : memref<16x128xf32, #tpu.memory_space<vmem>>[vector<16xi32>, vector<16xi32>], vector<16xf32>,
      %mul3A_3193 = arith.constant 16 : i32
      %mul3A_3194 = arith.muli %add3A_2871, %mul3A_3193 : i32
      %add3A_3195 = arith.constant 5 : i32
      %add3A_3196 = arith.addi %mul3A_3194, %add3A_3195 : i32
      %broadcast_in_dim3A_3197 = vector.broadcast %add3A_3196 : i32 to vector<16xi32>
      tpu.vector_store_idx %arg7[%iota3A, %broadcast_in_dim3A_3197], %gather3A_3192 : memref<16x512xf32, #tpu.memory_space<vmem>>[vector<16xi32>, vector<16xi32>], vector<16xf32>,
      %slice3A_3198 = vector.extract_strided_slice %get3A_2035 {offsets = [6], sizes = [1], strides = [1]} : vector<16xi32> to vector<1xi32>
      %squeeze3A_3199 = vector.extract %slice3A_3198[0] : i32 from vector<1xi32>
      %and3A_3200 = arith.constant 127 : i32
      %and3A_3201 = arith.andi %squeeze3A_3199, %and3A_3200 : i32
      %broadcast_in_dim3A_3202 = vector.broadcast %and3A_3201 : i32 to vector<16xi32>
      %gather3A_3203 = arith.constant 1 : i32
      %gather3A_3204 = arith.constant 6 : i32
      %gather3A_3205 = arith.constant 0 : i32
      %gather3A_3206 = arith.constant 0 : i32
      %gather3A_3207 = tpu.memref_slice %arg6[%gather3A_3203, %gather3A_3204, %gather3A_3205, %gather3A_3206] : memref<2x16x16x128xf32, #tpu.memory_space<vmem>> -> memref<1x1x16x128xf32, #tpu.memory_space<vmem>>
      %gather3A_3208 = tpu.memref_squeeze %gather3A_3207 : memref<1x1x16x128xf32, #tpu.memory_space<vmem>> -> memref<16x128xf32, #tpu.memory_space<vmem>>
      %gather3A_3209 = tpu.vector_load_idx %gather3A_3208[%iota3A, %broadcast_in_dim3A_3202] : memref<16x128xf32, #tpu.memory_space<vmem>>[vector<16xi32>, vector<16xi32>], vector<16xf32>,
      %mul3A_3210 = arith.constant 16 : i32
      %mul3A_3211 = arith.muli %add3A_2871, %mul3A_3210 : i32
      %add3A_3212 = arith.constant 6 : i32
      %add3A_3213 = arith.addi %mul3A_3211, %add3A_3212 : i32
      %broadcast_in_dim3A_3214 = vector.broadcast %add3A_3213 : i32 to vector<16xi32>
      tpu.vector_store_idx %arg7[%iota3A, %broadcast_in_dim3A_3214], %gather3A_3209 : memref<16x512xf32, #tpu.memory_space<vmem>>[vector<16xi32>, vector<16xi32>], vector<16xf32>,
      %slice3A_3215 = vector.extract_strided_slice %get3A_2035 {offsets = [7], sizes = [1], strides = [1]} : vector<16xi32> to vector<1xi32>
      %squeeze3A_3216 = vector.extract %slice3A_3215[0] : i32 from vector<1xi32>
      %and3A_3217 = arith.constant 127 : i32
      %and3A_3218 = arith.andi %squeeze3A_3216, %and3A_3217 : i32
      %broadcast_in_dim3A_3219 = vector.broadcast %and3A_3218 : i32 to vector<16xi32>
      %gather3A_3220 = arith.constant 1 : i32
      %gather3A_3221 = arith.constant 7 : i32
      %gather3A_3222 = arith.constant 0 : i32
      %gather3A_3223 = arith.constant 0 : i32
      %gather3A_3224 = tpu.memref_slice %arg6[%gather3A_3220, %gather3A_3221, %gather3A_3222, %gather3A_3223] : memref<2x16x16x128xf32, #tpu.memory_space<vmem>> -> memref<1x1x16x128xf32, #tpu.memory_space<vmem>>
      %gather3A_3225 = tpu.memref_squeeze %gather3A_3224 : memref<1x1x16x128xf32, #tpu.memory_space<vmem>> -> memref<16x128xf32, #tpu.memory_space<vmem>>
      %gather3A_3226 = tpu.vector_load_idx %gather3A_3225[%iota3A, %broadcast_in_dim3A_3219] : memref<16x128xf32, #tpu.memory_space<vmem>>[vector<16xi32>, vector<16xi32>], vector<16xf32>,
      %mul3A_3227 = arith.constant 16 : i32
      %mul3A_3228 = arith.muli %add3A_2871, %mul3A_3227 : i32
      %add3A_3229 = arith.constant 7 : i32
      %add3A_3230 = arith.addi %mul3A_3228, %add3A_3229 : i32
      %broadcast_in_dim3A_3231 = vector.broadcast %add3A_3230 : i32 to vector<16xi32>
      tpu.vector_store_idx %arg7[%iota3A, %broadcast_in_dim3A_3231], %gather3A_3226 : memref<16x512xf32, #tpu.memory_space<vmem>>[vector<16xi32>, vector<16xi32>], vector<16xf32>,
      %slice3A_3232 = vector.extract_strided_slice %get3A_2035 {offsets = [8], sizes = [1], strides = [1]} : vector<16xi32> to vector<1xi32>
      %squeeze3A_3233 = vector.extract %slice3A_3232[0] : i32 from vector<1xi32>
      %and3A_3234 = arith.constant 127 : i32
      %and3A_3235 = arith.andi %squeeze3A_3233, %and3A_3234 : i32
      %broadcast_in_dim3A_3236 = vector.broadcast %and3A_3235 : i32 to vector<16xi32>
      %gather3A_3237 = arith.constant 1 : i32
      %gather3A_3238 = arith.constant 8 : i32
      %gather3A_3239 = arith.constant 0 : i32
      %gather3A_3240 = arith.constant 0 : i32
      %gather3A_3241 = tpu.memref_slice %arg6[%gather3A_3237, %gather3A_3238, %gather3A_3239, %gather3A_3240] : memref<2x16x16x128xf32, #tpu.memory_space<vmem>> -> memref<1x1x16x128xf32, #tpu.memory_space<vmem>>
      %gather3A_3242 = tpu.memref_squeeze %gather3A_3241 : memref<1x1x16x128xf32, #tpu.memory_space<vmem>> -> memref<16x128xf32, #tpu.memory_space<vmem>>
      %gather3A_3243 = tpu.vector_load_idx %gather3A_3242[%iota3A, %broadcast_in_dim3A_3236] : memref<16x128xf32, #tpu.memory_space<vmem>>[vector<16xi32>, vector<16xi32>], vector<16xf32>,
      %mul3A_3244 = arith.constant 16 : i32
      %mul3A_3245 = arith.muli %add3A_2871, %mul3A_3244 : i32
      %add3A_3246 = arith.constant 8 : i32
      %add3A_3247 = arith.addi %mul3A_3245, %add3A_3246 : i32
      %broadcast_in_dim3A_3248 = vector.broadcast %add3A_3247 : i32 to vector<16xi32>
      tpu.vector_store_idx %arg7[%iota3A, %broadcast_in_dim3A_3248], %gather3A_3243 : memref<16x512xf32, #tpu.memory_space<vmem>>[vector<16xi32>, vector<16xi32>], vector<16xf32>,
      %slice3A_3249 = vector.extract_strided_slice %get3A_2035 {offsets = [9], sizes = [1], strides = [1]} : vector<16xi32> to vector<1xi32>
      %squeeze3A_3250 = vector.extract %slice3A_3249[0] : i32 from vector<1xi32>
      %and3A_3251 = arith.constant 127 : i32
      %and3A_3252 = arith.andi %squeeze3A_3250, %and3A_3251 : i32
      %broadcast_in_dim3A_3253 = vector.broadcast %and3A_3252 : i32 to vector<16xi32>
      %gather3A_3254 = arith.constant 1 : i32
      %gather3A_3255 = arith.constant 9 : i32
      %gather3A_3256 = arith.constant 0 : i32
      %gather3A_3257 = arith.constant 0 : i32
      %gather3A_3258 = tpu.memref_slice %arg6[%gather3A_3254, %gather3A_3255, %gather3A_3256, %gather3A_3257] : memref<2x16x16x128xf32, #tpu.memory_space<vmem>> -> memref<1x1x16x128xf32, #tpu.memory_space<vmem>>
      %gather3A_3259 = tpu.memref_squeeze %gather3A_3258 : memref<1x1x16x128xf32, #tpu.memory_space<vmem>> -> memref<16x128xf32, #tpu.memory_space<vmem>>
      %gather3A_3260 = tpu.vector_load_idx %gather3A_3259[%iota3A, %broadcast_in_dim3A_3253] : memref<16x128xf32, #tpu.memory_space<vmem>>[vector<16xi32>, vector<16xi32>], vector<16xf32>,
      %mul3A_3261 = arith.constant 16 : i32
      %mul3A_3262 = arith.muli %add3A_2871, %mul3A_3261 : i32
      %add3A_3263 = arith.constant 9 : i32
      %add3A_3264 = arith.addi %mul3A_3262, %add3A_3263 : i32
      %broadcast_in_dim3A_3265 = vector.broadcast %add3A_3264 : i32 to vector<16xi32>
      tpu.vector_store_idx %arg7[%iota3A, %broadcast_in_dim3A_3265], %gather3A_3260 : memref<16x512xf32, #tpu.memory_space<vmem>>[vector<16xi32>, vector<16xi32>], vector<16xf32>,
      %slice3A_3266 = vector.extract_strided_slice %get3A_2035 {offsets = [10], sizes = [1], strides = [1]} : vector<16xi32> to vector<1xi32>
      %squeeze3A_3267 = vector.extract %slice3A_3266[0] : i32 from vector<1xi32>
      %and3A_3268 = arith.constant 127 : i32
      %and3A_3269 = arith.andi %squeeze3A_3267, %and3A_3268 : i32
      %broadcast_in_dim3A_3270 = vector.broadcast %and3A_3269 : i32 to vector<16xi32>
      %gather3A_3271 = arith.constant 1 : i32
      %gather3A_3272 = arith.constant 10 : i32
      %gather3A_3273 = arith.constant 0 : i32
      %gather3A_3274 = arith.constant 0 : i32
      %gather3A_3275 = tpu.memref_slice %arg6[%gather3A_3271, %gather3A_3272, %gather3A_3273, %gather3A_3274] : memref<2x16x16x128xf32, #tpu.memory_space<vmem>> -> memref<1x1x16x128xf32, #tpu.memory_space<vmem>>
      %gather3A_3276 = tpu.memref_squeeze %gather3A_3275 : memref<1x1x16x128xf32, #tpu.memory_space<vmem>> -> memref<16x128xf32, #tpu.memory_space<vmem>>
      %gather3A_3277 = tpu.vector_load_idx %gather3A_3276[%iota3A, %broadcast_in_dim3A_3270] : memref<16x128xf32, #tpu.memory_space<vmem>>[vector<16xi32>, vector<16xi32>], vector<16xf32>,
      %mul3A_3278 = arith.constant 16 : i32
      %mul3A_3279 = arith.muli %add3A_2871, %mul3A_3278 : i32
      %add3A_3280 = arith.constant 10 : i32
      %add3A_3281 = arith.addi %mul3A_3279, %add3A_3280 : i32
      %broadcast_in_dim3A_3282 = vector.broadcast %add3A_3281 : i32 to vector<16xi32>
      tpu.vector_store_idx %arg7[%iota3A, %broadcast_in_dim3A_3282], %gather3A_3277 : memref<16x512xf32, #tpu.memory_space<vmem>>[vector<16xi32>, vector<16xi32>], vector<16xf32>,
      %slice3A_3283 = vector.extract_strided_slice %get3A_2035 {offsets = [11], sizes = [1], strides = [1]} : vector<16xi32> to vector<1xi32>
      %squeeze3A_3284 = vector.extract %slice3A_3283[0] : i32 from vector<1xi32>
      %and3A_3285 = arith.constant 127 : i32
      %and3A_3286 = arith.andi %squeeze3A_3284, %and3A_3285 : i32
      %broadcast_in_dim3A_3287 = vector.broadcast %and3A_3286 : i32 to vector<16xi32>
      %gather3A_3288 = arith.constant 1 : i32
      %gather3A_3289 = arith.constant 11 : i32
      %gather3A_3290 = arith.constant 0 : i32
      %gather3A_3291 = arith.constant 0 : i32
      %gather3A_3292 = tpu.memref_slice %arg6[%gather3A_3288, %gather3A_3289, %gather3A_3290, %gather3A_3291] : memref<2x16x16x128xf32, #tpu.memory_space<vmem>> -> memref<1x1x16x128xf32, #tpu.memory_space<vmem>>
      %gather3A_3293 = tpu.memref_squeeze %gather3A_3292 : memref<1x1x16x128xf32, #tpu.memory_space<vmem>> -> memref<16x128xf32, #tpu.memory_space<vmem>>
      %gather3A_3294 = tpu.vector_load_idx %gather3A_3293[%iota3A, %broadcast_in_dim3A_3287] : memref<16x128xf32, #tpu.memory_space<vmem>>[vector<16xi32>, vector<16xi32>], vector<16xf32>,
      %mul3A_3295 = arith.constant 16 : i32
      %mul3A_3296 = arith.muli %add3A_2871, %mul3A_3295 : i32
      %add3A_3297 = arith.constant 11 : i32
      %add3A_3298 = arith.addi %mul3A_3296, %add3A_3297 : i32
      %broadcast_in_dim3A_3299 = vector.broadcast %add3A_3298 : i32 to vector<16xi32>
      tpu.vector_store_idx %arg7[%iota3A, %broadcast_in_dim3A_3299], %gather3A_3294 : memref<16x512xf32, #tpu.memory_space<vmem>>[vector<16xi32>, vector<16xi32>], vector<16xf32>,
      %slice3A_3300 = vector.extract_strided_slice %get3A_2035 {offsets = [12], sizes = [1], strides = [1]} : vector<16xi32> to vector<1xi32>
      %squeeze3A_3301 = vector.extract %slice3A_3300[0] : i32 from vector<1xi32>
      %and3A_3302 = arith.constant 127 : i32
      %and3A_3303 = arith.andi %squeeze3A_3301, %and3A_3302 : i32
      %broadcast_in_dim3A_3304 = vector.broadcast %and3A_3303 : i32 to vector<16xi32>
      %gather3A_3305 = arith.constant 1 : i32
      %gather3A_3306 = arith.constant 12 : i32
      %gather3A_3307 = arith.constant 0 : i32
      %gather3A_3308 = arith.constant 0 : i32
      %gather3A_3309 = tpu.memref_slice %arg6[%gather3A_3305, %gather3A_3306, %gather3A_3307, %gather3A_3308] : memref<2x16x16x128xf32, #tpu.memory_space<vmem>> -> memref<1x1x16x128xf32, #tpu.memory_space<vmem>>
      %gather3A_3310 = tpu.memref_squeeze %gather3A_3309 : memref<1x1x16x128xf32, #tpu.memory_space<vmem>> -> memref<16x128xf32, #tpu.memory_space<vmem>>
      %gather3A_3311 = tpu.vector_load_idx %gather3A_3310[%iota3A, %broadcast_in_dim3A_3304] : memref<16x128xf32, #tpu.memory_space<vmem>>[vector<16xi32>, vector<16xi32>], vector<16xf32>,
      %mul3A_3312 = arith.constant 16 : i32
      %mul3A_3313 = arith.muli %add3A_2871, %mul3A_3312 : i32
      %add3A_3314 = arith.constant 12 : i32
      %add3A_3315 = arith.addi %mul3A_3313, %add3A_3314 : i32
      %broadcast_in_dim3A_3316 = vector.broadcast %add3A_3315 : i32 to vector<16xi32>
      tpu.vector_store_idx %arg7[%iota3A, %broadcast_in_dim3A_3316], %gather3A_3311 : memref<16x512xf32, #tpu.memory_space<vmem>>[vector<16xi32>, vector<16xi32>], vector<16xf32>,
      %slice3A_3317 = vector.extract_strided_slice %get3A_2035 {offsets = [13], sizes = [1], strides = [1]} : vector<16xi32> to vector<1xi32>
      %squeeze3A_3318 = vector.extract %slice3A_3317[0] : i32 from vector<1xi32>
      %and3A_3319 = arith.constant 127 : i32
      %and3A_3320 = arith.andi %squeeze3A_3318, %and3A_3319 : i32
      %broadcast_in_dim3A_3321 = vector.broadcast %and3A_3320 : i32 to vector<16xi32>
      %gather3A_3322 = arith.constant 1 : i32
      %gather3A_3323 = arith.constant 13 : i32
      %gather3A_3324 = arith.constant 0 : i32
      %gather3A_3325 = arith.constant 0 : i32
      %gather3A_3326 = tpu.memref_slice %arg6[%gather3A_3322, %gather3A_3323, %gather3A_3324, %gather3A_3325] : memref<2x16x16x128xf32, #tpu.memory_space<vmem>> -> memref<1x1x16x128xf32, #tpu.memory_space<vmem>>
      %gather3A_3327 = tpu.memref_squeeze %gather3A_3326 : memref<1x1x16x128xf32, #tpu.memory_space<vmem>> -> memref<16x128xf32, #tpu.memory_space<vmem>>
      %gather3A_3328 = tpu.vector_load_idx %gather3A_3327[%iota3A, %broadcast_in_dim3A_3321] : memref<16x128xf32, #tpu.memory_space<vmem>>[vector<16xi32>, vector<16xi32>], vector<16xf32>,
      %mul3A_3329 = arith.constant 16 : i32
      %mul3A_3330 = arith.muli %add3A_2871, %mul3A_3329 : i32
      %add3A_3331 = arith.constant 13 : i32
      %add3A_3332 = arith.addi %mul3A_3330, %add3A_3331 : i32
      %broadcast_in_dim3A_3333 = vector.broadcast %add3A_3332 : i32 to vector<16xi32>
      tpu.vector_store_idx %arg7[%iota3A, %broadcast_in_dim3A_3333], %gather3A_3328 : memref<16x512xf32, #tpu.memory_space<vmem>>[vector<16xi32>, vector<16xi32>], vector<16xf32>,
      %slice3A_3334 = vector.extract_strided_slice %get3A_2035 {offsets = [14], sizes = [1], strides = [1]} : vector<16xi32> to vector<1xi32>
      %squeeze3A_3335 = vector.extract %slice3A_3334[0] : i32 from vector<1xi32>
      %and3A_3336 = arith.constant 127 : i32
      %and3A_3337 = arith.andi %squeeze3A_3335, %and3A_3336 : i32
      %broadcast_in_dim3A_3338 = vector.broadcast %and3A_3337 : i32 to vector<16xi32>
      %gather3A_3339 = arith.constant 1 : i32
      %gather3A_3340 = arith.constant 14 : i32
      %gather3A_3341 = arith.constant 0 : i32
      %gather3A_3342 = arith.constant 0 : i32
      %gather3A_3343 = tpu.memref_slice %arg6[%gather3A_3339, %gather3A_3340, %gather3A_3341, %gather3A_3342] : memref<2x16x16x128xf32, #tpu.memory_space<vmem>> -> memref<1x1x16x128xf32, #tpu.memory_space<vmem>>
      %gather3A_3344 = tpu.memref_squeeze %gather3A_3343 : memref<1x1x16x128xf32, #tpu.memory_space<vmem>> -> memref<16x128xf32, #tpu.memory_space<vmem>>
      %gather3A_3345 = tpu.vector_load_idx %gather3A_3344[%iota3A, %broadcast_in_dim3A_3338] : memref<16x128xf32, #tpu.memory_space<vmem>>[vector<16xi32>, vector<16xi32>], vector<16xf32>,
      %mul3A_3346 = arith.constant 16 : i32
      %mul3A_3347 = arith.muli %add3A_2871, %mul3A_3346 : i32
      %add3A_3348 = arith.constant 14 : i32
      %add3A_3349 = arith.addi %mul3A_3347, %add3A_3348 : i32
      %broadcast_in_dim3A_3350 = vector.broadcast %add3A_3349 : i32 to vector<16xi32>
      tpu.vector_store_idx %arg7[%iota3A, %broadcast_in_dim3A_3350], %gather3A_3345 : memref<16x512xf32, #tpu.memory_space<vmem>>[vector<16xi32>, vector<16xi32>], vector<16xf32>,
      %slice3A_3351 = vector.extract_strided_slice %get3A_2035 {offsets = [15], sizes = [1], strides = [1]} : vector<16xi32> to vector<1xi32>
      %squeeze3A_3352 = vector.extract %slice3A_3351[0] : i32 from vector<1xi32>
      %and3A_3353 = arith.constant 127 : i32
      %and3A_3354 = arith.andi %squeeze3A_3352, %and3A_3353 : i32
      %broadcast_in_dim3A_3355 = vector.broadcast %and3A_3354 : i32 to vector<16xi32>
      %gather3A_3356 = arith.constant 1 : i32
      %gather3A_3357 = arith.constant 15 : i32
      %gather3A_3358 = arith.constant 0 : i32
      %gather3A_3359 = arith.constant 0 : i32
      %gather3A_3360 = tpu.memref_slice %arg6[%gather3A_3356, %gather3A_3357, %gather3A_3358, %gather3A_3359] : memref<2x16x16x128xf32, #tpu.memory_space<vmem>> -> memref<1x1x16x128xf32, #tpu.memory_space<vmem>>
      %gather3A_3361 = tpu.memref_squeeze %gather3A_3360 : memref<1x1x16x128xf32, #tpu.memory_space<vmem>> -> memref<16x128xf32, #tpu.memory_space<vmem>>
      %gather3A_3362 = tpu.vector_load_idx %gather3A_3361[%iota3A, %broadcast_in_dim3A_3355] : memref<16x128xf32, #tpu.memory_space<vmem>>[vector<16xi32>, vector<16xi32>], vector<16xf32>,
      %mul3A_3363 = arith.constant 16 : i32
      %mul3A_3364 = arith.muli %add3A_2871, %mul3A_3363 : i32
      %add3A_3365 = arith.constant 15 : i32
      %add3A_3366 = arith.addi %mul3A_3364, %add3A_3365 : i32
      %broadcast_in_dim3A_3367 = vector.broadcast %add3A_3366 : i32 to vector<16xi32>
      tpu.vector_store_idx %arg7[%iota3A, %broadcast_in_dim3A_3367], %gather3A_3362 : memref<16x512xf32, #tpu.memory_space<vmem>>[vector<16xi32>, vector<16xi32>], vector<16xf32>,
    }
    %scan3A_7 = arith.constant 8 : i32
    "tpu.region"() ({
      %run_scoped3A = tpu.sem_alloc : memref<!tpu.dma_semaphore, #tpu.memory_space<semaphore_mem>>
      %dma_start3A = arith.constant 0 : i32
      %dma_start3A_8 = tpu.memref_slice %arg4[%dma_start3A, %mul3A_2] : memref<16x16384xf32, #tpu.memory_space<hbm>> -> memref<16x512xf32, #tpu.memory_space<hbm>>
      %dma_start3A_9 = arith.constant 0 : i32
      %dma_start3A_10 = tpu.memref_slice %arg4[%dma_start3A_9, %mul3A_2] : memref<16x16384xf32, #tpu.memory_space<hbm>> -> memref<16x512xf32, #tpu.memory_space<hbm>>
      tpu.enqueue_dma source(%arg7 : memref<16x512xf32, #tpu.memory_space<vmem>>) target(%dma_start3A_10 : memref<16x512xf32, #tpu.memory_space<hbm>>) target_semaphore(%run_scoped3A : memref<!tpu.dma_semaphore, #tpu.memory_space<semaphore_mem>>)
      %dma_wait3A = arith.constant 0 : i32
      %dma_wait3A_11 = tpu.memref_slice %arg4[%dma_wait3A, %mul3A_2] : memref<16x16384xf32, #tpu.memory_space<hbm>> -> memref<16x512xf32, #tpu.memory_space<hbm>>
      %dma_wait3A_12 = arith.constant 0 : i32
      %dma_wait3A_13 = tpu.memref_slice %arg4[%dma_wait3A_12, %mul3A_2] : memref<16x16384xf32, #tpu.memory_space<hbm>> -> memref<16x512xf32, #tpu.memory_space<hbm>>
      tpu.wait_dma2 semaphore(%run_scoped3A : memref<!tpu.dma_semaphore, #tpu.memory_space<semaphore_mem>>) src(%arg7 : memref<16x512xf32, #tpu.memory_space<vmem>>) dst(%dma_wait3A_13 : memref<16x512xf32, #tpu.memory_space<hbm>>)
      tpu.yield
    }) : () -> ()
    return
  }
}

</mosaic_0001>

<sc_bundles>
// kernel: kernel.3.cloned.1.call-start
scs
__scs_entry_jumppad:
0x0: {  	(pc) =	sbr.rel $0x88, $3  }
0x1: {  	(tag) =	ssettag $0x0;
	lr =	simm.s32 $0x1  }
0x2: {  	[smem:$0x3F9F] =	sst lr;
	_ =	strace $0xD0000000  }
0x3: {  	_ = 	snop  }
0x4: {  	_ = 	snop  }
0x5: {  	_ = 	snop  }
0x6: {  	_ = 	snop  }
0x7: {  	_ = 	snop  }
__scs_overlays_trampoline_lowered:
0x8: {  	[smem:$0x3FAE] =	sst s0  }
0x9: {  	[smem:$0x3FAF] =	sst s1  }
0xa: {  	[smem:$0x3FB0] =	sst s2  }
0xb: {  	[smem:$0x3FB1] =	sst s3  }
0xc: {  	[smem:$0x3FB2] =	sst s4  }
0xd: {  	[smem:$0x3FB3] =	sst s5  }
0xe: {  	[smem:$0x3FB4] =	sst s6  }
0xf: {  	[smem:$0x3FB5] =	sst s7  }
0x10: {  	[smem:$0x3FB6] =	sst s8  }
0x11: {  	[smem:$0x3FB7] =	sst s9;
	s0 =	simm.s32 @!p0 $0x0  }
0x12: {  	s1 =	sld [smem:$0x3F9D];
	s0 =	simm.s32 @p0 $0x1  }
0x13: {  	[smem:$0x3FB8] =	sst s0;
	s0 =	simm.s32 @!p1 $0x0  }
0x14: {  	s2 =	sld [smem:$0x3F9C];
	s0 =	simm.s32 @p1 $0x1  }
0x15: {  	[smem:$0x3FB9] =	sst s0;
	s0 =	simm.s32 @!p2 $0x0  }
0x16: {  	s3 =	sld [smem:$0x3FDB];
	s0 =	simm.s32 @p2 $0x1  }
0x17: {  	s4 =	simm.s32 $0x1BF5;
	[smem:$0x3FBB] =	sst s0  }
0x18: {  	s0 =	sld [smem:$0x3F9E];
	_ =	swait.ge [sflag:s4], $0x0  }
0x19: {  	s7 =	sld [smem:$0x3F9F]  }
0x1a: {  	s8 =	sadd.s32 $0xFFFFE003, lr  }
0x1b: {  	s9 =	sadd.s32 $0xFFFFFEF7, lr;
	s5 =	simm.s32 $0xFFFFFFFF;
	p2 =	slt.u32 s8, $0xFFFFF086  }
0x1c: {  	p1 =	slt.u32 s9, $0xF7A;
	s5 =	simm.s32 @!p2 $0x0  }
0x1d: {  	s5 =	simm.s32 @p1 $0x1;
	p0 =	seq.s32 s7, s2  }
0x1e: {  	s7 =	smul.u32 @!p0 $0xF7A, s2;
	p2 =	seq.s32 @!p0 s5, $0x0  }
0x1f: {  	s9 =	smul.u32 $0xF7A, s1;
	s8 =	simm.s32 @!p0 $0x1BF5;
	p2 =	por !p2, p0  }
0x20: {  	[sflag:s8] =	ssyncset.s32 @!p0 $0xFFFFF086;
	s6 =	sadd.s32 @!p0 s3, s7;
	s7 =	simm.s32 @!p0 $0x108  }
0x21: {  	s3 =	sadd.s32 s3, s9;
	s6 =	sadd.s32 @!p0 $0x88, s6;
	s7 =	simm.s32 @p2 $0x1082  }
0x22: {  	[simem:s7], [sflag:s8] =	dma.local @!p0 [hbm:s6], $0xF7A  }
0x23: {  	s9 =	sor.u32 $0xD0000000, s2;
	s6 =	simm.s32 $0x108;
	_ =	swait.ge @!p0 [sflag:s8], $0x0  }
0x24: {  	s3 =	sadd.s32 $0x88, s3;
	s6 =	simm.s32 @!p1 $0x1082;
	[sflag:s4] =	ssyncset.s32 $0xFFFFF086  }
0x25: {  	[simem:s6], [sflag:s4] =	dma.local [hbm:s3], $0xF7A  }
0x26: {  	[smem:$0x3F9F] =	sst s1;
	(tag) =	ssettag s2;
	_ =	strace s9  }
0x27: {  	s1 =	sld [smem:$0x3FAF]  }
0x28: {  	s2 =	sld [smem:$0x3FB0]  }
0x29: {  	s4 =	sld [smem:$0x3FB2]  }
0x2a: {  	p0 =	seq.s32 s5, $0x0;
	s5 =	sld [smem:$0x3FB3]  }
0x2b: {  	s6 =	sld [smem:$0x3FB4]  }
0x2c: {  	s7 =	sld [smem:$0x3FB5]  }
0x2d: {  	s3 =	simm.s32 $0x108;
	s8 =	sld [smem:$0x3FB6]  }
0x2e: {  	s3 =	simm.s32 @!p0 $0x1082;
	s9 =	sld [smem:$0x3FB7]  }
0x2f: {  	lr =	sadd.s32 s0, s3;
	s0 =	sld [smem:$0x3FAE]  }
0x30: {  	s3 =	sld [smem:$0x3FB1]  }
0x31: {  	[smem:$0x3FBA] =	sst s10  }
0x32: {  	s10 =	sld [smem:$0x3FB8];
	_ =	sdelay $0x3  }
0x33: {  	p0 =	seq.s32 s10, $0x1;
	s10 =	sld [smem:$0x3FBA];
	_ =	sdelay $0x3  }
0x34: {  	[smem:$0x3FBA] =	sst s10  }
0x35: {  	s10 =	sld [smem:$0x3FB9];
	_ =	sdelay $0x3  }
0x36: {  	p1 =	seq.s32 s10, $0x1;
	s10 =	sld [smem:$0x3FBA];
	_ =	sdelay $0x3  }
0x37: {  	[smem:$0x3FBA] =	sst s10  }
0x38: {  	s10 =	sld [smem:$0x3FBB]  }
0x39: {  	_ = 	snop;
	(pc) =	sbr.ind lr, $3  }
0x3a: {  	_ = 	snop  }
0x3b: {  	_ = 	snop  }
0x3c: {  	p2 =	seq.s32 s10, $0x1;
	s10 =	sld [smem:$0x3FBA]  }
0x3d: {  	_ =	shalt  }
0x3e: {  	_ =	shalt  }
0x3f: {  	_ =	shalt  }
0x40: {  	_ =	shalt  }
0x41: {  	_ =	shalt  }
0x42: {  	_ =	shalt  }
0x43: {  	_ =	shalt  }
0x44: {  	_ =	shalt  }
0x45: {  	_ =	shalt  }
0x46: {  	_ =	shalt  }
0x47: {  	_ =	shalt  }
0x48: {  	_ =	shalt  }
0x49: {  	_ =	shalt  }
0x4a: {  	_ =	shalt  }
0x4b: {  	_ =	shalt  }
0x4c: {  	_ =	shalt  }
0x4d: {  	_ =	shalt  }
0x4e: {  	_ =	shalt  }
0x4f: {  	_ =	shalt  }
0x50: {  	_ =	shalt  }
0x51: {  	_ =	shalt  }
0x52: {  	_ =	shalt  }
0x53: {  	_ =	shalt  }
0x54: {  	_ =	shalt  }
0x55: {  	_ =	shalt  }
0x56: {  	_ =	shalt  }
0x57: {  	_ =	shalt  }
0x58: {  	_ =	shalt  }
0x59: {  	_ =	shalt  }
0x5a: {  	_ =	shalt  }
0x5b: {  	_ =	shalt  }
0x5c: {  	_ =	shalt  }
0x5d: {  	_ =	shalt  }
0x5e: {  	_ =	shalt  }
0x5f: {  	_ =	shalt  }
0x60: {  	_ =	shalt  }
0x61: {  	_ =	shalt  }
0x62: {  	_ =	shalt  }
0x63: {  	_ =	shalt  }
0x64: {  	_ =	shalt  }
0x65: {  	_ =	shalt  }
0x66: {  	_ =	shalt  }
0x67: {  	_ =	shalt  }
0x68: {  	_ =	shalt  }
0x69: {  	_ =	shalt  }
0x6a: {  	_ =	shalt  }
0x6b: {  	_ =	shalt  }
0x6c: {  	_ =	shalt  }
0x6d: {  	_ =	shalt  }
0x6e: {  	_ =	shalt  }
0x6f: {  	_ =	shalt  }
0x70: {  	_ =	shalt  }
0x71: {  	_ =	shalt  }
0x72: {  	_ =	shalt  }
0x73: {  	_ =	shalt  }
0x74: {  	_ =	shalt  }
0x75: {  	_ =	shalt  }
0x76: {  	_ =	shalt  }
0x77: {  	_ =	shalt  }
0x78: {  	_ =	shalt  }
0x79: {  	_ =	shalt  }
0x7a: {  	_ =	shalt  }
0x7b: {  	_ =	shalt  }
0x7c: {  	_ =	shalt  }
0x7d: {  	_ =	shalt  }
0x7e: {  	_ =	shalt  }
0x7f: {  	_ =	shalt  }
0x80: {  	_ =	shalt  }
0x81: {  	_ =	shalt  }
0x82: {  	_ =	shalt  }
0x83: {  	_ =	shalt  }
0x84: {  	_ =	shalt  }
0x85: {  	_ =	shalt  }
0x86: {  	_ =	shalt  }
0x87: {  	_ =	shalt  }
.Lfunc_end0:
.L_simem_size_0:
called_computation_lowered:
.L_overlay_start_0:
0x88: {  	s2 =	sld [smem:$0x3FD9]  }
0x89: {  	s3 =	sld [smem:$0x3FFE];
	_ =	sdelay $0x1  }
0x8a: {  	s1 =	srdreg.scid  }
0x8b: {  	s0 =	sand.u32 $0x1, s1  }
0x8c: {  	s18 =	sshll.u32 s0, $0xA;
	s2 =	sadd.s32 s3, s2  }
0x8d: {  	s2 =	sadd.s32 s2, s18  }
0x8e: {  	[smem:$0x3FC6] =	sst s2  }
0x8f: {  	_ = 	snop  }
0x90: {  	s2 =	sld [smem:$0x3FC9]  }
0x91: {  	s19 =	sld [smem:$0x3FC8]  }
0x92: {  	s4 =	sld [smem:$0x3FD0];
	(tm) =	ssettm $0x1  }
0x93: {  	s5 =	sld [smem:$0x3FFB];
	_ =	sdelay $0x3  }
0x94: {  	_ =	strace s5  }
0x95: {  	s5 =	sld [smem:$0x3FFC];
	_ =	sdelay $0x3  }
0x96: {  	_ =	strace s5  }
0x97: {  	s5 =	sld [smem:$0x3FFD];
	_ =	sdelay $0x3  }
0x98: {  	_ =	strace s5  }
0x99: {  	_ =	strace $0x8FFFFFFF  }
0x9a: {  	s20 =	sld [smem:$0x3FDB];
	_ =	sdelay $0x1  }
0x9b: {  	s6 =	simm.s32 $_scs_section_size  }
0x9c: {  	s7 =	simm.s32 $_size__tile_overlayer_lowered;
	s8 =	simm.s32 $_tile_overlayer_lowered  }
0x9d: {  	s23 =	simm.s32 $0x1BFF;
	s22 =	sshll.u32 s8, $0x1;
	s5 =	sadd.s32 s6, s20  }
0x9e: {  	s9 =	simm.s32 $0x0;
	s21 =	sshll.u32 s7, $0x1;
	s7 =	sadd.s32 s22, s5  }
0x9f: {  	[timem:s9], [sflag:s23] =	dma.local [hbm:s7], s21  }
0xa0: {  	_ =	swait.ge [sflag:s23], s21  }
0xa1: {  	s6 =	ssub.s32 $0x0, s21;
	[sflag:s23] =	ssyncset.done $0x0  }
0xa2: {  	[sflag:s23] =	ssyncadd.s32 s6;
	_ =	sdelay $0x1  }
0xa3: {  	s24 =	simm.s32 $0x1B8B  }
0xa4: {  	_ =	swait.ge [sflag:s24], $0x1  }
0xa5: {  	[sflag:s24] =	ssyncset.done $0x0  }
0xa6: {  	s25 =	simm.s32 $0x1B8E;
	[sflag:s24] =	ssyncadd.s32 $0xFFFFFFFF  }
0xa7: {  	s26 =	simm.s32 $execute0_lowered;
	[smem:$0x3FD2] =	sst s25  }
0xa8: {  	s6 =	sshll.u32 s26, $0x1;
	_ =	strace $0x80000046;
	[dreg:$0x1] =	wrdreg $0xFFFFFFFF  }
0xa9: {  	s28 =	simm.s32 $_size_execute0_lowered;
	s5 =	sadd.s32 s5, s6;
	[dreg:$0x0] =	wrdreg $0x0  }
0xaa: {  	s6 =	sshll.u32 s28, $0x1;
	[dreg:$0x2] =	wrdreg s5  }
0xab: {  	[dreg:$0x3] =	wrdreg s6  }
0xac: {  	[dreg:$0x4] =	wrdreg $0xC0  }
0xad: {  	_ =	task [dreg:s9], $0x5FFFF  }
0xae: {  	[dreg:$0x1] =	wrdreg $0xFFFFFFFF  }
0xaf: {  	[dreg:$0x0] =	wrdreg $0x60  }
0xb0: {  	[dreg:$0x2] =	wrdreg s2  }
0xb1: {  	[dreg:$0x3] =	wrdreg s19  }
0xb2: {  	[dreg:$0x4] =	wrdreg s4  }
0xb3: {  	[dreg:$0x5] =	wrdreg $0x9  }
0xb4: {  	_ =	task.clear_ibuf [dreg:s9], $0x6FFFF;
	_ =	strace $0x90000046  }
0xb5: {  	s29 =	simm.s32 $0x9;
	_ =	strace $0x80000048  }
0xb6: {  	_ =	swait.ge [sflag:s29], $0x1  }
0xb7: {  	[sflag:s29] =	ssyncadd.s32 $0xFFFFFFFF  }
0xb8: {  	_ =	strace $0x90000048  }
0xb9: {  	_ =	sfence  }
0xba: {  	s30 =	sld [smem:$0x0];
	_ =	sdelay $0x2  }
0xbb: {  	s31 =	sshll.u32 s1, $0xD;
	s1 =	sshrl.u32 s1, $0x2  }
0xbc: {  	s3 =	sand.u32 $0x4000, s31;
	s1 =	sadd.s32 s1, s30  }
0xbd: {  	s0 =	sor.u32 s3, s0;
	s1 =	sshll.u32 s1, $0x11  }
0xbe: {  	s0 =	sor.u32 s1, s0  }
0xbf: {  	s0 =	sadd.s32 $0x8F2B, s0  }
0xc0: {  	[sflag:s0] =	ssyncadd.remote.s32 $0x1  }
0xc1: {  	_ =	sfence.sel $0xFFFF  }
0xc2: {  	[dreg:$0x0] =	wrdreg $0xFFFFFFFF;
	(pc) =	sbr.abs _section_cstart, $3  }
0xc3: {  	[dreg:$0x1] =	wrdreg $0xFFFFFFFF  }
0xc4: {  	_ =	task.clear_ibuf [dreg:s9], $0x2FFFF;
	_ =	strace $0x9FFFFFFF  }
0xc5: {  	(tm) =	ssettm $0x7FFFFFFF  }
tec
execute0_lowered:
.L_overlay_start_1:
0x0: {  	(tag) =	ssettag $0x1  }
0x1: {  	s0 =	rddreg [dreg:$0x0]  }
0x2: {  	s2 =	rddreg [dreg:$0x1];
	v0 =	vimm.s32 $0x1380;
	vm0 =	vcmask $0x300  }
0x3: {  	s1 =	rddreg [dreg:$0x2];
	vm14 =	vcmask $0x704;
	v0 =	vsel vm0, $0x0, v0  }
0x4: {  	s3 =	srdreg.scid;
	s4 =	stileid.u32;
	vm15 =	vcmask $0xB08;
	v0 =	vsel vm14, $0x80, v0  }
0x5: {  	s6 =	simm.s32 $0x0;
	s8 =	simm.s32 $0x400;
	s9 =	simm.s32 $0x7A1400;
	vm4 =	vcmask $0xF0C;
	v0 =	vsel vm15, $0x100, v0  }
0x6: {  	s22 =	simm.s32 $0x200;
	s13 =	simm.s32 $0xA00;
	s19 =	simm.s32 $0x1200;
	vm5 =	vcmask $0x1310;
	v0 =	vsel vm4, $0x180, v0  }
0x7: {  	s23 =	simm.s32 $0x1A00;
	s28 =	simm.s32 $0x2A00;
	vm6 =	vcmask $0x1714;
	s7 =	simm.s32 $0x4A00;
	v0 =	vsel vm5, $0x200, v0  }
0x8: {  	s10 =	simm.s32 $0x5200;
	vm7 =	vcmask $0x1B18;
	s29 =	simm.s32 $0x6A00;
	s31 =	simm.s32 $0xA200;
	v0 =	vsel vm6, $0x280, v0  }
0x9: {  	vm8 =	vcmask $0x1F1C;
	s14 =	simm.s32 $0x1;
	s15 =	simm.s32 $0x10200;
	s16 =	simm.s32 $0x2;
	v0 =	vsel vm7, $0x300, v0  }
0xa: {  	vm9 =	vcmask $0x2320;
	s3 =	sand.u32 $0x1, s3;
	s4 =	sshll.u32 s4, $0xA;
	[smem:$0x7FF] =	sst s6;
	v0 =	vsel vm8, $0x380, v0  }
0xb: {  	vm10 =	vcmask $0x2724;
	s6 =	simm.s32 $0x4200;
	s5 =	sshll.u32 s3, $0x9;
	s3 =	ssub.s32 $0x2, s3;
	v0 =	vsel vm9, $0x1000, v0  }
0xc: {  	vm11 =	vcmask $0x2B28;
	_ =	strace $0x80000047;
	s4 =	sor.u32 s5, s4;
	s24 =	sshrl.u32 s3, $0x1;
	v0 =	vsel vm10, $0x1080, v0  }
0xd: {  	vm12 =	vcmask $0x2F2C;
	s5 =	simm.s32 $0x3A00;
	s25 =	sshrl.u32 s4, $0x3;
	s3 =	ssub.s32 s3, s24;
	v0 =	vsel vm11, $0x1100, v0  }
0xe: {  	vm13 =	vcmask $0x3330;
	s26 =	sadd.s32 s1, s4;
	s4 =	simm.s32 $0x3200;
	s24 =	simm.s32 $0x5A00;
	v0 =	vsel vm12, $0x1180, v0  }
0xf: {  	vm14 =	vcmask $0x3734;
	s1 =	simm.s32 $0x0;
	s0 =	sadd.s32 s0, s25;
	[dreg:$0x5] =	wrdreg s26;
	v0 =	vsel vm13, $0x1200, v0  }
0x10: {  	v1 =	vlaneseq.u32;
	vm15 =	vcmask $0x3B38;
	s30 =	smax.u32 s3, $0x1;
	s3 =	simm.s32 $0x3;
	[dreg:$0x4] =	wrdreg s0;
	v2 =	vsel vm14, $0x1280, v0  }
0x11: {  	s25 =	simm.s32 $0x2200;
	s26 =	simm.s32 $0x6200;
	[dreg:$0x6] =	wrdreg s30;
	v0 =	vmul.u32 $0x80, v1;
	v1 =	vsel vm15, $0x1300, v2  }
.LBB2_1:
0x12: {  	[dreg:$0x7] =	wrdreg s1  }
0x13: {  	s0 =	simm.s32 $0x0;
	s30 =	rddreg [dreg:$0x4]  }
0x14: {  	[tilespmem:s0], [sflag:$0x3] =	stream.linear.gather [hbm4b:s30+s0], $0x200, $0x38;
	[tilespmem:$0x12200] =	vst v63  }
0x15: {  	_ =	swait.ge [sflag:s3], $0x200  }
0x16: {  	[sflag:s3] =	ssyncset.done $0x0  }
0x17: {  	s18 =	simm.s32 $0x0;
	s0 =	simm.s32 $0x20;
	[sflag:s3] =	ssyncadd.s32 $0xFFFFFE00  }
.LBB2_2:
0x18: {  	v2 =	vld [tilespmem:s0+$0xFFFFFFE0];
	_ =	sdelay $0x4  }
0x19: {  	(v2sf) =	vpush v2, $0x0;
	_ =	sdelay $0x1  }
0x1a: {  	(v2sf) =	vpush v2, $0x1;
	_ =	sdelay $0x3  }
0x1b: {  	(v2sf) =	vpush v2, $0x2;
	_ =	sdelay $0x1  }
0x1c: {  	(v2sf) =	vpush v2, $0x3;
	_ =	sdelay $0x6  }
0x1d: {  	s20 =	spop (v2sf);
	(v2sf) =	vpush v2, $0x4;
	_ =	sdelay $0x1  }
0x1e: {  	s12 =	spop (v2sf);
	(v2sf) =	vpush v2, $0x5;
	_ =	sdelay $0x2  }
0x1f: {  	s21 =	sand.u32 $0xFFFFF80, s20  }
0x20: {  	[dreg:$0x8] =	wrdreg s0;
	s0 =	sadd.s32 s2, s21;
	s11 =	spop (v2sf)  }
0x21: {  	(v2sf) =	vpush v2, $0x6;
	[tilespmem:s22], [sflag:$0x1] =	stream.strided.gather [hbm4b:s0+s8], $0x800, s9, s8, $0x38;
	[tilespmem:$0x12200] =	vst v63  }
0x22: {  	s22 =	sand.u32 $0xFFFFF80, s12;
	s17 =	spop (v2sf);
	(v2sf) =	vpush v2, $0x7  }
0x23: {  	s30 =	sand.u32 $0xFFFFF80, s11;
	s0 =	sadd.s32 s2, s22  }
0x24: {  	[tilespmem:s13], [sflag:$0x1] =	stream.strided.gather [hbm4b:s0+s8], $0x800, s9, s8, $0x38;
	[tilespmem:$0x12200] =	vst v63  }
0x25: {  	s1 =	sand.u32 $0xFFFFF80, s17;
	s0 =	sadd.s32 s2, s30  }
0x26: {  	[tilespmem:s19], [sflag:$0x1] =	stream.strided.gather [hbm4b:s0+s8], $0x800, s9, s8, $0x38;
	[tilespmem:$0x12200] =	vst v63  }
0x27: {  	s0 =	sadd.s32 s2, s1  }
0x28: {  	[tilespmem:s23], [sflag:$0x1] =	stream.strided.gather [hbm4b:s0+s8], $0x800, s9, s8, $0x38;
	[tilespmem:$0x12200] =	vst v63  }
0x29: {  	s0 =	spop (v2sf);
	(v2sf) =	vpush v2, $0x8;
	_ =	sdelay $0x1  }
0x2a: {  	s1 =	sand.u32 $0xFFFFF80, s0;
	s30 =	spop (v2sf);
	(v2sf) =	vpush v2, $0x9  }
0x2b: {  	s1 =	sadd.s32 s2, s1;
	s3 =	sand.u32 $0xFFFFF80, s30  }
0x2c: {  	[tilespmem:s25], [sflag:$0x1] =	stream.strided.gather [hbm4b:s1+s8], $0x800, s9, s8, $0x38;
	[tilespmem:$0x12200] =	vst v63  }
0x2d: {  	s1 =	sadd.s32 s2, s3  }
0x2e: {  	[tilespmem:s28], [sflag:$0x1] =	stream.strided.gather [hbm4b:s1+s8], $0x800, s9, s8, $0x38;
	[tilespmem:$0x12200] =	vst v63  }
0x2f: {  	s28 =	spop (v2sf);
	(v2sf) =	vpush v2, $0xA  }
0x30: {  	s25 =	spop (v2sf);
	(v2sf) =	vpush v2, $0xB;
	_ =	sdelay $0x1  }
0x31: {  	s13 =	sand.u32 $0xFFFFF80, s28  }
0x32: {  	s1 =	sadd.s32 s2, s13;
	s19 =	sand.u32 $0xFFFFF80, s25  }
0x33: {  	[tilespmem:s4], [sflag:$0x1] =	stream.strided.gather [hbm4b:s1+s8], $0x800, s9, s8, $0x38;
	[tilespmem:$0x12200] =	vst v63  }
0x34: {  	s1 =	sadd.s32 s2, s19  }
0x35: {  	[tilespmem:s5], [sflag:$0x1] =	stream.strided.gather [hbm4b:s1+s8], $0x800, s9, s8, $0x38;
	[tilespmem:$0x12200] =	vst v63  }
0x36: {  	s23 =	spop (v2sf);
	(v2sf) =	vpush v2, $0xC  }
0x37: {  	s21 =	sand.u32 $0xFFFFF80, s23  }
0x38: {  	s1 =	sadd.s32 s2, s21;
	s21 =	spop (v2sf);
	(v2sf) =	vpush v2, $0xD;
	_ =	sdelay $0x3  }
0x39: {  	[tilespmem:s6], [sflag:$0x1] =	stream.strided.gather [hbm4b:s1+s8], $0x800, s9, s8, $0x38;
	[tilespmem:$0x12200] =	vst v63  }
0x3a: {  	s22 =	sand.u32 $0xFFFFF80, s21;
	s19 =	spop (v2sf);
	(v2sf) =	vpush v2, $0xE  }
0x3b: {  	s1 =	sadd.s32 s2, s22;
	s13 =	spop (v2sf);
	(v2sf) =	vpush v2, $0xF  }
0x3c: {  	[tilespmem:s7], [sflag:$0x1] =	stream.strided.gather [hbm4b:s1+s8], $0x800, s9, s8, $0x38;
	[tilespmem:$0x12200] =	vst v63  }
0x3d: {  	s3 =	sand.u32 $0xFFFFF80, s19  }
0x3e: {  	s1 =	sadd.s32 s2, s3;
	s4 =	sand.u32 $0xFFFFF80, s13  }
0x3f: {  	[tilespmem:s10], [sflag:$0x1] =	stream.strided.gather [hbm4b:s1+s8], $0x800, s9, s8, $0x38;
	[tilespmem:$0x12200] =	vst v63  }
0x40: {  	s1 =	sadd.s32 s2, s4  }
0x41: {  	[tilespmem:s24], [sflag:$0x1] =	stream.strided.gather [hbm4b:s1+s8], $0x800, s9, s8, $0x38;
	[tilespmem:$0x12200] =	vst v63  }
0x42: {  	s10 =	spop (v2sf)  }
0x43: {  	s5 =	sand.u32 $0xFFFFF80, s10  }
0x44: {  	s1 =	sadd.s32 s2, s5;
	s7 =	spop (v2sf)  }
0x45: {  	[tilespmem:s26], [sflag:$0x1] =	stream.strided.gather [hbm4b:s1+s8], $0x800, s9, s8, $0x38;
	[tilespmem:$0x12200] =	vst v63  }
0x46: {  	s6 =	sand.u32 $0xFFFFF80, s7  }
0x47: {  	s1 =	sadd.s32 s2, s6  }
0x48: {  	[tilespmem:s29], [sflag:$0x1] =	stream.strided.gather [hbm4b:s1+s8], $0x800, s9, s8, $0x38;
	[tilespmem:$0x12200] =	vst v63  }
0x49: {  	s6 =	spop (v2sf)  }
0x4a: {  	s22 =	sand.u32 $0xFFFFF80, s6;
	s5 =	spop (v2sf)  }
0x4b: {  	s3 =	simm.s32 $0x7200;
	s1 =	sadd.s32 s2, s22;
	s24 =	sand.u32 $0xFFFFF80, s5  }
0x4c: {  	[tilespmem:s3], [sflag:$0x1] =	stream.strided.gather [hbm4b:s1+s8], $0x800, s9, s8, $0x38;
	[tilespmem:$0x12200] =	vst v63  }
0x4d: {  	s26 =	simm.s32 $0x7A00;
	s1 =	sadd.s32 s2, s24;
	s3 =	rddreg [dreg:$0x8]  }
0x4e: {  	[tilespmem:s26], [sflag:$0x1] =	stream.strided.gather [hbm4b:s1+s8], $0x800, s9, s8, $0x38;
	[tilespmem:$0x12200] =	vst v63  }
0x4f: {  	v2 =	vld [tilespmem:s3+$0xFFFFFFF0];
	_ =	sdelay $0x4  }
0x50: {  	(v2sf) =	vpush v2, $0x0;
	_ =	sdelay $0x3  }
0x51: {  	(v2sf) =	vpush v2, $0x1;
	_ =	sdelay $0x3  }
0x52: {  	(v2sf) =	vpush v2, $0x2;
	_ =	sdelay $0x3  }
0x53: {  	(v2sf) =	vpush v2, $0x3;
	_ =	sdelay $0x2  }
0x54: {  	s1 =	spop (v2sf)  }
0x55: {  	(v2sf) =	vpush v2, $0x4;
	s4 =	sand.u32 $0xFFFFF80, s1  }
0x56: {  	s22 =	simm.s32 $0x8200;
	s3 =	sadd.s32 s2, s4  }
0x57: {  	[tilespmem:s22], [sflag:$0x2] =	stream.strided.gather [hbm4b:s3+s8], $0x800, s9, s8, $0x38;
	[tilespmem:$0x12200] =	vst v63  }
0x58: {  	s3 =	spop (v2sf)  }
0x59: {  	(v2sf) =	vpush v2, $0x5;
	s24 =	sand.u32 $0xFFFFF80, s3  }
0x5a: {  	s26 =	simm.s32 $0x8A00;
	s4 =	sadd.s32 s2, s24  }
0x5b: {  	[tilespmem:s26], [sflag:$0x2] =	stream.strided.gather [hbm4b:s4+s8], $0x800, s9, s8, $0x38;
	[tilespmem:$0x12200] =	vst v63  }
0x5c: {  	s4 =	spop (v2sf)  }
0x5d: {  	(v2sf) =	vpush v2, $0x6;
	s22 =	sand.u32 $0xFFFFF80, s4  }
0x5e: {  	s26 =	simm.s32 $0x9200;
	s24 =	sadd.s32 s2, s22  }
0x5f: {  	[tilespmem:s26], [sflag:$0x2] =	stream.strided.gather [hbm4b:s24+s8], $0x800, s9, s8, $0x38;
	[tilespmem:$0x12200] =	vst v63  }
0x60: {  	s24 =	spop (v2sf)  }
0x61: {  	(v2sf) =	vpush v2, $0x7;
	s22 =	sand.u32 $0xFFFFF80, s24  }
0x62: {  	s26 =	sadd.s32 s2, s22;
	s22 =	simm.s32 $0x9A00  }
0x63: {  	[tilespmem:s22], [sflag:$0x2] =	stream.strided.gather [hbm4b:s26+s8], $0x800, s9, s8, $0x38;
	[tilespmem:$0x12200] =	vst v63  }
0x64: {  	s26 =	spop (v2sf)  }
0x65: {  	(v2sf) =	vpush v2, $0x8;
	s29 =	sand.u32 $0xFFFFF80, s26  }
0x66: {  	s29 =	sadd.s32 s2, s29  }
0x67: {  	[tilespmem:s31], [sflag:$0x2] =	stream.strided.gather [hbm4b:s29+s8], $0x800, s9, s8, $0x38;
	[tilespmem:$0x12200] =	vst v63  }
0x68: {  	s29 =	spop (v2sf)  }
0x69: {  	(v2sf) =	vpush v2, $0x9;
	s31 =	sand.u32 $0xFFFFF80, s29  }
0x6a: {  	s22 =	simm.s32 $0xAA00;
	s31 =	sadd.s32 s2, s31  }
0x6b: {  	[tilespmem:s22], [sflag:$0x2] =	stream.strided.gather [hbm4b:s31+s8], $0x800, s9, s8, $0x38;
	[tilespmem:$0x12200] =	vst v63  }
0x6c: {  	s22 =	spop (v2sf)  }
0x6d: {  	(v2sf) =	vpush v2, $0xA;
	[dreg:$0x1c] =	wrdreg s22;
	s22 =	sand.u32 $0xFFFFF80, s22  }
0x6e: {  	s31 =	simm.s32 $0xB200;
	s22 =	sadd.s32 s2, s22  }
0x6f: {  	[tilespmem:s31], [sflag:$0x2] =	stream.strided.gather [hbm4b:s22+s8], $0x800, s9, s8, $0x38;
	[tilespmem:$0x12200] =	vst v63  }
0x70: {  	s22 =	spop (v2sf)  }
0x71: {  	(v2sf) =	vpush v2, $0xB;
	[dreg:$0x1a] =	wrdreg s22;
	s22 =	sand.u32 $0xFFFFF80, s22  }
0x72: {  	s31 =	simm.s32 $0xBA00;
	s22 =	sadd.s32 s2, s22  }
0x73: {  	[tilespmem:s31], [sflag:$0x2] =	stream.strided.gather [hbm4b:s22+s8], $0x800, s9, s8, $0x38;
	[tilespmem:$0x12200] =	vst v63  }
0x74: {  	s22 =	spop (v2sf)  }
0x75: {  	(v2sf) =	vpush v2, $0xC;
	[dreg:$0x18] =	wrdreg s22;
	s22 =	sand.u32 $0xFFFFF80, s22  }
0x76: {  	s31 =	simm.s32 $0xC200;
	s22 =	sadd.s32 s2, s22  }
0x77: {  	[tilespmem:s31], [sflag:$0x2] =	stream.strided.gather [hbm4b:s22+s8], $0x800, s9, s8, $0x38;
	[tilespmem:$0x12200] =	vst v63  }
0x78: {  	s22 =	spop (v2sf)  }
0x79: {  	(v2sf) =	vpush v2, $0xD;
	[dreg:$0x16] =	wrdreg s22;
	s22 =	sand.u32 $0xFFFFF80, s22  }
0x7a: {  	s31 =	simm.s32 $0xCA00;
	s22 =	sadd.s32 s2, s22  }
0x7b: {  	[tilespmem:s31], [sflag:$0x2] =	stream.strided.gather [hbm4b:s22+s8], $0x800, s9, s8, $0x38;
	[tilespmem:$0x12200] =	vst v63  }
0x7c: {  	s22 =	spop (v2sf)  }
0x7d: {  	(v2sf) =	vpush v2, $0xE;
	[dreg:$0x14] =	wrdreg s22;
	s22 =	sand.u32 $0xFFFFF80, s22  }
0x7e: {  	s31 =	simm.s32 $0xD200;
	s22 =	sadd.s32 s2, s22  }
0x7f: {  	[tilespmem:s31], [sflag:$0x2] =	stream.strided.gather [hbm4b:s22+s8], $0x800, s9, s8, $0x38;
	[tilespmem:$0x12200] =	vst v63  }
0x80: {  	s22 =	spop (v2sf)  }
0x81: {  	(v2sf) =	vpush v2, $0xF;
	[dreg:$0x12] =	wrdreg s22;
	s22 =	sand.u32 $0xFFFFF80, s22  }
0x82: {  	s31 =	simm.s32 $0xDA00;
	s22 =	sadd.s32 s2, s22  }
0x83: {  	[tilespmem:s31], [sflag:$0x2] =	stream.strided.gather [hbm4b:s22+s8], $0x800, s9, s8, $0x38;
	[tilespmem:$0x12200] =	vst v63  }
0x84: {  	s22 =	spop (v2sf)  }
0x85: {  	[dreg:$0x10] =	wrdreg s22;
	s22 =	sand.u32 $0xFFFFF80, s22  }
0x86: {  	s31 =	simm.s32 $0xE200;
	s22 =	sadd.s32 s2, s22  }
0x87: {  	[tilespmem:s31], [sflag:$0x2] =	stream.strided.gather [hbm4b:s22+s8], $0x800, s9, s8, $0x38;
	[tilespmem:$0x12200] =	vst v63  }
0x88: {  	s22 =	spop (v2sf)  }
0x89: {  	[dreg:$0xe] =	wrdreg s22;
	s22 =	sand.u32 $0xFFFFF80, s22  }
0x8a: {  	s31 =	simm.s32 $0xEA00;
	s22 =	sadd.s32 s2, s22  }
0x8b: {  	[tilespmem:s31], [sflag:$0x2] =	stream.strided.gather [hbm4b:s22+s8], $0x800, s9, s8, $0x38;
	[tilespmem:$0x12200] =	vst v63  }
0x8c: {  	s22 =	spop (v2sf)  }
0x8d: {  	[dreg:$0xc] =	wrdreg s22;
	s22 =	sand.u32 $0xFFFFF80, s22  }
0x8e: {  	s31 =	simm.s32 $0xF200;
	s22 =	sadd.s32 s2, s22  }
0x8f: {  	[tilespmem:s31], [sflag:$0x2] =	stream.strided.gather [hbm4b:s22+s8], $0x800, s9, s8, $0x38;
	[tilespmem:$0x12200] =	vst v63  }
0x90: {  	s22 =	spop (v2sf)  }
0x91: {  	[dreg:$0xa] =	wrdreg s22;
	s22 =	sand.u32 $0xFFFFF80, s22  }
0x92: {  	s31 =	simm.s32 $0xFA00;
	s22 =	sadd.s32 s2, s22  }
0x93: {  	[tilespmem:s31], [sflag:$0x2] =	stream.strided.gather [hbm4b:s22+s8], $0x800, s9, s8, $0x38;
	[tilespmem:$0x12200] =	vst v63  }
0x94: {  	_ =	swait.ge [sflag:s14], $0x800  }
0x95: {  	[sflag:s14] =	ssyncset.done $0x0  }
0x96: {  	[sflag:s14] =	ssyncadd.s32 $0xFFFFF800  }
0x97: {  	_ =	swait.ge [sflag:s14], $0x800  }
0x98: {  	[sflag:s14] =	ssyncset.done $0x0  }
0x99: {  	[sflag:s14] =	ssyncadd.s32 $0xFFFFF800  }
0x9a: {  	_ =	swait.ge [sflag:s14], $0x800  }
0x9b: {  	[sflag:s14] =	ssyncset.done $0x0  }
0x9c: {  	[sflag:s14] =	ssyncadd.s32 $0xFFFFF800  }
0x9d: {  	_ =	swait.ge [sflag:s14], $0x800  }
0x9e: {  	[sflag:s14] =	ssyncset.done $0x0  }
0x9f: {  	[sflag:s14] =	ssyncadd.s32 $0xFFFFF800  }
0xa0: {  	_ =	swait.ge [sflag:s14], $0x800  }
0xa1: {  	[sflag:s14] =	ssyncset.done $0x0  }
0xa2: {  	[sflag:s14] =	ssyncadd.s32 $0xFFFFF800  }
0xa3: {  	_ =	swait.ge [sflag:s14], $0x800  }
0xa4: {  	[sflag:s14] =	ssyncset.done $0x0  }
0xa5: {  	[sflag:s14] =	ssyncadd.s32 $0xFFFFF800  }
0xa6: {  	_ =	swait.ge [sflag:s14], $0x800  }
0xa7: {  	[sflag:s14] =	ssyncset.done $0x0  }
0xa8: {  	[sflag:s14] =	ssyncadd.s32 $0xFFFFF800  }
0xa9: {  	_ =	swait.ge [sflag:s14], $0x800  }
0xaa: {  	[sflag:s14] =	ssyncset.done $0x0  }
0xab: {  	[sflag:s14] =	ssyncadd.s32 $0xFFFFF800  }
0xac: {  	_ =	swait.ge [sflag:s14], $0x800  }
0xad: {  	[sflag:s14] =	ssyncset.done $0x0  }
0xae: {  	[sflag:s14] =	ssyncadd.s32 $0xFFFFF800  }
0xaf: {  	_ =	swait.ge [sflag:s14], $0x800  }
0xb0: {  	[sflag:s14] =	ssyncset.done $0x0  }
0xb1: {  	[sflag:s14] =	ssyncadd.s32 $0xFFFFF800  }
0xb2: {  	_ =	swait.ge [sflag:s14], $0x800  }
0xb3: {  	[sflag:s14] =	ssyncset.done $0x0  }
0xb4: {  	[sflag:s14] =	ssyncadd.s32 $0xFFFFF800  }
0xb5: {  	_ =	swait.ge [sflag:s14], $0x800  }
0xb6: {  	[sflag:s14] =	ssyncset.done $0x0  }
0xb7: {  	[sflag:s14] =	ssyncadd.s32 $0xFFFFF800  }
0xb8: {  	_ =	swait.ge [sflag:s14], $0x800  }
0xb9: {  	[sflag:s14] =	ssyncset.done $0x0  }
0xba: {  	[sflag:s14] =	ssyncadd.s32 $0xFFFFF800  }
0xbb: {  	_ =	swait.ge [sflag:s14], $0x800  }
0xbc: {  	[sflag:s14] =	ssyncset.done $0x0  }
0xbd: {  	[sflag:s14] =	ssyncadd.s32 $0xFFFFF800  }
0xbe: {  	s20 =	sand.u32 $0x7F, s20;
	_ =	swait.ge [sflag:s14], $0x800  }
0xbf: {  	v2 =	vor.u32 s20, v0;
	[sflag:s14] =	ssyncset.done $0x0  }
0xc0: {  	v3 =	vmov s18;
	[sflag:s14] =	ssyncadd.s32 $0xFFFFF800  }
0xc1: {  	v4 =	vshll.u32 v3, $0x3;
	_ =	swait.ge [sflag:s14], $0x800  }
0xc2: {  	v3 =	vand.u32 $0x40, v3;
	v4 =	vand.u32 $0xC00, v4;
	[sflag:s14] =	ssyncset.done $0x0  }
0xc3: {  	v3 =	vor.u32 v4, v3;
	s22 =	simm.s32 $0x200;
	[sflag:s14] =	ssyncadd.s32 $0xFFFFF800  }
0xc4: {  	v3 =	vor.u32 v1, v3;
	s12 =	sand.u32 $0x7F, s12;
	v2 =	vld.idx.msk [tilespmem:v2+s22+$0x0], $0xffff  }
0xc5: {  	v48 =	vor.u32 s12, v0;
	s20 =	sadd.s32 $0x1, s18  }
0xc6: {  	v5 =	vmov s20  }
0xc7: {  	v6 =	vshll.u32 v5, $0x3  }
0xc8: {  	v5 =	vand.u32 $0x41, v5;
	v6 =	vand.u32 $0xC00, v6  }
0xc9: {  	s22 =	simm.s32 $0xA00;
	[tilespmem:v3+s15+$0x0] =	vst.idx.msk $0xffff, v2;
	v2 =	vor.u32 v6, v5  }
0xca: {  	s11 =	sand.u32 $0x7F, s11;
	v3 =	vld.idx.msk [tilespmem:v48+s22+$0x0], $0xffff;
	v2 =	vor.u32 v1, v2  }
0xcb: {  	v49 =	vor.u32 s11, v0;
	s12 =	sadd.s32 $0x2, s18  }
0xcc: {  	v50 =	vmov s12  }
0xcd: {  	v51 =	vshll.u32 v50, $0x3  }
0xce: {  	v5 =	vand.u32 $0x42, v50;
	v6 =	vand.u32 $0xC00, v51  }
0xcf: {  	s20 =	simm.s32 $0x1200;
	[tilespmem:v2+s15+$0x0] =	vst.idx.msk $0xffff, v3;
	v2 =	vor.u32 v6, v5  }
0xd0: {  	s22 =	sand.u32 $0x7F, s17;
	v3 =	vld.idx.msk [tilespmem:v49+s20+$0x0], $0xffff;
	v2 =	vor.u32 v1, v2  }
0xd1: {  	s12 =	sadd.s32 $0x3, s18;
	v52 =	vor.u32 s22, v0  }
0xd2: {  	v53 =	vmov s12  }
0xd3: {  	v54 =	vshll.u32 v53, $0x3  }
0xd4: {  	v5 =	vand.u32 $0x43, v53;
	v6 =	vand.u32 $0xC00, v54  }
0xd5: {  	s17 =	simm.s32 $0x1A00;
	[tilespmem:v2+s15+$0x0] =	vst.idx.msk $0xffff, v3;
	v2 =	vor.u32 v6, v5  }
0xd6: {  	s0 =	sand.u32 $0x7F, s0;
	v3 =	vld.idx.msk [tilespmem:v52+s17+$0x0], $0xffff;
	v2 =	vor.u32 v1, v2  }
0xd7: {  	v55 =	vor.u32 s0, v0;
	s20 =	sadd.s32 $0x4, s18  }
0xd8: {  	v56 =	vmov s20  }
0xd9: {  	v57 =	vshll.u32 v56, $0x3  }
0xda: {  	v5 =	vand.u32 $0x44, v56;
	v6 =	vand.u32 $0xC00, v57  }
0xdb: {  	s22 =	simm.s32 $0x2200;
	[tilespmem:v2+s15+$0x0] =	vst.idx.msk $0xffff, v3;
	v2 =	vor.u32 v6, v5  }
0xdc: {  	s30 =	sand.u32 $0x7F, s30;
	v3 =	vld.idx.msk [tilespmem:v55+s22+$0x0], $0xffff;
	v2 =	vor.u32 v1, v2  }
0xdd: {  	s11 =	sadd.s32 $0x5, s18;
	v58 =	vor.u32 s30, v0  }
0xde: {  	v59 =	vmov s11  }
0xdf: {  	v60 =	vshll.u32 v59, $0x3  }
0xe0: {  	v5 =	vand.u32 $0x45, v59;
	v6 =	vand.u32 $0xC00, v60  }
0xe1: {  	s12 =	simm.s32 $0x2A00;
	[tilespmem:v2+s15+$0x0] =	vst.idx.msk $0xffff, v3;
	v2 =	vor.u32 v6, v5  }
0xe2: {  	s17 =	sand.u32 $0x7F, s28;
	v3 =	vld.idx.msk [tilespmem:v58+s12+$0x0], $0xffff;
	v2 =	vor.u32 v1, v2  }
0xe3: {  	s20 =	sadd.s32 $0x6, s18;
	v61 =	vor.u32 s17, v0  }
0xe4: {  	v62 =	vmov s20  }
0xe5: {  	v63 =	vshll.u32 v62, $0x3  }
0xe6: {  	v5 =	vand.u32 $0x46, v62;
	v6 =	vand.u32 $0xC00, v63  }
0xe7: {  	s22 =	simm.s32 $0x3200;
	[tilespmem:v2+s15+$0x0] =	vst.idx.msk $0xffff, v3;
	v2 =	vor.u32 v6, v5  }
0xe8: {  	s30 =	sand.u32 $0x7F, s25;
	v3 =	vld.idx.msk [tilespmem:v61+s22+$0x0], $0xffff;
	v2 =	vor.u32 v1, v2  }
0xe9: {  	s11 =	sadd.s32 $0x7, s18;
	v9 =	vor.u32 s30, v0  }
0xea: {  	v10 =	vmov s11  }
0xeb: {  	v11 =	vshll.u32 v10, $0x3  }
0xec: {  	v5 =	vand.u32 $0x47, v10;
	v6 =	vand.u32 $0xC00, v11  }
0xed: {  	s12 =	simm.s32 $0x3A00;
	[tilespmem:v2+s15+$0x0] =	vst.idx.msk $0xffff, v3;
	v2 =	vor.u32 v6, v5  }
0xee: {  	s17 =	sand.u32 $0x7F, s23;
	v3 =	vld.idx.msk [tilespmem:v9+s12+$0x0], $0xffff;
	v2 =	vor.u32 v1, v2  }
0xef: {  	s20 =	sadd.s32 $0x8, s18;
	v12 =	vor.u32 s17, v0  }
0xf0: {  	v13 =	vmov s20  }
0xf1: {  	v14 =	vshll.u32 v13, $0x3  }
0xf2: {  	v5 =	vand.u32 $0x48, v13;
	v6 =	vand.u32 $0xC00, v14  }
0xf3: {  	s22 =	simm.s32 $0x4200;
	[tilespmem:v2+s15+$0x0] =	vst.idx.msk $0xffff, v3;
	v2 =	vor.u32 v6, v5  }
0xf4: {  	s23 =	sand.u32 $0x7F, s21;
	v3 =	vld.idx.msk [tilespmem:v12+s22+$0x0], $0xffff;
	v2 =	vor.u32 v1, v2  }
0xf5: {  	s25 =	sadd.s32 $0x9, s18;
	v15 =	vor.u32 s23, v0  }
0xf6: {  	v16 =	vmov s25  }
0xf7: {  	v17 =	vshll.u32 v16, $0x3  }
0xf8: {  	v5 =	vand.u32 $0x49, v16;
	v6 =	vand.u32 $0xC00, v17  }
0xf9: {  	s30 =	simm.s32 $0x4A00;
	[tilespmem:v2+s15+$0x0] =	vst.idx.msk $0xffff, v3;
	v2 =	vor.u32 v6, v5  }
0xfa: {  	s11 =	sand.u32 $0x7F, s19;
	v3 =	vld.idx.msk [tilespmem:v15+s30+$0x0], $0xffff;
	v2 =	vor.u32 v1, v2  }
0xfb: {  	v18 =	vor.u32 s11, v0;
	s12 =	sadd.s32 $0xA, s18  }
0xfc: {  	v19 =	vmov s12  }
0xfd: {  	v20 =	vshll.u32 v19, $0x3  }
0xfe: {  	v5 =	vand.u32 $0x4A, v19;
	v6 =	vand.u32 $0xC00, v20  }
0xff: {  	s17 =	simm.s32 $0x5200;
	[tilespmem:v2+s15+$0x0] =	vst.idx.msk $0xffff, v3;
	v2 =	vor.u32 v6, v5  }
0x100: {  	s19 =	sand.u32 $0x7F, s13;
	v3 =	vld.idx.msk [tilespmem:v18+s17+$0x0], $0xffff;
	v2 =	vor.u32 v1, v2  }
0x101: {  	v21 =	vor.u32 s19, v0;
	s20 =	sadd.s32 $0xB, s18  }
0x102: {  	v22 =	vmov s20  }
0x103: {  	v23 =	vshll.u32 v22, $0x3  }
0x104: {  	v5 =	vand.u32 $0x4B, v22;
	v6 =	vand.u32 $0xC00, v23  }
0x105: {  	s21 =	simm.s32 $0x5A00;
	[tilespmem:v2+s15+$0x0] =	vst.idx.msk $0xffff, v3;
	v2 =	vor.u32 v6, v5  }
0x106: {  	s22 =	sand.u32 $0x7F, s10;
	v3 =	vld.idx.msk [tilespmem:v21+s21+$0x0], $0xffff;
	v2 =	vor.u32 v1, v2  }
0x107: {  	s23 =	sadd.s32 $0xC, s18;
	v24 =	vor.u32 s22, v0  }
0x108: {  	v25 =	vmov s23  }
0x109: {  	v26 =	vshll.u32 v25, $0x3  }
0x10a: {  	v5 =	vand.u32 $0x4C, v25;
	v6 =	vand.u32 $0xC00, v26  }
0x10b: {  	s25 =	simm.s32 $0x6200;
	[tilespmem:v2+s15+$0x0] =	vst.idx.msk $0xffff, v3;
	v2 =	vor.u32 v6, v5  }
0x10c: {  	s30 =	sand.u32 $0x7F, s7;
	v3 =	vld.idx.msk [tilespmem:v24+s25+$0x0], $0xffff;
	v2 =	vor.u32 v1, v2  }
0x10d: {  	s7 =	sadd.s32 $0xD, s18;
	v27 =	vor.u32 s30, v0  }
0x10e: {  	v28 =	vmov s7  }
0x10f: {  	v29 =	vshll.u32 v28, $0x3  }
0x110: {  	v5 =	vand.u32 $0x4D, v28;
	v6 =	vand.u32 $0xC00, v29  }
0x111: {  	s10 =	simm.s32 $0x6A00;
	[tilespmem:v2+s15+$0x0] =	vst.idx.msk $0xffff, v3;
	v2 =	vor.u32 v6, v5  }
0x112: {  	s11 =	sand.u32 $0x7F, s6;
	v3 =	vld.idx.msk [tilespmem:v27+s10+$0x0], $0xffff;
	v2 =	vor.u32 v1, v2  }
0x113: {  	v30 =	vor.u32 s11, v0;
	s12 =	sadd.s32 $0xE, s18  }
0x114: {  	v31 =	vmov s12  }
0x115: {  	v32 =	vshll.u32 v31, $0x3  }
0x116: {  	v5 =	vand.u32 $0x4E, v31;
	v6 =	vand.u32 $0xC00, v32  }
0x117: {  	s13 =	simm.s32 $0x7200;
	[tilespmem:v2+s15+$0x0] =	vst.idx.msk $0xffff, v3;
	v2 =	vor.u32 v6, v5  }
0x118: {  	s17 =	sand.u32 $0x7F, s5;
	v3 =	vld.idx.msk [tilespmem:v30+s13+$0x0], $0xffff;
	v2 =	vor.u32 v1, v2  }
0x119: {  	s19 =	sadd.s32 $0xF, s18;
	v33 =	vor.u32 s17, v0  }
0x11a: {  	v34 =	vmov s19  }
0x11b: {  	v35 =	vshll.u32 v34, $0x3  }
0x11c: {  	v5 =	vand.u32 $0x4F, v34;
	v6 =	vand.u32 $0xC00, v35  }
0x11d: {  	s20 =	simm.s32 $0x7A00;
	[tilespmem:v2+s15+$0x0] =	vst.idx.msk $0xffff, v3;
	v2 =	vor.u32 v6, v5  }
0x11e: {  	v3 =	vld.idx.msk [tilespmem:v33+s20+$0x0], $0xffff;
	v2 =	vor.u32 v1, v2;
	_ =	sdelay $0x4  }
0x11f: {  	s21 =	rddreg [dreg:$0x8];
	[tilespmem:v2+s15+$0x0] =	vst.idx.msk $0xffff, v3  }
0x120: {  	v2 =	vld [tilespmem:s21+$0x0];
	_ =	sdelay $0x4  }
0x121: {  	(v2sf) =	vpush v2, $0x0;
	_ =	sdelay $0x1  }
0x122: {  	(v2sf) =	vpush v2, $0x1;
	_ =	sdelay $0x1  }
0x123: {  	(v2sf) =	vpush v2, $0x2;
	_ =	sdelay $0x2  }
0x124: {  	(v2sf) =	vpush v2, $0x3;
	_ =	sdelay $0x7  }
0x125: {  	s6 =	spop (v2sf);
	(v2sf) =	vpush v2, $0x4;
	_ =	sdelay $0x1  }
0x126: {  	s13 =	spop (v2sf);
	(v2sf) =	vpush v2, $0x5;
	_ =	sdelay $0x1  }
0x127: {  	s22 =	sand.u32 $0xFFFFF80, s6;
	s19 =	spop (v2sf);
	(v2sf) =	vpush v2, $0x6  }
0x128: {  	s23 =	simm.s32 $0x200;
	s0 =	sadd.s32 s2, s22  }
0x129: {  	[tilespmem:s23], [sflag:$0x1] =	stream.strided.gather [hbm4b:s0+s8], $0x800, s9, s8, $0x38;
	[tilespmem:$0x12200] =	vst v63  }
0x12a: {  	s23 =	spop (v2sf);
	(v2sf) =	vpush v2, $0x7;
	_ =	sdelay $0x6  }
0x12b: {  	s30 =	simm.s32 $0xA00;
	s7 =	simm.s32 $0x1200;
	s25 =	sand.u32 $0xFFFFF80, s13  }
0x12c: {  	s0 =	sadd.s32 s2, s25;
	s5 =	sand.u32 $0xFFFFF80, s19;
	s25 =	spop (v2sf);
	(v2sf) =	vpush v2, $0x8  }
0x12d: {  	[tilespmem:s30], [sflag:$0x1] =	stream.strided.gather [hbm4b:s0+s8], $0x800, s9, s8, $0x38;
	[tilespmem:$0x12200] =	vst v63  }
0x12e: {  	s10 =	sand.u32 $0xFFFFF80, s23;
	s0 =	sadd.s32 s2, s5;
	s28 =	spop (v2sf);
	(v2sf) =	vpush v2, $0x9  }
0x12f: {  	[tilespmem:s7], [sflag:$0x1] =	stream.strided.gather [hbm4b:s0+s8], $0x800, s9, s8, $0x38;
	[tilespmem:$0x12200] =	vst v63  }
0x130: {  	s11 =	simm.s32 $0x1A00;
	s0 =	sadd.s32 s2, s10;
	s22 =	spop (v2sf);
	(v2sf) =	vpush v2, $0xA  }
0x131: {  	[tilespmem:s11], [sflag:$0x1] =	stream.strided.gather [hbm4b:s0+s8], $0x800, s9, s8, $0x38;
	[tilespmem:$0x12200] =	vst v63  }
0x132: {  	s17 =	simm.s32 $0x2200;
	s12 =	sand.u32 $0xFFFFF80, s25  }
0x133: {  	s0 =	sadd.s32 s2, s12;
	s20 =	sand.u32 $0xFFFFF80, s28;
	s5 =	spop (v2sf);
	(v2sf) =	vpush v2, $0xB  }
0x134: {  	[tilespmem:s17], [sflag:$0x1] =	stream.strided.gather [hbm4b:s0+s8], $0x800, s9, s8, $0x38;
	[tilespmem:$0x12200] =	vst v63  }
0x135: {  	s21 =	simm.s32 $0x2A00;
	s0 =	sadd.s32 s2, s20  }
0x136: {  	[tilespmem:s21], [sflag:$0x1] =	stream.strided.gather [hbm4b:s0+s8], $0x800, s9, s8, $0x38;
	[tilespmem:$0x12200] =	vst v63  }
0x137: {  	s0 =	sand.u32 $0xFFFFF80, s22  }
0x138: {  	s30 =	simm.s32 $0x3200;
	s0 =	sadd.s32 s2, s0  }
0x139: {  	[tilespmem:s30], [sflag:$0x1] =	stream.strided.gather [hbm4b:s0+s8], $0x800, s9, s8, $0x38;
	[tilespmem:$0x12200] =	vst v63  }
0x13a: {  	s0 =	sand.u32 $0xFFFFF80, s5  }
0x13b: {  	s7 =	simm.s32 $0x3A00;
	s0 =	sadd.s32 s2, s0;
	s10 =	spop (v2sf);
	(v2sf) =	vpush v2, $0xC  }
0x13c: {  	[tilespmem:s7], [sflag:$0x1] =	stream.strided.gather [hbm4b:s0+s8], $0x800, s9, s8, $0x38;
	[tilespmem:$0x12200] =	vst v63  }
0x13d: {  	s12 =	spop (v2sf);
	(v2sf) =	vpush v2, $0xD  }
0x13e: {  	s0 =	sand.u32 $0xFFFFF80, s10  }
0x13f: {  	s11 =	simm.s32 $0x4200;
	s0 =	sadd.s32 s2, s0;
	s20 =	spop (v2sf)  }
0x140: {  	(v2sf) =	vpush v2, $0xE;
	[tilespmem:s11], [sflag:$0x1] =	stream.strided.gather [hbm4b:s0+s8], $0x800, s9, s8, $0x38;
	[tilespmem:$0x12200] =	vst v63  }
0x141: {  	[dreg:$0x1b] =	wrdreg s22;
	s0 =	sand.u32 $0xFFFFF80, s12  }
0x142: {  	s17 =	simm.s32 $0x4A00;
	s22 =	spop (v2sf);
	s0 =	sadd.s32 s2, s0  }
0x143: {  	(v2sf) =	vpush v2, $0xF;
	[tilespmem:s17], [sflag:$0x1] =	stream.strided.gather [hbm4b:s0+s8], $0x800, s9, s8, $0x38;
	[tilespmem:$0x12200] =	vst v63  }
0x144: {  	s0 =	sand.u32 $0xFFFFF80, s20  }
0x145: {  	s21 =	simm.s32 $0x5200;
	s0 =	sadd.s32 s2, s0  }
0x146: {  	[tilespmem:s21], [sflag:$0x1] =	stream.strided.gather [hbm4b:s0+s8], $0x800, s9, s8, $0x38;
	[tilespmem:$0x12200] =	vst v63  }
0x147: {  	s0 =	sand.u32 $0xFFFFF80, s22  }
0x148: {  	s30 =	simm.s32 $0x5A00;
	s0 =	sadd.s32 s2, s0  }
0x149: {  	[tilespmem:s30], [sflag:$0x1] =	stream.strided.gather [hbm4b:s0+s8], $0x800, s9, s8, $0x38;
	[tilespmem:$0x12200] =	vst v63  }
0x14a: {  	[dreg:$0x19] =	wrdreg s5;
	s7 =	spop (v2sf)  }
0x14b: {  	[dreg:$0x17] =	wrdreg s10;
	s10 =	simm.s32 $0x6200;
	s0 =	sand.u32 $0xFFFFF80, s7  }
0x14c: {  	[dreg:$0x15] =	wrdreg s12;
	s11 =	spop (v2sf);
	s0 =	sadd.s32 s2, s0  }
0x14d: {  	[tilespmem:s10], [sflag:$0x1] =	stream.strided.gather [hbm4b:s0+s8], $0x800, s9, s8, $0x38;
	[tilespmem:$0x12200] =	vst v63  }
0x14e: {  	[dreg:$0x13] =	wrdreg s20;
	s12 =	simm.s32 $0x6A00;
	s0 =	sand.u32 $0xFFFFF80, s11  }
0x14f: {  	[dreg:$0x11] =	wrdreg s22;
	s17 =	spop (v2sf);
	s0 =	sadd.s32 s2, s0  }
0x150: {  	[tilespmem:s12], [sflag:$0x1] =	stream.strided.gather [hbm4b:s0+s8], $0x800, s9, s8, $0x38;
	[tilespmem:$0x12200] =	vst v63  }
0x151: {  	s20 =	simm.s32 $0x7200;
	[dreg:$0xf] =	wrdreg s7;
	s0 =	sand.u32 $0xFFFFF80, s17  }
0x152: {  	[dreg:$0xd] =	wrdreg s11;
	s21 =	spop (v2sf);
	s0 =	sadd.s32 s2, s0  }
0x153: {  	[tilespmem:s20], [sflag:$0x1] =	stream.strided.gather [hbm4b:s0+s8], $0x800, s9, s8, $0x38;
	[tilespmem:$0x12200] =	vst v63  }
0x154: {  	[dreg:$0xb] =	wrdreg s17;
	s0 =	sand.u32 $0xFFFFF80, s21  }
0x155: {  	s22 =	simm.s32 $0x7A00;
	[dreg:$0x9] =	wrdreg s21;
	s0 =	sadd.s32 s2, s0  }
0x156: {  	[tilespmem:s22], [sflag:$0x1] =	stream.strided.gather [hbm4b:s0+s8], $0x800, s9, s8, $0x38;
	[tilespmem:$0x12200] =	vst v63  }
0x157: {  	_ =	swait.ge [sflag:s16], $0x800  }
0x158: {  	[sflag:s16] =	ssyncset.done $0x0  }
0x159: {  	[sflag:s16] =	ssyncadd.s32 $0xFFFFF800  }
0x15a: {  	_ =	swait.ge [sflag:s16], $0x800  }
0x15b: {  	[sflag:s16] =	ssyncset.done $0x0  }
0x15c: {  	[sflag:s16] =	ssyncadd.s32 $0xFFFFF800  }
0x15d: {  	_ =	swait.ge [sflag:s16], $0x800  }
0x15e: {  	[sflag:s16] =	ssyncset.done $0x0  }
0x15f: {  	[sflag:s16] =	ssyncadd.s32 $0xFFFFF800  }
0x160: {  	_ =	swait.ge [sflag:s16], $0x800  }
0x161: {  	[sflag:s16] =	ssyncset.done $0x0  }
0x162: {  	[sflag:s16] =	ssyncadd.s32 $0xFFFFF800  }
0x163: {  	_ =	swait.ge [sflag:s16], $0x800  }
0x164: {  	[sflag:s16] =	ssyncset.done $0x0  }
0x165: {  	[sflag:s16] =	ssyncadd.s32 $0xFFFFF800  }
0x166: {  	_ =	swait.ge [sflag:s16], $0x800  }
0x167: {  	[sflag:s16] =	ssyncset.done $0x0  }
0x168: {  	[sflag:s16] =	ssyncadd.s32 $0xFFFFF800  }
0x169: {  	_ =	swait.ge [sflag:s16], $0x800  }
0x16a: {  	[sflag:s16] =	ssyncset.done $0x0  }
0x16b: {  	[sflag:s16] =	ssyncadd.s32 $0xFFFFF800  }
0x16c: {  	_ =	swait.ge [sflag:s16], $0x800  }
0x16d: {  	[sflag:s16] =	ssyncset.done $0x0  }
0x16e: {  	[sflag:s16] =	ssyncadd.s32 $0xFFFFF800  }
0x16f: {  	_ =	swait.ge [sflag:s16], $0x800  }
0x170: {  	[sflag:s16] =	ssyncset.done $0x0  }
0x171: {  	[sflag:s16] =	ssyncadd.s32 $0xFFFFF800  }
0x172: {  	_ =	swait.ge [sflag:s16], $0x800  }
0x173: {  	[sflag:s16] =	ssyncset.done $0x0  }
0x174: {  	[sflag:s16] =	ssyncadd.s32 $0xFFFFF800  }
0x175: {  	_ =	swait.ge [sflag:s16], $0x800  }
0x176: {  	[sflag:s16] =	ssyncset.done $0x0  }
0x177: {  	[sflag:s16] =	ssyncadd.s32 $0xFFFFF800  }
0x178: {  	_ =	swait.ge [sflag:s16], $0x800  }
0x179: {  	[sflag:s16] =	ssyncset.done $0x0  }
0x17a: {  	[sflag:s16] =	ssyncadd.s32 $0xFFFFF800  }
0x17b: {  	_ =	swait.ge [sflag:s16], $0x800  }
0x17c: {  	[sflag:s16] =	ssyncset.done $0x0  }
0x17d: {  	[sflag:s16] =	ssyncadd.s32 $0xFFFFF800  }
0x17e: {  	_ =	swait.ge [sflag:s16], $0x800  }
0x17f: {  	[sflag:s16] =	ssyncset.done $0x0  }
0x180: {  	[sflag:s16] =	ssyncadd.s32 $0xFFFFF800  }
0x181: {  	s30 =	sand.u32 $0x7F, s1;
	_ =	swait.ge [sflag:s16], $0x800  }
0x182: {  	s1 =	sadd.s32 $0x10, s18;
	v2 =	vor.u32 s30, v0;
	[sflag:s16] =	ssyncset.done $0x0  }
0x183: {  	v3 =	vmov s1;
	[sflag:s16] =	ssyncadd.s32 $0xFFFFF800  }
0x184: {  	v36 =	vshll.u32 v3, $0x3;
	_ =	swait.ge [sflag:s16], $0x800  }
0x185: {  	v3 =	vand.u32 $0x50, v3;
	v4 =	vand.u32 $0xC00, v36;
	[sflag:s16] =	ssyncset.done $0x0  }
0x186: {  	s5 =	simm.s32 $0x8200;
	v3 =	vor.u32 v4, v3;
	[sflag:s16] =	ssyncadd.s32 $0xFFFFF800  }
0x187: {  	v3 =	vor.u32 v1, v3;
	s7 =	sand.u32 $0x7F, s3;
	v2 =	vld.idx.msk [tilespmem:v2+s5+$0x0], $0xffff  }
0x188: {  	v37 =	vor.u32 s7, v0;
	s10 =	sadd.s32 $0x11, s18  }
0x189: {  	v38 =	vmov s10  }
0x18a: {  	v39 =	vshll.u32 v38, $0x3  }
0x18b: {  	v5 =	vand.u32 $0x51, v38;
	v6 =	vand.u32 $0xC00, v39  }
0x18c: {  	s11 =	simm.s32 $0x8A00;
	[tilespmem:v3+s15+$0x0] =	vst.idx.msk $0xffff, v2;
	v2 =	vor.u32 v6, v5  }
0x18d: {  	s12 =	sand.u32 $0x7F, s4;
	v3 =	vld.idx.msk [tilespmem:v37+s11+$0x0], $0xffff;
	v2 =	vor.u32 v1, v2  }
0x18e: {  	s17 =	sadd.s32 $0x12, s18;
	v40 =	vor.u32 s12, v0  }
0x18f: {  	v41 =	vmov s17  }
0x190: {  	v42 =	vshll.u32 v41, $0x3  }
0x191: {  	v5 =	vand.u32 $0x52, v41;
	v6 =	vand.u32 $0xC00, v42  }
0x192: {  	s20 =	simm.s32 $0x9200;
	[tilespmem:v2+s15+$0x0] =	vst.idx.msk $0xffff, v3;
	v2 =	vor.u32 v6, v5  }
0x193: {  	s21 =	sand.u32 $0x7F, s24;
	v3 =	vld.idx.msk [tilespmem:v40+s20+$0x0], $0xffff;
	v2 =	vor.u32 v1, v2  }
0x194: {  	v43 =	vor.u32 s21, v0;
	s22 =	sadd.s32 $0x13, s18  }
0x195: {  	v44 =	vmov s22  }
0x196: {  	v45 =	vshll.u32 v44, $0x3  }
0x197: {  	v5 =	vand.u32 $0x53, v44;
	v6 =	vand.u32 $0xC00, v45  }
0x198: {  	s24 =	simm.s32 $0x9A00;
	[tilespmem:v2+s15+$0x0] =	vst.idx.msk $0xffff, v3;
	v2 =	vor.u32 v6, v5  }
0x199: {  	s26 =	sand.u32 $0x7F, s26;
	v3 =	vld.idx.msk [tilespmem:v43+s24+$0x0], $0xffff;
	v2 =	vor.u32 v1, v2  }
0x19a: {  	v46 =	vor.u32 s26, v0;
	s30 =	sadd.s32 $0x14, s18  }
0x19b: {  	v47 =	vmov s30  }
0x19c: {  	v48 =	vshll.u32 v47, $0x3  }
0x19d: {  	v5 =	vand.u32 $0x54, v47;
	v6 =	vand.u32 $0xC00, v48  }
0x19e: {  	s1 =	simm.s32 $0xA200;
	[tilespmem:v2+s15+$0x0] =	vst.idx.msk $0xffff, v3;
	v2 =	vor.u32 v6, v5  }
0x19f: {  	s3 =	sand.u32 $0x7F, s29;
	v3 =	vld.idx.msk [tilespmem:v46+s1+$0x0], $0xffff;
	v2 =	vor.u32 v1, v2  }
0x1a0: {  	v49 =	vor.u32 s3, v0;
	s4 =	sadd.s32 $0x15, s18  }
0x1a1: {  	v50 =	vmov s4  }
0x1a2: {  	v51 =	vshll.u32 v50, $0x3  }
0x1a3: {  	v5 =	vand.u32 $0x55, v50;
	v6 =	vand.u32 $0xC00, v51  }
0x1a4: {  	s7 =	rddreg [dreg:$0x1c];
	s5 =	simm.s32 $0xAA00;
	[tilespmem:v2+s15+$0x0] =	vst.idx.msk $0xffff, v3;
	v2 =	vor.u32 v6, v5  }
0x1a5: {  	s0 =	sand.u32 $0x7F, s7;
	v3 =	vld.idx.msk [tilespmem:v49+s5+$0x0], $0xffff;
	v2 =	vor.u32 v1, v2  }
0x1a6: {  	s10 =	sadd.s32 $0x16, s18;
	v52 =	vor.u32 s0, v0  }
0x1a7: {  	v53 =	vmov s10  }
0x1a8: {  	v54 =	vshll.u32 v53, $0x3  }
0x1a9: {  	v5 =	vand.u32 $0x56, v53;
	v6 =	vand.u32 $0xC00, v54  }
0x1aa: {  	s12 =	rddreg [dreg:$0x1a];
	s11 =	simm.s32 $0xB200;
	[tilespmem:v2+s15+$0x0] =	vst.idx.msk $0xffff, v3;
	v2 =	vor.u32 v6, v5  }
0x1ab: {  	s0 =	sand.u32 $0x7F, s12;
	v3 =	vld.idx.msk [tilespmem:v52+s11+$0x0], $0xffff;
	v2 =	vor.u32 v1, v2  }
0x1ac: {  	s17 =	sadd.s32 $0x17, s18;
	v55 =	vor.u32 s0, v0  }
0x1ad: {  	v56 =	vmov s17  }
0x1ae: {  	v57 =	vshll.u32 v56, $0x3  }
0x1af: {  	v5 =	vand.u32 $0x57, v56;
	v6 =	vand.u32 $0xC00, v57  }
0x1b0: {  	s21 =	rddreg [dreg:$0x18];
	s20 =	simm.s32 $0xBA00;
	[tilespmem:v2+s15+$0x0] =	vst.idx.msk $0xffff, v3;
	v2 =	vor.u32 v6, v5  }
0x1b1: {  	s0 =	sand.u32 $0x7F, s21;
	v3 =	vld.idx.msk [tilespmem:v55+s20+$0x0], $0xffff;
	v2 =	vor.u32 v1, v2  }
0x1b2: {  	s22 =	sadd.s32 $0x18, s18;
	v58 =	vor.u32 s0, v0  }
0x1b3: {  	v59 =	vmov s22  }
0x1b4: {  	v60 =	vshll.u32 v59, $0x3  }
0x1b5: {  	v5 =	vand.u32 $0x58, v59;
	v6 =	vand.u32 $0xC00, v60  }
0x1b6: {  	s26 =	rddreg [dreg:$0x16];
	s24 =	simm.s32 $0xC200;
	[tilespmem:v2+s15+$0x0] =	vst.idx.msk $0xffff, v3;
	v2 =	vor.u32 v6, v5  }
0x1b7: {  	s0 =	sand.u32 $0x7F, s26;
	v3 =	vld.idx.msk [tilespmem:v58+s24+$0x0], $0xffff;
	v2 =	vor.u32 v1, v2  }
0x1b8: {  	s30 =	sadd.s32 $0x19, s18;
	v61 =	vor.u32 s0, v0  }
0x1b9: {  	v62 =	vmov s30  }
0x1ba: {  	v63 =	vshll.u32 v62, $0x3  }
0x1bb: {  	v5 =	vand.u32 $0x59, v62;
	v6 =	vand.u32 $0xC00, v63  }
0x1bc: {  	s3 =	rddreg [dreg:$0x14];
	s1 =	simm.s32 $0xCA00;
	[tilespmem:v2+s15+$0x0] =	vst.idx.msk $0xffff, v3;
	v2 =	vor.u32 v6, v5  }
0x1bd: {  	s0 =	sand.u32 $0x7F, s3;
	v3 =	vld.idx.msk [tilespmem:v61+s1+$0x0], $0xffff;
	v2 =	vor.u32 v1, v2  }
0x1be: {  	s4 =	sadd.s32 $0x1A, s18;
	v9 =	vor.u32 s0, v0  }
0x1bf: {  	v10 =	vmov s4  }
0x1c0: {  	v11 =	vshll.u32 v10, $0x3  }
0x1c1: {  	v5 =	vand.u32 $0x5A, v10;
	v6 =	vand.u32 $0xC00, v11  }
0x1c2: {  	s7 =	rddreg [dreg:$0x12];
	s5 =	simm.s32 $0xD200;
	[tilespmem:v2+s15+$0x0] =	vst.idx.msk $0xffff, v3;
	v2 =	vor.u32 v6, v5  }
0x1c3: {  	s0 =	sand.u32 $0x7F, s7;
	v3 =	vld.idx.msk [tilespmem:v9+s5+$0x0], $0xffff;
	v2 =	vor.u32 v1, v2  }
0x1c4: {  	s10 =	sadd.s32 $0x1B, s18;
	v12 =	vor.u32 s0, v0  }
0x1c5: {  	v13 =	vmov s10  }
0x1c6: {  	v14 =	vshll.u32 v13, $0x3  }
0x1c7: {  	v5 =	vand.u32 $0x5B, v13;
	v6 =	vand.u32 $0xC00, v14  }
0x1c8: {  	s12 =	rddreg [dreg:$0x10];
	s11 =	simm.s32 $0xDA00;
	[tilespmem:v2+s15+$0x0] =	vst.idx.msk $0xffff, v3;
	v2 =	vor.u32 v6, v5  }
0x1c9: {  	s0 =	sand.u32 $0x7F, s12;
	v3 =	vld.idx.msk [tilespmem:v12+s11+$0x0], $0xffff;
	v2 =	vor.u32 v1, v2  }
0x1ca: {  	s17 =	sadd.s32 $0x1C, s18;
	v15 =	vor.u32 s0, v0  }
0x1cb: {  	v16 =	vmov s17  }
0x1cc: {  	v17 =	vshll.u32 v16, $0x3  }
0x1cd: {  	v5 =	vand.u32 $0x5C, v16;
	v6 =	vand.u32 $0xC00, v17  }
0x1ce: {  	s21 =	rddreg [dreg:$0xe];
	s20 =	simm.s32 $0xE200;
	[tilespmem:v2+s15+$0x0] =	vst.idx.msk $0xffff, v3;
	v2 =	vor.u32 v6, v5  }
0x1cf: {  	s0 =	sand.u32 $0x7F, s21;
	v3 =	vld.idx.msk [tilespmem:v15+s20+$0x0], $0xffff;
	v2 =	vor.u32 v1, v2  }
0x1d0: {  	s22 =	sadd.s32 $0x1D, s18;
	v18 =	vor.u32 s0, v0  }
0x1d1: {  	v19 =	vmov s22  }
0x1d2: {  	v20 =	vshll.u32 v19, $0x3  }
0x1d3: {  	v5 =	vand.u32 $0x5D, v19;
	v6 =	vand.u32 $0xC00, v20  }
0x1d4: {  	s26 =	rddreg [dreg:$0xc];
	s24 =	simm.s32 $0xEA00;
	[tilespmem:v2+s15+$0x0] =	vst.idx.msk $0xffff, v3;
	v2 =	vor.u32 v6, v5  }
0x1d5: {  	s0 =	sand.u32 $0x7F, s26;
	v3 =	vld.idx.msk [tilespmem:v18+s24+$0x0], $0xffff;
	v2 =	vor.u32 v1, v2  }
0x1d6: {  	s30 =	sadd.s32 $0x1E, s18;
	v21 =	vor.u32 s0, v0  }
0x1d7: {  	v22 =	vmov s30  }
0x1d8: {  	v23 =	vshll.u32 v22, $0x3  }
0x1d9: {  	v5 =	vand.u32 $0x5E, v22;
	v6 =	vand.u32 $0xC00, v23  }
0x1da: {  	s3 =	rddreg [dreg:$0xa];
	s1 =	simm.s32 $0xF200;
	[tilespmem:v2+s15+$0x0] =	vst.idx.msk $0xffff, v3;
	v2 =	vor.u32 v6, v5  }
0x1db: {  	s0 =	sand.u32 $0x7F, s3;
	v3 =	vld.idx.msk [tilespmem:v21+s1+$0x0], $0xffff;
	v2 =	vor.u32 v1, v2  }
0x1dc: {  	s4 =	sadd.s32 $0x1F, s18;
	v24 =	vor.u32 s0, v0  }
0x1dd: {  	v25 =	vmov s4  }
0x1de: {  	v26 =	vshll.u32 v25, $0x3  }
0x1df: {  	v5 =	vand.u32 $0x5F, v25;
	v6 =	vand.u32 $0xC00, v26  }
0x1e0: {  	s5 =	simm.s32 $0xFA00;
	[tilespmem:v2+s15+$0x0] =	vst.idx.msk $0xffff, v3;
	v2 =	vor.u32 v6, v5  }
0x1e1: {  	v3 =	vld.idx.msk [tilespmem:v24+s5+$0x0], $0xffff;
	v2 =	vor.u32 v1, v2;
	_ =	sdelay $0x4  }
0x1e2: {  	s7 =	rddreg [dreg:$0x8];
	[tilespmem:v2+s15+$0x0] =	vst.idx.msk $0xffff, v3  }
0x1e3: {  	v2 =	vld [tilespmem:s7+$0x10];
	_ =	sdelay $0x4  }
0x1e4: {  	(v2sf) =	vpush v2, $0x0;
	_ =	sdelay $0x3  }
0x1e5: {  	(v2sf) =	vpush v2, $0x1;
	_ =	sdelay $0x3  }
0x1e6: {  	(v2sf) =	vpush v2, $0x2;
	_ =	sdelay $0x3  }
0x1e7: {  	(v2sf) =	vpush v2, $0x3;
	_ =	sdelay $0x2  }
0x1e8: {  	s0 =	spop (v2sf)  }
0x1e9: {  	(v2sf) =	vpush v2, $0x4;
	s10 =	sand.u32 $0xFFFFF80, s0  }
0x1ea: {  	s11 =	simm.s32 $0x8200;
	s1 =	sadd.s32 s2, s10  }
0x1eb: {  	[tilespmem:s11], [sflag:$0x2] =	stream.strided.gather [hbm4b:s1+s8], $0x800, s9, s8, $0x38;
	[tilespmem:$0x12200] =	vst v63  }
0x1ec: {  	s1 =	spop (v2sf)  }
0x1ed: {  	(v2sf) =	vpush v2, $0x5;
	s12 =	sand.u32 $0xFFFFF80, s1  }
0x1ee: {  	s17 =	simm.s32 $0x8A00;
	s3 =	sadd.s32 s2, s12  }
0x1ef: {  	[tilespmem:s17], [sflag:$0x2] =	stream.strided.gather [hbm4b:s3+s8], $0x800, s9, s8, $0x38;
	[tilespmem:$0x12200] =	vst v63  }
0x1f0: {  	s3 =	spop (v2sf)  }
0x1f1: {  	(v2sf) =	vpush v2, $0x6;
	s20 =	sand.u32 $0xFFFFF80, s3  }
0x1f2: {  	s21 =	simm.s32 $0x9200;
	s4 =	sadd.s32 s2, s20  }
0x1f3: {  	[tilespmem:s21], [sflag:$0x2] =	stream.strided.gather [hbm4b:s4+s8], $0x800, s9, s8, $0x38;
	[tilespmem:$0x12200] =	vst v63  }
0x1f4: {  	s4 =	spop (v2sf)  }
0x1f5: {  	(v2sf) =	vpush v2, $0x7;
	s22 =	sand.u32 $0xFFFFF80, s4  }
0x1f6: {  	s24 =	simm.s32 $0x9A00;
	s5 =	sadd.s32 s2, s22  }
0x1f7: {  	[tilespmem:s24], [sflag:$0x2] =	stream.strided.gather [hbm4b:s5+s8], $0x800, s9, s8, $0x38;
	[tilespmem:$0x12200] =	vst v63  }
0x1f8: {  	s31 =	spop (v2sf)  }
0x1f9: {  	(v2sf) =	vpush v2, $0x8;
	s26 =	sand.u32 $0xFFFFF80, s31  }
0x1fa: {  	s30 =	simm.s32 $0xA200;
	s5 =	sadd.s32 s2, s26  }
0x1fb: {  	[tilespmem:s30], [sflag:$0x2] =	stream.strided.gather [hbm4b:s5+s8], $0x800, s9, s8, $0x38;
	[tilespmem:$0x12200] =	vst v63  }
0x1fc: {  	s29 =	spop (v2sf)  }
0x1fd: {  	(v2sf) =	vpush v2, $0x9;
	s10 =	sand.u32 $0xFFFFF80, s29  }
0x1fe: {  	s11 =	simm.s32 $0xAA00;
	s5 =	sadd.s32 s2, s10  }
0x1ff: {  	[tilespmem:s11], [sflag:$0x2] =	stream.strided.gather [hbm4b:s5+s8], $0x800, s9, s8, $0x38;
	[tilespmem:$0x12200] =	vst v63  }
0x200: {  	s26 =	spop (v2sf)  }
0x201: {  	(v2sf) =	vpush v2, $0xA;
	s12 =	sand.u32 $0xFFFFF80, s26  }
0x202: {  	s17 =	simm.s32 $0xB200;
	s5 =	sadd.s32 s2, s12  }
0x203: {  	[tilespmem:s17], [sflag:$0x2] =	stream.strided.gather [hbm4b:s5+s8], $0x800, s9, s8, $0x38;
	[tilespmem:$0x12200] =	vst v63  }
0x204: {  	s24 =	spop (v2sf)  }
0x205: {  	(v2sf) =	vpush v2, $0xB;
	s20 =	sand.u32 $0xFFFFF80, s24  }
0x206: {  	s21 =	simm.s32 $0xBA00;
	s5 =	sadd.s32 s2, s20  }
0x207: {  	[tilespmem:s21], [sflag:$0x2] =	stream.strided.gather [hbm4b:s5+s8], $0x800, s9, s8, $0x38;
	[tilespmem:$0x12200] =	vst v63  }
0x208: {  	s20 =	spop (v2sf)  }
0x209: {  	(v2sf) =	vpush v2, $0xC;
	s22 =	sand.u32 $0xFFFFF80, s20  }
0x20a: {  	s30 =	simm.s32 $0xC200;
	s5 =	sadd.s32 s2, s22  }
0x20b: {  	[tilespmem:s30], [sflag:$0x2] =	stream.strided.gather [hbm4b:s5+s8], $0x800, s9, s8, $0x38;
	[tilespmem:$0x12200] =	vst v63  }
0x20c: {  	s12 =	spop (v2sf)  }
0x20d: {  	(v2sf) =	vpush v2, $0xD;
	s10 =	sand.u32 $0xFFFFF80, s12  }
0x20e: {  	s11 =	simm.s32 $0xCA00;
	s5 =	sadd.s32 s2, s10  }
0x20f: {  	[tilespmem:s11], [sflag:$0x2] =	stream.strided.gather [hbm4b:s5+s8], $0x800, s9, s8, $0x38;
	[tilespmem:$0x12200] =	vst v63  }
0x210: {  	s11 =	spop (v2sf)  }
0x211: {  	(v2sf) =	vpush v2, $0xE;
	s17 =	sand.u32 $0xFFFFF80, s11  }
0x212: {  	s21 =	simm.s32 $0xD200;
	s5 =	sadd.s32 s2, s17  }
0x213: {  	[tilespmem:s21], [sflag:$0x2] =	stream.strided.gather [hbm4b:s5+s8], $0x800, s9, s8, $0x38;
	[tilespmem:$0x12200] =	vst v63  }
0x214: {  	s17 =	spop (v2sf)  }
0x215: {  	(v2sf) =	vpush v2, $0xF;
	s22 =	sand.u32 $0xFFFFF80, s17  }
0x216: {  	s30 =	simm.s32 $0xDA00;
	s5 =	sadd.s32 s2, s22  }
0x217: {  	[tilespmem:s30], [sflag:$0x2] =	stream.strided.gather [hbm4b:s5+s8], $0x800, s9, s8, $0x38;
	[tilespmem:$0x12200] =	vst v63  }
0x218: {  	s5 =	spop (v2sf)  }
0x219: {  	s10 =	sand.u32 $0xFFFFF80, s5  }
0x21a: {  	s21 =	simm.s32 $0xE200;
	s7 =	sadd.s32 s2, s10  }
0x21b: {  	[tilespmem:s21], [sflag:$0x2] =	stream.strided.gather [hbm4b:s7+s8], $0x800, s9, s8, $0x38;
	[tilespmem:$0x12200] =	vst v63  }
0x21c: {  	s7 =	spop (v2sf)  }
0x21d: {  	s22 =	sand.u32 $0xFFFFF80, s7  }
0x21e: {  	s30 =	simm.s32 $0xEA00;
	s10 =	sadd.s32 s2, s22  }
0x21f: {  	[tilespmem:s30], [sflag:$0x2] =	stream.strided.gather [hbm4b:s10+s8], $0x800, s9, s8, $0x38;
	[tilespmem:$0x12200] =	vst v63  }
0x220: {  	s10 =	spop (v2sf)  }
0x221: {  	s22 =	sand.u32 $0xFFFFF80, s10  }
0x222: {  	s30 =	simm.s32 $0xF200;
	s21 =	sadd.s32 s2, s22  }
0x223: {  	[tilespmem:s30], [sflag:$0x2] =	stream.strided.gather [hbm4b:s21+s8], $0x800, s9, s8, $0x38;
	[tilespmem:$0x12200] =	vst v63  }
0x224: {  	s21 =	spop (v2sf)  }
0x225: {  	s30 =	sand.u32 $0xFFFFF80, s21  }
0x226: {  	s22 =	sadd.s32 s2, s30;
	s30 =	simm.s32 $0xFA00  }
0x227: {  	[tilespmem:s30], [sflag:$0x2] =	stream.strided.gather [hbm4b:s22+s8], $0x800, s9, s8, $0x38;
	[tilespmem:$0x12200] =	vst v63  }
0x228: {  	_ =	swait.ge [sflag:s14], $0x800  }
0x229: {  	[sflag:s14] =	ssyncset.done $0x0  }
0x22a: {  	[sflag:s14] =	ssyncadd.s32 $0xFFFFF800  }
0x22b: {  	_ =	swait.ge [sflag:s14], $0x800  }
0x22c: {  	[sflag:s14] =	ssyncset.done $0x0  }
0x22d: {  	[sflag:s14] =	ssyncadd.s32 $0xFFFFF800  }
0x22e: {  	_ =	swait.ge [sflag:s14], $0x800  }
0x22f: {  	[sflag:s14] =	ssyncset.done $0x0  }
0x230: {  	[sflag:s14] =	ssyncadd.s32 $0xFFFFF800  }
0x231: {  	_ =	swait.ge [sflag:s14], $0x800  }
0x232: {  	[sflag:s14] =	ssyncset.done $0x0  }
0x233: {  	[sflag:s14] =	ssyncadd.s32 $0xFFFFF800  }
0x234: {  	_ =	swait.ge [sflag:s14], $0x800  }
0x235: {  	[sflag:s14] =	ssyncset.done $0x0  }
0x236: {  	[sflag:s14] =	ssyncadd.s32 $0xFFFFF800  }
0x237: {  	_ =	swait.ge [sflag:s14], $0x800  }
0x238: {  	[sflag:s14] =	ssyncset.done $0x0  }
0x239: {  	[sflag:s14] =	ssyncadd.s32 $0xFFFFF800  }
0x23a: {  	_ =	swait.ge [sflag:s14], $0x800  }
0x23b: {  	[sflag:s14] =	ssyncset.done $0x0  }
0x23c: {  	[sflag:s14] =	ssyncadd.s32 $0xFFFFF800  }
0x23d: {  	_ =	swait.ge [sflag:s14], $0x800  }
0x23e: {  	[sflag:s14] =	ssyncset.done $0x0  }
0x23f: {  	[sflag:s14] =	ssyncadd.s32 $0xFFFFF800  }
0x240: {  	_ =	swait.ge [sflag:s14], $0x800  }
0x241: {  	[sflag:s14] =	ssyncset.done $0x0  }
0x242: {  	[sflag:s14] =	ssyncadd.s32 $0xFFFFF800  }
0x243: {  	_ =	swait.ge [sflag:s14], $0x800  }
0x244: {  	[sflag:s14] =	ssyncset.done $0x0  }
0x245: {  	[sflag:s14] =	ssyncadd.s32 $0xFFFFF800  }
0x246: {  	_ =	swait.ge [sflag:s14], $0x800  }
0x247: {  	[sflag:s14] =	ssyncset.done $0x0  }
0x248: {  	[sflag:s14] =	ssyncadd.s32 $0xFFFFF800  }
0x249: {  	_ =	swait.ge [sflag:s14], $0x800  }
0x24a: {  	[sflag:s14] =	ssyncset.done $0x0  }
0x24b: {  	[sflag:s14] =	ssyncadd.s32 $0xFFFFF800  }
0x24c: {  	_ =	swait.ge [sflag:s14], $0x800  }
0x24d: {  	[sflag:s14] =	ssyncset.done $0x0  }
0x24e: {  	[sflag:s14] =	ssyncadd.s32 $0xFFFFF800  }
0x24f: {  	_ =	swait.ge [sflag:s14], $0x800  }
0x250: {  	[sflag:s14] =	ssyncset.done $0x0  }
0x251: {  	[sflag:s14] =	ssyncadd.s32 $0xFFFFF800  }
0x252: {  	s6 =	sand.u32 $0x7F, s6;
	_ =	swait.ge [sflag:s14], $0x800  }
0x253: {  	v2 =	vor.u32 s6, v0;
	s30 =	sadd.s32 $0x20, s18;
	[sflag:s14] =	ssyncset.done $0x0  }
0x254: {  	v3 =	vmov s30;
	[sflag:s14] =	ssyncadd.s32 $0xFFFFF800  }
0x255: {  	v27 =	vshll.u32 v3, $0x3;
	_ =	swait.ge [sflag:s14], $0x800  }
0x256: {  	v3 =	vand.u32 $0x60, v3;
	v4 =	vand.u32 $0xC00, v27;
	[sflag:s14] =	ssyncset.done $0x0  }
0x257: {  	s22 =	simm.s32 $0x200;
	v3 =	vor.u32 v4, v3;
	[sflag:s14] =	ssyncadd.s32 $0xFFFFF800  }
0x258: {  	s30 =	sand.u32 $0x7F, s13;
	v3 =	vor.u32 v1, v3;
	v2 =	vld.idx.msk [tilespmem:v2+s22+$0x0], $0xffff  }
0x259: {  	v28 =	vor.u32 s30, v0;
	s30 =	sadd.s32 $0x21, s18  }
0x25a: {  	v29 =	vmov s30  }
0x25b: {  	v30 =	vshll.u32 v29, $0x3  }
0x25c: {  	v5 =	vand.u32 $0x61, v29;
	v6 =	vand.u32 $0xC00, v30  }
0x25d: {  	s13 =	simm.s32 $0xA00;
	[tilespmem:v3+s15+$0x0] =	vst.idx.msk $0xffff, v2;
	v2 =	vor.u32 v6, v5  }
0x25e: {  	s30 =	sand.u32 $0x7F, s19;
	v3 =	vld.idx.msk [tilespmem:v28+s13+$0x0], $0xffff;
	v2 =	vor.u32 v1, v2  }
0x25f: {  	v31 =	vor.u32 s30, v0;
	s30 =	sadd.s32 $0x22, s18  }
0x260: {  	v32 =	vmov s30  }
0x261: {  	v33 =	vshll.u32 v32, $0x3  }
0x262: {  	v5 =	vand.u32 $0x62, v32;
	v6 =	vand.u32 $0xC00, v33  }
0x263: {  	s19 =	simm.s32 $0x1200;
	[tilespmem:v2+s15+$0x0] =	vst.idx.msk $0xffff, v3;
	v2 =	vor.u32 v6, v5  }
0x264: {  	s30 =	sand.u32 $0x7F, s23;
	v3 =	vld.idx.msk [tilespmem:v31+s19+$0x0], $0xffff;
	v2 =	vor.u32 v1, v2  }
0x265: {  	v34 =	vor.u32 s30, v0;
	s30 =	sadd.s32 $0x23, s18  }
0x266: {  	v35 =	vmov s30  }
0x267: {  	v36 =	vshll.u32 v35, $0x3  }
0x268: {  	v5 =	vand.u32 $0x63, v35;
	v6 =	vand.u32 $0xC00, v36  }
0x269: {  	s23 =	simm.s32 $0x1A00;
	[tilespmem:v2+s15+$0x0] =	vst.idx.msk $0xffff, v3;
	v2 =	vor.u32 v6, v5  }
0x26a: {  	s30 =	sand.u32 $0x7F, s25;
	v3 =	vld.idx.msk [tilespmem:v34+s23+$0x0], $0xffff;
	v2 =	vor.u32 v1, v2  }
0x26b: {  	v37 =	vor.u32 s30, v0;
	s30 =	sadd.s32 $0x24, s18  }
0x26c: {  	v38 =	vmov s30  }
0x26d: {  	v39 =	vshll.u32 v38, $0x3  }
0x26e: {  	v5 =	vand.u32 $0x64, v38;
	v6 =	vand.u32 $0xC00, v39  }
0x26f: {  	s25 =	simm.s32 $0x2200;
	[tilespmem:v2+s15+$0x0] =	vst.idx.msk $0xffff, v3;
	v2 =	vor.u32 v6, v5  }
0x270: {  	s30 =	sand.u32 $0x7F, s28;
	v3 =	vld.idx.msk [tilespmem:v37+s25+$0x0], $0xffff;
	v2 =	vor.u32 v1, v2  }
0x271: {  	v40 =	vor.u32 s30, v0;
	s30 =	sadd.s32 $0x25, s18  }
0x272: {  	v41 =	vmov s30  }
0x273: {  	v42 =	vshll.u32 v41, $0x3  }
0x274: {  	v5 =	vand.u32 $0x65, v41;
	v6 =	vand.u32 $0xC00, v42  }
0x275: {  	s28 =	simm.s32 $0x2A00;
	s30 =	rddreg [dreg:$0x1b];
	[tilespmem:v2+s15+$0x0] =	vst.idx.msk $0xffff, v3;
	v2 =	vor.u32 v6, v5  }
0x276: {  	s6 =	sand.u32 $0x7F, s30;
	v3 =	vld.idx.msk [tilespmem:v40+s28+$0x0], $0xffff;
	v2 =	vor.u32 v1, v2  }
0x277: {  	v43 =	vor.u32 s6, v0  }
0x278: {  	s6 =	sadd.s32 $0x26, s18  }
0x279: {  	v44 =	vmov s6  }
0x27a: {  	v45 =	vshll.u32 v44, $0x3  }
0x27b: {  	s6 =	simm.s32 $0x3200;
	v5 =	vand.u32 $0x66, v44;
	v6 =	vand.u32 $0xC00, v45;
	[tilespmem:v2+s15+$0x0] =	vst.idx.msk $0xffff, v3  }
0x27c: {  	v2 =	vor.u32 v6, v5;
	v3 =	vld.idx.msk [tilespmem:v43+s6+$0x0], $0xffff;
	s6 =	rddreg [dreg:$0x19]  }
0x27d: {  	v2 =	vor.u32 v1, v2;
	s6 =	sand.u32 $0x7F, s6  }
0x27e: {  	v46 =	vor.u32 s6, v0  }
0x27f: {  	s6 =	sadd.s32 $0x27, s18  }
0x280: {  	v47 =	vmov s6  }
0x281: {  	v48 =	vshll.u32 v47, $0x3  }
0x282: {  	s6 =	simm.s32 $0x3A00;
	v5 =	vand.u32 $0x67, v47;
	v6 =	vand.u32 $0xC00, v48;
	[tilespmem:v2+s15+$0x0] =	vst.idx.msk $0xffff, v3  }
0x283: {  	v2 =	vor.u32 v6, v5;
	v3 =	vld.idx.msk [tilespmem:v46+s6+$0x0], $0xffff;
	s6 =	rddreg [dreg:$0x17]  }
0x284: {  	v2 =	vor.u32 v1, v2;
	s6 =	sand.u32 $0x7F, s6  }
0x285: {  	v49 =	vor.u32 s6, v0  }
0x286: {  	s6 =	sadd.s32 $0x28, s18  }
0x287: {  	v50 =	vmov s6  }
0x288: {  	v51 =	vshll.u32 v50, $0x3  }
0x289: {  	s6 =	simm.s32 $0x4200;
	v5 =	vand.u32 $0x68, v50;
	v6 =	vand.u32 $0xC00, v51;
	[tilespmem:v2+s15+$0x0] =	vst.idx.msk $0xffff, v3  }
0x28a: {  	v2 =	vor.u32 v6, v5;
	v3 =	vld.idx.msk [tilespmem:v49+s6+$0x0], $0xffff;
	s6 =	rddreg [dreg:$0x15]  }
0x28b: {  	v2 =	vor.u32 v1, v2;
	s6 =	sand.u32 $0x7F, s6  }
0x28c: {  	v52 =	vor.u32 s6, v0  }
0x28d: {  	s6 =	sadd.s32 $0x29, s18  }
0x28e: {  	v53 =	vmov s6  }
0x28f: {  	v54 =	vshll.u32 v53, $0x3  }
0x290: {  	s6 =	simm.s32 $0x4A00;
	v5 =	vand.u32 $0x69, v53;
	v6 =	vand.u32 $0xC00, v54;
	[tilespmem:v2+s15+$0x0] =	vst.idx.msk $0xffff, v3  }
0x291: {  	v2 =	vor.u32 v6, v5;
	v3 =	vld.idx.msk [tilespmem:v52+s6+$0x0], $0xffff;
	s6 =	rddreg [dreg:$0x13]  }
0x292: {  	v2 =	vor.u32 v1, v2;
	s6 =	sand.u32 $0x7F, s6  }
0x293: {  	v55 =	vor.u32 s6, v0  }
0x294: {  	s6 =	sadd.s32 $0x2A, s18  }
0x295: {  	v56 =	vmov s6  }
0x296: {  	v57 =	vshll.u32 v56, $0x3  }
0x297: {  	s6 =	simm.s32 $0x5200;
	v5 =	vand.u32 $0x6A, v56;
	v6 =	vand.u32 $0xC00, v57;
	[tilespmem:v2+s15+$0x0] =	vst.idx.msk $0xffff, v3  }
0x298: {  	v2 =	vor.u32 v6, v5;
	v3 =	vld.idx.msk [tilespmem:v55+s6+$0x0], $0xffff;
	s6 =	rddreg [dreg:$0x11]  }
0x299: {  	v2 =	vor.u32 v1, v2;
	s6 =	sand.u32 $0x7F, s6  }
0x29a: {  	v58 =	vor.u32 s6, v0  }
0x29b: {  	s6 =	sadd.s32 $0x2B, s18  }
0x29c: {  	v59 =	vmov s6  }
0x29d: {  	v60 =	vshll.u32 v59, $0x3  }
0x29e: {  	s6 =	simm.s32 $0x5A00;
	v5 =	vand.u32 $0x6B, v59;
	v6 =	vand.u32 $0xC00, v60;
	[tilespmem:v2+s15+$0x0] =	vst.idx.msk $0xffff, v3  }
0x29f: {  	v2 =	vor.u32 v6, v5;
	v3 =	vld.idx.msk [tilespmem:v58+s6+$0x0], $0xffff;
	s6 =	rddreg [dreg:$0xf]  }
0x2a0: {  	v2 =	vor.u32 v1, v2;
	s6 =	sand.u32 $0x7F, s6  }
0x2a1: {  	v61 =	vor.u32 s6, v0  }
0x2a2: {  	s6 =	sadd.s32 $0x2C, s18  }
0x2a3: {  	v62 =	vmov s6  }
0x2a4: {  	v63 =	vshll.u32 v62, $0x3  }
0x2a5: {  	s6 =	simm.s32 $0x6200;
	v5 =	vand.u32 $0x6C, v62;
	v6 =	vand.u32 $0xC00, v63;
	[tilespmem:v2+s15+$0x0] =	vst.idx.msk $0xffff, v3  }
0x2a6: {  	v2 =	vor.u32 v6, v5;
	v3 =	vld.idx.msk [tilespmem:v61+s6+$0x0], $0xffff;
	s6 =	rddreg [dreg:$0xd]  }
0x2a7: {  	v2 =	vor.u32 v1, v2;
	s6 =	sand.u32 $0x7F, s6  }
0x2a8: {  	v9 =	vor.u32 s6, v0  }
0x2a9: {  	s6 =	sadd.s32 $0x2D, s18  }
0x2aa: {  	v10 =	vmov s6  }
0x2ab: {  	v11 =	vshll.u32 v10, $0x3  }
0x2ac: {  	s6 =	simm.s32 $0x6A00;
	v5 =	vand.u32 $0x6D, v10;
	v6 =	vand.u32 $0xC00, v11;
	[tilespmem:v2+s15+$0x0] =	vst.idx.msk $0xffff, v3  }
0x2ad: {  	v2 =	vor.u32 v6, v5;
	v3 =	vld.idx.msk [tilespmem:v9+s6+$0x0], $0xffff;
	s6 =	rddreg [dreg:$0xb]  }
0x2ae: {  	v2 =	vor.u32 v1, v2;
	s6 =	sand.u32 $0x7F, s6  }
0x2af: {  	v12 =	vor.u32 s6, v0;
	s6 =	sadd.s32 $0x2E, s18  }
0x2b0: {  	v13 =	vmov s6  }
0x2b1: {  	v14 =	vshll.u32 v13, $0x3  }
0x2b2: {  	v5 =	vand.u32 $0x6E, v13;
	v6 =	vand.u32 $0xC00, v14  }
0x2b3: {  	s30 =	simm.s32 $0x7200;
	s6 =	rddreg [dreg:$0x9];
	[tilespmem:v2+s15+$0x0] =	vst.idx.msk $0xffff, v3;
	v2 =	vor.u32 v6, v5  }
0x2b4: {  	s6 =	sand.u32 $0x7F, s6;
	v3 =	vld.idx.msk [tilespmem:v12+s30+$0x0], $0xffff;
	v2 =	vor.u32 v1, v2  }
0x2b5: {  	v15 =	vor.u32 s6, v0;
	s6 =	sadd.s32 $0x2F, s18  }
0x2b6: {  	v16 =	vmov s6  }
0x2b7: {  	v17 =	vshll.u32 v16, $0x3  }
0x2b8: {  	v5 =	vand.u32 $0x6F, v16;
	v6 =	vand.u32 $0xC00, v17  }
0x2b9: {  	s30 =	simm.s32 $0x7A00;
	[tilespmem:v2+s15+$0x0] =	vst.idx.msk $0xffff, v3;
	v2 =	vor.u32 v6, v5  }
0x2ba: {  	v3 =	vld.idx.msk [tilespmem:v15+s30+$0x0], $0xffff;
	v2 =	vor.u32 v1, v2;
	_ =	sdelay $0x4  }
0x2bb: {  	[tilespmem:v2+s15+$0x0] =	vst.idx.msk $0xffff, v3  }
0x2bc: {  	_ =	swait.ge [sflag:s16], $0x800  }
0x2bd: {  	[sflag:s16] =	ssyncset.done $0x0  }
0x2be: {  	[sflag:s16] =	ssyncadd.s32 $0xFFFFF800  }
0x2bf: {  	_ =	swait.ge [sflag:s16], $0x800  }
0x2c0: {  	[sflag:s16] =	ssyncset.done $0x0  }
0x2c1: {  	[sflag:s16] =	ssyncadd.s32 $0xFFFFF800  }
0x2c2: {  	_ =	swait.ge [sflag:s16], $0x800  }
0x2c3: {  	[sflag:s16] =	ssyncset.done $0x0  }
0x2c4: {  	[sflag:s16] =	ssyncadd.s32 $0xFFFFF800  }
0x2c5: {  	_ =	swait.ge [sflag:s16], $0x800  }
0x2c6: {  	[sflag:s16] =	ssyncset.done $0x0  }
0x2c7: {  	[sflag:s16] =	ssyncadd.s32 $0xFFFFF800  }
0x2c8: {  	_ =	swait.ge [sflag:s16], $0x800  }
0x2c9: {  	[sflag:s16] =	ssyncset.done $0x0  }
0x2ca: {  	[sflag:s16] =	ssyncadd.s32 $0xFFFFF800  }
0x2cb: {  	_ =	swait.ge [sflag:s16], $0x800  }
0x2cc: {  	[sflag:s16] =	ssyncset.done $0x0  }
0x2cd: {  	[sflag:s16] =	ssyncadd.s32 $0xFFFFF800  }
0x2ce: {  	_ =	swait.ge [sflag:s16], $0x800  }
0x2cf: {  	[sflag:s16] =	ssyncset.done $0x0  }
0x2d0: {  	[sflag:s16] =	ssyncadd.s32 $0xFFFFF800  }
0x2d1: {  	_ =	swait.ge [sflag:s16], $0x800  }
0x2d2: {  	[sflag:s16] =	ssyncset.done $0x0  }
0x2d3: {  	[sflag:s16] =	ssyncadd.s32 $0xFFFFF800  }
0x2d4: {  	_ =	swait.ge [sflag:s16], $0x800  }
0x2d5: {  	[sflag:s16] =	ssyncset.done $0x0  }
0x2d6: {  	[sflag:s16] =	ssyncadd.s32 $0xFFFFF800  }
0x2d7: {  	_ =	swait.ge [sflag:s16], $0x800  }
0x2d8: {  	[sflag:s16] =	ssyncset.done $0x0  }
0x2d9: {  	[sflag:s16] =	ssyncadd.s32 $0xFFFFF800  }
0x2da: {  	_ =	swait.ge [sflag:s16], $0x800  }
0x2db: {  	[sflag:s16] =	ssyncset.done $0x0  }
0x2dc: {  	[sflag:s16] =	ssyncadd.s32 $0xFFFFF800  }
0x2dd: {  	_ =	swait.ge [sflag:s16], $0x800  }
0x2de: {  	[sflag:s16] =	ssyncset.done $0x0  }
0x2df: {  	[sflag:s16] =	ssyncadd.s32 $0xFFFFF800  }
0x2e0: {  	_ =	swait.ge [sflag:s16], $0x800  }
0x2e1: {  	[sflag:s16] =	ssyncset.done $0x0  }
0x2e2: {  	[sflag:s16] =	ssyncadd.s32 $0xFFFFF800  }
0x2e3: {  	_ =	swait.ge [sflag:s16], $0x800  }
0x2e4: {  	[sflag:s16] =	ssyncset.done $0x0  }
0x2e5: {  	[sflag:s16] =	ssyncadd.s32 $0xFFFFF800  }
0x2e6: {  	s0 =	sand.u32 $0x7F, s0;
	_ =	swait.ge [sflag:s16], $0x800  }
0x2e7: {  	v2 =	vor.u32 s0, v0;
	s0 =	sadd.s32 $0x30, s18;
	[sflag:s16] =	ssyncset.done $0x0  }
0x2e8: {  	v3 =	vmov s0;
	[sflag:s16] =	ssyncadd.s32 $0xFFFFF800  }
0x2e9: {  	v18 =	vshll.u32 v3, $0x3;
	_ =	swait.ge [sflag:s16], $0x800  }
0x2ea: {  	v3 =	vand.u32 $0x70, v3;
	v4 =	vand.u32 $0xC00, v18;
	[sflag:s16] =	ssyncset.done $0x0  }
0x2eb: {  	s30 =	simm.s32 $0x8200;
	v3 =	vor.u32 v4, v3;
	[sflag:s16] =	ssyncadd.s32 $0xFFFFF800  }
0x2ec: {  	s1 =	sand.u32 $0x7F, s1;
	v3 =	vor.u32 v1, v3;
	v2 =	vld.idx.msk [tilespmem:v2+s30+$0x0], $0xffff  }
0x2ed: {  	v19 =	vor.u32 s1, v0;
	s1 =	sadd.s32 $0x31, s18  }
0x2ee: {  	v20 =	vmov s1  }
0x2ef: {  	v21 =	vshll.u32 v20, $0x3  }
0x2f0: {  	v5 =	vand.u32 $0x71, v20;
	v6 =	vand.u32 $0xC00, v21  }
0x2f1: {  	s30 =	simm.s32 $0x8A00;
	[tilespmem:v3+s15+$0x0] =	vst.idx.msk $0xffff, v2;
	v2 =	vor.u32 v6, v5  }
0x2f2: {  	s3 =	sand.u32 $0x7F, s3;
	v3 =	vld.idx.msk [tilespmem:v19+s30+$0x0], $0xffff;
	v2 =	vor.u32 v1, v2  }
0x2f3: {  	v22 =	vor.u32 s3, v0;
	s3 =	sadd.s32 $0x32, s18  }
0x2f4: {  	v23 =	vmov s3  }
0x2f5: {  	v24 =	vshll.u32 v23, $0x3  }
0x2f6: {  	v5 =	vand.u32 $0x72, v23;
	v6 =	vand.u32 $0xC00, v24  }
0x2f7: {  	s1 =	simm.s32 $0x9200;
	[tilespmem:v2+s15+$0x0] =	vst.idx.msk $0xffff, v3;
	v2 =	vor.u32 v6, v5  }
0x2f8: {  	v3 =	vld.idx.msk [tilespmem:v22+s1+$0x0], $0xffff;
	v2 =	vor.u32 v1, v2;
	s1 =	sand.u32 $0x7F, s4  }
0x2f9: {  	s3 =	sadd.s32 $0x33, s18;
	v25 =	vor.u32 s1, v0  }
0x2fa: {  	v26 =	vmov s3  }
0x2fb: {  	v27 =	vshll.u32 v26, $0x3  }
0x2fc: {  	v5 =	vand.u32 $0x73, v26;
	v6 =	vand.u32 $0xC00, v27  }
0x2fd: {  	s30 =	simm.s32 $0x9A00;
	[tilespmem:v2+s15+$0x0] =	vst.idx.msk $0xffff, v3;
	v2 =	vor.u32 v6, v5  }
0x2fe: {  	s0 =	sand.u32 $0x7F, s31;
	v3 =	vld.idx.msk [tilespmem:v25+s30+$0x0], $0xffff;
	v2 =	vor.u32 v1, v2  }
0x2ff: {  	v28 =	vor.u32 s0, v0;
	s0 =	sadd.s32 $0x34, s18  }
0x300: {  	v29 =	vmov s0  }
0x301: {  	v30 =	vshll.u32 v29, $0x3  }
0x302: {  	v5 =	vand.u32 $0x74, v29;
	v6 =	vand.u32 $0xC00, v30  }
0x303: {  	s31 =	simm.s32 $0xA200;
	[tilespmem:v2+s15+$0x0] =	vst.idx.msk $0xffff, v3;
	v2 =	vor.u32 v6, v5  }
0x304: {  	s0 =	sand.u32 $0x7F, s29;
	v3 =	vld.idx.msk [tilespmem:v28+s31+$0x0], $0xffff;
	v2 =	vor.u32 v1, v2  }
0x305: {  	v31 =	vor.u32 s0, v0;
	s0 =	sadd.s32 $0x35, s18  }
0x306: {  	v32 =	vmov s0  }
0x307: {  	v33 =	vshll.u32 v32, $0x3  }
0x308: {  	v5 =	vand.u32 $0x75, v32;
	v6 =	vand.u32 $0xC00, v33  }
0x309: {  	s1 =	simm.s32 $0xAA00;
	[tilespmem:v2+s15+$0x0] =	vst.idx.msk $0xffff, v3;
	v2 =	vor.u32 v6, v5  }
0x30a: {  	v3 =	vld.idx.msk [tilespmem:v31+s1+$0x0], $0xffff;
	v2 =	vor.u32 v1, v2;
	s1 =	sand.u32 $0x7F, s26  }
0x30b: {  	v34 =	vor.u32 s1, v0;
	s1 =	sadd.s32 $0x36, s18  }
0x30c: {  	v35 =	vmov s1  }
0x30d: {  	v36 =	vshll.u32 v35, $0x3  }
0x30e: {  	v5 =	vand.u32 $0x76, v35;
	v6 =	vand.u32 $0xC00, v36  }
0x30f: {  	s3 =	simm.s32 $0xB200;
	[tilespmem:v2+s15+$0x0] =	vst.idx.msk $0xffff, v3;
	v2 =	vor.u32 v6, v5  }
0x310: {  	s1 =	sand.u32 $0x7F, s24;
	v3 =	vld.idx.msk [tilespmem:v34+s3+$0x0], $0xffff;
	v2 =	vor.u32 v1, v2  }
0x311: {  	v37 =	vor.u32 s1, v0;
	s3 =	sadd.s32 $0x37, s18  }
0x312: {  	v38 =	vmov s3  }
0x313: {  	v39 =	vshll.u32 v38, $0x3  }
0x314: {  	v5 =	vand.u32 $0x77, v38;
	v6 =	vand.u32 $0xC00, v39  }
0x315: {  	s30 =	simm.s32 $0xBA00;
	[tilespmem:v2+s15+$0x0] =	vst.idx.msk $0xffff, v3;
	v2 =	vor.u32 v6, v5  }
0x316: {  	s20 =	sand.u32 $0x7F, s20;
	v3 =	vld.idx.msk [tilespmem:v37+s30+$0x0], $0xffff;
	v2 =	vor.u32 v1, v2  }
0x317: {  	v40 =	vor.u32 s20, v0;
	s3 =	sadd.s32 $0x38, s18  }
0x318: {  	v41 =	vmov s3  }
0x319: {  	v42 =	vshll.u32 v41, $0x3  }
0x31a: {  	v5 =	vand.u32 $0x78, v41;
	v6 =	vand.u32 $0xC00, v42  }
0x31b: {  	s30 =	simm.s32 $0xC200;
	[tilespmem:v2+s15+$0x0] =	vst.idx.msk $0xffff, v3;
	v2 =	vor.u32 v6, v5  }
0x31c: {  	s12 =	sand.u32 $0x7F, s12;
	v3 =	vld.idx.msk [tilespmem:v40+s30+$0x0], $0xffff;
	v2 =	vor.u32 v1, v2  }
0x31d: {  	v43 =	vor.u32 s12, v0;
	s30 =	sadd.s32 $0x39, s18  }
0x31e: {  	v44 =	vmov s30  }
0x31f: {  	v45 =	vshll.u32 v44, $0x3  }
0x320: {  	v5 =	vand.u32 $0x79, v44;
	v6 =	vand.u32 $0xC00, v45  }
0x321: {  	s20 =	simm.s32 $0xCA00;
	[tilespmem:v2+s15+$0x0] =	vst.idx.msk $0xffff, v3;
	v2 =	vor.u32 v6, v5  }
0x322: {  	s1 =	sand.u32 $0x7F, s11;
	v3 =	vld.idx.msk [tilespmem:v43+s20+$0x0], $0xffff;
	v2 =	vor.u32 v1, v2  }
0x323: {  	v46 =	vor.u32 s1, v0;
	s20 =	sadd.s32 $0x3A, s18  }
0x324: {  	v47 =	vmov s20  }
0x325: {  	v48 =	vshll.u32 v47, $0x3  }
0x326: {  	v5 =	vand.u32 $0x7A, v47;
	v6 =	vand.u32 $0xC00, v48  }
0x327: {  	s12 =	simm.s32 $0xD200;
	[tilespmem:v2+s15+$0x0] =	vst.idx.msk $0xffff, v3;
	v2 =	vor.u32 v6, v5  }
0x328: {  	s30 =	sand.u32 $0x7F, s17;
	v3 =	vld.idx.msk [tilespmem:v46+s12+$0x0], $0xffff;
	v2 =	vor.u32 v1, v2  }
0x329: {  	s1 =	sadd.s32 $0x3B, s18;
	v49 =	vor.u32 s30, v0  }
0x32a: {  	v50 =	vmov s1  }
0x32b: {  	v51 =	vshll.u32 v50, $0x3  }
0x32c: {  	v5 =	vand.u32 $0x7B, v50;
	v6 =	vand.u32 $0xC00, v51  }
0x32d: {  	s3 =	simm.s32 $0xDA00;
	[tilespmem:v2+s15+$0x0] =	vst.idx.msk $0xffff, v3;
	v2 =	vor.u32 v6, v5  }
0x32e: {  	v3 =	vld.idx.msk [tilespmem:v49+s3+$0x0], $0xffff;
	v2 =	vor.u32 v1, v2;
	s3 =	sand.u32 $0x7F, s5  }
0x32f: {  	s12 =	sadd.s32 $0x3C, s18;
	v52 =	vor.u32 s3, v0  }
0x330: {  	v53 =	vmov s12  }
0x331: {  	v54 =	vshll.u32 v53, $0x3  }
0x332: {  	v5 =	vand.u32 $0x7C, v53;
	v6 =	vand.u32 $0xC00, v54  }
0x333: {  	s11 =	simm.s32 $0xE200;
	[tilespmem:v2+s15+$0x0] =	vst.idx.msk $0xffff, v3;
	v2 =	vor.u32 v6, v5  }
0x334: {  	s20 =	sand.u32 $0x7F, s7;
	v3 =	vld.idx.msk [tilespmem:v52+s11+$0x0], $0xffff;
	v2 =	vor.u32 v1, v2  }
0x335: {  	s30 =	sadd.s32 $0x3D, s18;
	v55 =	vor.u32 s20, v0  }
0x336: {  	v56 =	vmov s30  }
0x337: {  	v57 =	vshll.u32 v56, $0x3  }
0x338: {  	v5 =	vand.u32 $0x7D, v56;
	v6 =	vand.u32 $0xC00, v57  }
0x339: {  	s17 =	simm.s32 $0xEA00;
	[tilespmem:v2+s15+$0x0] =	vst.idx.msk $0xffff, v3;
	v2 =	vor.u32 v6, v5  }
0x33a: {  	s12 =	sand.u32 $0x7F, s10;
	v3 =	vld.idx.msk [tilespmem:v55+s17+$0x0], $0xffff;
	v2 =	vor.u32 v1, v2  }
0x33b: {  	v58 =	vor.u32 s12, v0;
	s17 =	sadd.s32 $0x3E, s18  }
0x33c: {  	v59 =	vmov s17  }
0x33d: {  	v60 =	vshll.u32 v59, $0x3  }
0x33e: {  	v5 =	vand.u32 $0x7E, v59;
	v6 =	vand.u32 $0xC00, v60  }
0x33f: {  	s3 =	simm.s32 $0xF200;
	[tilespmem:v2+s15+$0x0] =	vst.idx.msk $0xffff, v3;
	v2 =	vor.u32 v6, v5  }
0x340: {  	s20 =	sand.u32 $0x7F, s21;
	v3 =	vld.idx.msk [tilespmem:v58+s3+$0x0], $0xffff;
	v2 =	vor.u32 v1, v2  }
0x341: {  	s21 =	sadd.s32 $0x3F, s18;
	v61 =	vor.u32 s20, v0  }
0x342: {  	v62 =	vmov s21  }
0x343: {  	v63 =	vshll.u32 v62, $0x3  }
0x344: {  	v5 =	vand.u32 $0x7F, v62;
	v6 =	vand.u32 $0xC00, v63  }
0x345: {  	s11 =	simm.s32 $0xFA00;
	[tilespmem:v2+s15+$0x0] =	vst.idx.msk $0xffff, v3;
	v2 =	vor.u32 v6, v5  }
0x346: {  	p0 =	sne.s32 s18, $0x1C0;
	v3 =	vld.idx.msk [tilespmem:v61+s11+$0x0], $0xffff;
	v2 =	vor.u32 v1, v2  }
.Ltmp0:
0x347: {  	_ = 	snop;
	(pc) =	sbr.rel @p0 .LBB2_2-.Ltmp0, $4  }
0x348: {  	s6 =	simm.s32 $0x4200;
	s29 =	simm.s32 $0x6A00  }
0x349: {  	s4 =	simm.s32 $0x3200;
	s26 =	simm.s32 $0x6200;
	s30 =	rddreg [dreg:$0x8]  }
0x34a: {  	s24 =	simm.s32 $0x5A00;
	s0 =	sadd.s32 $0x40, s30;
	s7 =	simm.s32 $0x4A00  }
0x34b: {  	s10 =	simm.s32 $0x5200;
	s5 =	simm.s32 $0x3A00;
	s18 =	sadd.s32 $0x40, s18;
	[tilespmem:v2+s15+$0x0] =	vst.idx.msk $0xffff, v3  }
0x34c: {  	s0 =	rddreg [dreg:$0x5];
	s1 =	simm.s32 $0x1000;
	s3 =	simm.s32 $0x20000  }
0x34d: {  	[hbm4b:s0+s1] =	stream.strided.scatter [tilespmem:s15], [sflag:$0x3], $0x2000, s3, s1, $0x38;
	[tilespmem:$0x12200] =	vst v63  }
0x34e: {  	s3 =	simm.s32 $0x3  }
0x34f: {  	_ =	swait.ge [sflag:s3], $0x2000  }
0x350: {  	s21 =	rddreg [dreg:$0x7]  }
0x351: {  	s30 =	rddreg [dreg:$0x6];
	s1 =	sadd.s32 $0x1, s21  }
0x352: {  	p0 =	sne.s32 s1, s30  }
.Ltmp1:
0x353: {  	_ = 	snop;
	(pc) =	sbr.rel @p0 .LBB2_1-.Ltmp1, $3  }
0x354: {  	_ =	sdelay $0x1  }
0x355: {  	[sflag:s3] =	ssyncset.done $0x0  }
0x356: {  	[sflag:s3] =	ssyncadd.s32 $0xFFFFE000  }
0x357: {  	_ =	sfence.sel $0x180000  }
0x358: {  	[bflag:$0x0] =	sbarrier.arrive $0xFFFF  }
0x359: {  	_ =	strace $0x90000047  }
0x35a: {  	s0 =	stileid.u32;
	[bflag:$0x2] =	sbarrier.arrive $0xFFFF  }
0x35b: {  	p0 =	sne.s32 s0, $0x0;
	s0 =	rddreg [dreg:$0x3]  }
0x35c: {  	s0 =	sadd.s32 @!p0 $0x100000, s0  }
0x35d: {  	[sflag:s0] =	ssyncadd.tile.s32 @!p0 $0x1;
	_ =	shalt  }
.Lfunc_end2:
_tile_overlayer_lowered:
.L_overlay_start_2:
0x35e: {  	(tag) =	ssettag $0x2  }
0x35f: {  	s0 =	rddreg [dreg:$0x0];
	s2 =	stileid.u32  }
0x360: {  	s1 =	rddreg [dreg:$0x1];
	p0 =	sne.s32 s2, $0x0  }
0x361: {  	s3 =	rddreg [dreg:$0x2];
	[bflag:$0x3] =	sbarrier.arrive $0xFFFF;
	s2 =	simm.s32 @!p0 $0x1C03  }
0x362: {  	[timem:s3], [sflag:s2] =	dma.local @!p0 [hbm:s0], s1  }
0x363: {  	s0 =	simm.s32 @!p0 $0x3  }
0x364: {  	_ =	swait.ge @!p0 [sflag:s0], s1  }
0x365: {  	s1 =	ssub.s32 @!p0 $0x0, s1;
	[sflag:s0] =	ssyncset.done @!p0 $0x0  }
0x366: {  	[sflag:s0] =	ssyncadd.s32 @!p0 s1  }
0x367: {  	[bflag:$0x3] =	sbarrier.arrive $0xFFFF  }
0x368: {  	_ =	shalt  }

</sc_bundles>
